<compile_context>
chip_gen: v7x
topology: tpu7x:2x2x1
jax: 0.10.2.dev20260603
libtpu: 0.0.44.dev20260713+nightly
codegen_flags: <defaults>
</compile_context>

<pallas_src>
import functools

import jax
import jax.numpy as jnp
from jax import lax
from jax.experimental import pallas as pl
from jax.experimental.pallas import tpu as pltpu
from jax.experimental.pallas import tpu_sc as plsc

_P = 8


def _fold3_body(s_ref, w_ref, o_ref):
    s = s_ref[...]
    w = w_ref[...]
    o_ref[...] = (s[0][:, None] * w[0] + s[1][:, None] * w[1]
                  + s[2][:, None] * w[2])


def _fold3(s3, w3):
    c = w3.shape[1]
    row_tile = min(c, 2048)
    return pl.pallas_call(
        _fold3_body,
        grid=(c // row_tile,),
        in_specs=[
            pl.BlockSpec((3, row_tile), lambda g: (0, g)),
            pl.BlockSpec((3, row_tile, 64), lambda g: (0, g, 0)),
        ],
        out_specs=pl.BlockSpec((row_tile, 64), lambda g: (g, 0)),
        out_shape=jax.ShapeDtypeStruct((c, 64), jnp.float32),
    )(s3, w3)


def _sc_gather(i1, i2, i3, t1, t2, t3):
    b = i1.shape[0]
    info = plsc.get_sparse_core_info()
    nc, ns = info.num_cores, info.num_subcores
    nw = nc * ns
    bpw = b // nw
    c1, c2, c3 = t1.shape[1], t2.shape[1], t3.shape[1]
    ch2 = 8
    ch3 = 8
    cq3 = c3 // 4
    f32 = jnp.float32

    def body(i1_h, i2_h, i3_h, t1_h, t2_h, t3_h, o1_h, o2_h, o3_h,
             idx_v, r1_v, r2_v, r3_v, sem):
        wid = lax.axis_index("s") * nc + lax.axis_index("c")
        base = wid * bpw
        pltpu.sync_copy(i1_h.at[pl.ds(base, bpw)], idx_v)
        pltpu.async_copy(t1_h.at[idx_v], r1_v, sem).wait()
        pltpu.sync_copy(r1_v, o1_h.at[pl.ds(base, bpw)])
        pltpu.sync_copy(i2_h.at[pl.ds(base, bpw)], idx_v)
        for ch in range(bpw // ch2):
            pltpu.async_copy(
                t2_h.at[idx_v.at[pl.ds(ch * ch2, ch2)]], r2_v, sem).wait()
            pltpu.sync_copy(r2_v, o2_h.at[pl.ds(base + ch * ch2, ch2)])
        pltpu.sync_copy(i3_h.at[pl.ds(base, bpw)], idx_v)
        for ch in range(bpw // ch3):
            for q in range(4):
                pltpu.async_copy(
                    t3_h.at[idx_v.at[pl.ds(ch * ch3, ch3)],
                            pl.ds(q * cq3, cq3)],
                    r3_v, sem).wait()
                pltpu.sync_copy(
                    r3_v,
                    o3_h.at[pl.ds(base + ch * ch3, ch3), pl.ds(q * cq3, cq3)])

    out_type = (jax.ShapeDtypeStruct((b, c1), f32),
                jax.ShapeDtypeStruct((b, c2), f32),
                jax.ShapeDtypeStruct((b, c3), f32))
    mesh = plsc.VectorSubcoreMesh(core_axis_name="c", subcore_axis_name="s")
    return pl.kernel(
        body, out_type=out_type, mesh=mesh,
        scratch_types=[pltpu.VMEM((bpw,), jnp.int32),
                       pltpu.VMEM((bpw, c1), f32),
                       pltpu.VMEM((ch2, c2), f32),
                       pltpu.VMEM((ch3, cq3), f32),
                       pltpu.SemaphoreType.DMA],
    )(i1, i2, i3, t1, t2, t3)


def _sel8(refs, rem):
    rows = jnp.stack([r[0] for r in refs])
    iota = lax.broadcasted_iota(jnp.int32, (1, 8), 1).astype(jnp.float32)
    m = jnp.where(rem == iota, 1.0, 0.0)
    return jnp.sum(rows * m[:, :, None], axis=1)


def _main_body(d_feat, *refs):
    sp_ref = refs[0]
    g1_ref, g2_ref, g3_ref = refs[1:4]
    t0b = refs[4:4 + _P]
    ttb = refs[4 + _P:4 + _P + 3 * _P]
    (a0_ref, a1_ref, a2_ref, a3_ref, st_ref, wt_ref, tail_ref, wf_ref,
     bf_ref, out_ref) = refs[4 + 4 * _P:]

    tl = tail_ref[...]
    r3 = jnp.maximum(g3_ref[...], 0.0)
    acc = jnp.dot(r3, a3_ref[...], preferred_element_type=jnp.float32)
    ss_sp = jnp.sum(r3 * r3, axis=1, keepdims=True)
    slabs = jnp.stack([r[0] for r in t0b])
    iota_z = lax.broadcasted_iota(jnp.int32, (1, 128), 1).astype(jnp.float32)
    mz = jnp.where(tl[:, 4:5] == iota_z, 1.0, 0.0)
    r0 = jnp.sum(slabs * mz[:, None, :], axis=2)
    r0 = jnp.maximum(r0, 0.0)
    acc += jnp.dot(r0, a0_ref[...], preferred_element_type=jnp.float32)
    ss_sp += jnp.sum(r0 * r0, axis=1, keepdims=True)
    r1 = jnp.maximum(g1_ref[...], 0.0)
    acc += jnp.dot(r1, a1_ref[...], preferred_element_type=jnp.float32)
    ss_sp += jnp.sum(r1 * r1, axis=1, keepdims=True)
    r2 = jnp.maximum(g2_ref[...], 0.0)
    acc += jnp.dot(r2, a2_ref[...], preferred_element_type=jnp.float32)
    ss_sp += jnp.sum(r2 * r2, axis=1, keepdims=True)
    rt = jnp.maximum(jnp.concatenate(
        [_sel8(ttb[k::3], tl[:, 5 + k:6 + k]) for k in range(3)], axis=1),
        0.0)
    acc += jnp.dot(rt * st_ref[...], wt_ref[...],
                   preferred_element_type=jnp.float32)
    ss = 3.0 * ss_sp + jnp.sum(rt * rt, axis=1, keepdims=True)
    denom = jnp.sqrt(ss) * (float(d_feat) ** -0.5) + 1e-8
    d = acc / denom
    wf = wf_ref[...]
    out_ref[...] = (jnp.dot(d, wf[:64], preferred_element_type=jnp.float32)
                    + jnp.dot(tl[:, :4], wf[64:],
                              preferred_element_type=jnp.float32)
                    + bf_ref[...])


def _t0map(j, g, sp):
    return (sp[0, g * _P + j], 0, 0)


def _ttmap(j, g, sp):
    return (sp[1, g * _P + j // 3], sp[2 + j % 3, g * _P + j // 3], 0)


def kernel(pos, dir, t, table0, table1, table2, table3, ts_table1, rms_scale,
           W_seq, W_fin, b_fin):
    b = pos.shape[0]
    d_feat = rms_scale.shape[0]

    def flat_idx(res):
        idx = (pos * (res - 1)).astype(jnp.int32)
        return ((jnp.mod(idx[:, 0] - 1, res) * res
                 + jnp.mod(idx[:, 1], res)) * res
                + jnp.mod(idx[:, 2] + 1, res))

    i1 = flat_idx(64)
    i2 = flat_idx(32)
    i3 = flat_idx(16)
    idx0 = (pos * 127).astype(jnp.int32)
    r0xy = (jnp.mod(idx0[:, 0] - 1, 128) * 128 + jnp.mod(idx0[:, 1], 128))
    z0 = jnp.mod(idx0[:, 2] + 1, 128)
    idx3u = (pos * 15).astype(jnp.int32)
    sp3 = ((jnp.mod(idx3u[:, 0], 16) * 16
            + jnp.mod(idx3u[:, 1], 16)) * 16
           + jnp.mod(idx3u[:, 2], 16))
    t_idx = (t * 127).astype(jnp.int32)
    tmod = [jnp.mod(t_idx + k, 64) for k in (-1, 0, 1)]
    sp = jnp.stack([r0xy, sp3] + [tm // 8 for tm in tmod])

    c0, c1, c2, c3 = (table0.shape[3], table1.shape[3], table2.shape[3],
                      table3.shape[3])
    o1 = 3 * c0
    o2 = o1 + 3 * c1
    o3 = o2 + 3 * c2
    ot = o3 + 3 * c3
    a0 = _fold3(rms_scale[:o1].reshape(3, c0), W_seq[:o1].reshape(3, c0, 64))
    a1 = _fold3(rms_scale[o1:o2].reshape(3, c1),
                W_seq[o1:o2].reshape(3, c1, 64))
    a2 = _fold3(rms_scale[o2:o3].reshape(3, c2),
                W_seq[o2:o3].reshape(3, c2, 64))
    a3 = _fold3(rms_scale[o3:ot].reshape(3, c3),
                W_seq[o3:ot].reshape(3, c3, 64))
    wt = W_seq[ot:]
    st = rms_scale[ot:].reshape(1, 192)

    g1, g2, g3 = _sc_gather(i1, i2, i3, table1.reshape(-1, c1),
                            table2.reshape(-1, c2), table3.reshape(-1, c3))

    t0v = jnp.transpose(table0, (0, 1, 3, 2)).reshape(128 * 128, c0, 128)
    ttv = ts_table1.reshape(16 * 16 * 16, 64, 64)
    tail = jnp.concatenate(
        [dir, t[:, None], z0[:, None].astype(jnp.float32)]
        + [(tm % 8)[:, None].astype(jnp.float32) for tm in tmod], axis=1)

    nsteps = b // _P
    grid_spec = pltpu.PrefetchScalarGridSpec(
        num_scalar_prefetch=1,
        grid=(nsteps,),
        in_specs=(
            [pl.BlockSpec((_P, c1), lambda g, i: (g, 0)),
             pl.BlockSpec((_P, c2), lambda g, i: (g, 0)),
             pl.BlockSpec((_P, c3), lambda g, i: (g, 0))]
            + [pl.BlockSpec((1, c0, 128), functools.partial(_t0map, j))
               for j in range(_P)]
            + [pl.BlockSpec((1, 8, 64), functools.partial(_ttmap, j))
               for j in range(3 * _P)]
            + [pl.BlockSpec((c0, 64), lambda g, i: (0, 0)),
               pl.BlockSpec((c1, 64), lambda g, i: (0, 0)),
               pl.BlockSpec((c2, 64), lambda g, i: (0, 0)),
               pl.BlockSpec((c3, 64), lambda g, i: (0, 0)),
               pl.BlockSpec((1, 192), lambda g, i: (0, 0)),
               pl.BlockSpec((192, 64), lambda g, i: (0, 0)),
               pl.BlockSpec((_P, 8), lambda g, i: (g, 0)),
               pl.BlockSpec((68, 4), lambda g, i: (0, 0)),
               pl.BlockSpec((1, 4), lambda g, i: (0, 0))]),
        out_specs=pl.BlockSpec((_P, 4), lambda g, i: (g, 0)),
    )
    return pl.pallas_call(
        functools.partial(_main_body, d_feat),
        grid_spec=grid_spec,
        out_shape=jax.ShapeDtypeStruct((b, 4), jnp.float32),
        compiler_params=pltpu.CompilerParams(
            dimension_semantics=("arbitrary",)),
    )(sp, g1, g2, g3, *([t0v] * _P), *([ttv] * (3 * _P)), a0, a1, a2, a3,
      st, wt, tail, W_fin, b_fin.reshape(1, 4))

# --- scband reference (transcript-rebuilt; emitter-appended) ---
"""Pipeline reference for scband-space-time-look-table-12713103196178 (READ-ONLY COPY).

The authoritative reference and input builder live on the scoring server;
editing this copy changes nothing except your own understanding.
"""

import jax, jax.numpy as jnp
import numpy as np

B = 1024
INNER_DIM = 64
OUTPUT_DIM = 4
TOTAL_FEAT = 64 * 3 + 512 * 3 + 4096 * 3 + 32768 * 3 + 64 * 3  # 112512


def _rmsnorm(x, scale, eps=1e-08):
    norm_x = jnp.linalg.norm(x, axis=-1, keepdims=True)
    d = x.shape[-1]
    rms_x = norm_x * (float(d) ** -0.5)
    return scale * (x / (rms_x + eps))


def _lookup_neighbors(base_idx, offsets, table, dims):
    feats = []
    dims_arr = jnp.array(dims, dtype=base_idx.dtype)
    for off in offsets:
        nidx = jnp.mod(base_idx + jnp.array(off, dtype=base_idx.dtype), dims_arr)
        if len(dims) == 3:
            feats.append(table[nidx[:, 0], nidx[:, 1], nidx[:, 2]])
        else:
            feats.append(table[nidx[:, 0], nidx[:, 1], nidx[:, 2], nidx[:, 3]])
    return jnp.concatenate(feats, axis=-1)


def setup_inputs(seed: int = 0) -> dict:
    key = jax.random.key(seed)
    ks = jax.random.split(key, 12)
    pos = jax.random.uniform(ks[0], (B, 3), dtype=jnp.float32)
    dirv = jax.random.normal(ks[1], (B, 3), dtype=jnp.float32)
    t = jax.random.uniform(ks[2], (B,), dtype=jnp.float32)
    table0 = jax.random.normal(ks[3], (128, 128, 128, 64), dtype=jnp.float32)
    table1 = jax.random.normal(ks[4], (64, 64, 64, 512), dtype=jnp.float32)
    table2 = jax.random.normal(ks[5], (32, 32, 32, 4096), dtype=jnp.float32)
    table3 = jax.random.normal(ks[6], (16, 16, 16, 32768), dtype=jnp.float32)
    ts_table1 = jax.random.normal(ks[7], (16, 16, 16, 64, 64), dtype=jnp.float32)
    rms_scale = jnp.ones((TOTAL_FEAT,), dtype=jnp.float32)
    W_seq = jax.random.normal(ks[8], (TOTAL_FEAT, INNER_DIM), dtype=jnp.float32) * (TOTAL_FEAT ** -0.5)
    W_fin = jax.random.normal(ks[9], (INNER_DIM + 3 + 1, OUTPUT_DIM), dtype=jnp.float32) * ((INNER_DIM + 4) ** -0.5)
    b_fin = jnp.zeros((OUTPUT_DIM,), dtype=jnp.float32)
    return {"pos": pos, "dir": dirv, "t": t, "table0": table0, "table1": table1,
            "table2": table2, "table3": table3, "ts_table1": ts_table1,
            "rms_scale": rms_scale, "W_seq": W_seq, "W_fin": W_fin, "b_fin": b_fin}


def reference(pos, dir, t, table0, table1, table2, table3, ts_table1, rms_scale, W_seq, W_fin, b_fin):
    idx0 = (pos * (128 - 1)).astype(jnp.int32)
    idx1 = (pos * (64 - 1)).astype(jnp.int32)
    idx2 = (pos * (32 - 1)).astype(jnp.int32)
    idx3 = (pos * (16 - 1)).astype(jnp.int32)
    t_idx = (t * (128 - 1)).astype(jnp.int32)
    idx4 = jnp.concatenate([idx3, t_idx[:, None]], axis=-1)
    spatial_offsets = [(-1, 0, 1)] * 3
    temporal_offsets = [(0, 0, 0, -1), (0, 0, 0, 0), (0, 0, 0, 1)]
    features0 = _lookup_neighbors(idx0, spatial_offsets, table0, (128, 128, 128))
    features1 = _lookup_neighbors(idx1, spatial_offsets, table1, (64, 64, 64))
    features2 = _lookup_neighbors(idx2, spatial_offsets, table2, (32, 32, 32))
    features3 = _lookup_neighbors(idx3, spatial_offsets, table3, (16, 16, 16))
    time_features = _lookup_neighbors(idx4, temporal_offsets, ts_table1, (16, 16, 16, 64))
    all_features = jnp.concatenate([features0, features1, features2, features3, time_features], axis=-1)
    all_features = jax.nn.relu(all_features)
    x = jax.nn.relu(all_features)
    x = _rmsnorm(x, rms_scale)
    downsized = x @ W_seq
    final_features = jnp.concatenate([downsized, dir, t[:, None]], axis=-1)
    return final_features @ W_fin + b_fin

if __name__ == "__main__":
    import jax
    _d = setup_inputs()
    print(jax.jit(kernel)(*tuple(_d.values())))

</pallas_src>

<mosaic_0001>
#map = affine_map<(d0, d1) -> (0)>
#map1 = affine_map<(d0, d1) -> (0, 0)>
module attributes {stable_mosaic.version = 14 : i64} {
  func.func @body(%arg0: i32, %arg1: i32, %arg2: memref<1024xi32, #tpu.memory_space<hbm>>, %arg3: memref<1024xi32, #tpu.memory_space<hbm>>, %arg4: memref<1024xi32, #tpu.memory_space<hbm>>, %arg5: memref<262144x512xf32, #tpu.memory_space<hbm>>, %arg6: memref<32768x4096xf32, #tpu.memory_space<hbm>>, %arg7: memref<4096x32768xf32, #tpu.memory_space<hbm>>, %arg8: memref<1024x512xf32, #tpu.memory_space<hbm>>, %arg9: memref<1024x4096xf32, #tpu.memory_space<hbm>>, %arg10: memref<1024x32768xf32, #tpu.memory_space<hbm>>, %arg11: memref<32xi32, #tpu.memory_space<vmem>>, %arg12: memref<32x512xf32, #tpu.memory_space<vmem>>, %arg13: memref<8x4096xf32, #tpu.memory_space<vmem>>, %arg14: memref<8x8192xf32, #tpu.memory_space<vmem>>, %arg15: memref<!tpu.dma_semaphore, #tpu.memory_space<semaphore_mem>>) attributes {dimension_semantics = [#tpu.dimension_semantics<core_parallel>, #tpu.dimension_semantics<subcore_parallel>], iteration_bounds = array<i64: 2, 16>, scalar_prefetch = 0 : i64, scratch_operands = 5 : i64, tpu.core_type = #tpu.core_type<sc_vector_subcore>, window_params = [{transform_indices = #map}, {transform_indices = #map}, {transform_indices = #map}, {transform_indices = #map1}, {transform_indices = #map1}, {transform_indices = #map1}, {transform_indices = #map1}, {transform_indices = #map1}, {transform_indices = #map1}]} {
    %mul3A = arith.constant 2 : i32
    %mul3A_0 = arith.muli %arg1, %mul3A : i32
    %add3A = arith.addi %mul3A_0, %arg0 : i32
    %mul3A_1 = arith.constant 32 : i32
    %mul3A_2 = arith.muli %add3A, %mul3A_1 : i32
    "tpu.region"() ({
      %run_scoped3A = tpu.sem_alloc : memref<!tpu.dma_semaphore, #tpu.memory_space<semaphore_mem>>
      %dma_start3A_247 = tpu.memref_slice %arg2[%mul3A_2] : memref<1024xi32, #tpu.memory_space<hbm>> -> memref<32xi32, #tpu.memory_space<hbm>>
      %dma_start3A_248 = tpu.memref_slice %arg2[%mul3A_2] : memref<1024xi32, #tpu.memory_space<hbm>> -> memref<32xi32, #tpu.memory_space<hbm>>
      tpu.enqueue_dma source(%dma_start3A_248 : memref<32xi32, #tpu.memory_space<hbm>>) target(%arg11 : memref<32xi32, #tpu.memory_space<vmem>>) target_semaphore(%run_scoped3A : memref<!tpu.dma_semaphore, #tpu.memory_space<semaphore_mem>>)
      %dma_wait3A_249 = tpu.memref_slice %arg2[%mul3A_2] : memref<1024xi32, #tpu.memory_space<hbm>> -> memref<32xi32, #tpu.memory_space<hbm>>
      %dma_wait3A_250 = tpu.memref_slice %arg2[%mul3A_2] : memref<1024xi32, #tpu.memory_space<hbm>> -> memref<32xi32, #tpu.memory_space<hbm>>
      tpu.wait_dma2 semaphore(%run_scoped3A : memref<!tpu.dma_semaphore, #tpu.memory_space<semaphore_mem>>) src(%dma_wait3A_250 : memref<32xi32, #tpu.memory_space<hbm>>) dst(%arg11 : memref<32xi32, #tpu.memory_space<vmem>>)
      tpu.yield
    }) : () -> ()
    %dma_start3A = arith.constant 0 : i32
    %dma_start3A_3 = arith.constant 0 : i32
    %dma_start3A_4 = tpu.memref_slice %arg5[%dma_start3A, %dma_start3A_3] : memref<262144x512xf32, #tpu.memory_space<hbm>> -> memref<262144x512xf32, #tpu.memory_space<hbm>>
    tpu.enqueue_indirect_dma source(%dma_start3A_4 : memref<262144x512xf32, #tpu.memory_space<hbm>>) target(%arg12 : memref<32x512xf32, #tpu.memory_space<vmem>>) offsets(%arg11 : memref<32xi32, #tpu.memory_space<vmem>>) semaphore(%arg15 : memref<!tpu.dma_semaphore, #tpu.memory_space<semaphore_mem>>)
    %dma_wait3A = arith.constant 0 : i32
    %dma_wait3A_5 = arith.constant 0 : i32
    %dma_wait3A_6 = tpu.memref_slice %arg5[%dma_wait3A, %dma_wait3A_5] : memref<262144x512xf32, #tpu.memory_space<hbm>> -> memref<262144x512xf32, #tpu.memory_space<hbm>>
    tpu.wait_indirect_dma semaphore(%arg15 : memref<!tpu.dma_semaphore, #tpu.memory_space<semaphore_mem>>) src(%dma_wait3A_6 : memref<262144x512xf32, #tpu.memory_space<hbm>>) dst(%arg12 : memref<32x512xf32, #tpu.memory_space<vmem>>)
    "tpu.region"() ({
      %run_scoped3A = tpu.sem_alloc : memref<!tpu.dma_semaphore, #tpu.memory_space<semaphore_mem>>
      %dma_start3A_247 = arith.constant 0 : i32
      %dma_start3A_248 = tpu.memref_slice %arg8[%mul3A_2, %dma_start3A_247] : memref<1024x512xf32, #tpu.memory_space<hbm>> -> memref<32x512xf32, #tpu.memory_space<hbm>>
      %dma_start3A_249 = arith.constant 0 : i32
      %dma_start3A_250 = tpu.memref_slice %arg8[%mul3A_2, %dma_start3A_249] : memref<1024x512xf32, #tpu.memory_space<hbm>> -> memref<32x512xf32, #tpu.memory_space<hbm>>
      tpu.enqueue_dma source(%arg12 : memref<32x512xf32, #tpu.memory_space<vmem>>) target(%dma_start3A_250 : memref<32x512xf32, #tpu.memory_space<hbm>>) target_semaphore(%run_scoped3A : memref<!tpu.dma_semaphore, #tpu.memory_space<semaphore_mem>>)
      %dma_wait3A_251 = arith.constant 0 : i32
      %dma_wait3A_252 = tpu.memref_slice %arg8[%mul3A_2, %dma_wait3A_251] : memref<1024x512xf32, #tpu.memory_space<hbm>> -> memref<32x512xf32, #tpu.memory_space<hbm>>
      %dma_wait3A_253 = arith.constant 0 : i32
      %dma_wait3A_254 = tpu.memref_slice %arg8[%mul3A_2, %dma_wait3A_253] : memref<1024x512xf32, #tpu.memory_space<hbm>> -> memref<32x512xf32, #tpu.memory_space<hbm>>
      tpu.wait_dma2 semaphore(%run_scoped3A : memref<!tpu.dma_semaphore, #tpu.memory_space<semaphore_mem>>) src(%arg12 : memref<32x512xf32, #tpu.memory_space<vmem>>) dst(%dma_wait3A_254 : memref<32x512xf32, #tpu.memory_space<hbm>>)
      tpu.yield
    }) : () -> ()
    "tpu.region"() ({
      %run_scoped3A = tpu.sem_alloc : memref<!tpu.dma_semaphore, #tpu.memory_space<semaphore_mem>>
      %dma_start3A_247 = tpu.memref_slice %arg3[%mul3A_2] : memref<1024xi32, #tpu.memory_space<hbm>> -> memref<32xi32, #tpu.memory_space<hbm>>
      %dma_start3A_248 = tpu.memref_slice %arg3[%mul3A_2] : memref<1024xi32, #tpu.memory_space<hbm>> -> memref<32xi32, #tpu.memory_space<hbm>>
      tpu.enqueue_dma source(%dma_start3A_248 : memref<32xi32, #tpu.memory_space<hbm>>) target(%arg11 : memref<32xi32, #tpu.memory_space<vmem>>) target_semaphore(%run_scoped3A : memref<!tpu.dma_semaphore, #tpu.memory_space<semaphore_mem>>)
      %dma_wait3A_249 = tpu.memref_slice %arg3[%mul3A_2] : memref<1024xi32, #tpu.memory_space<hbm>> -> memref<32xi32, #tpu.memory_space<hbm>>
      %dma_wait3A_250 = tpu.memref_slice %arg3[%mul3A_2] : memref<1024xi32, #tpu.memory_space<hbm>> -> memref<32xi32, #tpu.memory_space<hbm>>
      tpu.wait_dma2 semaphore(%run_scoped3A : memref<!tpu.dma_semaphore, #tpu.memory_space<semaphore_mem>>) src(%dma_wait3A_250 : memref<32xi32, #tpu.memory_space<hbm>>) dst(%arg11 : memref<32xi32, #tpu.memory_space<vmem>>)
      tpu.yield
    }) : () -> ()
    %dma_start3A_7 = arith.constant 0 : i32
    %dma_start3A_8 = tpu.memref_slice %arg11[%dma_start3A_7] : memref<32xi32, #tpu.memory_space<vmem>> -> memref<8xi32, #tpu.memory_space<vmem>>
    %dma_start3A_9 = arith.constant 0 : i32
    %dma_start3A_10 = arith.constant 0 : i32
    %dma_start3A_11 = tpu.memref_slice %arg6[%dma_start3A_9, %dma_start3A_10] : memref<32768x4096xf32, #tpu.memory_space<hbm>> -> memref<32768x4096xf32, #tpu.memory_space<hbm>>
    tpu.enqueue_indirect_dma source(%dma_start3A_11 : memref<32768x4096xf32, #tpu.memory_space<hbm>>) target(%arg13 : memref<8x4096xf32, #tpu.memory_space<vmem>>) offsets(%dma_start3A_8 : memref<8xi32, #tpu.memory_space<vmem>>) semaphore(%arg15 : memref<!tpu.dma_semaphore, #tpu.memory_space<semaphore_mem>>)
    %dma_wait3A_12 = arith.constant 0 : i32
    %dma_wait3A_13 = tpu.memref_slice %arg11[%dma_wait3A_12] : memref<32xi32, #tpu.memory_space<vmem>> -> memref<8xi32, #tpu.memory_space<vmem>>
    %dma_wait3A_14 = arith.constant 0 : i32
    %dma_wait3A_15 = arith.constant 0 : i32
    %dma_wait3A_16 = tpu.memref_slice %arg6[%dma_wait3A_14, %dma_wait3A_15] : memref<32768x4096xf32, #tpu.memory_space<hbm>> -> memref<32768x4096xf32, #tpu.memory_space<hbm>>
    tpu.wait_indirect_dma semaphore(%arg15 : memref<!tpu.dma_semaphore, #tpu.memory_space<semaphore_mem>>) src(%dma_wait3A_16 : memref<32768x4096xf32, #tpu.memory_space<hbm>>) dst(%arg13 : memref<8x4096xf32, #tpu.memory_space<vmem>>)
    %add3A_17 = arith.constant 0 : i32
    %add3A_18 = arith.addi %mul3A_2, %add3A_17 : i32
    "tpu.region"() ({
      %run_scoped3A = tpu.sem_alloc : memref<!tpu.dma_semaphore, #tpu.memory_space<semaphore_mem>>
      %dma_start3A_247 = arith.constant 0 : i32
      %dma_start3A_248 = tpu.memref_slice %arg9[%add3A_18, %dma_start3A_247] : memref<1024x4096xf32, #tpu.memory_space<hbm>> -> memref<8x4096xf32, #tpu.memory_space<hbm>>
      %dma_start3A_249 = arith.constant 0 : i32
      %dma_start3A_250 = tpu.memref_slice %arg9[%add3A_18, %dma_start3A_249] : memref<1024x4096xf32, #tpu.memory_space<hbm>> -> memref<8x4096xf32, #tpu.memory_space<hbm>>
      tpu.enqueue_dma source(%arg13 : memref<8x4096xf32, #tpu.memory_space<vmem>>) target(%dma_start3A_250 : memref<8x4096xf32, #tpu.memory_space<hbm>>) target_semaphore(%run_scoped3A : memref<!tpu.dma_semaphore, #tpu.memory_space<semaphore_mem>>)
      %dma_wait3A_251 = arith.constant 0 : i32
      %dma_wait3A_252 = tpu.memref_slice %arg9[%add3A_18, %dma_wait3A_251] : memref<1024x4096xf32, #tpu.memory_space<hbm>> -> memref<8x4096xf32, #tpu.memory_space<hbm>>
      %dma_wait3A_253 = arith.constant 0 : i32
      %dma_wait3A_254 = tpu.memref_slice %arg9[%add3A_18, %dma_wait3A_253] : memref<1024x4096xf32, #tpu.memory_space<hbm>> -> memref<8x4096xf32, #tpu.memory_space<hbm>>
      tpu.wait_dma2 semaphore(%run_scoped3A : memref<!tpu.dma_semaphore, #tpu.memory_space<semaphore_mem>>) src(%arg13 : memref<8x4096xf32, #tpu.memory_space<vmem>>) dst(%dma_wait3A_254 : memref<8x4096xf32, #tpu.memory_space<hbm>>)
      tpu.yield
    }) : () -> ()
    %dma_start3A_19 = arith.constant 8 : i32
    %dma_start3A_20 = tpu.memref_slice %arg11[%dma_start3A_19] : memref<32xi32, #tpu.memory_space<vmem>> -> memref<8xi32, #tpu.memory_space<vmem>>
    %dma_start3A_21 = arith.constant 0 : i32
    %dma_start3A_22 = arith.constant 0 : i32
    %dma_start3A_23 = tpu.memref_slice %arg6[%dma_start3A_21, %dma_start3A_22] : memref<32768x4096xf32, #tpu.memory_space<hbm>> -> memref<32768x4096xf32, #tpu.memory_space<hbm>>
    tpu.enqueue_indirect_dma source(%dma_start3A_23 : memref<32768x4096xf32, #tpu.memory_space<hbm>>) target(%arg13 : memref<8x4096xf32, #tpu.memory_space<vmem>>) offsets(%dma_start3A_20 : memref<8xi32, #tpu.memory_space<vmem>>) semaphore(%arg15 : memref<!tpu.dma_semaphore, #tpu.memory_space<semaphore_mem>>)
    %dma_wait3A_24 = arith.constant 8 : i32
    %dma_wait3A_25 = tpu.memref_slice %arg11[%dma_wait3A_24] : memref<32xi32, #tpu.memory_space<vmem>> -> memref<8xi32, #tpu.memory_space<vmem>>
    %dma_wait3A_26 = arith.constant 0 : i32
    %dma_wait3A_27 = arith.constant 0 : i32
    %dma_wait3A_28 = tpu.memref_slice %arg6[%dma_wait3A_26, %dma_wait3A_27] : memref<32768x4096xf32, #tpu.memory_space<hbm>> -> memref<32768x4096xf32, #tpu.memory_space<hbm>>
    tpu.wait_indirect_dma semaphore(%arg15 : memref<!tpu.dma_semaphore, #tpu.memory_space<semaphore_mem>>) src(%dma_wait3A_28 : memref<32768x4096xf32, #tpu.memory_space<hbm>>) dst(%arg13 : memref<8x4096xf32, #tpu.memory_space<vmem>>)
    %add3A_29 = arith.constant 8 : i32
    %add3A_30 = arith.addi %mul3A_2, %add3A_29 : i32
    "tpu.region"() ({
      %run_scoped3A = tpu.sem_alloc : memref<!tpu.dma_semaphore, #tpu.memory_space<semaphore_mem>>
      %dma_start3A_247 = arith.constant 0 : i32
      %dma_start3A_248 = tpu.memref_slice %arg9[%add3A_30, %dma_start3A_247] : memref<1024x4096xf32, #tpu.memory_space<hbm>> -> memref<8x4096xf32, #tpu.memory_space<hbm>>
      %dma_start3A_249 = arith.constant 0 : i32
      %dma_start3A_250 = tpu.memref_slice %arg9[%add3A_30, %dma_start3A_249] : memref<1024x4096xf32, #tpu.memory_space<hbm>> -> memref<8x4096xf32, #tpu.memory_space<hbm>>
      tpu.enqueue_dma source(%arg13 : memref<8x4096xf32, #tpu.memory_space<vmem>>) target(%dma_start3A_250 : memref<8x4096xf32, #tpu.memory_space<hbm>>) target_semaphore(%run_scoped3A : memref<!tpu.dma_semaphore, #tpu.memory_space<semaphore_mem>>)
      %dma_wait3A_251 = arith.constant 0 : i32
      %dma_wait3A_252 = tpu.memref_slice %arg9[%add3A_30, %dma_wait3A_251] : memref<1024x4096xf32, #tpu.memory_space<hbm>> -> memref<8x4096xf32, #tpu.memory_space<hbm>>
      %dma_wait3A_253 = arith.constant 0 : i32
      %dma_wait3A_254 = tpu.memref_slice %arg9[%add3A_30, %dma_wait3A_253] : memref<1024x4096xf32, #tpu.memory_space<hbm>> -> memref<8x4096xf32, #tpu.memory_space<hbm>>
      tpu.wait_dma2 semaphore(%run_scoped3A : memref<!tpu.dma_semaphore, #tpu.memory_space<semaphore_mem>>) src(%arg13 : memref<8x4096xf32, #tpu.memory_space<vmem>>) dst(%dma_wait3A_254 : memref<8x4096xf32, #tpu.memory_space<hbm>>)
      tpu.yield
    }) : () -> ()
    %dma_start3A_31 = arith.constant 16 : i32
    %dma_start3A_32 = tpu.memref_slice %arg11[%dma_start3A_31] : memref<32xi32, #tpu.memory_space<vmem>> -> memref<8xi32, #tpu.memory_space<vmem>>
    %dma_start3A_33 = arith.constant 0 : i32
    %dma_start3A_34 = arith.constant 0 : i32
    %dma_start3A_35 = tpu.memref_slice %arg6[%dma_start3A_33, %dma_start3A_34] : memref<32768x4096xf32, #tpu.memory_space<hbm>> -> memref<32768x4096xf32, #tpu.memory_space<hbm>>
    tpu.enqueue_indirect_dma source(%dma_start3A_35 : memref<32768x4096xf32, #tpu.memory_space<hbm>>) target(%arg13 : memref<8x4096xf32, #tpu.memory_space<vmem>>) offsets(%dma_start3A_32 : memref<8xi32, #tpu.memory_space<vmem>>) semaphore(%arg15 : memref<!tpu.dma_semaphore, #tpu.memory_space<semaphore_mem>>)
    %dma_wait3A_36 = arith.constant 16 : i32
    %dma_wait3A_37 = tpu.memref_slice %arg11[%dma_wait3A_36] : memref<32xi32, #tpu.memory_space<vmem>> -> memref<8xi32, #tpu.memory_space<vmem>>
    %dma_wait3A_38 = arith.constant 0 : i32
    %dma_wait3A_39 = arith.constant 0 : i32
    %dma_wait3A_40 = tpu.memref_slice %arg6[%dma_wait3A_38, %dma_wait3A_39] : memref<32768x4096xf32, #tpu.memory_space<hbm>> -> memref<32768x4096xf32, #tpu.memory_space<hbm>>
    tpu.wait_indirect_dma semaphore(%arg15 : memref<!tpu.dma_semaphore, #tpu.memory_space<semaphore_mem>>) src(%dma_wait3A_40 : memref<32768x4096xf32, #tpu.memory_space<hbm>>) dst(%arg13 : memref<8x4096xf32, #tpu.memory_space<vmem>>)
    %add3A_41 = arith.constant 16 : i32
    %add3A_42 = arith.addi %mul3A_2, %add3A_41 : i32
    "tpu.region"() ({
      %run_scoped3A = tpu.sem_alloc : memref<!tpu.dma_semaphore, #tpu.memory_space<semaphore_mem>>
      %dma_start3A_247 = arith.constant 0 : i32
      %dma_start3A_248 = tpu.memref_slice %arg9[%add3A_42, %dma_start3A_247] : memref<1024x4096xf32, #tpu.memory_space<hbm>> -> memref<8x4096xf32, #tpu.memory_space<hbm>>
      %dma_start3A_249 = arith.constant 0 : i32
      %dma_start3A_250 = tpu.memref_slice %arg9[%add3A_42, %dma_start3A_249] : memref<1024x4096xf32, #tpu.memory_space<hbm>> -> memref<8x4096xf32, #tpu.memory_space<hbm>>
      tpu.enqueue_dma source(%arg13 : memref<8x4096xf32, #tpu.memory_space<vmem>>) target(%dma_start3A_250 : memref<8x4096xf32, #tpu.memory_space<hbm>>) target_semaphore(%run_scoped3A : memref<!tpu.dma_semaphore, #tpu.memory_space<semaphore_mem>>)
      %dma_wait3A_251 = arith.constant 0 : i32
      %dma_wait3A_252 = tpu.memref_slice %arg9[%add3A_42, %dma_wait3A_251] : memref<1024x4096xf32, #tpu.memory_space<hbm>> -> memref<8x4096xf32, #tpu.memory_space<hbm>>
      %dma_wait3A_253 = arith.constant 0 : i32
      %dma_wait3A_254 = tpu.memref_slice %arg9[%add3A_42, %dma_wait3A_253] : memref<1024x4096xf32, #tpu.memory_space<hbm>> -> memref<8x4096xf32, #tpu.memory_space<hbm>>
      tpu.wait_dma2 semaphore(%run_scoped3A : memref<!tpu.dma_semaphore, #tpu.memory_space<semaphore_mem>>) src(%arg13 : memref<8x4096xf32, #tpu.memory_space<vmem>>) dst(%dma_wait3A_254 : memref<8x4096xf32, #tpu.memory_space<hbm>>)
      tpu.yield
    }) : () -> ()
    %dma_start3A_43 = arith.constant 24 : i32
    %dma_start3A_44 = tpu.memref_slice %arg11[%dma_start3A_43] : memref<32xi32, #tpu.memory_space<vmem>> -> memref<8xi32, #tpu.memory_space<vmem>>
    %dma_start3A_45 = arith.constant 0 : i32
    %dma_start3A_46 = arith.constant 0 : i32
    %dma_start3A_47 = tpu.memref_slice %arg6[%dma_start3A_45, %dma_start3A_46] : memref<32768x4096xf32, #tpu.memory_space<hbm>> -> memref<32768x4096xf32, #tpu.memory_space<hbm>>
    tpu.enqueue_indirect_dma source(%dma_start3A_47 : memref<32768x4096xf32, #tpu.memory_space<hbm>>) target(%arg13 : memref<8x4096xf32, #tpu.memory_space<vmem>>) offsets(%dma_start3A_44 : memref<8xi32, #tpu.memory_space<vmem>>) semaphore(%arg15 : memref<!tpu.dma_semaphore, #tpu.memory_space<semaphore_mem>>)
    %dma_wait3A_48 = arith.constant 24 : i32
    %dma_wait3A_49 = tpu.memref_slice %arg11[%dma_wait3A_48] : memref<32xi32, #tpu.memory_space<vmem>> -> memref<8xi32, #tpu.memory_space<vmem>>
    %dma_wait3A_50 = arith.constant 0 : i32
    %dma_wait3A_51 = arith.constant 0 : i32
    %dma_wait3A_52 = tpu.memref_slice %arg6[%dma_wait3A_50, %dma_wait3A_51] : memref<32768x4096xf32, #tpu.memory_space<hbm>> -> memref<32768x4096xf32, #tpu.memory_space<hbm>>
    tpu.wait_indirect_dma semaphore(%arg15 : memref<!tpu.dma_semaphore, #tpu.memory_space<semaphore_mem>>) src(%dma_wait3A_52 : memref<32768x4096xf32, #tpu.memory_space<hbm>>) dst(%arg13 : memref<8x4096xf32, #tpu.memory_space<vmem>>)
    %add3A_53 = arith.constant 24 : i32
    %add3A_54 = arith.addi %mul3A_2, %add3A_53 : i32
    "tpu.region"() ({
      %run_scoped3A = tpu.sem_alloc : memref<!tpu.dma_semaphore, #tpu.memory_space<semaphore_mem>>
      %dma_start3A_247 = arith.constant 0 : i32
      %dma_start3A_248 = tpu.memref_slice %arg9[%add3A_54, %dma_start3A_247] : memref<1024x4096xf32, #tpu.memory_space<hbm>> -> memref<8x4096xf32, #tpu.memory_space<hbm>>
      %dma_start3A_249 = arith.constant 0 : i32
      %dma_start3A_250 = tpu.memref_slice %arg9[%add3A_54, %dma_start3A_249] : memref<1024x4096xf32, #tpu.memory_space<hbm>> -> memref<8x4096xf32, #tpu.memory_space<hbm>>
      tpu.enqueue_dma source(%arg13 : memref<8x4096xf32, #tpu.memory_space<vmem>>) target(%dma_start3A_250 : memref<8x4096xf32, #tpu.memory_space<hbm>>) target_semaphore(%run_scoped3A : memref<!tpu.dma_semaphore, #tpu.memory_space<semaphore_mem>>)
      %dma_wait3A_251 = arith.constant 0 : i32
      %dma_wait3A_252 = tpu.memref_slice %arg9[%add3A_54, %dma_wait3A_251] : memref<1024x4096xf32, #tpu.memory_space<hbm>> -> memref<8x4096xf32, #tpu.memory_space<hbm>>
      %dma_wait3A_253 = arith.constant 0 : i32
      %dma_wait3A_254 = tpu.memref_slice %arg9[%add3A_54, %dma_wait3A_253] : memref<1024x4096xf32, #tpu.memory_space<hbm>> -> memref<8x4096xf32, #tpu.memory_space<hbm>>
      tpu.wait_dma2 semaphore(%run_scoped3A : memref<!tpu.dma_semaphore, #tpu.memory_space<semaphore_mem>>) src(%arg13 : memref<8x4096xf32, #tpu.memory_space<vmem>>) dst(%dma_wait3A_254 : memref<8x4096xf32, #tpu.memory_space<hbm>>)
      tpu.yield
    }) : () -> ()
    "tpu.region"() ({
      %run_scoped3A = tpu.sem_alloc : memref<!tpu.dma_semaphore, #tpu.memory_space<semaphore_mem>>
      %dma_start3A_247 = tpu.memref_slice %arg4[%mul3A_2] : memref<1024xi32, #tpu.memory_space<hbm>> -> memref<32xi32, #tpu.memory_space<hbm>>
      %dma_start3A_248 = tpu.memref_slice %arg4[%mul3A_2] : memref<1024xi32, #tpu.memory_space<hbm>> -> memref<32xi32, #tpu.memory_space<hbm>>
      tpu.enqueue_dma source(%dma_start3A_248 : memref<32xi32, #tpu.memory_space<hbm>>) target(%arg11 : memref<32xi32, #tpu.memory_space<vmem>>) target_semaphore(%run_scoped3A : memref<!tpu.dma_semaphore, #tpu.memory_space<semaphore_mem>>)
      %dma_wait3A_249 = tpu.memref_slice %arg4[%mul3A_2] : memref<1024xi32, #tpu.memory_space<hbm>> -> memref<32xi32, #tpu.memory_space<hbm>>
      %dma_wait3A_250 = tpu.memref_slice %arg4[%mul3A_2] : memref<1024xi32, #tpu.memory_space<hbm>> -> memref<32xi32, #tpu.memory_space<hbm>>
      tpu.wait_dma2 semaphore(%run_scoped3A : memref<!tpu.dma_semaphore, #tpu.memory_space<semaphore_mem>>) src(%dma_wait3A_250 : memref<32xi32, #tpu.memory_space<hbm>>) dst(%arg11 : memref<32xi32, #tpu.memory_space<vmem>>)
      tpu.yield
    }) : () -> ()
    %dma_start3A_55 = arith.constant 0 : i32
    %dma_start3A_56 = tpu.memref_slice %arg11[%dma_start3A_55] : memref<32xi32, #tpu.memory_space<vmem>> -> memref<8xi32, #tpu.memory_space<vmem>>
    %dma_start3A_57 = arith.constant 0 : i32
    %dma_start3A_58 = arith.constant 0 : i32
    %dma_start3A_59 = tpu.memref_slice %arg7[%dma_start3A_57, %dma_start3A_58] : memref<4096x32768xf32, #tpu.memory_space<hbm>> -> memref<4096x8192xf32, #tpu.memory_space<hbm>>
    tpu.enqueue_indirect_dma source(%dma_start3A_59 : memref<4096x8192xf32, #tpu.memory_space<hbm>>) target(%arg14 : memref<8x8192xf32, #tpu.memory_space<vmem>>) offsets(%dma_start3A_56 : memref<8xi32, #tpu.memory_space<vmem>>) semaphore(%arg15 : memref<!tpu.dma_semaphore, #tpu.memory_space<semaphore_mem>>)
    %dma_wait3A_60 = arith.constant 0 : i32
    %dma_wait3A_61 = tpu.memref_slice %arg11[%dma_wait3A_60] : memref<32xi32, #tpu.memory_space<vmem>> -> memref<8xi32, #tpu.memory_space<vmem>>
    %dma_wait3A_62 = arith.constant 0 : i32
    %dma_wait3A_63 = arith.constant 0 : i32
    %dma_wait3A_64 = tpu.memref_slice %arg7[%dma_wait3A_62, %dma_wait3A_63] : memref<4096x32768xf32, #tpu.memory_space<hbm>> -> memref<4096x8192xf32, #tpu.memory_space<hbm>>
    tpu.wait_indirect_dma semaphore(%arg15 : memref<!tpu.dma_semaphore, #tpu.memory_space<semaphore_mem>>) src(%dma_wait3A_64 : memref<4096x8192xf32, #tpu.memory_space<hbm>>) dst(%arg14 : memref<8x8192xf32, #tpu.memory_space<vmem>>)
    %add3A_65 = arith.constant 0 : i32
    %add3A_66 = arith.addi %mul3A_2, %add3A_65 : i32
    "tpu.region"() ({
      %run_scoped3A = tpu.sem_alloc : memref<!tpu.dma_semaphore, #tpu.memory_space<semaphore_mem>>
      %dma_start3A_247 = arith.constant 0 : i32
      %dma_start3A_248 = tpu.memref_slice %arg10[%add3A_66, %dma_start3A_247] : memref<1024x32768xf32, #tpu.memory_space<hbm>> -> memref<8x8192xf32, #tpu.memory_space<hbm>>
      %dma_start3A_249 = arith.constant 0 : i32
      %dma_start3A_250 = tpu.memref_slice %arg10[%add3A_66, %dma_start3A_249] : memref<1024x32768xf32, #tpu.memory_space<hbm>> -> memref<8x8192xf32, #tpu.memory_space<hbm>>
      tpu.enqueue_dma source(%arg14 : memref<8x8192xf32, #tpu.memory_space<vmem>>) target(%dma_start3A_250 : memref<8x8192xf32, #tpu.memory_space<hbm>>) target_semaphore(%run_scoped3A : memref<!tpu.dma_semaphore, #tpu.memory_space<semaphore_mem>>)
      %dma_wait3A_251 = arith.constant 0 : i32
      %dma_wait3A_252 = tpu.memref_slice %arg10[%add3A_66, %dma_wait3A_251] : memref<1024x32768xf32, #tpu.memory_space<hbm>> -> memref<8x8192xf32, #tpu.memory_space<hbm>>
      %dma_wait3A_253 = arith.constant 0 : i32
      %dma_wait3A_254 = tpu.memref_slice %arg10[%add3A_66, %dma_wait3A_253] : memref<1024x32768xf32, #tpu.memory_space<hbm>> -> memref<8x8192xf32, #tpu.memory_space<hbm>>
      tpu.wait_dma2 semaphore(%run_scoped3A : memref<!tpu.dma_semaphore, #tpu.memory_space<semaphore_mem>>) src(%arg14 : memref<8x8192xf32, #tpu.memory_space<vmem>>) dst(%dma_wait3A_254 : memref<8x8192xf32, #tpu.memory_space<hbm>>)
      tpu.yield
    }) : () -> ()
    %dma_start3A_67 = arith.constant 0 : i32
    %dma_start3A_68 = tpu.memref_slice %arg11[%dma_start3A_67] : memref<32xi32, #tpu.memory_space<vmem>> -> memref<8xi32, #tpu.memory_space<vmem>>
    %dma_start3A_69 = arith.constant 0 : i32
    %dma_start3A_70 = arith.constant 8192 : i32
    %dma_start3A_71 = tpu.memref_slice %arg7[%dma_start3A_69, %dma_start3A_70] : memref<4096x32768xf32, #tpu.memory_space<hbm>> -> memref<4096x8192xf32, #tpu.memory_space<hbm>>
    tpu.enqueue_indirect_dma source(%dma_start3A_71 : memref<4096x8192xf32, #tpu.memory_space<hbm>>) target(%arg14 : memref<8x8192xf32, #tpu.memory_space<vmem>>) offsets(%dma_start3A_68 : memref<8xi32, #tpu.memory_space<vmem>>) semaphore(%arg15 : memref<!tpu.dma_semaphore, #tpu.memory_space<semaphore_mem>>)
    %dma_wait3A_72 = arith.constant 0 : i32
    %dma_wait3A_73 = tpu.memref_slice %arg11[%dma_wait3A_72] : memref<32xi32, #tpu.memory_space<vmem>> -> memref<8xi32, #tpu.memory_space<vmem>>
    %dma_wait3A_74 = arith.constant 0 : i32
    %dma_wait3A_75 = arith.constant 8192 : i32
    %dma_wait3A_76 = tpu.memref_slice %arg7[%dma_wait3A_74, %dma_wait3A_75] : memref<4096x32768xf32, #tpu.memory_space<hbm>> -> memref<4096x8192xf32, #tpu.memory_space<hbm>>
    tpu.wait_indirect_dma semaphore(%arg15 : memref<!tpu.dma_semaphore, #tpu.memory_space<semaphore_mem>>) src(%dma_wait3A_76 : memref<4096x8192xf32, #tpu.memory_space<hbm>>) dst(%arg14 : memref<8x8192xf32, #tpu.memory_space<vmem>>)
    %add3A_77 = arith.constant 0 : i32
    %add3A_78 = arith.addi %mul3A_2, %add3A_77 : i32
    "tpu.region"() ({
      %run_scoped3A = tpu.sem_alloc : memref<!tpu.dma_semaphore, #tpu.memory_space<semaphore_mem>>
      %dma_start3A_247 = arith.constant 8192 : i32
      %dma_start3A_248 = tpu.memref_slice %arg10[%add3A_78, %dma_start3A_247] : memref<1024x32768xf32, #tpu.memory_space<hbm>> -> memref<8x8192xf32, #tpu.memory_space<hbm>>
      %dma_start3A_249 = arith.constant 8192 : i32
      %dma_start3A_250 = tpu.memref_slice %arg10[%add3A_78, %dma_start3A_249] : memref<1024x32768xf32, #tpu.memory_space<hbm>> -> memref<8x8192xf32, #tpu.memory_space<hbm>>
      tpu.enqueue_dma source(%arg14 : memref<8x8192xf32, #tpu.memory_space<vmem>>) target(%dma_start3A_250 : memref<8x8192xf32, #tpu.memory_space<hbm>>) target_semaphore(%run_scoped3A : memref<!tpu.dma_semaphore, #tpu.memory_space<semaphore_mem>>)
      %dma_wait3A_251 = arith.constant 8192 : i32
      %dma_wait3A_252 = tpu.memref_slice %arg10[%add3A_78, %dma_wait3A_251] : memref<1024x32768xf32, #tpu.memory_space<hbm>> -> memref<8x8192xf32, #tpu.memory_space<hbm>>
      %dma_wait3A_253 = arith.constant 8192 : i32
      %dma_wait3A_254 = tpu.memref_slice %arg10[%add3A_78, %dma_wait3A_253] : memref<1024x32768xf32, #tpu.memory_space<hbm>> -> memref<8x8192xf32, #tpu.memory_space<hbm>>
      tpu.wait_dma2 semaphore(%run_scoped3A : memref<!tpu.dma_semaphore, #tpu.memory_space<semaphore_mem>>) src(%arg14 : memref<8x8192xf32, #tpu.memory_space<vmem>>) dst(%dma_wait3A_254 : memref<8x8192xf32, #tpu.memory_space<hbm>>)
      tpu.yield
    }) : () -> ()
    %dma_start3A_79 = arith.constant 0 : i32
    %dma_start3A_80 = tpu.memref_slice %arg11[%dma_start3A_79] : memref<32xi32, #tpu.memory_space<vmem>> -> memref<8xi32, #tpu.memory_space<vmem>>
    %dma_start3A_81 = arith.constant 0 : i32
    %dma_start3A_82 = arith.constant 16384 : i32
    %dma_start3A_83 = tpu.memref_slice %arg7[%dma_start3A_81, %dma_start3A_82] : memref<4096x32768xf32, #tpu.memory_space<hbm>> -> memref<4096x8192xf32, #tpu.memory_space<hbm>>
    tpu.enqueue_indirect_dma source(%dma_start3A_83 : memref<4096x8192xf32, #tpu.memory_space<hbm>>) target(%arg14 : memref<8x8192xf32, #tpu.memory_space<vmem>>) offsets(%dma_start3A_80 : memref<8xi32, #tpu.memory_space<vmem>>) semaphore(%arg15 : memref<!tpu.dma_semaphore, #tpu.memory_space<semaphore_mem>>)
    %dma_wait3A_84 = arith.constant 0 : i32
    %dma_wait3A_85 = tpu.memref_slice %arg11[%dma_wait3A_84] : memref<32xi32, #tpu.memory_space<vmem>> -> memref<8xi32, #tpu.memory_space<vmem>>
    %dma_wait3A_86 = arith.constant 0 : i32
    %dma_wait3A_87 = arith.constant 16384 : i32
    %dma_wait3A_88 = tpu.memref_slice %arg7[%dma_wait3A_86, %dma_wait3A_87] : memref<4096x32768xf32, #tpu.memory_space<hbm>> -> memref<4096x8192xf32, #tpu.memory_space<hbm>>
    tpu.wait_indirect_dma semaphore(%arg15 : memref<!tpu.dma_semaphore, #tpu.memory_space<semaphore_mem>>) src(%dma_wait3A_88 : memref<4096x8192xf32, #tpu.memory_space<hbm>>) dst(%arg14 : memref<8x8192xf32, #tpu.memory_space<vmem>>)
    %add3A_89 = arith.constant 0 : i32
    %add3A_90 = arith.addi %mul3A_2, %add3A_89 : i32
    "tpu.region"() ({
      %run_scoped3A = tpu.sem_alloc : memref<!tpu.dma_semaphore, #tpu.memory_space<semaphore_mem>>
      %dma_start3A_247 = arith.constant 16384 : i32
      %dma_start3A_248 = tpu.memref_slice %arg10[%add3A_90, %dma_start3A_247] : memref<1024x32768xf32, #tpu.memory_space<hbm>> -> memref<8x8192xf32, #tpu.memory_space<hbm>>
      %dma_start3A_249 = arith.constant 16384 : i32
      %dma_start3A_250 = tpu.memref_slice %arg10[%add3A_90, %dma_start3A_249] : memref<1024x32768xf32, #tpu.memory_space<hbm>> -> memref<8x8192xf32, #tpu.memory_space<hbm>>
      tpu.enqueue_dma source(%arg14 : memref<8x8192xf32, #tpu.memory_space<vmem>>) target(%dma_start3A_250 : memref<8x8192xf32, #tpu.memory_space<hbm>>) target_semaphore(%run_scoped3A : memref<!tpu.dma_semaphore, #tpu.memory_space<semaphore_mem>>)
      %dma_wait3A_251 = arith.constant 16384 : i32
      %dma_wait3A_252 = tpu.memref_slice %arg10[%add3A_90, %dma_wait3A_251] : memref<1024x32768xf32, #tpu.memory_space<hbm>> -> memref<8x8192xf32, #tpu.memory_space<hbm>>
      %dma_wait3A_253 = arith.constant 16384 : i32
      %dma_wait3A_254 = tpu.memref_slice %arg10[%add3A_90, %dma_wait3A_253] : memref<1024x32768xf32, #tpu.memory_space<hbm>> -> memref<8x8192xf32, #tpu.memory_space<hbm>>
      tpu.wait_dma2 semaphore(%run_scoped3A : memref<!tpu.dma_semaphore, #tpu.memory_space<semaphore_mem>>) src(%arg14 : memref<8x8192xf32, #tpu.memory_space<vmem>>) dst(%dma_wait3A_254 : memref<8x8192xf32, #tpu.memory_space<hbm>>)
      tpu.yield
    }) : () -> ()
    %dma_start3A_91 = arith.constant 0 : i32
    %dma_start3A_92 = tpu.memref_slice %arg11[%dma_start3A_91] : memref<32xi32, #tpu.memory_space<vmem>> -> memref<8xi32, #tpu.memory_space<vmem>>
    %dma_start3A_93 = arith.constant 0 : i32
    %dma_start3A_94 = arith.constant 24576 : i32
    %dma_start3A_95 = tpu.memref_slice %arg7[%dma_start3A_93, %dma_start3A_94] : memref<4096x32768xf32, #tpu.memory_space<hbm>> -> memref<4096x8192xf32, #tpu.memory_space<hbm>>
    tpu.enqueue_indirect_dma source(%dma_start3A_95 : memref<4096x8192xf32, #tpu.memory_space<hbm>>) target(%arg14 : memref<8x8192xf32, #tpu.memory_space<vmem>>) offsets(%dma_start3A_92 : memref<8xi32, #tpu.memory_space<vmem>>) semaphore(%arg15 : memref<!tpu.dma_semaphore, #tpu.memory_space<semaphore_mem>>)
    %dma_wait3A_96 = arith.constant 0 : i32
    %dma_wait3A_97 = tpu.memref_slice %arg11[%dma_wait3A_96] : memref<32xi32, #tpu.memory_space<vmem>> -> memref<8xi32, #tpu.memory_space<vmem>>
    %dma_wait3A_98 = arith.constant 0 : i32
    %dma_wait3A_99 = arith.constant 24576 : i32
    %dma_wait3A_100 = tpu.memref_slice %arg7[%dma_wait3A_98, %dma_wait3A_99] : memref<4096x32768xf32, #tpu.memory_space<hbm>> -> memref<4096x8192xf32, #tpu.memory_space<hbm>>
    tpu.wait_indirect_dma semaphore(%arg15 : memref<!tpu.dma_semaphore, #tpu.memory_space<semaphore_mem>>) src(%dma_wait3A_100 : memref<4096x8192xf32, #tpu.memory_space<hbm>>) dst(%arg14 : memref<8x8192xf32, #tpu.memory_space<vmem>>)
    %add3A_101 = arith.constant 0 : i32
    %add3A_102 = arith.addi %mul3A_2, %add3A_101 : i32
    "tpu.region"() ({
      %run_scoped3A = tpu.sem_alloc : memref<!tpu.dma_semaphore, #tpu.memory_space<semaphore_mem>>
      %dma_start3A_247 = arith.constant 24576 : i32
      %dma_start3A_248 = tpu.memref_slice %arg10[%add3A_102, %dma_start3A_247] : memref<1024x32768xf32, #tpu.memory_space<hbm>> -> memref<8x8192xf32, #tpu.memory_space<hbm>>
      %dma_start3A_249 = arith.constant 24576 : i32
      %dma_start3A_250 = tpu.memref_slice %arg10[%add3A_102, %dma_start3A_249] : memref<1024x32768xf32, #tpu.memory_space<hbm>> -> memref<8x8192xf32, #tpu.memory_space<hbm>>
      tpu.enqueue_dma source(%arg14 : memref<8x8192xf32, #tpu.memory_space<vmem>>) target(%dma_start3A_250 : memref<8x8192xf32, #tpu.memory_space<hbm>>) target_semaphore(%run_scoped3A : memref<!tpu.dma_semaphore, #tpu.memory_space<semaphore_mem>>)
      %dma_wait3A_251 = arith.constant 24576 : i32
      %dma_wait3A_252 = tpu.memref_slice %arg10[%add3A_102, %dma_wait3A_251] : memref<1024x32768xf32, #tpu.memory_space<hbm>> -> memref<8x8192xf32, #tpu.memory_space<hbm>>
      %dma_wait3A_253 = arith.constant 24576 : i32
      %dma_wait3A_254 = tpu.memref_slice %arg10[%add3A_102, %dma_wait3A_253] : memref<1024x32768xf32, #tpu.memory_space<hbm>> -> memref<8x8192xf32, #tpu.memory_space<hbm>>
      tpu.wait_dma2 semaphore(%run_scoped3A : memref<!tpu.dma_semaphore, #tpu.memory_space<semaphore_mem>>) src(%arg14 : memref<8x8192xf32, #tpu.memory_space<vmem>>) dst(%dma_wait3A_254 : memref<8x8192xf32, #tpu.memory_space<hbm>>)
      tpu.yield
    }) : () -> ()
    %dma_start3A_103 = arith.constant 8 : i32
    %dma_start3A_104 = tpu.memref_slice %arg11[%dma_start3A_103] : memref<32xi32, #tpu.memory_space<vmem>> -> memref<8xi32, #tpu.memory_space<vmem>>
    %dma_start3A_105 = arith.constant 0 : i32
    %dma_start3A_106 = arith.constant 0 : i32
    %dma_start3A_107 = tpu.memref_slice %arg7[%dma_start3A_105, %dma_start3A_106] : memref<4096x32768xf32, #tpu.memory_space<hbm>> -> memref<4096x8192xf32, #tpu.memory_space<hbm>>
    tpu.enqueue_indirect_dma source(%dma_start3A_107 : memref<4096x8192xf32, #tpu.memory_space<hbm>>) target(%arg14 : memref<8x8192xf32, #tpu.memory_space<vmem>>) offsets(%dma_start3A_104 : memref<8xi32, #tpu.memory_space<vmem>>) semaphore(%arg15 : memref<!tpu.dma_semaphore, #tpu.memory_space<semaphore_mem>>)
    %dma_wait3A_108 = arith.constant 8 : i32
    %dma_wait3A_109 = tpu.memref_slice %arg11[%dma_wait3A_108] : memref<32xi32, #tpu.memory_space<vmem>> -> memref<8xi32, #tpu.memory_space<vmem>>
    %dma_wait3A_110 = arith.constant 0 : i32
    %dma_wait3A_111 = arith.constant 0 : i32
    %dma_wait3A_112 = tpu.memref_slice %arg7[%dma_wait3A_110, %dma_wait3A_111] : memref<4096x32768xf32, #tpu.memory_space<hbm>> -> memref<4096x8192xf32, #tpu.memory_space<hbm>>
    tpu.wait_indirect_dma semaphore(%arg15 : memref<!tpu.dma_semaphore, #tpu.memory_space<semaphore_mem>>) src(%dma_wait3A_112 : memref<4096x8192xf32, #tpu.memory_space<hbm>>) dst(%arg14 : memref<8x8192xf32, #tpu.memory_space<vmem>>)
    %add3A_113 = arith.constant 8 : i32
    %add3A_114 = arith.addi %mul3A_2, %add3A_113 : i32
    "tpu.region"() ({
      %run_scoped3A = tpu.sem_alloc : memref<!tpu.dma_semaphore, #tpu.memory_space<semaphore_mem>>
      %dma_start3A_247 = arith.constant 0 : i32
      %dma_start3A_248 = tpu.memref_slice %arg10[%add3A_114, %dma_start3A_247] : memref<1024x32768xf32, #tpu.memory_space<hbm>> -> memref<8x8192xf32, #tpu.memory_space<hbm>>
      %dma_start3A_249 = arith.constant 0 : i32
      %dma_start3A_250 = tpu.memref_slice %arg10[%add3A_114, %dma_start3A_249] : memref<1024x32768xf32, #tpu.memory_space<hbm>> -> memref<8x8192xf32, #tpu.memory_space<hbm>>
      tpu.enqueue_dma source(%arg14 : memref<8x8192xf32, #tpu.memory_space<vmem>>) target(%dma_start3A_250 : memref<8x8192xf32, #tpu.memory_space<hbm>>) target_semaphore(%run_scoped3A : memref<!tpu.dma_semaphore, #tpu.memory_space<semaphore_mem>>)
      %dma_wait3A_251 = arith.constant 0 : i32
      %dma_wait3A_252 = tpu.memref_slice %arg10[%add3A_114, %dma_wait3A_251] : memref<1024x32768xf32, #tpu.memory_space<hbm>> -> memref<8x8192xf32, #tpu.memory_space<hbm>>
      %dma_wait3A_253 = arith.constant 0 : i32
      %dma_wait3A_254 = tpu.memref_slice %arg10[%add3A_114, %dma_wait3A_253] : memref<1024x32768xf32, #tpu.memory_space<hbm>> -> memref<8x8192xf32, #tpu.memory_space<hbm>>
      tpu.wait_dma2 semaphore(%run_scoped3A : memref<!tpu.dma_semaphore, #tpu.memory_space<semaphore_mem>>) src(%arg14 : memref<8x8192xf32, #tpu.memory_space<vmem>>) dst(%dma_wait3A_254 : memref<8x8192xf32, #tpu.memory_space<hbm>>)
      tpu.yield
    }) : () -> ()
    %dma_start3A_115 = arith.constant 8 : i32
    %dma_start3A_116 = tpu.memref_slice %arg11[%dma_start3A_115] : memref<32xi32, #tpu.memory_space<vmem>> -> memref<8xi32, #tpu.memory_space<vmem>>
    %dma_start3A_117 = arith.constant 0 : i32
    %dma_start3A_118 = arith.constant 8192 : i32
    %dma_start3A_119 = tpu.memref_slice %arg7[%dma_start3A_117, %dma_start3A_118] : memref<4096x32768xf32, #tpu.memory_space<hbm>> -> memref<4096x8192xf32, #tpu.memory_space<hbm>>
    tpu.enqueue_indirect_dma source(%dma_start3A_119 : memref<4096x8192xf32, #tpu.memory_space<hbm>>) target(%arg14 : memref<8x8192xf32, #tpu.memory_space<vmem>>) offsets(%dma_start3A_116 : memref<8xi32, #tpu.memory_space<vmem>>) semaphore(%arg15 : memref<!tpu.dma_semaphore, #tpu.memory_space<semaphore_mem>>)
    %dma_wait3A_120 = arith.constant 8 : i32
    %dma_wait3A_121 = tpu.memref_slice %arg11[%dma_wait3A_120] : memref<32xi32, #tpu.memory_space<vmem>> -> memref<8xi32, #tpu.memory_space<vmem>>
    %dma_wait3A_122 = arith.constant 0 : i32
    %dma_wait3A_123 = arith.constant 8192 : i32
    %dma_wait3A_124 = tpu.memref_slice %arg7[%dma_wait3A_122, %dma_wait3A_123] : memref<4096x32768xf32, #tpu.memory_space<hbm>> -> memref<4096x8192xf32, #tpu.memory_space<hbm>>
    tpu.wait_indirect_dma semaphore(%arg15 : memref<!tpu.dma_semaphore, #tpu.memory_space<semaphore_mem>>) src(%dma_wait3A_124 : memref<4096x8192xf32, #tpu.memory_space<hbm>>) dst(%arg14 : memref<8x8192xf32, #tpu.memory_space<vmem>>)
    %add3A_125 = arith.constant 8 : i32
    %add3A_126 = arith.addi %mul3A_2, %add3A_125 : i32
    "tpu.region"() ({
      %run_scoped3A = tpu.sem_alloc : memref<!tpu.dma_semaphore, #tpu.memory_space<semaphore_mem>>
      %dma_start3A_247 = arith.constant 8192 : i32
      %dma_start3A_248 = tpu.memref_slice %arg10[%add3A_126, %dma_start3A_247] : memref<1024x32768xf32, #tpu.memory_space<hbm>> -> memref<8x8192xf32, #tpu.memory_space<hbm>>
      %dma_start3A_249 = arith.constant 8192 : i32
      %dma_start3A_250 = tpu.memref_slice %arg10[%add3A_126, %dma_start3A_249] : memref<1024x32768xf32, #tpu.memory_space<hbm>> -> memref<8x8192xf32, #tpu.memory_space<hbm>>
      tpu.enqueue_dma source(%arg14 : memref<8x8192xf32, #tpu.memory_space<vmem>>) target(%dma_start3A_250 : memref<8x8192xf32, #tpu.memory_space<hbm>>) target_semaphore(%run_scoped3A : memref<!tpu.dma_semaphore, #tpu.memory_space<semaphore_mem>>)
      %dma_wait3A_251 = arith.constant 8192 : i32
      %dma_wait3A_252 = tpu.memref_slice %arg10[%add3A_126, %dma_wait3A_251] : memref<1024x32768xf32, #tpu.memory_space<hbm>> -> memref<8x8192xf32, #tpu.memory_space<hbm>>
      %dma_wait3A_253 = arith.constant 8192 : i32
      %dma_wait3A_254 = tpu.memref_slice %arg10[%add3A_126, %dma_wait3A_253] : memref<1024x32768xf32, #tpu.memory_space<hbm>> -> memref<8x8192xf32, #tpu.memory_space<hbm>>
      tpu.wait_dma2 semaphore(%run_scoped3A : memref<!tpu.dma_semaphore, #tpu.memory_space<semaphore_mem>>) src(%arg14 : memref<8x8192xf32, #tpu.memory_space<vmem>>) dst(%dma_wait3A_254 : memref<8x8192xf32, #tpu.memory_space<hbm>>)
      tpu.yield
    }) : () -> ()
    %dma_start3A_127 = arith.constant 8 : i32
    %dma_start3A_128 = tpu.memref_slice %arg11[%dma_start3A_127] : memref<32xi32, #tpu.memory_space<vmem>> -> memref<8xi32, #tpu.memory_space<vmem>>
    %dma_start3A_129 = arith.constant 0 : i32
    %dma_start3A_130 = arith.constant 16384 : i32
    %dma_start3A_131 = tpu.memref_slice %arg7[%dma_start3A_129, %dma_start3A_130] : memref<4096x32768xf32, #tpu.memory_space<hbm>> -> memref<4096x8192xf32, #tpu.memory_space<hbm>>
    tpu.enqueue_indirect_dma source(%dma_start3A_131 : memref<4096x8192xf32, #tpu.memory_space<hbm>>) target(%arg14 : memref<8x8192xf32, #tpu.memory_space<vmem>>) offsets(%dma_start3A_128 : memref<8xi32, #tpu.memory_space<vmem>>) semaphore(%arg15 : memref<!tpu.dma_semaphore, #tpu.memory_space<semaphore_mem>>)
    %dma_wait3A_132 = arith.constant 8 : i32
    %dma_wait3A_133 = tpu.memref_slice %arg11[%dma_wait3A_132] : memref<32xi32, #tpu.memory_space<vmem>> -> memref<8xi32, #tpu.memory_space<vmem>>
    %dma_wait3A_134 = arith.constant 0 : i32
    %dma_wait3A_135 = arith.constant 16384 : i32
    %dma_wait3A_136 = tpu.memref_slice %arg7[%dma_wait3A_134, %dma_wait3A_135] : memref<4096x32768xf32, #tpu.memory_space<hbm>> -> memref<4096x8192xf32, #tpu.memory_space<hbm>>
    tpu.wait_indirect_dma semaphore(%arg15 : memref<!tpu.dma_semaphore, #tpu.memory_space<semaphore_mem>>) src(%dma_wait3A_136 : memref<4096x8192xf32, #tpu.memory_space<hbm>>) dst(%arg14 : memref<8x8192xf32, #tpu.memory_space<vmem>>)
    %add3A_137 = arith.constant 8 : i32
    %add3A_138 = arith.addi %mul3A_2, %add3A_137 : i32
    "tpu.region"() ({
      %run_scoped3A = tpu.sem_alloc : memref<!tpu.dma_semaphore, #tpu.memory_space<semaphore_mem>>
      %dma_start3A_247 = arith.constant 16384 : i32
      %dma_start3A_248 = tpu.memref_slice %arg10[%add3A_138, %dma_start3A_247] : memref<1024x32768xf32, #tpu.memory_space<hbm>> -> memref<8x8192xf32, #tpu.memory_space<hbm>>
      %dma_start3A_249 = arith.constant 16384 : i32
      %dma_start3A_250 = tpu.memref_slice %arg10[%add3A_138, %dma_start3A_249] : memref<1024x32768xf32, #tpu.memory_space<hbm>> -> memref<8x8192xf32, #tpu.memory_space<hbm>>
      tpu.enqueue_dma source(%arg14 : memref<8x8192xf32, #tpu.memory_space<vmem>>) target(%dma_start3A_250 : memref<8x8192xf32, #tpu.memory_space<hbm>>) target_semaphore(%run_scoped3A : memref<!tpu.dma_semaphore, #tpu.memory_space<semaphore_mem>>)
      %dma_wait3A_251 = arith.constant 16384 : i32
      %dma_wait3A_252 = tpu.memref_slice %arg10[%add3A_138, %dma_wait3A_251] : memref<1024x32768xf32, #tpu.memory_space<hbm>> -> memref<8x8192xf32, #tpu.memory_space<hbm>>
      %dma_wait3A_253 = arith.constant 16384 : i32
      %dma_wait3A_254 = tpu.memref_slice %arg10[%add3A_138, %dma_wait3A_253] : memref<1024x32768xf32, #tpu.memory_space<hbm>> -> memref<8x8192xf32, #tpu.memory_space<hbm>>
      tpu.wait_dma2 semaphore(%run_scoped3A : memref<!tpu.dma_semaphore, #tpu.memory_space<semaphore_mem>>) src(%arg14 : memref<8x8192xf32, #tpu.memory_space<vmem>>) dst(%dma_wait3A_254 : memref<8x8192xf32, #tpu.memory_space<hbm>>)
      tpu.yield
    }) : () -> ()
    %dma_start3A_139 = arith.constant 8 : i32
    %dma_start3A_140 = tpu.memref_slice %arg11[%dma_start3A_139] : memref<32xi32, #tpu.memory_space<vmem>> -> memref<8xi32, #tpu.memory_space<vmem>>
    %dma_start3A_141 = arith.constant 0 : i32
    %dma_start3A_142 = arith.constant 24576 : i32
    %dma_start3A_143 = tpu.memref_slice %arg7[%dma_start3A_141, %dma_start3A_142] : memref<4096x32768xf32, #tpu.memory_space<hbm>> -> memref<4096x8192xf32, #tpu.memory_space<hbm>>
    tpu.enqueue_indirect_dma source(%dma_start3A_143 : memref<4096x8192xf32, #tpu.memory_space<hbm>>) target(%arg14 : memref<8x8192xf32, #tpu.memory_space<vmem>>) offsets(%dma_start3A_140 : memref<8xi32, #tpu.memory_space<vmem>>) semaphore(%arg15 : memref<!tpu.dma_semaphore, #tpu.memory_space<semaphore_mem>>)
    %dma_wait3A_144 = arith.constant 8 : i32
    %dma_wait3A_145 = tpu.memref_slice %arg11[%dma_wait3A_144] : memref<32xi32, #tpu.memory_space<vmem>> -> memref<8xi32, #tpu.memory_space<vmem>>
    %dma_wait3A_146 = arith.constant 0 : i32
    %dma_wait3A_147 = arith.constant 24576 : i32
    %dma_wait3A_148 = tpu.memref_slice %arg7[%dma_wait3A_146, %dma_wait3A_147] : memref<4096x32768xf32, #tpu.memory_space<hbm>> -> memref<4096x8192xf32, #tpu.memory_space<hbm>>
    tpu.wait_indirect_dma semaphore(%arg15 : memref<!tpu.dma_semaphore, #tpu.memory_space<semaphore_mem>>) src(%dma_wait3A_148 : memref<4096x8192xf32, #tpu.memory_space<hbm>>) dst(%arg14 : memref<8x8192xf32, #tpu.memory_space<vmem>>)
    %add3A_149 = arith.constant 8 : i32
    %add3A_150 = arith.addi %mul3A_2, %add3A_149 : i32
    "tpu.region"() ({
      %run_scoped3A = tpu.sem_alloc : memref<!tpu.dma_semaphore, #tpu.memory_space<semaphore_mem>>
      %dma_start3A_247 = arith.constant 24576 : i32
      %dma_start3A_248 = tpu.memref_slice %arg10[%add3A_150, %dma_start3A_247] : memref<1024x32768xf32, #tpu.memory_space<hbm>> -> memref<8x8192xf32, #tpu.memory_space<hbm>>
      %dma_start3A_249 = arith.constant 24576 : i32
      %dma_start3A_250 = tpu.memref_slice %arg10[%add3A_150, %dma_start3A_249] : memref<1024x32768xf32, #tpu.memory_space<hbm>> -> memref<8x8192xf32, #tpu.memory_space<hbm>>
      tpu.enqueue_dma source(%arg14 : memref<8x8192xf32, #tpu.memory_space<vmem>>) target(%dma_start3A_250 : memref<8x8192xf32, #tpu.memory_space<hbm>>) target_semaphore(%run_scoped3A : memref<!tpu.dma_semaphore, #tpu.memory_space<semaphore_mem>>)
      %dma_wait3A_251 = arith.constant 24576 : i32
      %dma_wait3A_252 = tpu.memref_slice %arg10[%add3A_150, %dma_wait3A_251] : memref<1024x32768xf32, #tpu.memory_space<hbm>> -> memref<8x8192xf32, #tpu.memory_space<hbm>>
      %dma_wait3A_253 = arith.constant 24576 : i32
      %dma_wait3A_254 = tpu.memref_slice %arg10[%add3A_150, %dma_wait3A_253] : memref<1024x32768xf32, #tpu.memory_space<hbm>> -> memref<8x8192xf32, #tpu.memory_space<hbm>>
      tpu.wait_dma2 semaphore(%run_scoped3A : memref<!tpu.dma_semaphore, #tpu.memory_space<semaphore_mem>>) src(%arg14 : memref<8x8192xf32, #tpu.memory_space<vmem>>) dst(%dma_wait3A_254 : memref<8x8192xf32, #tpu.memory_space<hbm>>)
      tpu.yield
    }) : () -> ()
    %dma_start3A_151 = arith.constant 16 : i32
    %dma_start3A_152 = tpu.memref_slice %arg11[%dma_start3A_151] : memref<32xi32, #tpu.memory_space<vmem>> -> memref<8xi32, #tpu.memory_space<vmem>>
    %dma_start3A_153 = arith.constant 0 : i32
    %dma_start3A_154 = arith.constant 0 : i32
    %dma_start3A_155 = tpu.memref_slice %arg7[%dma_start3A_153, %dma_start3A_154] : memref<4096x32768xf32, #tpu.memory_space<hbm>> -> memref<4096x8192xf32, #tpu.memory_space<hbm>>
    tpu.enqueue_indirect_dma source(%dma_start3A_155 : memref<4096x8192xf32, #tpu.memory_space<hbm>>) target(%arg14 : memref<8x8192xf32, #tpu.memory_space<vmem>>) offsets(%dma_start3A_152 : memref<8xi32, #tpu.memory_space<vmem>>) semaphore(%arg15 : memref<!tpu.dma_semaphore, #tpu.memory_space<semaphore_mem>>)
    %dma_wait3A_156 = arith.constant 16 : i32
    %dma_wait3A_157 = tpu.memref_slice %arg11[%dma_wait3A_156] : memref<32xi32, #tpu.memory_space<vmem>> -> memref<8xi32, #tpu.memory_space<vmem>>
    %dma_wait3A_158 = arith.constant 0 : i32
    %dma_wait3A_159 = arith.constant 0 : i32
    %dma_wait3A_160 = tpu.memref_slice %arg7[%dma_wait3A_158, %dma_wait3A_159] : memref<4096x32768xf32, #tpu.memory_space<hbm>> -> memref<4096x8192xf32, #tpu.memory_space<hbm>>
    tpu.wait_indirect_dma semaphore(%arg15 : memref<!tpu.dma_semaphore, #tpu.memory_space<semaphore_mem>>) src(%dma_wait3A_160 : memref<4096x8192xf32, #tpu.memory_space<hbm>>) dst(%arg14 : memref<8x8192xf32, #tpu.memory_space<vmem>>)
    %add3A_161 = arith.constant 16 : i32
    %add3A_162 = arith.addi %mul3A_2, %add3A_161 : i32
    "tpu.region"() ({
      %run_scoped3A = tpu.sem_alloc : memref<!tpu.dma_semaphore, #tpu.memory_space<semaphore_mem>>
      %dma_start3A_247 = arith.constant 0 : i32
      %dma_start3A_248 = tpu.memref_slice %arg10[%add3A_162, %dma_start3A_247] : memref<1024x32768xf32, #tpu.memory_space<hbm>> -> memref<8x8192xf32, #tpu.memory_space<hbm>>
      %dma_start3A_249 = arith.constant 0 : i32
      %dma_start3A_250 = tpu.memref_slice %arg10[%add3A_162, %dma_start3A_249] : memref<1024x32768xf32, #tpu.memory_space<hbm>> -> memref<8x8192xf32, #tpu.memory_space<hbm>>
      tpu.enqueue_dma source(%arg14 : memref<8x8192xf32, #tpu.memory_space<vmem>>) target(%dma_start3A_250 : memref<8x8192xf32, #tpu.memory_space<hbm>>) target_semaphore(%run_scoped3A : memref<!tpu.dma_semaphore, #tpu.memory_space<semaphore_mem>>)
      %dma_wait3A_251 = arith.constant 0 : i32
      %dma_wait3A_252 = tpu.memref_slice %arg10[%add3A_162, %dma_wait3A_251] : memref<1024x32768xf32, #tpu.memory_space<hbm>> -> memref<8x8192xf32, #tpu.memory_space<hbm>>
      %dma_wait3A_253 = arith.constant 0 : i32
      %dma_wait3A_254 = tpu.memref_slice %arg10[%add3A_162, %dma_wait3A_253] : memref<1024x32768xf32, #tpu.memory_space<hbm>> -> memref<8x8192xf32, #tpu.memory_space<hbm>>
      tpu.wait_dma2 semaphore(%run_scoped3A : memref<!tpu.dma_semaphore, #tpu.memory_space<semaphore_mem>>) src(%arg14 : memref<8x8192xf32, #tpu.memory_space<vmem>>) dst(%dma_wait3A_254 : memref<8x8192xf32, #tpu.memory_space<hbm>>)
      tpu.yield
    }) : () -> ()
    %dma_start3A_163 = arith.constant 16 : i32
    %dma_start3A_164 = tpu.memref_slice %arg11[%dma_start3A_163] : memref<32xi32, #tpu.memory_space<vmem>> -> memref<8xi32, #tpu.memory_space<vmem>>
    %dma_start3A_165 = arith.constant 0 : i32
    %dma_start3A_166 = arith.constant 8192 : i32
    %dma_start3A_167 = tpu.memref_slice %arg7[%dma_start3A_165, %dma_start3A_166] : memref<4096x32768xf32, #tpu.memory_space<hbm>> -> memref<4096x8192xf32, #tpu.memory_space<hbm>>
    tpu.enqueue_indirect_dma source(%dma_start3A_167 : memref<4096x8192xf32, #tpu.memory_space<hbm>>) target(%arg14 : memref<8x8192xf32, #tpu.memory_space<vmem>>) offsets(%dma_start3A_164 : memref<8xi32, #tpu.memory_space<vmem>>) semaphore(%arg15 : memref<!tpu.dma_semaphore, #tpu.memory_space<semaphore_mem>>)
    %dma_wait3A_168 = arith.constant 16 : i32
    %dma_wait3A_169 = tpu.memref_slice %arg11[%dma_wait3A_168] : memref<32xi32, #tpu.memory_space<vmem>> -> memref<8xi32, #tpu.memory_space<vmem>>
    %dma_wait3A_170 = arith.constant 0 : i32
    %dma_wait3A_171 = arith.constant 8192 : i32
    %dma_wait3A_172 = tpu.memref_slice %arg7[%dma_wait3A_170, %dma_wait3A_171] : memref<4096x32768xf32, #tpu.memory_space<hbm>> -> memref<4096x8192xf32, #tpu.memory_space<hbm>>
    tpu.wait_indirect_dma semaphore(%arg15 : memref<!tpu.dma_semaphore, #tpu.memory_space<semaphore_mem>>) src(%dma_wait3A_172 : memref<4096x8192xf32, #tpu.memory_space<hbm>>) dst(%arg14 : memref<8x8192xf32, #tpu.memory_space<vmem>>)
    %add3A_173 = arith.constant 16 : i32
    %add3A_174 = arith.addi %mul3A_2, %add3A_173 : i32
    "tpu.region"() ({
      %run_scoped3A = tpu.sem_alloc : memref<!tpu.dma_semaphore, #tpu.memory_space<semaphore_mem>>
      %dma_start3A_247 = arith.constant 8192 : i32
      %dma_start3A_248 = tpu.memref_slice %arg10[%add3A_174, %dma_start3A_247] : memref<1024x32768xf32, #tpu.memory_space<hbm>> -> memref<8x8192xf32, #tpu.memory_space<hbm>>
      %dma_start3A_249 = arith.constant 8192 : i32
      %dma_start3A_250 = tpu.memref_slice %arg10[%add3A_174, %dma_start3A_249] : memref<1024x32768xf32, #tpu.memory_space<hbm>> -> memref<8x8192xf32, #tpu.memory_space<hbm>>
      tpu.enqueue_dma source(%arg14 : memref<8x8192xf32, #tpu.memory_space<vmem>>) target(%dma_start3A_250 : memref<8x8192xf32, #tpu.memory_space<hbm>>) target_semaphore(%run_scoped3A : memref<!tpu.dma_semaphore, #tpu.memory_space<semaphore_mem>>)
      %dma_wait3A_251 = arith.constant 8192 : i32
      %dma_wait3A_252 = tpu.memref_slice %arg10[%add3A_174, %dma_wait3A_251] : memref<1024x32768xf32, #tpu.memory_space<hbm>> -> memref<8x8192xf32, #tpu.memory_space<hbm>>
      %dma_wait3A_253 = arith.constant 8192 : i32
      %dma_wait3A_254 = tpu.memref_slice %arg10[%add3A_174, %dma_wait3A_253] : memref<1024x32768xf32, #tpu.memory_space<hbm>> -> memref<8x8192xf32, #tpu.memory_space<hbm>>
      tpu.wait_dma2 semaphore(%run_scoped3A : memref<!tpu.dma_semaphore, #tpu.memory_space<semaphore_mem>>) src(%arg14 : memref<8x8192xf32, #tpu.memory_space<vmem>>) dst(%dma_wait3A_254 : memref<8x8192xf32, #tpu.memory_space<hbm>>)
      tpu.yield
    }) : () -> ()
    %dma_start3A_175 = arith.constant 16 : i32
    %dma_start3A_176 = tpu.memref_slice %arg11[%dma_start3A_175] : memref<32xi32, #tpu.memory_space<vmem>> -> memref<8xi32, #tpu.memory_space<vmem>>
    %dma_start3A_177 = arith.constant 0 : i32
    %dma_start3A_178 = arith.constant 16384 : i32
    %dma_start3A_179 = tpu.memref_slice %arg7[%dma_start3A_177, %dma_start3A_178] : memref<4096x32768xf32, #tpu.memory_space<hbm>> -> memref<4096x8192xf32, #tpu.memory_space<hbm>>
    tpu.enqueue_indirect_dma source(%dma_start3A_179 : memref<4096x8192xf32, #tpu.memory_space<hbm>>) target(%arg14 : memref<8x8192xf32, #tpu.memory_space<vmem>>) offsets(%dma_start3A_176 : memref<8xi32, #tpu.memory_space<vmem>>) semaphore(%arg15 : memref<!tpu.dma_semaphore, #tpu.memory_space<semaphore_mem>>)
    %dma_wait3A_180 = arith.constant 16 : i32
    %dma_wait3A_181 = tpu.memref_slice %arg11[%dma_wait3A_180] : memref<32xi32, #tpu.memory_space<vmem>> -> memref<8xi32, #tpu.memory_space<vmem>>
    %dma_wait3A_182 = arith.constant 0 : i32
    %dma_wait3A_183 = arith.constant 16384 : i32
    %dma_wait3A_184 = tpu.memref_slice %arg7[%dma_wait3A_182, %dma_wait3A_183] : memref<4096x32768xf32, #tpu.memory_space<hbm>> -> memref<4096x8192xf32, #tpu.memory_space<hbm>>
    tpu.wait_indirect_dma semaphore(%arg15 : memref<!tpu.dma_semaphore, #tpu.memory_space<semaphore_mem>>) src(%dma_wait3A_184 : memref<4096x8192xf32, #tpu.memory_space<hbm>>) dst(%arg14 : memref<8x8192xf32, #tpu.memory_space<vmem>>)
    %add3A_185 = arith.constant 16 : i32
    %add3A_186 = arith.addi %mul3A_2, %add3A_185 : i32
    "tpu.region"() ({
      %run_scoped3A = tpu.sem_alloc : memref<!tpu.dma_semaphore, #tpu.memory_space<semaphore_mem>>
      %dma_start3A_247 = arith.constant 16384 : i32
      %dma_start3A_248 = tpu.memref_slice %arg10[%add3A_186, %dma_start3A_247] : memref<1024x32768xf32, #tpu.memory_space<hbm>> -> memref<8x8192xf32, #tpu.memory_space<hbm>>
      %dma_start3A_249 = arith.constant 16384 : i32
      %dma_start3A_250 = tpu.memref_slice %arg10[%add3A_186, %dma_start3A_249] : memref<1024x32768xf32, #tpu.memory_space<hbm>> -> memref<8x8192xf32, #tpu.memory_space<hbm>>
      tpu.enqueue_dma source(%arg14 : memref<8x8192xf32, #tpu.memory_space<vmem>>) target(%dma_start3A_250 : memref<8x8192xf32, #tpu.memory_space<hbm>>) target_semaphore(%run_scoped3A : memref<!tpu.dma_semaphore, #tpu.memory_space<semaphore_mem>>)
      %dma_wait3A_251 = arith.constant 16384 : i32
      %dma_wait3A_252 = tpu.memref_slice %arg10[%add3A_186, %dma_wait3A_251] : memref<1024x32768xf32, #tpu.memory_space<hbm>> -> memref<8x8192xf32, #tpu.memory_space<hbm>>
      %dma_wait3A_253 = arith.constant 16384 : i32
      %dma_wait3A_254 = tpu.memref_slice %arg10[%add3A_186, %dma_wait3A_253] : memref<1024x32768xf32, #tpu.memory_space<hbm>> -> memref<8x8192xf32, #tpu.memory_space<hbm>>
      tpu.wait_dma2 semaphore(%run_scoped3A : memref<!tpu.dma_semaphore, #tpu.memory_space<semaphore_mem>>) src(%arg14 : memref<8x8192xf32, #tpu.memory_space<vmem>>) dst(%dma_wait3A_254 : memref<8x8192xf32, #tpu.memory_space<hbm>>)
      tpu.yield
    }) : () -> ()
    %dma_start3A_187 = arith.constant 16 : i32
    %dma_start3A_188 = tpu.memref_slice %arg11[%dma_start3A_187] : memref<32xi32, #tpu.memory_space<vmem>> -> memref<8xi32, #tpu.memory_space<vmem>>
    %dma_start3A_189 = arith.constant 0 : i32
    %dma_start3A_190 = arith.constant 24576 : i32
    %dma_start3A_191 = tpu.memref_slice %arg7[%dma_start3A_189, %dma_start3A_190] : memref<4096x32768xf32, #tpu.memory_space<hbm>> -> memref<4096x8192xf32, #tpu.memory_space<hbm>>
    tpu.enqueue_indirect_dma source(%dma_start3A_191 : memref<4096x8192xf32, #tpu.memory_space<hbm>>) target(%arg14 : memref<8x8192xf32, #tpu.memory_space<vmem>>) offsets(%dma_start3A_188 : memref<8xi32, #tpu.memory_space<vmem>>) semaphore(%arg15 : memref<!tpu.dma_semaphore, #tpu.memory_space<semaphore_mem>>)
    %dma_wait3A_192 = arith.constant 16 : i32
    %dma_wait3A_193 = tpu.memref_slice %arg11[%dma_wait3A_192] : memref<32xi32, #tpu.memory_space<vmem>> -> memref<8xi32, #tpu.memory_space<vmem>>
    %dma_wait3A_194 = arith.constant 0 : i32
    %dma_wait3A_195 = arith.constant 24576 : i32
    %dma_wait3A_196 = tpu.memref_slice %arg7[%dma_wait3A_194, %dma_wait3A_195] : memref<4096x32768xf32, #tpu.memory_space<hbm>> -> memref<4096x8192xf32, #tpu.memory_space<hbm>>
    tpu.wait_indirect_dma semaphore(%arg15 : memref<!tpu.dma_semaphore, #tpu.memory_space<semaphore_mem>>) src(%dma_wait3A_196 : memref<4096x8192xf32, #tpu.memory_space<hbm>>) dst(%arg14 : memref<8x8192xf32, #tpu.memory_space<vmem>>)
    %add3A_197 = arith.constant 16 : i32
    %add3A_198 = arith.addi %mul3A_2, %add3A_197 : i32
    "tpu.region"() ({
      %run_scoped3A = tpu.sem_alloc : memref<!tpu.dma_semaphore, #tpu.memory_space<semaphore_mem>>
      %dma_start3A_247 = arith.constant 24576 : i32
      %dma_start3A_248 = tpu.memref_slice %arg10[%add3A_198, %dma_start3A_247] : memref<1024x32768xf32, #tpu.memory_space<hbm>> -> memref<8x8192xf32, #tpu.memory_space<hbm>>
      %dma_start3A_249 = arith.constant 24576 : i32
      %dma_start3A_250 = tpu.memref_slice %arg10[%add3A_198, %dma_start3A_249] : memref<1024x32768xf32, #tpu.memory_space<hbm>> -> memref<8x8192xf32, #tpu.memory_space<hbm>>
      tpu.enqueue_dma source(%arg14 : memref<8x8192xf32, #tpu.memory_space<vmem>>) target(%dma_start3A_250 : memref<8x8192xf32, #tpu.memory_space<hbm>>) target_semaphore(%run_scoped3A : memref<!tpu.dma_semaphore, #tpu.memory_space<semaphore_mem>>)
      %dma_wait3A_251 = arith.constant 24576 : i32
      %dma_wait3A_252 = tpu.memref_slice %arg10[%add3A_198, %dma_wait3A_251] : memref<1024x32768xf32, #tpu.memory_space<hbm>> -> memref<8x8192xf32, #tpu.memory_space<hbm>>
      %dma_wait3A_253 = arith.constant 24576 : i32
      %dma_wait3A_254 = tpu.memref_slice %arg10[%add3A_198, %dma_wait3A_253] : memref<1024x32768xf32, #tpu.memory_space<hbm>> -> memref<8x8192xf32, #tpu.memory_space<hbm>>
      tpu.wait_dma2 semaphore(%run_scoped3A : memref<!tpu.dma_semaphore, #tpu.memory_space<semaphore_mem>>) src(%arg14 : memref<8x8192xf32, #tpu.memory_space<vmem>>) dst(%dma_wait3A_254 : memref<8x8192xf32, #tpu.memory_space<hbm>>)
      tpu.yield
    }) : () -> ()
    %dma_start3A_199 = arith.constant 24 : i32
    %dma_start3A_200 = tpu.memref_slice %arg11[%dma_start3A_199] : memref<32xi32, #tpu.memory_space<vmem>> -> memref<8xi32, #tpu.memory_space<vmem>>
    %dma_start3A_201 = arith.constant 0 : i32
    %dma_start3A_202 = arith.constant 0 : i32
    %dma_start3A_203 = tpu.memref_slice %arg7[%dma_start3A_201, %dma_start3A_202] : memref<4096x32768xf32, #tpu.memory_space<hbm>> -> memref<4096x8192xf32, #tpu.memory_space<hbm>>
    tpu.enqueue_indirect_dma source(%dma_start3A_203 : memref<4096x8192xf32, #tpu.memory_space<hbm>>) target(%arg14 : memref<8x8192xf32, #tpu.memory_space<vmem>>) offsets(%dma_start3A_200 : memref<8xi32, #tpu.memory_space<vmem>>) semaphore(%arg15 : memref<!tpu.dma_semaphore, #tpu.memory_space<semaphore_mem>>)
    %dma_wait3A_204 = arith.constant 24 : i32
    %dma_wait3A_205 = tpu.memref_slice %arg11[%dma_wait3A_204] : memref<32xi32, #tpu.memory_space<vmem>> -> memref<8xi32, #tpu.memory_space<vmem>>
    %dma_wait3A_206 = arith.constant 0 : i32
    %dma_wait3A_207 = arith.constant 0 : i32
    %dma_wait3A_208 = tpu.memref_slice %arg7[%dma_wait3A_206, %dma_wait3A_207] : memref<4096x32768xf32, #tpu.memory_space<hbm>> -> memref<4096x8192xf32, #tpu.memory_space<hbm>>
    tpu.wait_indirect_dma semaphore(%arg15 : memref<!tpu.dma_semaphore, #tpu.memory_space<semaphore_mem>>) src(%dma_wait3A_208 : memref<4096x8192xf32, #tpu.memory_space<hbm>>) dst(%arg14 : memref<8x8192xf32, #tpu.memory_space<vmem>>)
    %add3A_209 = arith.constant 24 : i32
    %add3A_210 = arith.addi %mul3A_2, %add3A_209 : i32
    "tpu.region"() ({
      %run_scoped3A = tpu.sem_alloc : memref<!tpu.dma_semaphore, #tpu.memory_space<semaphore_mem>>
      %dma_start3A_247 = arith.constant 0 : i32
      %dma_start3A_248 = tpu.memref_slice %arg10[%add3A_210, %dma_start3A_247] : memref<1024x32768xf32, #tpu.memory_space<hbm>> -> memref<8x8192xf32, #tpu.memory_space<hbm>>
      %dma_start3A_249 = arith.constant 0 : i32
      %dma_start3A_250 = tpu.memref_slice %arg10[%add3A_210, %dma_start3A_249] : memref<1024x32768xf32, #tpu.memory_space<hbm>> -> memref<8x8192xf32, #tpu.memory_space<hbm>>
      tpu.enqueue_dma source(%arg14 : memref<8x8192xf32, #tpu.memory_space<vmem>>) target(%dma_start3A_250 : memref<8x8192xf32, #tpu.memory_space<hbm>>) target_semaphore(%run_scoped3A : memref<!tpu.dma_semaphore, #tpu.memory_space<semaphore_mem>>)
      %dma_wait3A_251 = arith.constant 0 : i32
      %dma_wait3A_252 = tpu.memref_slice %arg10[%add3A_210, %dma_wait3A_251] : memref<1024x32768xf32, #tpu.memory_space<hbm>> -> memref<8x8192xf32, #tpu.memory_space<hbm>>
      %dma_wait3A_253 = arith.constant 0 : i32
      %dma_wait3A_254 = tpu.memref_slice %arg10[%add3A_210, %dma_wait3A_253] : memref<1024x32768xf32, #tpu.memory_space<hbm>> -> memref<8x8192xf32, #tpu.memory_space<hbm>>
      tpu.wait_dma2 semaphore(%run_scoped3A : memref<!tpu.dma_semaphore, #tpu.memory_space<semaphore_mem>>) src(%arg14 : memref<8x8192xf32, #tpu.memory_space<vmem>>) dst(%dma_wait3A_254 : memref<8x8192xf32, #tpu.memory_space<hbm>>)
      tpu.yield
    }) : () -> ()
    %dma_start3A_211 = arith.constant 24 : i32
    %dma_start3A_212 = tpu.memref_slice %arg11[%dma_start3A_211] : memref<32xi32, #tpu.memory_space<vmem>> -> memref<8xi32, #tpu.memory_space<vmem>>
    %dma_start3A_213 = arith.constant 0 : i32
    %dma_start3A_214 = arith.constant 8192 : i32
    %dma_start3A_215 = tpu.memref_slice %arg7[%dma_start3A_213, %dma_start3A_214] : memref<4096x32768xf32, #tpu.memory_space<hbm>> -> memref<4096x8192xf32, #tpu.memory_space<hbm>>
    tpu.enqueue_indirect_dma source(%dma_start3A_215 : memref<4096x8192xf32, #tpu.memory_space<hbm>>) target(%arg14 : memref<8x8192xf32, #tpu.memory_space<vmem>>) offsets(%dma_start3A_212 : memref<8xi32, #tpu.memory_space<vmem>>) semaphore(%arg15 : memref<!tpu.dma_semaphore, #tpu.memory_space<semaphore_mem>>)
    %dma_wait3A_216 = arith.constant 24 : i32
    %dma_wait3A_217 = tpu.memref_slice %arg11[%dma_wait3A_216] : memref<32xi32, #tpu.memory_space<vmem>> -> memref<8xi32, #tpu.memory_space<vmem>>
    %dma_wait3A_218 = arith.constant 0 : i32
    %dma_wait3A_219 = arith.constant 8192 : i32
    %dma_wait3A_220 = tpu.memref_slice %arg7[%dma_wait3A_218, %dma_wait3A_219] : memref<4096x32768xf32, #tpu.memory_space<hbm>> -> memref<4096x8192xf32, #tpu.memory_space<hbm>>
    tpu.wait_indirect_dma semaphore(%arg15 : memref<!tpu.dma_semaphore, #tpu.memory_space<semaphore_mem>>) src(%dma_wait3A_220 : memref<4096x8192xf32, #tpu.memory_space<hbm>>) dst(%arg14 : memref<8x8192xf32, #tpu.memory_space<vmem>>)
    %add3A_221 = arith.constant 24 : i32
    %add3A_222 = arith.addi %mul3A_2, %add3A_221 : i32
    "tpu.region"() ({
      %run_scoped3A = tpu.sem_alloc : memref<!tpu.dma_semaphore, #tpu.memory_space<semaphore_mem>>
      %dma_start3A_247 = arith.constant 8192 : i32
      %dma_start3A_248 = tpu.memref_slice %arg10[%add3A_222, %dma_start3A_247] : memref<1024x32768xf32, #tpu.memory_space<hbm>> -> memref<8x8192xf32, #tpu.memory_space<hbm>>
      %dma_start3A_249 = arith.constant 8192 : i32
      %dma_start3A_250 = tpu.memref_slice %arg10[%add3A_222, %dma_start3A_249] : memref<1024x32768xf32, #tpu.memory_space<hbm>> -> memref<8x8192xf32, #tpu.memory_space<hbm>>
      tpu.enqueue_dma source(%arg14 : memref<8x8192xf32, #tpu.memory_space<vmem>>) target(%dma_start3A_250 : memref<8x8192xf32, #tpu.memory_space<hbm>>) target_semaphore(%run_scoped3A : memref<!tpu.dma_semaphore, #tpu.memory_space<semaphore_mem>>)
      %dma_wait3A_251 = arith.constant 8192 : i32
      %dma_wait3A_252 = tpu.memref_slice %arg10[%add3A_222, %dma_wait3A_251] : memref<1024x32768xf32, #tpu.memory_space<hbm>> -> memref<8x8192xf32, #tpu.memory_space<hbm>>
      %dma_wait3A_253 = arith.constant 8192 : i32
      %dma_wait3A_254 = tpu.memref_slice %arg10[%add3A_222, %dma_wait3A_253] : memref<1024x32768xf32, #tpu.memory_space<hbm>> -> memref<8x8192xf32, #tpu.memory_space<hbm>>
      tpu.wait_dma2 semaphore(%run_scoped3A : memref<!tpu.dma_semaphore, #tpu.memory_space<semaphore_mem>>) src(%arg14 : memref<8x8192xf32, #tpu.memory_space<vmem>>) dst(%dma_wait3A_254 : memref<8x8192xf32, #tpu.memory_space<hbm>>)
      tpu.yield
    }) : () -> ()
    %dma_start3A_223 = arith.constant 24 : i32
    %dma_start3A_224 = tpu.memref_slice %arg11[%dma_start3A_223] : memref<32xi32, #tpu.memory_space<vmem>> -> memref<8xi32, #tpu.memory_space<vmem>>
    %dma_start3A_225 = arith.constant 0 : i32
    %dma_start3A_226 = arith.constant 16384 : i32
    %dma_start3A_227 = tpu.memref_slice %arg7[%dma_start3A_225, %dma_start3A_226] : memref<4096x32768xf32, #tpu.memory_space<hbm>> -> memref<4096x8192xf32, #tpu.memory_space<hbm>>
    tpu.enqueue_indirect_dma source(%dma_start3A_227 : memref<4096x8192xf32, #tpu.memory_space<hbm>>) target(%arg14 : memref<8x8192xf32, #tpu.memory_space<vmem>>) offsets(%dma_start3A_224 : memref<8xi32, #tpu.memory_space<vmem>>) semaphore(%arg15 : memref<!tpu.dma_semaphore, #tpu.memory_space<semaphore_mem>>)
    %dma_wait3A_228 = arith.constant 24 : i32
    %dma_wait3A_229 = tpu.memref_slice %arg11[%dma_wait3A_228] : memref<32xi32, #tpu.memory_space<vmem>> -> memref<8xi32, #tpu.memory_space<vmem>>
    %dma_wait3A_230 = arith.constant 0 : i32
    %dma_wait3A_231 = arith.constant 16384 : i32
    %dma_wait3A_232 = tpu.memref_slice %arg7[%dma_wait3A_230, %dma_wait3A_231] : memref<4096x32768xf32, #tpu.memory_space<hbm>> -> memref<4096x8192xf32, #tpu.memory_space<hbm>>
    tpu.wait_indirect_dma semaphore(%arg15 : memref<!tpu.dma_semaphore, #tpu.memory_space<semaphore_mem>>) src(%dma_wait3A_232 : memref<4096x8192xf32, #tpu.memory_space<hbm>>) dst(%arg14 : memref<8x8192xf32, #tpu.memory_space<vmem>>)
    %add3A_233 = arith.constant 24 : i32
    %add3A_234 = arith.addi %mul3A_2, %add3A_233 : i32
    "tpu.region"() ({
      %run_scoped3A = tpu.sem_alloc : memref<!tpu.dma_semaphore, #tpu.memory_space<semaphore_mem>>
      %dma_start3A_247 = arith.constant 16384 : i32
      %dma_start3A_248 = tpu.memref_slice %arg10[%add3A_234, %dma_start3A_247] : memref<1024x32768xf32, #tpu.memory_space<hbm>> -> memref<8x8192xf32, #tpu.memory_space<hbm>>
      %dma_start3A_249 = arith.constant 16384 : i32
      %dma_start3A_250 = tpu.memref_slice %arg10[%add3A_234, %dma_start3A_249] : memref<1024x32768xf32, #tpu.memory_space<hbm>> -> memref<8x8192xf32, #tpu.memory_space<hbm>>
      tpu.enqueue_dma source(%arg14 : memref<8x8192xf32, #tpu.memory_space<vmem>>) target(%dma_start3A_250 : memref<8x8192xf32, #tpu.memory_space<hbm>>) target_semaphore(%run_scoped3A : memref<!tpu.dma_semaphore, #tpu.memory_space<semaphore_mem>>)
      %dma_wait3A_251 = arith.constant 16384 : i32
      %dma_wait3A_252 = tpu.memref_slice %arg10[%add3A_234, %dma_wait3A_251] : memref<1024x32768xf32, #tpu.memory_space<hbm>> -> memref<8x8192xf32, #tpu.memory_space<hbm>>
      %dma_wait3A_253 = arith.constant 16384 : i32
      %dma_wait3A_254 = tpu.memref_slice %arg10[%add3A_234, %dma_wait3A_253] : memref<1024x32768xf32, #tpu.memory_space<hbm>> -> memref<8x8192xf32, #tpu.memory_space<hbm>>
      tpu.wait_dma2 semaphore(%run_scoped3A : memref<!tpu.dma_semaphore, #tpu.memory_space<semaphore_mem>>) src(%arg14 : memref<8x8192xf32, #tpu.memory_space<vmem>>) dst(%dma_wait3A_254 : memref<8x8192xf32, #tpu.memory_space<hbm>>)
      tpu.yield
    }) : () -> ()
    %dma_start3A_235 = arith.constant 24 : i32
    %dma_start3A_236 = tpu.memref_slice %arg11[%dma_start3A_235] : memref<32xi32, #tpu.memory_space<vmem>> -> memref<8xi32, #tpu.memory_space<vmem>>
    %dma_start3A_237 = arith.constant 0 : i32
    %dma_start3A_238 = arith.constant 24576 : i32
    %dma_start3A_239 = tpu.memref_slice %arg7[%dma_start3A_237, %dma_start3A_238] : memref<4096x32768xf32, #tpu.memory_space<hbm>> -> memref<4096x8192xf32, #tpu.memory_space<hbm>>
    tpu.enqueue_indirect_dma source(%dma_start3A_239 : memref<4096x8192xf32, #tpu.memory_space<hbm>>) target(%arg14 : memref<8x8192xf32, #tpu.memory_space<vmem>>) offsets(%dma_start3A_236 : memref<8xi32, #tpu.memory_space<vmem>>) semaphore(%arg15 : memref<!tpu.dma_semaphore, #tpu.memory_space<semaphore_mem>>)
    %dma_wait3A_240 = arith.constant 24 : i32
    %dma_wait3A_241 = tpu.memref_slice %arg11[%dma_wait3A_240] : memref<32xi32, #tpu.memory_space<vmem>> -> memref<8xi32, #tpu.memory_space<vmem>>
    %dma_wait3A_242 = arith.constant 0 : i32
    %dma_wait3A_243 = arith.constant 24576 : i32
    %dma_wait3A_244 = tpu.memref_slice %arg7[%dma_wait3A_242, %dma_wait3A_243] : memref<4096x32768xf32, #tpu.memory_space<hbm>> -> memref<4096x8192xf32, #tpu.memory_space<hbm>>
    tpu.wait_indirect_dma semaphore(%arg15 : memref<!tpu.dma_semaphore, #tpu.memory_space<semaphore_mem>>) src(%dma_wait3A_244 : memref<4096x8192xf32, #tpu.memory_space<hbm>>) dst(%arg14 : memref<8x8192xf32, #tpu.memory_space<vmem>>)
    %add3A_245 = arith.constant 24 : i32
    %add3A_246 = arith.addi %mul3A_2, %add3A_245 : i32
    "tpu.region"() ({
      %run_scoped3A = tpu.sem_alloc : memref<!tpu.dma_semaphore, #tpu.memory_space<semaphore_mem>>
      %dma_start3A_247 = arith.constant 24576 : i32
      %dma_start3A_248 = tpu.memref_slice %arg10[%add3A_246, %dma_start3A_247] : memref<1024x32768xf32, #tpu.memory_space<hbm>> -> memref<8x8192xf32, #tpu.memory_space<hbm>>
      %dma_start3A_249 = arith.constant 24576 : i32
      %dma_start3A_250 = tpu.memref_slice %arg10[%add3A_246, %dma_start3A_249] : memref<1024x32768xf32, #tpu.memory_space<hbm>> -> memref<8x8192xf32, #tpu.memory_space<hbm>>
      tpu.enqueue_dma source(%arg14 : memref<8x8192xf32, #tpu.memory_space<vmem>>) target(%dma_start3A_250 : memref<8x8192xf32, #tpu.memory_space<hbm>>) target_semaphore(%run_scoped3A : memref<!tpu.dma_semaphore, #tpu.memory_space<semaphore_mem>>)
      %dma_wait3A_251 = arith.constant 24576 : i32
      %dma_wait3A_252 = tpu.memref_slice %arg10[%add3A_246, %dma_wait3A_251] : memref<1024x32768xf32, #tpu.memory_space<hbm>> -> memref<8x8192xf32, #tpu.memory_space<hbm>>
      %dma_wait3A_253 = arith.constant 24576 : i32
      %dma_wait3A_254 = tpu.memref_slice %arg10[%add3A_246, %dma_wait3A_253] : memref<1024x32768xf32, #tpu.memory_space<hbm>> -> memref<8x8192xf32, #tpu.memory_space<hbm>>
      tpu.wait_dma2 semaphore(%run_scoped3A : memref<!tpu.dma_semaphore, #tpu.memory_space<semaphore_mem>>) src(%arg14 : memref<8x8192xf32, #tpu.memory_space<vmem>>) dst(%dma_wait3A_254 : memref<8x8192xf32, #tpu.memory_space<hbm>>)
      tpu.yield
    }) : () -> ()
    return
  }
}

module attributes {stable_mosaic.version = 14 : i64} {
  func.func @_fold3_body(%arg0: i32, %arg1: memref<3x64xf32, #tpu.memory_space<vmem>>, %arg2: memref<3x64x64xf32, #tpu.memory_space<vmem>>, %arg3: memref<64x64xf32, #tpu.memory_space<vmem>>) attributes {dimension_semantics = [#tpu.dimension_semantics<arbitrary>], iteration_bounds = array<i64: 1>, scalar_prefetch = 0 : i64, scratch_operands = 0 : i64, tpu.core_type = #tpu.core_type<tc>, window_params = [{transform_indices = @transform_0, window_bounds = array<i64: 3, 64>}, {transform_indices = @transform_1, window_bounds = array<i64: 3, 64, 64>}, {transform_indices = @transform_2, window_bounds = array<i64: 64, 64>}]} {
    %get3A = arith.constant 0 : index
    %get3A_0 = arith.constant 0 : index
    %get3A_1 = vector.load %arg1[%get3A, %get3A_0] : memref<3x64xf32, #tpu.memory_space<vmem>>, vector<3x64xf32>
    %get3A_2 = arith.constant 0 : index
    %get3A_3 = arith.constant 0 : index
    %get3A_4 = arith.constant 0 : index
    %get3A_5 = vector.load %arg2[%get3A_2, %get3A_3, %get3A_4] : memref<3x64x64xf32, #tpu.memory_space<vmem>>, vector<3x64x64xf32>
    %slice3A = vector.extract_strided_slice %get3A_1 {offsets = [0, 0], sizes = [1, 64], strides = [1, 1]} : vector<3x64xf32> to vector<1x64xf32>
    %squeeze3A = vector.shape_cast %slice3A : vector<1x64xf32> to vector<64xf32>
    %broadcast_in_dim3A = vector.shape_cast %squeeze3A : vector<64xf32> to vector<64x1xf32>
    %slice3A_6 = vector.extract_strided_slice %get3A_5 {offsets = [0, 0, 0], sizes = [1, 64, 64], strides = [1, 1, 1]} : vector<3x64x64xf32> to vector<1x64x64xf32>
    %squeeze3A_7 = vector.shape_cast %slice3A_6 : vector<1x64x64xf32> to vector<64x64xf32>
    %mul3A = vector.broadcast %broadcast_in_dim3A : vector<64x1xf32> to vector<64x64xf32>
    %mul3A_8 = arith.mulf %mul3A, %squeeze3A_7 : vector<64x64xf32>
    %slice3A_9 = vector.extract_strided_slice %get3A_1 {offsets = [1, 0], sizes = [1, 64], strides = [1, 1]} : vector<3x64xf32> to vector<1x64xf32>
    %squeeze3A_10 = vector.shape_cast %slice3A_9 : vector<1x64xf32> to vector<64xf32>
    %broadcast_in_dim3A_11 = vector.shape_cast %squeeze3A_10 : vector<64xf32> to vector<64x1xf32>
    %slice3A_12 = vector.extract_strided_slice %get3A_5 {offsets = [1, 0, 0], sizes = [1, 64, 64], strides = [1, 1, 1]} : vector<3x64x64xf32> to vector<1x64x64xf32>
    %squeeze3A_13 = vector.shape_cast %slice3A_12 : vector<1x64x64xf32> to vector<64x64xf32>
    %mul3A_14 = vector.broadcast %broadcast_in_dim3A_11 : vector<64x1xf32> to vector<64x64xf32>
    %mul3A_15 = arith.mulf %mul3A_14, %squeeze3A_13 : vector<64x64xf32>
    %add3A = arith.addf %mul3A_8, %mul3A_15 : vector<64x64xf32>
    %slice3A_16 = vector.extract_strided_slice %get3A_1 {offsets = [2, 0], sizes = [1, 64], strides = [1, 1]} : vector<3x64xf32> to vector<1x64xf32>
    %squeeze3A_17 = vector.shape_cast %slice3A_16 : vector<1x64xf32> to vector<64xf32>
    %broadcast_in_dim3A_18 = vector.shape_cast %squeeze3A_17 : vector<64xf32> to vector<64x1xf32>
    %slice3A_19 = vector.extract_strided_slice %get3A_5 {offsets = [2, 0, 0], sizes = [1, 64, 64], strides = [1, 1, 1]} : vector<3x64x64xf32> to vector<1x64x64xf32>
    %squeeze3A_20 = vector.shape_cast %slice3A_19 : vector<1x64x64xf32> to vector<64x64xf32>
    %mul3A_21 = vector.broadcast %broadcast_in_dim3A_18 : vector<64x1xf32> to vector<64x64xf32>
    %mul3A_22 = arith.mulf %mul3A_21, %squeeze3A_20 : vector<64x64xf32>
    %add3A_23 = arith.addf %add3A, %mul3A_22 : vector<64x64xf32>
    %swap3A = arith.constant 0 : index
    %swap3A_24 = arith.constant 0 : index
    %swap3A_25 = vector.load %arg3[%swap3A, %swap3A_24] : memref<64x64xf32, #tpu.memory_space<vmem>>, vector<64x64xf32>
    tpu.vector_store %arg3[%swap3A, %swap3A_24], %add3A_23 {strides = array<i32>} : memref<64x64xf32, #tpu.memory_space<vmem>>, vector<64x64xf32>,
    return
  }
  func.func @transform_0(%arg0: i32) -> (i32, i32) {
    %c0_i32 = arith.constant 0 : i32
    %c0_i32_0 = arith.constant 0 : i32
    return %c0_i32, %arg0 : i32, i32
  }
  func.func @transform_1(%arg0: i32) -> (i32, i32, i32) {
    %c0_i32 = arith.constant 0 : i32
    %c0_i32_0 = arith.constant 0 : i32
    %c0_i32_1 = arith.constant 0 : i32
    return %c0_i32, %arg0, %c0_i32_0 : i32, i32, i32
  }
  func.func @transform_2(%arg0: i32) -> (i32, i32) {
    %c0_i32 = arith.constant 0 : i32
    %c0_i32_0 = arith.constant 0 : i32
    return %arg0, %c0_i32 : i32, i32
  }
}

module attributes {stable_mosaic.version = 14 : i64} {
  func.func @_fold3_body(%arg0: i32, %arg1: memref<3x512xf32, #tpu.memory_space<vmem>>, %arg2: memref<3x512x64xf32, #tpu.memory_space<vmem>>, %arg3: memref<512x64xf32, #tpu.memory_space<vmem>>) attributes {dimension_semantics = [#tpu.dimension_semantics<arbitrary>], iteration_bounds = array<i64: 1>, scalar_prefetch = 0 : i64, scratch_operands = 0 : i64, tpu.core_type = #tpu.core_type<tc>, window_params = [{transform_indices = @transform_0, window_bounds = array<i64: 3, 512>}, {transform_indices = @transform_1, window_bounds = array<i64: 3, 512, 64>}, {transform_indices = @transform_2, window_bounds = array<i64: 512, 64>}]} {
    %get3A = arith.constant 0 : index
    %get3A_0 = arith.constant 0 : index
    %get3A_1 = vector.load %arg1[%get3A, %get3A_0] : memref<3x512xf32, #tpu.memory_space<vmem>>, vector<3x512xf32>
    %get3A_2 = arith.constant 0 : index
    %get3A_3 = arith.constant 0 : index
    %get3A_4 = arith.constant 0 : index
    %get3A_5 = vector.load %arg2[%get3A_2, %get3A_3, %get3A_4] : memref<3x512x64xf32, #tpu.memory_space<vmem>>, vector<3x512x64xf32>
    %slice3A = vector.extract_strided_slice %get3A_1 {offsets = [0, 0], sizes = [1, 512], strides = [1, 1]} : vector<3x512xf32> to vector<1x512xf32>
    %squeeze3A = vector.shape_cast %slice3A : vector<1x512xf32> to vector<512xf32>
    %broadcast_in_dim3A = vector.shape_cast %squeeze3A : vector<512xf32> to vector<512x1xf32>
    %slice3A_6 = vector.extract_strided_slice %get3A_5 {offsets = [0, 0, 0], sizes = [1, 512, 64], strides = [1, 1, 1]} : vector<3x512x64xf32> to vector<1x512x64xf32>
    %squeeze3A_7 = vector.shape_cast %slice3A_6 : vector<1x512x64xf32> to vector<512x64xf32>
    %mul3A = vector.broadcast %broadcast_in_dim3A : vector<512x1xf32> to vector<512x64xf32>
    %mul3A_8 = arith.mulf %mul3A, %squeeze3A_7 : vector<512x64xf32>
    %slice3A_9 = vector.extract_strided_slice %get3A_1 {offsets = [1, 0], sizes = [1, 512], strides = [1, 1]} : vector<3x512xf32> to vector<1x512xf32>
    %squeeze3A_10 = vector.shape_cast %slice3A_9 : vector<1x512xf32> to vector<512xf32>
    %broadcast_in_dim3A_11 = vector.shape_cast %squeeze3A_10 : vector<512xf32> to vector<512x1xf32>
    %slice3A_12 = vector.extract_strided_slice %get3A_5 {offsets = [1, 0, 0], sizes = [1, 512, 64], strides = [1, 1, 1]} : vector<3x512x64xf32> to vector<1x512x64xf32>
    %squeeze3A_13 = vector.shape_cast %slice3A_12 : vector<1x512x64xf32> to vector<512x64xf32>
    %mul3A_14 = vector.broadcast %broadcast_in_dim3A_11 : vector<512x1xf32> to vector<512x64xf32>
    %mul3A_15 = arith.mulf %mul3A_14, %squeeze3A_13 : vector<512x64xf32>
    %add3A = arith.addf %mul3A_8, %mul3A_15 : vector<512x64xf32>
    %slice3A_16 = vector.extract_strided_slice %get3A_1 {offsets = [2, 0], sizes = [1, 512], strides = [1, 1]} : vector<3x512xf32> to vector<1x512xf32>
    %squeeze3A_17 = vector.shape_cast %slice3A_16 : vector<1x512xf32> to vector<512xf32>
    %broadcast_in_dim3A_18 = vector.shape_cast %squeeze3A_17 : vector<512xf32> to vector<512x1xf32>
    %slice3A_19 = vector.extract_strided_slice %get3A_5 {offsets = [2, 0, 0], sizes = [1, 512, 64], strides = [1, 1, 1]} : vector<3x512x64xf32> to vector<1x512x64xf32>
    %squeeze3A_20 = vector.shape_cast %slice3A_19 : vector<1x512x64xf32> to vector<512x64xf32>
    %mul3A_21 = vector.broadcast %broadcast_in_dim3A_18 : vector<512x1xf32> to vector<512x64xf32>
    %mul3A_22 = arith.mulf %mul3A_21, %squeeze3A_20 : vector<512x64xf32>
    %add3A_23 = arith.addf %add3A, %mul3A_22 : vector<512x64xf32>
    %swap3A = arith.constant 0 : index
    %swap3A_24 = arith.constant 0 : index
    %swap3A_25 = vector.load %arg3[%swap3A, %swap3A_24] : memref<512x64xf32, #tpu.memory_space<vmem>>, vector<512x64xf32>
    tpu.vector_store %arg3[%swap3A, %swap3A_24], %add3A_23 {strides = array<i32>} : memref<512x64xf32, #tpu.memory_space<vmem>>, vector<512x64xf32>,
    return
  }
  func.func @transform_0(%arg0: i32) -> (i32, i32) {
    %c0_i32 = arith.constant 0 : i32
    %c0_i32_0 = arith.constant 0 : i32
    return %c0_i32, %arg0 : i32, i32
  }
  func.func @transform_1(%arg0: i32) -> (i32, i32, i32) {
    %c0_i32 = arith.constant 0 : i32
    %c0_i32_0 = arith.constant 0 : i32
    %c0_i32_1 = arith.constant 0 : i32
    return %c0_i32, %arg0, %c0_i32_0 : i32, i32, i32
  }
  func.func @transform_2(%arg0: i32) -> (i32, i32) {
    %c0_i32 = arith.constant 0 : i32
    %c0_i32_0 = arith.constant 0 : i32
    return %arg0, %c0_i32 : i32, i32
  }
}

module attributes {stable_mosaic.version = 14 : i64} {
  func.func @_fold3_body(%arg0: i32, %arg1: memref<3x2048xf32, #tpu.memory_space<vmem>>, %arg2: memref<3x2048x64xf32, #tpu.memory_space<vmem>>, %arg3: memref<2048x64xf32, #tpu.memory_space<vmem>>) attributes {dimension_semantics = [#tpu.dimension_semantics<arbitrary>], iteration_bounds = array<i64: 2>, scalar_prefetch = 0 : i64, scratch_operands = 0 : i64, tpu.core_type = #tpu.core_type<tc>, window_params = [{transform_indices = @transform_0, window_bounds = array<i64: 3, 2048>}, {transform_indices = @transform_1, window_bounds = array<i64: 3, 2048, 64>}, {transform_indices = @transform_2, window_bounds = array<i64: 2048, 64>}]} {
    %get3A = arith.constant 0 : index
    %get3A_0 = arith.constant 0 : index
    %get3A_1 = vector.load %arg1[%get3A, %get3A_0] : memref<3x2048xf32, #tpu.memory_space<vmem>>, vector<3x2048xf32>
    %get3A_2 = arith.constant 0 : index
    %get3A_3 = arith.constant 0 : index
    %get3A_4 = arith.constant 0 : index
    %get3A_5 = vector.load %arg2[%get3A_2, %get3A_3, %get3A_4] : memref<3x2048x64xf32, #tpu.memory_space<vmem>>, vector<3x2048x64xf32>
    %slice3A = vector.extract_strided_slice %get3A_1 {offsets = [0, 0], sizes = [1, 2048], strides = [1, 1]} : vector<3x2048xf32> to vector<1x2048xf32>
    %squeeze3A = vector.shape_cast %slice3A : vector<1x2048xf32> to vector<2048xf32>
    %broadcast_in_dim3A = vector.shape_cast %squeeze3A : vector<2048xf32> to vector<2048x1xf32>
    %slice3A_6 = vector.extract_strided_slice %get3A_5 {offsets = [0, 0, 0], sizes = [1, 2048, 64], strides = [1, 1, 1]} : vector<3x2048x64xf32> to vector<1x2048x64xf32>
    %squeeze3A_7 = vector.shape_cast %slice3A_6 : vector<1x2048x64xf32> to vector<2048x64xf32>
    %mul3A = vector.broadcast %broadcast_in_dim3A : vector<2048x1xf32> to vector<2048x64xf32>
    %mul3A_8 = arith.mulf %mul3A, %squeeze3A_7 : vector<2048x64xf32>
    %slice3A_9 = vector.extract_strided_slice %get3A_1 {offsets = [1, 0], sizes = [1, 2048], strides = [1, 1]} : vector<3x2048xf32> to vector<1x2048xf32>
    %squeeze3A_10 = vector.shape_cast %slice3A_9 : vector<1x2048xf32> to vector<2048xf32>
    %broadcast_in_dim3A_11 = vector.shape_cast %squeeze3A_10 : vector<2048xf32> to vector<2048x1xf32>
    %slice3A_12 = vector.extract_strided_slice %get3A_5 {offsets = [1, 0, 0], sizes = [1, 2048, 64], strides = [1, 1, 1]} : vector<3x2048x64xf32> to vector<1x2048x64xf32>
    %squeeze3A_13 = vector.shape_cast %slice3A_12 : vector<1x2048x64xf32> to vector<2048x64xf32>
    %mul3A_14 = vector.broadcast %broadcast_in_dim3A_11 : vector<2048x1xf32> to vector<2048x64xf32>
    %mul3A_15 = arith.mulf %mul3A_14, %squeeze3A_13 : vector<2048x64xf32>
    %add3A = arith.addf %mul3A_8, %mul3A_15 : vector<2048x64xf32>
    %slice3A_16 = vector.extract_strided_slice %get3A_1 {offsets = [2, 0], sizes = [1, 2048], strides = [1, 1]} : vector<3x2048xf32> to vector<1x2048xf32>
    %squeeze3A_17 = vector.shape_cast %slice3A_16 : vector<1x2048xf32> to vector<2048xf32>
    %broadcast_in_dim3A_18 = vector.shape_cast %squeeze3A_17 : vector<2048xf32> to vector<2048x1xf32>
    %slice3A_19 = vector.extract_strided_slice %get3A_5 {offsets = [2, 0, 0], sizes = [1, 2048, 64], strides = [1, 1, 1]} : vector<3x2048x64xf32> to vector<1x2048x64xf32>
    %squeeze3A_20 = vector.shape_cast %slice3A_19 : vector<1x2048x64xf32> to vector<2048x64xf32>
    %mul3A_21 = vector.broadcast %broadcast_in_dim3A_18 : vector<2048x1xf32> to vector<2048x64xf32>
    %mul3A_22 = arith.mulf %mul3A_21, %squeeze3A_20 : vector<2048x64xf32>
    %add3A_23 = arith.addf %add3A, %mul3A_22 : vector<2048x64xf32>
    %swap3A = arith.constant 0 : index
    %swap3A_24 = arith.constant 0 : index
    %swap3A_25 = vector.load %arg3[%swap3A, %swap3A_24] : memref<2048x64xf32, #tpu.memory_space<vmem>>, vector<2048x64xf32>
    tpu.vector_store %arg3[%swap3A, %swap3A_24], %add3A_23 {strides = array<i32>} : memref<2048x64xf32, #tpu.memory_space<vmem>>, vector<2048x64xf32>,
    return
  }
  func.func @transform_0(%arg0: i32) -> (i32, i32) {
    %c0_i32 = arith.constant 0 : i32
    %c0_i32_0 = arith.constant 0 : i32
    return %c0_i32, %arg0 : i32, i32
  }
  func.func @transform_1(%arg0: i32) -> (i32, i32, i32) {
    %c0_i32 = arith.constant 0 : i32
    %c0_i32_0 = arith.constant 0 : i32
    %c0_i32_1 = arith.constant 0 : i32
    return %c0_i32, %arg0, %c0_i32_0 : i32, i32, i32
  }
  func.func @transform_2(%arg0: i32) -> (i32, i32) {
    %c0_i32 = arith.constant 0 : i32
    %c0_i32_0 = arith.constant 0 : i32
    return %arg0, %c0_i32 : i32, i32
  }
}

module attributes {stable_mosaic.version = 14 : i64} {
  func.func @_fold3_body(%arg0: i32, %arg1: memref<3x2048xf32, #tpu.memory_space<vmem>>, %arg2: memref<3x2048x64xf32, #tpu.memory_space<vmem>>, %arg3: memref<2048x64xf32, #tpu.memory_space<vmem>>) attributes {dimension_semantics = [#tpu.dimension_semantics<arbitrary>], iteration_bounds = array<i64: 16>, scalar_prefetch = 0 : i64, scratch_operands = 0 : i64, tpu.core_type = #tpu.core_type<tc>, window_params = [{transform_indices = @transform_0, window_bounds = array<i64: 3, 2048>}, {transform_indices = @transform_1, window_bounds = array<i64: 3, 2048, 64>}, {transform_indices = @transform_2, window_bounds = array<i64: 2048, 64>}]} {
    %get3A = arith.constant 0 : index
    %get3A_0 = arith.constant 0 : index
    %get3A_1 = vector.load %arg1[%get3A, %get3A_0] : memref<3x2048xf32, #tpu.memory_space<vmem>>, vector<3x2048xf32>
    %get3A_2 = arith.constant 0 : index
    %get3A_3 = arith.constant 0 : index
    %get3A_4 = arith.constant 0 : index
    %get3A_5 = vector.load %arg2[%get3A_2, %get3A_3, %get3A_4] : memref<3x2048x64xf32, #tpu.memory_space<vmem>>, vector<3x2048x64xf32>
    %slice3A = vector.extract_strided_slice %get3A_1 {offsets = [0, 0], sizes = [1, 2048], strides = [1, 1]} : vector<3x2048xf32> to vector<1x2048xf32>
    %squeeze3A = vector.shape_cast %slice3A : vector<1x2048xf32> to vector<2048xf32>
    %broadcast_in_dim3A = vector.shape_cast %squeeze3A : vector<2048xf32> to vector<2048x1xf32>
    %slice3A_6 = vector.extract_strided_slice %get3A_5 {offsets = [0, 0, 0], sizes = [1, 2048, 64], strides = [1, 1, 1]} : vector<3x2048x64xf32> to vector<1x2048x64xf32>
    %squeeze3A_7 = vector.shape_cast %slice3A_6 : vector<1x2048x64xf32> to vector<2048x64xf32>
    %mul3A = vector.broadcast %broadcast_in_dim3A : vector<2048x1xf32> to vector<2048x64xf32>
    %mul3A_8 = arith.mulf %mul3A, %squeeze3A_7 : vector<2048x64xf32>
    %slice3A_9 = vector.extract_strided_slice %get3A_1 {offsets = [1, 0], sizes = [1, 2048], strides = [1, 1]} : vector<3x2048xf32> to vector<1x2048xf32>
    %squeeze3A_10 = vector.shape_cast %slice3A_9 : vector<1x2048xf32> to vector<2048xf32>
    %broadcast_in_dim3A_11 = vector.shape_cast %squeeze3A_10 : vector<2048xf32> to vector<2048x1xf32>
    %slice3A_12 = vector.extract_strided_slice %get3A_5 {offsets = [1, 0, 0], sizes = [1, 2048, 64], strides = [1, 1, 1]} : vector<3x2048x64xf32> to vector<1x2048x64xf32>
    %squeeze3A_13 = vector.shape_cast %slice3A_12 : vector<1x2048x64xf32> to vector<2048x64xf32>
    %mul3A_14 = vector.broadcast %broadcast_in_dim3A_11 : vector<2048x1xf32> to vector<2048x64xf32>
    %mul3A_15 = arith.mulf %mul3A_14, %squeeze3A_13 : vector<2048x64xf32>
    %add3A = arith.addf %mul3A_8, %mul3A_15 : vector<2048x64xf32>
    %slice3A_16 = vector.extract_strided_slice %get3A_1 {offsets = [2, 0], sizes = [1, 2048], strides = [1, 1]} : vector<3x2048xf32> to vector<1x2048xf32>
    %squeeze3A_17 = vector.shape_cast %slice3A_16 : vector<1x2048xf32> to vector<2048xf32>
    %broadcast_in_dim3A_18 = vector.shape_cast %squeeze3A_17 : vector<2048xf32> to vector<2048x1xf32>
    %slice3A_19 = vector.extract_strided_slice %get3A_5 {offsets = [2, 0, 0], sizes = [1, 2048, 64], strides = [1, 1, 1]} : vector<3x2048x64xf32> to vector<1x2048x64xf32>
    %squeeze3A_20 = vector.shape_cast %slice3A_19 : vector<1x2048x64xf32> to vector<2048x64xf32>
    %mul3A_21 = vector.broadcast %broadcast_in_dim3A_18 : vector<2048x1xf32> to vector<2048x64xf32>
    %mul3A_22 = arith.mulf %mul3A_21, %squeeze3A_20 : vector<2048x64xf32>
    %add3A_23 = arith.addf %add3A, %mul3A_22 : vector<2048x64xf32>
    %swap3A = arith.constant 0 : index
    %swap3A_24 = arith.constant 0 : index
    %swap3A_25 = vector.load %arg3[%swap3A, %swap3A_24] : memref<2048x64xf32, #tpu.memory_space<vmem>>, vector<2048x64xf32>
    tpu.vector_store %arg3[%swap3A, %swap3A_24], %add3A_23 {strides = array<i32>} : memref<2048x64xf32, #tpu.memory_space<vmem>>, vector<2048x64xf32>,
    return
  }
  func.func @transform_0(%arg0: i32) -> (i32, i32) {
    %c0_i32 = arith.constant 0 : i32
    %c0_i32_0 = arith.constant 0 : i32
    return %c0_i32, %arg0 : i32, i32
  }
  func.func @transform_1(%arg0: i32) -> (i32, i32, i32) {
    %c0_i32 = arith.constant 0 : i32
    %c0_i32_0 = arith.constant 0 : i32
    %c0_i32_1 = arith.constant 0 : i32
    return %c0_i32, %arg0, %c0_i32_0 : i32, i32, i32
  }
  func.func @transform_2(%arg0: i32) -> (i32, i32) {
    %c0_i32 = arith.constant 0 : i32
    %c0_i32_0 = arith.constant 0 : i32
    return %arg0, %c0_i32 : i32, i32
  }
}

module attributes {stable_mosaic.version = 14 : i64} {
  func.func @_main_body(%arg0: i32, %arg1: memref<5x1024xi32, #tpu.memory_space<smem>>, %arg2: memref<8x512xf32, #tpu.memory_space<vmem>>, %arg3: memref<8x4096xf32, #tpu.memory_space<vmem>>, %arg4: memref<8x32768xf32, #tpu.memory_space<vmem>>, %arg5: memref<1x64x128xf32, #tpu.memory_space<vmem>>, %arg6: memref<1x64x128xf32, #tpu.memory_space<vmem>>, %arg7: memref<1x64x128xf32, #tpu.memory_space<vmem>>, %arg8: memref<1x64x128xf32, #tpu.memory_space<vmem>>, %arg9: memref<1x64x128xf32, #tpu.memory_space<vmem>>, %arg10: memref<1x64x128xf32, #tpu.memory_space<vmem>>, %arg11: memref<1x64x128xf32, #tpu.memory_space<vmem>>, %arg12: memref<1x64x128xf32, #tpu.memory_space<vmem>>, %arg13: memref<1x8x64xf32, #tpu.memory_space<vmem>>, %arg14: memref<1x8x64xf32, #tpu.memory_space<vmem>>, %arg15: memref<1x8x64xf32, #tpu.memory_space<vmem>>, %arg16: memref<1x8x64xf32, #tpu.memory_space<vmem>>, %arg17: memref<1x8x64xf32, #tpu.memory_space<vmem>>, %arg18: memref<1x8x64xf32, #tpu.memory_space<vmem>>, %arg19: memref<1x8x64xf32, #tpu.memory_space<vmem>>, %arg20: memref<1x8x64xf32, #tpu.memory_space<vmem>>, %arg21: memref<1x8x64xf32, #tpu.memory_space<vmem>>, %arg22: memref<1x8x64xf32, #tpu.memory_space<vmem>>, %arg23: memref<1x8x64xf32, #tpu.memory_space<vmem>>, %arg24: memref<1x8x64xf32, #tpu.memory_space<vmem>>, %arg25: memref<1x8x64xf32, #tpu.memory_space<vmem>>, %arg26: memref<1x8x64xf32, #tpu.memory_space<vmem>>, %arg27: memref<1x8x64xf32, #tpu.memory_space<vmem>>, %arg28: memref<1x8x64xf32, #tpu.memory_space<vmem>>, %arg29: memref<1x8x64xf32, #tpu.memory_space<vmem>>, %arg30: memref<1x8x64xf32, #tpu.memory_space<vmem>>, %arg31: memref<1x8x64xf32, #tpu.memory_space<vmem>>, %arg32: memref<1x8x64xf32, #tpu.memory_space<vmem>>, %arg33: memref<1x8x64xf32, #tpu.memory_space<vmem>>, %arg34: memref<1x8x64xf32, #tpu.memory_space<vmem>>, %arg35: memref<1x8x64xf32, #tpu.memory_space<vmem>>, %arg36: memref<1x8x64xf32, #tpu.memory_space<vmem>>, %arg37: memref<64x64xf32, #tpu.memory_space<vmem>>, %arg38: memref<512x64xf32, #tpu.memory_space<vmem>>, %arg39: memref<4096x64xf32, #tpu.memory_space<vmem>>, %arg40: memref<32768x64xf32, #tpu.memory_space<vmem>>, %arg41: memref<1x192xf32, #tpu.memory_space<vmem>>, %arg42: memref<192x64xf32, #tpu.memory_space<vmem>>, %arg43: memref<8x8xf32, #tpu.memory_space<vmem>>, %arg44: memref<68x4xf32, #tpu.memory_space<vmem>>, %arg45: memref<1x4xf32, #tpu.memory_space<vmem>>, %arg46: memref<8x4xf32, #tpu.memory_space<vmem>>) attributes {dimension_semantics = [#tpu.dimension_semantics<arbitrary>], iteration_bounds = array<i64: 128>, scalar_prefetch = 1 : i64, scratch_operands = 0 : i64, tpu.core_type = #tpu.core_type<tc>, window_params = [{transform_indices = @transform_0, window_bounds = array<i64: 8, 512>}, {transform_indices = @transform_1, window_bounds = array<i64: 8, 4096>}, {transform_indices = @transform_2, window_bounds = array<i64: 8, 32768>}, {transform_indices = @transform_3, window_bounds = array<i64: 1, 64, 128>}, {transform_indices = @transform_4, window_bounds = array<i64: 1, 64, 128>}, {transform_indices = @transform_5, window_bounds = array<i64: 1, 64, 128>}, {transform_indices = @transform_6, window_bounds = array<i64: 1, 64, 128>}, {transform_indices = @transform_7, window_bounds = array<i64: 1, 64, 128>}, {transform_indices = @transform_8, window_bounds = array<i64: 1, 64, 128>}, {transform_indices = @transform_9, window_bounds = array<i64: 1, 64, 128>}, {transform_indices = @transform_10, window_bounds = array<i64: 1, 64, 128>}, {transform_indices = @transform_11, window_bounds = array<i64: 1, 8, 64>}, {transform_indices = @transform_12, window_bounds = array<i64: 1, 8, 64>}, {transform_indices = @transform_13, window_bounds = array<i64: 1, 8, 64>}, {transform_indices = @transform_14, window_bounds = array<i64: 1, 8, 64>}, {transform_indices = @transform_15, window_bounds = array<i64: 1, 8, 64>}, {transform_indices = @transform_16, window_bounds = array<i64: 1, 8, 64>}, {transform_indices = @transform_17, window_bounds = array<i64: 1, 8, 64>}, {transform_indices = @transform_18, window_bounds = array<i64: 1, 8, 64>}, {transform_indices = @transform_19, window_bounds = array<i64: 1, 8, 64>}, {transform_indices = @transform_20, window_bounds = array<i64: 1, 8, 64>}, {transform_indices = @transform_21, window_bounds = array<i64: 1, 8, 64>}, {transform_indices = @transform_22, window_bounds = array<i64: 1, 8, 64>}, {transform_indices = @transform_23, window_bounds = array<i64: 1, 8, 64>}, {transform_indices = @transform_24, window_bounds = array<i64: 1, 8, 64>}, {transform_indices = @transform_25, window_bounds = array<i64: 1, 8, 64>}, {transform_indices = @transform_26, window_bounds = array<i64: 1, 8, 64>}, {transform_indices = @transform_27, window_bounds = array<i64: 1, 8, 64>}, {transform_indices = @transform_28, window_bounds = array<i64: 1, 8, 64>}, {transform_indices = @transform_29, window_bounds = array<i64: 1, 8, 64>}, {transform_indices = @transform_30, window_bounds = array<i64: 1, 8, 64>}, {transform_indices = @transform_31, window_bounds = array<i64: 1, 8, 64>}, {transform_indices = @transform_32, window_bounds = array<i64: 1, 8, 64>}, {transform_indices = @transform_33, window_bounds = array<i64: 1, 8, 64>}, {transform_indices = @transform_34, window_bounds = array<i64: 1, 8, 64>}, {pipeline_mode = #tpu.pipeline_mode<synchronous>, transform_indices = @transform_35, window_bounds = array<i64: 64, 64>}, {pipeline_mode = #tpu.pipeline_mode<synchronous>, transform_indices = @transform_36, window_bounds = array<i64: 512, 64>}, {pipeline_mode = #tpu.pipeline_mode<synchronous>, transform_indices = @transform_37, window_bounds = array<i64: 4096, 64>}, {pipeline_mode = #tpu.pipeline_mode<synchronous>, transform_indices = @transform_38, window_bounds = array<i64: 32768, 64>}, {pipeline_mode = #tpu.pipeline_mode<synchronous>, transform_indices = @transform_39, window_bounds = array<i64: 1, 192>}, {pipeline_mode = #tpu.pipeline_mode<synchronous>, transform_indices = @transform_40, window_bounds = array<i64: 192, 64>}, {transform_indices = @transform_41, window_bounds = array<i64: 8, 8>}, {pipeline_mode = #tpu.pipeline_mode<synchronous>, transform_indices = @transform_42, window_bounds = array<i64: 68, 4>}, {pipeline_mode = #tpu.pipeline_mode<synchronous>, transform_indices = @transform_43, window_bounds = array<i64: 1, 4>}, {transform_indices = @transform_44, window_bounds = array<i64: 8, 4>}]} {
    %get3A = arith.constant 0 : index
    %get3A_0 = arith.constant 0 : index
    %get3A_1 = vector.load %arg43[%get3A, %get3A_0] : memref<8x8xf32, #tpu.memory_space<vmem>>, vector<8x8xf32>
    %get3A_2 = arith.constant 0 : index
    %get3A_3 = arith.constant 0 : index
    %get3A_4 = vector.load %arg4[%get3A_2, %get3A_3] : memref<8x32768xf32, #tpu.memory_space<vmem>>, vector<8x32768xf32>
    %max3A = arith.constant 0.000000e+00 : f32
    %max3A_5 = vector.broadcast %max3A : f32 to vector<8x32768xf32>
    %max3A_6 = arith.maximumf %get3A_4, %max3A_5 : vector<8x32768xf32>
    %get3A_7 = arith.constant 0 : index
    %get3A_8 = arith.constant 0 : index
    %get3A_9 = vector.load %arg40[%get3A_7, %get3A_8] : memref<32768x64xf32, #tpu.memory_space<vmem>>, vector<32768x64xf32>
    %dot_general3A = arith.constant dense<0.000000e+00> : vector<8x64xf32>
    %dot_general3A_10 = tpu.matmul %max3A_6, %get3A_9, %dot_general3A {dimension_numbers = #tpu.dot_dimension_numbers<[1], [0], [0], [1], [0, 0, 1, 1], [], []>, transpose_lhs_hint = false} : vector<8x32768xf32>, vector<32768x64xf32>, vector<8x64xf32> -> vector<8x64xf32>
    %mul3A = arith.mulf %max3A_6, %max3A_6 : vector<8x32768xf32>
    %reduce_sum3A = arith.constant dense<0.000000e+00> : vector<8xf32>
    %reduce_sum3A_11 = vector.multi_reduction <add>, %mul3A, %reduce_sum3A [1] : vector<8x32768xf32> to vector<8xf32>
    %broadcast_in_dim3A = vector.shape_cast %reduce_sum3A_11 : vector<8xf32> to vector<8x1xf32>
    %get3A_12 = arith.constant 0 : index
    %get3A_13 = arith.constant 0 : index
    %get3A_14 = arith.constant 0 : index
    %get3A_15 = vector.load %arg5[%get3A_12, %get3A_13, %get3A_14] : memref<1x64x128xf32, #tpu.memory_space<vmem>>, vector<1x64x128xf32>
    %get3A_16 = vector.shape_cast %get3A_15 : vector<1x64x128xf32> to vector<64x128xf32>
    %get3A_17 = arith.constant 0 : index
    %get3A_18 = arith.constant 0 : index
    %get3A_19 = arith.constant 0 : index
    %get3A_20 = vector.load %arg6[%get3A_17, %get3A_18, %get3A_19] : memref<1x64x128xf32, #tpu.memory_space<vmem>>, vector<1x64x128xf32>
    %get3A_21 = vector.shape_cast %get3A_20 : vector<1x64x128xf32> to vector<64x128xf32>
    %get3A_22 = arith.constant 0 : index
    %get3A_23 = arith.constant 0 : index
    %get3A_24 = arith.constant 0 : index
    %get3A_25 = vector.load %arg7[%get3A_22, %get3A_23, %get3A_24] : memref<1x64x128xf32, #tpu.memory_space<vmem>>, vector<1x64x128xf32>
    %get3A_26 = vector.shape_cast %get3A_25 : vector<1x64x128xf32> to vector<64x128xf32>
    %get3A_27 = arith.constant 0 : index
    %get3A_28 = arith.constant 0 : index
    %get3A_29 = arith.constant 0 : index
    %get3A_30 = vector.load %arg8[%get3A_27, %get3A_28, %get3A_29] : memref<1x64x128xf32, #tpu.memory_space<vmem>>, vector<1x64x128xf32>
    %get3A_31 = vector.shape_cast %get3A_30 : vector<1x64x128xf32> to vector<64x128xf32>
    %get3A_32 = arith.constant 0 : index
    %get3A_33 = arith.constant 0 : index
    %get3A_34 = arith.constant 0 : index
    %get3A_35 = vector.load %arg9[%get3A_32, %get3A_33, %get3A_34] : memref<1x64x128xf32, #tpu.memory_space<vmem>>, vector<1x64x128xf32>
    %get3A_36 = vector.shape_cast %get3A_35 : vector<1x64x128xf32> to vector<64x128xf32>
    %get3A_37 = arith.constant 0 : index
    %get3A_38 = arith.constant 0 : index
    %get3A_39 = arith.constant 0 : index
    %get3A_40 = vector.load %arg10[%get3A_37, %get3A_38, %get3A_39] : memref<1x64x128xf32, #tpu.memory_space<vmem>>, vector<1x64x128xf32>
    %get3A_41 = vector.shape_cast %get3A_40 : vector<1x64x128xf32> to vector<64x128xf32>
    %get3A_42 = arith.constant 0 : index
    %get3A_43 = arith.constant 0 : index
    %get3A_44 = arith.constant 0 : index
    %get3A_45 = vector.load %arg11[%get3A_42, %get3A_43, %get3A_44] : memref<1x64x128xf32, #tpu.memory_space<vmem>>, vector<1x64x128xf32>
    %get3A_46 = vector.shape_cast %get3A_45 : vector<1x64x128xf32> to vector<64x128xf32>
    %get3A_47 = arith.constant 0 : index
    %get3A_48 = arith.constant 0 : index
    %get3A_49 = arith.constant 0 : index
    %get3A_50 = vector.load %arg12[%get3A_47, %get3A_48, %get3A_49] : memref<1x64x128xf32, #tpu.memory_space<vmem>>, vector<1x64x128xf32>
    %get3A_51 = vector.shape_cast %get3A_50 : vector<1x64x128xf32> to vector<64x128xf32>
    %stack3A = vector.shape_cast %get3A_16 : vector<64x128xf32> to vector<1x64x128xf32>
    %stack3A_52 = vector.shape_cast %get3A_21 : vector<64x128xf32> to vector<1x64x128xf32>
    %stack3A_53 = vector.shape_cast %get3A_26 : vector<64x128xf32> to vector<1x64x128xf32>
    %stack3A_54 = vector.shape_cast %get3A_31 : vector<64x128xf32> to vector<1x64x128xf32>
    %stack3A_55 = vector.shape_cast %get3A_36 : vector<64x128xf32> to vector<1x64x128xf32>
    %stack3A_56 = vector.shape_cast %get3A_41 : vector<64x128xf32> to vector<1x64x128xf32>
    %stack3A_57 = vector.shape_cast %get3A_46 : vector<64x128xf32> to vector<1x64x128xf32>
    %stack3A_58 = vector.shape_cast %get3A_51 : vector<64x128xf32> to vector<1x64x128xf32>
    %stack3A_59 = tpu.concatenate %stack3A, %stack3A_52, %stack3A_53, %stack3A_54, %stack3A_55, %stack3A_56, %stack3A_57, %stack3A_58 in 0 : vector<1x64x128xf32>, vector<1x64x128xf32>, vector<1x64x128xf32>, vector<1x64x128xf32>, vector<1x64x128xf32>, vector<1x64x128xf32>, vector<1x64x128xf32>, vector<1x64x128xf32> -> vector<8x64x128xf32>
    %iota3A = tpu.iota {dimensions = array<i32: 1>} : vector<1x128xi32>
    %convert_element_type3A = arith.sitofp %iota3A : vector<1x128xi32> to vector<1x128xf32>
    %slice3A = vector.extract_strided_slice %get3A_1 {offsets = [0, 4], sizes = [8, 1], strides = [1, 1]} : vector<8x8xf32> to vector<8x1xf32>
    %eq3A = vector.broadcast %slice3A : vector<8x1xf32> to vector<8x128xf32>
    %eq3A_60 = vector.broadcast %convert_element_type3A : vector<1x128xf32> to vector<8x128xf32>
    %eq3A_61 = arith.cmpf oeq, %eq3A, %eq3A_60 : vector<8x128xf32>
    %jit3A = arith.constant 1.000000e+00 : f32
    %jit3A_62 = arith.constant 0.000000e+00 : f32
    %broadcast_in_dim3A_63 = vector.broadcast %jit3A : f32 to vector<8x128xf32>
    %broadcast_in_dim3A_64 = vector.broadcast %jit3A_62 : f32 to vector<8x128xf32>
    %select_n3A = arith.select %eq3A_61, %broadcast_in_dim3A_63, %broadcast_in_dim3A_64 : vector<8x128xi1>, vector<8x128xf32>
    %broadcast_in_dim3A_65 = vector.shape_cast %select_n3A : vector<8x128xf32> to vector<8x1x128xf32>
    %mul3A_66 = vector.broadcast %broadcast_in_dim3A_65 : vector<8x1x128xf32> to vector<8x64x128xf32>
    %mul3A_67 = arith.mulf %stack3A_59, %mul3A_66 : vector<8x64x128xf32>
    %reduce_sum3A_68 = arith.constant dense<0.000000e+00> : vector<8x64xf32>
    %reduce_sum3A_69 = vector.multi_reduction <add>, %mul3A_67, %reduce_sum3A_68 [2] : vector<8x64x128xf32> to vector<8x64xf32>
    %max3A_70 = arith.constant 0.000000e+00 : f32
    %max3A_71 = vector.broadcast %max3A_70 : f32 to vector<8x64xf32>
    %max3A_72 = arith.maximumf %reduce_sum3A_69, %max3A_71 : vector<8x64xf32>
    %get3A_73 = arith.constant 0 : index
    %get3A_74 = arith.constant 0 : index
    %get3A_75 = vector.load %arg37[%get3A_73, %get3A_74] : memref<64x64xf32, #tpu.memory_space<vmem>>, vector<64x64xf32>
    %dot_general3A_76 = arith.constant dense<0.000000e+00> : vector<8x64xf32>
    %dot_general3A_77 = tpu.matmul %max3A_72, %get3A_75, %dot_general3A_76 {dimension_numbers = #tpu.dot_dimension_numbers<[1], [0], [0], [1], [0, 0, 1, 1], [], []>, transpose_lhs_hint = false} : vector<8x64xf32>, vector<64x64xf32>, vector<8x64xf32> -> vector<8x64xf32>
    %add3A = arith.addf %dot_general3A_10, %dot_general3A_77 : vector<8x64xf32>
    %mul3A_78 = arith.mulf %max3A_72, %max3A_72 : vector<8x64xf32>
    %reduce_sum3A_79 = arith.constant dense<0.000000e+00> : vector<8xf32>
    %reduce_sum3A_80 = vector.multi_reduction <add>, %mul3A_78, %reduce_sum3A_79 [1] : vector<8x64xf32> to vector<8xf32>
    %broadcast_in_dim3A_81 = vector.shape_cast %reduce_sum3A_80 : vector<8xf32> to vector<8x1xf32>
    %add3A_82 = arith.addf %broadcast_in_dim3A, %broadcast_in_dim3A_81 : vector<8x1xf32>
    %get3A_83 = arith.constant 0 : index
    %get3A_84 = arith.constant 0 : index
    %get3A_85 = vector.load %arg2[%get3A_83, %get3A_84] : memref<8x512xf32, #tpu.memory_space<vmem>>, vector<8x512xf32>
    %max3A_86 = arith.constant 0.000000e+00 : f32
    %max3A_87 = vector.broadcast %max3A_86 : f32 to vector<8x512xf32>
    %max3A_88 = arith.maximumf %get3A_85, %max3A_87 : vector<8x512xf32>
    %get3A_89 = arith.constant 0 : index
    %get3A_90 = arith.constant 0 : index
    %get3A_91 = vector.load %arg38[%get3A_89, %get3A_90] : memref<512x64xf32, #tpu.memory_space<vmem>>, vector<512x64xf32>
    %dot_general3A_92 = arith.constant dense<0.000000e+00> : vector<8x64xf32>
    %dot_general3A_93 = tpu.matmul %max3A_88, %get3A_91, %dot_general3A_92 {dimension_numbers = #tpu.dot_dimension_numbers<[1], [0], [0], [1], [0, 0, 1, 1], [], []>, transpose_lhs_hint = false} : vector<8x512xf32>, vector<512x64xf32>, vector<8x64xf32> -> vector<8x64xf32>
    %add3A_94 = arith.addf %add3A, %dot_general3A_93 : vector<8x64xf32>
    %mul3A_95 = arith.mulf %max3A_88, %max3A_88 : vector<8x512xf32>
    %reduce_sum3A_96 = arith.constant dense<0.000000e+00> : vector<8xf32>
    %reduce_sum3A_97 = vector.multi_reduction <add>, %mul3A_95, %reduce_sum3A_96 [1] : vector<8x512xf32> to vector<8xf32>
    %broadcast_in_dim3A_98 = vector.shape_cast %reduce_sum3A_97 : vector<8xf32> to vector<8x1xf32>
    %add3A_99 = arith.addf %add3A_82, %broadcast_in_dim3A_98 : vector<8x1xf32>
    %get3A_100 = arith.constant 0 : index
    %get3A_101 = arith.constant 0 : index
    %get3A_102 = vector.load %arg3[%get3A_100, %get3A_101] : memref<8x4096xf32, #tpu.memory_space<vmem>>, vector<8x4096xf32>
    %max3A_103 = arith.constant 0.000000e+00 : f32
    %max3A_104 = vector.broadcast %max3A_103 : f32 to vector<8x4096xf32>
    %max3A_105 = arith.maximumf %get3A_102, %max3A_104 : vector<8x4096xf32>
    %get3A_106 = arith.constant 0 : index
    %get3A_107 = arith.constant 0 : index
    %get3A_108 = vector.load %arg39[%get3A_106, %get3A_107] : memref<4096x64xf32, #tpu.memory_space<vmem>>, vector<4096x64xf32>
    %dot_general3A_109 = arith.constant dense<0.000000e+00> : vector<8x64xf32>
    %dot_general3A_110 = tpu.matmul %max3A_105, %get3A_108, %dot_general3A_109 {dimension_numbers = #tpu.dot_dimension_numbers<[1], [0], [0], [1], [0, 0, 1, 1], [], []>, transpose_lhs_hint = false} : vector<8x4096xf32>, vector<4096x64xf32>, vector<8x64xf32> -> vector<8x64xf32>
    %add3A_111 = arith.addf %add3A_94, %dot_general3A_110 : vector<8x64xf32>
    %mul3A_112 = arith.mulf %max3A_105, %max3A_105 : vector<8x4096xf32>
    %reduce_sum3A_113 = arith.constant dense<0.000000e+00> : vector<8xf32>
    %reduce_sum3A_114 = vector.multi_reduction <add>, %mul3A_112, %reduce_sum3A_113 [1] : vector<8x4096xf32> to vector<8xf32>
    %broadcast_in_dim3A_115 = vector.shape_cast %reduce_sum3A_114 : vector<8xf32> to vector<8x1xf32>
    %add3A_116 = arith.addf %add3A_99, %broadcast_in_dim3A_115 : vector<8x1xf32>
    %slice3A_117 = vector.extract_strided_slice %get3A_1 {offsets = [0, 5], sizes = [8, 1], strides = [1, 1]} : vector<8x8xf32> to vector<8x1xf32>
    %get3A_118 = arith.constant 0 : index
    %get3A_119 = arith.constant 0 : index
    %get3A_120 = arith.constant 0 : index
    %get3A_121 = vector.load %arg13[%get3A_118, %get3A_119, %get3A_120] : memref<1x8x64xf32, #tpu.memory_space<vmem>>, vector<1x8x64xf32>
    %get3A_122 = vector.shape_cast %get3A_121 : vector<1x8x64xf32> to vector<8x64xf32>
    %get3A_123 = arith.constant 0 : index
    %get3A_124 = arith.constant 0 : index
    %get3A_125 = arith.constant 0 : index
    %get3A_126 = vector.load %arg16[%get3A_123, %get3A_124, %get3A_125] : memref<1x8x64xf32, #tpu.memory_space<vmem>>, vector<1x8x64xf32>
    %get3A_127 = vector.shape_cast %get3A_126 : vector<1x8x64xf32> to vector<8x64xf32>
    %get3A_128 = arith.constant 0 : index
    %get3A_129 = arith.constant 0 : index
    %get3A_130 = arith.constant 0 : index
    %get3A_131 = vector.load %arg19[%get3A_128, %get3A_129, %get3A_130] : memref<1x8x64xf32, #tpu.memory_space<vmem>>, vector<1x8x64xf32>
    %get3A_132 = vector.shape_cast %get3A_131 : vector<1x8x64xf32> to vector<8x64xf32>
    %get3A_133 = arith.constant 0 : index
    %get3A_134 = arith.constant 0 : index
    %get3A_135 = arith.constant 0 : index
    %get3A_136 = vector.load %arg22[%get3A_133, %get3A_134, %get3A_135] : memref<1x8x64xf32, #tpu.memory_space<vmem>>, vector<1x8x64xf32>
    %get3A_137 = vector.shape_cast %get3A_136 : vector<1x8x64xf32> to vector<8x64xf32>
    %get3A_138 = arith.constant 0 : index
    %get3A_139 = arith.constant 0 : index
    %get3A_140 = arith.constant 0 : index
    %get3A_141 = vector.load %arg25[%get3A_138, %get3A_139, %get3A_140] : memref<1x8x64xf32, #tpu.memory_space<vmem>>, vector<1x8x64xf32>
    %get3A_142 = vector.shape_cast %get3A_141 : vector<1x8x64xf32> to vector<8x64xf32>
    %get3A_143 = arith.constant 0 : index
    %get3A_144 = arith.constant 0 : index
    %get3A_145 = arith.constant 0 : index
    %get3A_146 = vector.load %arg28[%get3A_143, %get3A_144, %get3A_145] : memref<1x8x64xf32, #tpu.memory_space<vmem>>, vector<1x8x64xf32>
    %get3A_147 = vector.shape_cast %get3A_146 : vector<1x8x64xf32> to vector<8x64xf32>
    %get3A_148 = arith.constant 0 : index
    %get3A_149 = arith.constant 0 : index
    %get3A_150 = arith.constant 0 : index
    %get3A_151 = vector.load %arg31[%get3A_148, %get3A_149, %get3A_150] : memref<1x8x64xf32, #tpu.memory_space<vmem>>, vector<1x8x64xf32>
    %get3A_152 = vector.shape_cast %get3A_151 : vector<1x8x64xf32> to vector<8x64xf32>
    %get3A_153 = arith.constant 0 : index
    %get3A_154 = arith.constant 0 : index
    %get3A_155 = arith.constant 0 : index
    %get3A_156 = vector.load %arg34[%get3A_153, %get3A_154, %get3A_155] : memref<1x8x64xf32, #tpu.memory_space<vmem>>, vector<1x8x64xf32>
    %get3A_157 = vector.shape_cast %get3A_156 : vector<1x8x64xf32> to vector<8x64xf32>
    %stack3A_158 = vector.shape_cast %get3A_122 : vector<8x64xf32> to vector<1x8x64xf32>
    %stack3A_159 = vector.shape_cast %get3A_127 : vector<8x64xf32> to vector<1x8x64xf32>
    %stack3A_160 = vector.shape_cast %get3A_132 : vector<8x64xf32> to vector<1x8x64xf32>
    %stack3A_161 = vector.shape_cast %get3A_137 : vector<8x64xf32> to vector<1x8x64xf32>
    %stack3A_162 = vector.shape_cast %get3A_142 : vector<8x64xf32> to vector<1x8x64xf32>
    %stack3A_163 = vector.shape_cast %get3A_147 : vector<8x64xf32> to vector<1x8x64xf32>
    %stack3A_164 = vector.shape_cast %get3A_152 : vector<8x64xf32> to vector<1x8x64xf32>
    %stack3A_165 = vector.shape_cast %get3A_157 : vector<8x64xf32> to vector<1x8x64xf32>
    %stack3A_166 = tpu.concatenate %stack3A_158, %stack3A_159, %stack3A_160, %stack3A_161, %stack3A_162, %stack3A_163, %stack3A_164, %stack3A_165 in 0 : vector<1x8x64xf32>, vector<1x8x64xf32>, vector<1x8x64xf32>, vector<1x8x64xf32>, vector<1x8x64xf32>, vector<1x8x64xf32>, vector<1x8x64xf32>, vector<1x8x64xf32> -> vector<8x8x64xf32>
    %iota3A_167 = tpu.iota {dimensions = array<i32: 1>} : vector<1x8xi32>
    %convert_element_type3A_168 = arith.sitofp %iota3A_167 : vector<1x8xi32> to vector<1x8xf32>
    %eq3A_169 = vector.broadcast %slice3A_117 : vector<8x1xf32> to vector<8x8xf32>
    %eq3A_170 = vector.broadcast %convert_element_type3A_168 : vector<1x8xf32> to vector<8x8xf32>
    %eq3A_171 = arith.cmpf oeq, %eq3A_169, %eq3A_170 : vector<8x8xf32>
    %jit3A_172 = arith.constant 1.000000e+00 : f32
    %jit3A_173 = arith.constant 0.000000e+00 : f32
    %broadcast_in_dim3A_174 = vector.broadcast %jit3A_172 : f32 to vector<8x8xf32>
    %broadcast_in_dim3A_175 = vector.broadcast %jit3A_173 : f32 to vector<8x8xf32>
    %select_n3A_176 = arith.select %eq3A_171, %broadcast_in_dim3A_174, %broadcast_in_dim3A_175 : vector<8x8xi1>, vector<8x8xf32>
    %broadcast_in_dim3A_177 = vector.shape_cast %select_n3A_176 : vector<8x8xf32> to vector<8x8x1xf32>
    %mul3A_178 = vector.broadcast %broadcast_in_dim3A_177 : vector<8x8x1xf32> to vector<8x8x64xf32>
    %mul3A_179 = arith.mulf %stack3A_166, %mul3A_178 : vector<8x8x64xf32>
    %reduce_sum3A_180 = arith.constant dense<0.000000e+00> : vector<8x64xf32>
    %reduce_sum3A_181 = vector.multi_reduction <add>, %mul3A_179, %reduce_sum3A_180 [1] : vector<8x8x64xf32> to vector<8x64xf32>
    %slice3A_182 = vector.extract_strided_slice %get3A_1 {offsets = [0, 6], sizes = [8, 1], strides = [1, 1]} : vector<8x8xf32> to vector<8x1xf32>
    %get3A_183 = arith.constant 0 : index
    %get3A_184 = arith.constant 0 : index
    %get3A_185 = arith.constant 0 : index
    %get3A_186 = vector.load %arg14[%get3A_183, %get3A_184, %get3A_185] : memref<1x8x64xf32, #tpu.memory_space<vmem>>, vector<1x8x64xf32>
    %get3A_187 = vector.shape_cast %get3A_186 : vector<1x8x64xf32> to vector<8x64xf32>
    %get3A_188 = arith.constant 0 : index
    %get3A_189 = arith.constant 0 : index
    %get3A_190 = arith.constant 0 : index
    %get3A_191 = vector.load %arg17[%get3A_188, %get3A_189, %get3A_190] : memref<1x8x64xf32, #tpu.memory_space<vmem>>, vector<1x8x64xf32>
    %get3A_192 = vector.shape_cast %get3A_191 : vector<1x8x64xf32> to vector<8x64xf32>
    %get3A_193 = arith.constant 0 : index
    %get3A_194 = arith.constant 0 : index
    %get3A_195 = arith.constant 0 : index
    %get3A_196 = vector.load %arg20[%get3A_193, %get3A_194, %get3A_195] : memref<1x8x64xf32, #tpu.memory_space<vmem>>, vector<1x8x64xf32>
    %get3A_197 = vector.shape_cast %get3A_196 : vector<1x8x64xf32> to vector<8x64xf32>
    %get3A_198 = arith.constant 0 : index
    %get3A_199 = arith.constant 0 : index
    %get3A_200 = arith.constant 0 : index
    %get3A_201 = vector.load %arg23[%get3A_198, %get3A_199, %get3A_200] : memref<1x8x64xf32, #tpu.memory_space<vmem>>, vector<1x8x64xf32>
    %get3A_202 = vector.shape_cast %get3A_201 : vector<1x8x64xf32> to vector<8x64xf32>
    %get3A_203 = arith.constant 0 : index
    %get3A_204 = arith.constant 0 : index
    %get3A_205 = arith.constant 0 : index
    %get3A_206 = vector.load %arg26[%get3A_203, %get3A_204, %get3A_205] : memref<1x8x64xf32, #tpu.memory_space<vmem>>, vector<1x8x64xf32>
    %get3A_207 = vector.shape_cast %get3A_206 : vector<1x8x64xf32> to vector<8x64xf32>
    %get3A_208 = arith.constant 0 : index
    %get3A_209 = arith.constant 0 : index
    %get3A_210 = arith.constant 0 : index
    %get3A_211 = vector.load %arg29[%get3A_208, %get3A_209, %get3A_210] : memref<1x8x64xf32, #tpu.memory_space<vmem>>, vector<1x8x64xf32>
    %get3A_212 = vector.shape_cast %get3A_211 : vector<1x8x64xf32> to vector<8x64xf32>
    %get3A_213 = arith.constant 0 : index
    %get3A_214 = arith.constant 0 : index
    %get3A_215 = arith.constant 0 : index
    %get3A_216 = vector.load %arg32[%get3A_213, %get3A_214, %get3A_215] : memref<1x8x64xf32, #tpu.memory_space<vmem>>, vector<1x8x64xf32>
    %get3A_217 = vector.shape_cast %get3A_216 : vector<1x8x64xf32> to vector<8x64xf32>
    %get3A_218 = arith.constant 0 : index
    %get3A_219 = arith.constant 0 : index
    %get3A_220 = arith.constant 0 : index
    %get3A_221 = vector.load %arg35[%get3A_218, %get3A_219, %get3A_220] : memref<1x8x64xf32, #tpu.memory_space<vmem>>, vector<1x8x64xf32>
    %get3A_222 = vector.shape_cast %get3A_221 : vector<1x8x64xf32> to vector<8x64xf32>
    %stack3A_223 = vector.shape_cast %get3A_187 : vector<8x64xf32> to vector<1x8x64xf32>
    %stack3A_224 = vector.shape_cast %get3A_192 : vector<8x64xf32> to vector<1x8x64xf32>
    %stack3A_225 = vector.shape_cast %get3A_197 : vector<8x64xf32> to vector<1x8x64xf32>
    %stack3A_226 = vector.shape_cast %get3A_202 : vector<8x64xf32> to vector<1x8x64xf32>
    %stack3A_227 = vector.shape_cast %get3A_207 : vector<8x64xf32> to vector<1x8x64xf32>
    %stack3A_228 = vector.shape_cast %get3A_212 : vector<8x64xf32> to vector<1x8x64xf32>
    %stack3A_229 = vector.shape_cast %get3A_217 : vector<8x64xf32> to vector<1x8x64xf32>
    %stack3A_230 = vector.shape_cast %get3A_222 : vector<8x64xf32> to vector<1x8x64xf32>
    %stack3A_231 = tpu.concatenate %stack3A_223, %stack3A_224, %stack3A_225, %stack3A_226, %stack3A_227, %stack3A_228, %stack3A_229, %stack3A_230 in 0 : vector<1x8x64xf32>, vector<1x8x64xf32>, vector<1x8x64xf32>, vector<1x8x64xf32>, vector<1x8x64xf32>, vector<1x8x64xf32>, vector<1x8x64xf32>, vector<1x8x64xf32> -> vector<8x8x64xf32>
    %iota3A_232 = tpu.iota {dimensions = array<i32: 1>} : vector<1x8xi32>
    %convert_element_type3A_233 = arith.sitofp %iota3A_232 : vector<1x8xi32> to vector<1x8xf32>
    %eq3A_234 = vector.broadcast %slice3A_182 : vector<8x1xf32> to vector<8x8xf32>
    %eq3A_235 = vector.broadcast %convert_element_type3A_233 : vector<1x8xf32> to vector<8x8xf32>
    %eq3A_236 = arith.cmpf oeq, %eq3A_234, %eq3A_235 : vector<8x8xf32>
    %jit3A_237 = arith.constant 1.000000e+00 : f32
    %jit3A_238 = arith.constant 0.000000e+00 : f32
    %broadcast_in_dim3A_239 = vector.broadcast %jit3A_237 : f32 to vector<8x8xf32>
    %broadcast_in_dim3A_240 = vector.broadcast %jit3A_238 : f32 to vector<8x8xf32>
    %select_n3A_241 = arith.select %eq3A_236, %broadcast_in_dim3A_239, %broadcast_in_dim3A_240 : vector<8x8xi1>, vector<8x8xf32>
    %broadcast_in_dim3A_242 = vector.shape_cast %select_n3A_241 : vector<8x8xf32> to vector<8x8x1xf32>
    %mul3A_243 = vector.broadcast %broadcast_in_dim3A_242 : vector<8x8x1xf32> to vector<8x8x64xf32>
    %mul3A_244 = arith.mulf %stack3A_231, %mul3A_243 : vector<8x8x64xf32>
    %reduce_sum3A_245 = arith.constant dense<0.000000e+00> : vector<8x64xf32>
    %reduce_sum3A_246 = vector.multi_reduction <add>, %mul3A_244, %reduce_sum3A_245 [1] : vector<8x8x64xf32> to vector<8x64xf32>
    %slice3A_247 = vector.extract_strided_slice %get3A_1 {offsets = [0, 7], sizes = [8, 1], strides = [1, 1]} : vector<8x8xf32> to vector<8x1xf32>
    %get3A_248 = arith.constant 0 : index
    %get3A_249 = arith.constant 0 : index
    %get3A_250 = arith.constant 0 : index
    %get3A_251 = vector.load %arg15[%get3A_248, %get3A_249, %get3A_250] : memref<1x8x64xf32, #tpu.memory_space<vmem>>, vector<1x8x64xf32>
    %get3A_252 = vector.shape_cast %get3A_251 : vector<1x8x64xf32> to vector<8x64xf32>
    %get3A_253 = arith.constant 0 : index
    %get3A_254 = arith.constant 0 : index
    %get3A_255 = arith.constant 0 : index
    %get3A_256 = vector.load %arg18[%get3A_253, %get3A_254, %get3A_255] : memref<1x8x64xf32, #tpu.memory_space<vmem>>, vector<1x8x64xf32>
    %get3A_257 = vector.shape_cast %get3A_256 : vector<1x8x64xf32> to vector<8x64xf32>
    %get3A_258 = arith.constant 0 : index
    %get3A_259 = arith.constant 0 : index
    %get3A_260 = arith.constant 0 : index
    %get3A_261 = vector.load %arg21[%get3A_258, %get3A_259, %get3A_260] : memref<1x8x64xf32, #tpu.memory_space<vmem>>, vector<1x8x64xf32>
    %get3A_262 = vector.shape_cast %get3A_261 : vector<1x8x64xf32> to vector<8x64xf32>
    %get3A_263 = arith.constant 0 : index
    %get3A_264 = arith.constant 0 : index
    %get3A_265 = arith.constant 0 : index
    %get3A_266 = vector.load %arg24[%get3A_263, %get3A_264, %get3A_265] : memref<1x8x64xf32, #tpu.memory_space<vmem>>, vector<1x8x64xf32>
    %get3A_267 = vector.shape_cast %get3A_266 : vector<1x8x64xf32> to vector<8x64xf32>
    %get3A_268 = arith.constant 0 : index
    %get3A_269 = arith.constant 0 : index
    %get3A_270 = arith.constant 0 : index
    %get3A_271 = vector.load %arg27[%get3A_268, %get3A_269, %get3A_270] : memref<1x8x64xf32, #tpu.memory_space<vmem>>, vector<1x8x64xf32>
    %get3A_272 = vector.shape_cast %get3A_271 : vector<1x8x64xf32> to vector<8x64xf32>
    %get3A_273 = arith.constant 0 : index
    %get3A_274 = arith.constant 0 : index
    %get3A_275 = arith.constant 0 : index
    %get3A_276 = vector.load %arg30[%get3A_273, %get3A_274, %get3A_275] : memref<1x8x64xf32, #tpu.memory_space<vmem>>, vector<1x8x64xf32>
    %get3A_277 = vector.shape_cast %get3A_276 : vector<1x8x64xf32> to vector<8x64xf32>
    %get3A_278 = arith.constant 0 : index
    %get3A_279 = arith.constant 0 : index
    %get3A_280 = arith.constant 0 : index
    %get3A_281 = vector.load %arg33[%get3A_278, %get3A_279, %get3A_280] : memref<1x8x64xf32, #tpu.memory_space<vmem>>, vector<1x8x64xf32>
    %get3A_282 = vector.shape_cast %get3A_281 : vector<1x8x64xf32> to vector<8x64xf32>
    %get3A_283 = arith.constant 0 : index
    %get3A_284 = arith.constant 0 : index
    %get3A_285 = arith.constant 0 : index
    %get3A_286 = vector.load %arg36[%get3A_283, %get3A_284, %get3A_285] : memref<1x8x64xf32, #tpu.memory_space<vmem>>, vector<1x8x64xf32>
    %get3A_287 = vector.shape_cast %get3A_286 : vector<1x8x64xf32> to vector<8x64xf32>
    %stack3A_288 = vector.shape_cast %get3A_252 : vector<8x64xf32> to vector<1x8x64xf32>
    %stack3A_289 = vector.shape_cast %get3A_257 : vector<8x64xf32> to vector<1x8x64xf32>
    %stack3A_290 = vector.shape_cast %get3A_262 : vector<8x64xf32> to vector<1x8x64xf32>
    %stack3A_291 = vector.shape_cast %get3A_267 : vector<8x64xf32> to vector<1x8x64xf32>
    %stack3A_292 = vector.shape_cast %get3A_272 : vector<8x64xf32> to vector<1x8x64xf32>
    %stack3A_293 = vector.shape_cast %get3A_277 : vector<8x64xf32> to vector<1x8x64xf32>
    %stack3A_294 = vector.shape_cast %get3A_282 : vector<8x64xf32> to vector<1x8x64xf32>
    %stack3A_295 = vector.shape_cast %get3A_287 : vector<8x64xf32> to vector<1x8x64xf32>
    %stack3A_296 = tpu.concatenate %stack3A_288, %stack3A_289, %stack3A_290, %stack3A_291, %stack3A_292, %stack3A_293, %stack3A_294, %stack3A_295 in 0 : vector<1x8x64xf32>, vector<1x8x64xf32>, vector<1x8x64xf32>, vector<1x8x64xf32>, vector<1x8x64xf32>, vector<1x8x64xf32>, vector<1x8x64xf32>, vector<1x8x64xf32> -> vector<8x8x64xf32>
    %iota3A_297 = tpu.iota {dimensions = array<i32: 1>} : vector<1x8xi32>
    %convert_element_type3A_298 = arith.sitofp %iota3A_297 : vector<1x8xi32> to vector<1x8xf32>
    %eq3A_299 = vector.broadcast %slice3A_247 : vector<8x1xf32> to vector<8x8xf32>
    %eq3A_300 = vector.broadcast %convert_element_type3A_298 : vector<1x8xf32> to vector<8x8xf32>
    %eq3A_301 = arith.cmpf oeq, %eq3A_299, %eq3A_300 : vector<8x8xf32>
    %jit3A_302 = arith.constant 1.000000e+00 : f32
    %jit3A_303 = arith.constant 0.000000e+00 : f32
    %broadcast_in_dim3A_304 = vector.broadcast %jit3A_302 : f32 to vector<8x8xf32>
    %broadcast_in_dim3A_305 = vector.broadcast %jit3A_303 : f32 to vector<8x8xf32>
    %select_n3A_306 = arith.select %eq3A_301, %broadcast_in_dim3A_304, %broadcast_in_dim3A_305 : vector<8x8xi1>, vector<8x8xf32>
    %broadcast_in_dim3A_307 = vector.shape_cast %select_n3A_306 : vector<8x8xf32> to vector<8x8x1xf32>
    %mul3A_308 = vector.broadcast %broadcast_in_dim3A_307 : vector<8x8x1xf32> to vector<8x8x64xf32>
    %mul3A_309 = arith.mulf %stack3A_296, %mul3A_308 : vector<8x8x64xf32>
    %reduce_sum3A_310 = arith.constant dense<0.000000e+00> : vector<8x64xf32>
    %reduce_sum3A_311 = vector.multi_reduction <add>, %mul3A_309, %reduce_sum3A_310 [1] : vector<8x8x64xf32> to vector<8x64xf32>
    %concatenate3A = tpu.concatenate %reduce_sum3A_181, %reduce_sum3A_246, %reduce_sum3A_311 in 1 : vector<8x64xf32>, vector<8x64xf32>, vector<8x64xf32> -> vector<8x192xf32>
    %max3A_312 = arith.constant 0.000000e+00 : f32
    %max3A_313 = vector.broadcast %max3A_312 : f32 to vector<8x192xf32>
    %max3A_314 = arith.maximumf %concatenate3A, %max3A_313 : vector<8x192xf32>
    %get3A_315 = arith.constant 0 : index
    %get3A_316 = arith.constant 0 : index
    %get3A_317 = vector.load %arg41[%get3A_315, %get3A_316] : memref<1x192xf32, #tpu.memory_space<vmem>>, vector<1x192xf32>
    %mul3A_318 = vector.broadcast %get3A_317 : vector<1x192xf32> to vector<8x192xf32>
    %mul3A_319 = arith.mulf %max3A_314, %mul3A_318 : vector<8x192xf32>
    %get3A_320 = arith.constant 0 : index
    %get3A_321 = arith.constant 0 : index
    %get3A_322 = vector.load %arg42[%get3A_320, %get3A_321] : memref<192x64xf32, #tpu.memory_space<vmem>>, vector<192x64xf32>
    %dot_general3A_323 = arith.constant dense<0.000000e+00> : vector<8x64xf32>
    %dot_general3A_324 = tpu.matmul %mul3A_319, %get3A_322, %dot_general3A_323 {dimension_numbers = #tpu.dot_dimension_numbers<[1], [0], [0], [1], [0, 0, 1, 1], [], []>, transpose_lhs_hint = false} : vector<8x192xf32>, vector<192x64xf32>, vector<8x64xf32> -> vector<8x64xf32>
    %add3A_325 = arith.addf %add3A_111, %dot_general3A_324 : vector<8x64xf32>
    %mul3A_326 = arith.constant 3.000000e+00 : f32
    %mul3A_327 = vector.broadcast %mul3A_326 : f32 to vector<8x1xf32>
    %mul3A_328 = arith.mulf %mul3A_327, %add3A_116 : vector<8x1xf32>
    %mul3A_329 = arith.mulf %max3A_314, %max3A_314 : vector<8x192xf32>
    %reduce_sum3A_330 = arith.constant dense<0.000000e+00> : vector<8xf32>
    %reduce_sum3A_331 = vector.multi_reduction <add>, %mul3A_329, %reduce_sum3A_330 [1] : vector<8x192xf32> to vector<8xf32>
    %broadcast_in_dim3A_332 = vector.shape_cast %reduce_sum3A_331 : vector<8xf32> to vector<8x1xf32>
    %add3A_333 = arith.addf %mul3A_328, %broadcast_in_dim3A_332 : vector<8x1xf32>
    %sqrt3A = math.sqrt %add3A_333 : vector<8x1xf32>
    %mul3A_334 = arith.constant 0.00298126508 : f32
    %mul3A_335 = vector.broadcast %mul3A_334 : f32 to vector<8x1xf32>
    %mul3A_336 = arith.mulf %sqrt3A, %mul3A_335 : vector<8x1xf32>
    %add3A_337 = arith.constant 9.99999993E-9 : f32
    %add3A_338 = vector.broadcast %add3A_337 : f32 to vector<8x1xf32>
    %add3A_339 = arith.addf %mul3A_336, %add3A_338 : vector<8x1xf32>
    %div3A = vector.broadcast %add3A_339 : vector<8x1xf32> to vector<8x64xf32>
    %div3A_340 = arith.divf %add3A_325, %div3A : vector<8x64xf32>
    %get3A_341 = arith.constant 0 : index
    %get3A_342 = arith.constant 0 : index
    %get3A_343 = vector.load %arg44[%get3A_341, %get3A_342] : memref<68x4xf32, #tpu.memory_space<vmem>>, vector<68x4xf32>
    %slice3A_344 = vector.extract_strided_slice %get3A_343 {offsets = [0, 0], sizes = [64, 4], strides = [1, 1]} : vector<68x4xf32> to vector<64x4xf32>
    %dot_general3A_345 = arith.constant dense<0.000000e+00> : vector<8x4xf32>
    %dot_general3A_346 = tpu.matmul %div3A_340, %slice3A_344, %dot_general3A_345 {dimension_numbers = #tpu.dot_dimension_numbers<[1], [0], [0], [1], [0, 0, 1, 1], [], []>, transpose_lhs_hint = false} : vector<8x64xf32>, vector<64x4xf32>, vector<8x4xf32> -> vector<8x4xf32>
    %slice3A_347 = vector.extract_strided_slice %get3A_1 {offsets = [0, 0], sizes = [8, 4], strides = [1, 1]} : vector<8x8xf32> to vector<8x4xf32>
    %slice3A_348 = vector.extract_strided_slice %get3A_343 {offsets = [64, 0], sizes = [4, 4], strides = [1, 1]} : vector<68x4xf32> to vector<4x4xf32>
    %dot_general3A_349 = arith.constant dense<0.000000e+00> : vector<8x4xf32>
    %dot_general3A_350 = tpu.matmul %slice3A_347, %slice3A_348, %dot_general3A_349 {dimension_numbers = #tpu.dot_dimension_numbers<[1], [0], [0], [1], [0, 0, 1, 1], [], []>, transpose_lhs_hint = false} : vector<8x4xf32>, vector<4x4xf32>, vector<8x4xf32> -> vector<8x4xf32>
    %add3A_351 = arith.addf %dot_general3A_346, %dot_general3A_350 : vector<8x4xf32>
    %get3A_352 = arith.constant 0 : index
    %get3A_353 = arith.constant 0 : index
    %get3A_354 = vector.load %arg45[%get3A_352, %get3A_353] : memref<1x4xf32, #tpu.memory_space<vmem>>, vector<1x4xf32>
    %add3A_355 = vector.broadcast %get3A_354 : vector<1x4xf32> to vector<8x4xf32>
    %add3A_356 = arith.addf %add3A_351, %add3A_355 : vector<8x4xf32>
    %swap3A = arith.constant 0 : index
    %swap3A_357 = arith.constant 0 : index
    %swap3A_358 = vector.load %arg46[%swap3A, %swap3A_357] : memref<8x4xf32, #tpu.memory_space<vmem>>, vector<8x4xf32>
    tpu.vector_store %arg46[%swap3A, %swap3A_357], %add3A_356 {strides = array<i32>} : memref<8x4xf32, #tpu.memory_space<vmem>>, vector<8x4xf32>,
    return
  }
  func.func @transform_0(%arg0: i32, %arg1: memref<5x1024xi32, #tpu.memory_space<smem>>) -> (i32, i32) {
    %c0_i32 = arith.constant 0 : i32
    %c0_i32_0 = arith.constant 0 : i32
    return %arg0, %c0_i32 : i32, i32
  }
  func.func @transform_1(%arg0: i32, %arg1: memref<5x1024xi32, #tpu.memory_space<smem>>) -> (i32, i32) {
    %c0_i32 = arith.constant 0 : i32
    %c0_i32_0 = arith.constant 0 : i32
    return %arg0, %c0_i32 : i32, i32
  }
  func.func @transform_2(%arg0: i32, %arg1: memref<5x1024xi32, #tpu.memory_space<smem>>) -> (i32, i32) {
    %c0_i32 = arith.constant 0 : i32
    %c0_i32_0 = arith.constant 0 : i32
    return %arg0, %c0_i32 : i32, i32
  }
  func.func @transform_3(%arg0: i32, %arg1: memref<5x1024xi32, #tpu.memory_space<smem>>) -> (i32, i32, i32) {
    %mul3A = arith.constant 8 : i32
    %mul3A_0 = arith.muli %arg0, %mul3A : i32
    %add3A = arith.constant 0 : i32
    %add3A_1 = arith.addi %mul3A_0, %add3A : i32
    %get3A = arith.constant 0 : index
    %get3A_2 = arith.index_cast %add3A_1 : i32 to index
    %get3A_3 = memref.load %arg1[%get3A, %get3A_2] : memref<5x1024xi32, #tpu.memory_space<smem>>
    %c0_i32 = arith.constant 0 : i32
    %c0_i32_4 = arith.constant 0 : i32
    %c0_i32_5 = arith.constant 0 : i32
    return %get3A_3, %c0_i32, %c0_i32_4 : i32, i32, i32
  }
  func.func @transform_4(%arg0: i32, %arg1: memref<5x1024xi32, #tpu.memory_space<smem>>) -> (i32, i32, i32) {
    %mul3A = arith.constant 8 : i32
    %mul3A_0 = arith.muli %arg0, %mul3A : i32
    %add3A = arith.constant 1 : i32
    %add3A_1 = arith.addi %mul3A_0, %add3A : i32
    %get3A = arith.constant 0 : index
    %get3A_2 = arith.index_cast %add3A_1 : i32 to index
    %get3A_3 = memref.load %arg1[%get3A, %get3A_2] : memref<5x1024xi32, #tpu.memory_space<smem>>
    %c0_i32 = arith.constant 0 : i32
    %c0_i32_4 = arith.constant 0 : i32
    %c0_i32_5 = arith.constant 0 : i32
    return %get3A_3, %c0_i32, %c0_i32_4 : i32, i32, i32
  }
  func.func @transform_5(%arg0: i32, %arg1: memref<5x1024xi32, #tpu.memory_space<smem>>) -> (i32, i32, i32) {
    %mul3A = arith.constant 8 : i32
    %mul3A_0 = arith.muli %arg0, %mul3A : i32
    %add3A = arith.constant 2 : i32
    %add3A_1 = arith.addi %mul3A_0, %add3A : i32
    %get3A = arith.constant 0 : index
    %get3A_2 = arith.index_cast %add3A_1 : i32 to index
    %get3A_3 = memref.load %arg1[%get3A, %get3A_2] : memref<5x1024xi32, #tpu.memory_space<smem>>
    %c0_i32 = arith.constant 0 : i32
    %c0_i32_4 = arith.constant 0 : i32
    %c0_i32_5 = arith.constant 0 : i32
    return %get3A_3, %c0_i32, %c0_i32_4 : i32, i32, i32
  }
  func.func @transform_6(%arg0: i32, %arg1: memref<5x1024xi32, #tpu.memory_space<smem>>) -> (i32, i32, i32) {
    %mul3A = arith.constant 8 : i32
    %mul3A_0 = arith.muli %arg0, %mul3A : i32
    %add3A = arith.constant 3 : i32
    %add3A_1 = arith.addi %mul3A_0, %add3A : i32
    %get3A = arith.constant 0 : index
    %get3A_2 = arith.index_cast %add3A_1 : i32 to index
    %get3A_3 = memref.load %arg1[%get3A, %get3A_2] : memref<5x1024xi32, #tpu.memory_space<smem>>
    %c0_i32 = arith.constant 0 : i32
    %c0_i32_4 = arith.constant 0 : i32
    %c0_i32_5 = arith.constant 0 : i32
    return %get3A_3, %c0_i32, %c0_i32_4 : i32, i32, i32
  }
  func.func @transform_7(%arg0: i32, %arg1: memref<5x1024xi32, #tpu.memory_space<smem>>) -> (i32, i32, i32) {
    %mul3A = arith.constant 8 : i32
    %mul3A_0 = arith.muli %arg0, %mul3A : i32
    %add3A = arith.constant 4 : i32
    %add3A_1 = arith.addi %mul3A_0, %add3A : i32
    %get3A = arith.constant 0 : index
    %get3A_2 = arith.index_cast %add3A_1 : i32 to index
    %get3A_3 = memref.load %arg1[%get3A, %get3A_2] : memref<5x1024xi32, #tpu.memory_space<smem>>
    %c0_i32 = arith.constant 0 : i32
    %c0_i32_4 = arith.constant 0 : i32
    %c0_i32_5 = arith.constant 0 : i32
    return %get3A_3, %c0_i32, %c0_i32_4 : i32, i32, i32
  }
  func.func @transform_8(%arg0: i32, %arg1: memref<5x1024xi32, #tpu.memory_space<smem>>) -> (i32, i32, i32) {
    %mul3A = arith.constant 8 : i32
    %mul3A_0 = arith.muli %arg0, %mul3A : i32
    %add3A = arith.constant 5 : i32
    %add3A_1 = arith.addi %mul3A_0, %add3A : i32
    %get3A = arith.constant 0 : index
    %get3A_2 = arith.index_cast %add3A_1 : i32 to index
    %get3A_3 = memref.load %arg1[%get3A, %get3A_2] : memref<5x1024xi32, #tpu.memory_space<smem>>
    %c0_i32 = arith.constant 0 : i32
    %c0_i32_4 = arith.constant 0 : i32
    %c0_i32_5 = arith.constant 0 : i32
    return %get3A_3, %c0_i32, %c0_i32_4 : i32, i32, i32
  }
  func.func @transform_9(%arg0: i32, %arg1: memref<5x1024xi32, #tpu.memory_space<smem>>) -> (i32, i32, i32) {
    %mul3A = arith.constant 8 : i32
    %mul3A_0 = arith.muli %arg0, %mul3A : i32
    %add3A = arith.constant 6 : i32
    %add3A_1 = arith.addi %mul3A_0, %add3A : i32
    %get3A = arith.constant 0 : index
    %get3A_2 = arith.index_cast %add3A_1 : i32 to index
    %get3A_3 = memref.load %arg1[%get3A, %get3A_2] : memref<5x1024xi32, #tpu.memory_space<smem>>
    %c0_i32 = arith.constant 0 : i32
    %c0_i32_4 = arith.constant 0 : i32
    %c0_i32_5 = arith.constant 0 : i32
    return %get3A_3, %c0_i32, %c0_i32_4 : i32, i32, i32
  }
  func.func @transform_10(%arg0: i32, %arg1: memref<5x1024xi32, #tpu.memory_space<smem>>) -> (i32, i32, i32) {
    %mul3A = arith.constant 8 : i32
    %mul3A_0 = arith.muli %arg0, %mul3A : i32
    %add3A = arith.constant 7 : i32
    %add3A_1 = arith.addi %mul3A_0, %add3A : i32
    %get3A = arith.constant 0 : index
    %get3A_2 = arith.index_cast %add3A_1 : i32 to index
    %get3A_3 = memref.load %arg1[%get3A, %get3A_2] : memref<5x1024xi32, #tpu.memory_space<smem>>
    %c0_i32 = arith.constant 0 : i32
    %c0_i32_4 = arith.constant 0 : i32
    %c0_i32_5 = arith.constant 0 : i32
    return %get3A_3, %c0_i32, %c0_i32_4 : i32, i32, i32
  }
  func.func @transform_11(%arg0: i32, %arg1: memref<5x1024xi32, #tpu.memory_space<smem>>) -> (i32, i32, i32) {
    %mul3A = arith.constant 8 : i32
    %mul3A_0 = arith.muli %arg0, %mul3A : i32
    %add3A = arith.constant 0 : i32
    %add3A_1 = arith.addi %mul3A_0, %add3A : i32
    %get3A = arith.constant 1 : index
    %get3A_2 = arith.index_cast %add3A_1 : i32 to index
    %get3A_3 = memref.load %arg1[%get3A, %get3A_2] : memref<5x1024xi32, #tpu.memory_space<smem>>
    %mul3A_4 = arith.constant 8 : i32
    %mul3A_5 = arith.muli %arg0, %mul3A_4 : i32
    %add3A_6 = arith.constant 0 : i32
    %add3A_7 = arith.addi %mul3A_5, %add3A_6 : i32
    %get3A_8 = arith.constant 2 : index
    %get3A_9 = arith.index_cast %add3A_7 : i32 to index
    %get3A_10 = memref.load %arg1[%get3A_8, %get3A_9] : memref<5x1024xi32, #tpu.memory_space<smem>>
    %c0_i32 = arith.constant 0 : i32
    %c0_i32_11 = arith.constant 0 : i32
    return %get3A_3, %get3A_10, %c0_i32 : i32, i32, i32
  }
  func.func @transform_12(%arg0: i32, %arg1: memref<5x1024xi32, #tpu.memory_space<smem>>) -> (i32, i32, i32) {
    %mul3A = arith.constant 8 : i32
    %mul3A_0 = arith.muli %arg0, %mul3A : i32
    %add3A = arith.constant 0 : i32
    %add3A_1 = arith.addi %mul3A_0, %add3A : i32
    %get3A = arith.constant 1 : index
    %get3A_2 = arith.index_cast %add3A_1 : i32 to index
    %get3A_3 = memref.load %arg1[%get3A, %get3A_2] : memref<5x1024xi32, #tpu.memory_space<smem>>
    %mul3A_4 = arith.constant 8 : i32
    %mul3A_5 = arith.muli %arg0, %mul3A_4 : i32
    %add3A_6 = arith.constant 0 : i32
    %add3A_7 = arith.addi %mul3A_5, %add3A_6 : i32
    %get3A_8 = arith.constant 3 : index
    %get3A_9 = arith.index_cast %add3A_7 : i32 to index
    %get3A_10 = memref.load %arg1[%get3A_8, %get3A_9] : memref<5x1024xi32, #tpu.memory_space<smem>>
    %c0_i32 = arith.constant 0 : i32
    %c0_i32_11 = arith.constant 0 : i32
    return %get3A_3, %get3A_10, %c0_i32 : i32, i32, i32
  }
  func.func @transform_13(%arg0: i32, %arg1: memref<5x1024xi32, #tpu.memory_space<smem>>) -> (i32, i32, i32) {
    %mul3A = arith.constant 8 : i32
    %mul3A_0 = arith.muli %arg0, %mul3A : i32
    %add3A = arith.constant 0 : i32
    %add3A_1 = arith.addi %mul3A_0, %add3A : i32
    %get3A = arith.constant 1 : index
    %get3A_2 = arith.index_cast %add3A_1 : i32 to index
    %get3A_3 = memref.load %arg1[%get3A, %get3A_2] : memref<5x1024xi32, #tpu.memory_space<smem>>
    %mul3A_4 = arith.constant 8 : i32
    %mul3A_5 = arith.muli %arg0, %mul3A_4 : i32
    %add3A_6 = arith.constant 0 : i32
    %add3A_7 = arith.addi %mul3A_5, %add3A_6 : i32
    %get3A_8 = arith.constant 4 : index
    %get3A_9 = arith.index_cast %add3A_7 : i32 to index
    %get3A_10 = memref.load %arg1[%get3A_8, %get3A_9] : memref<5x1024xi32, #tpu.memory_space<smem>>
    %c0_i32 = arith.constant 0 : i32
    %c0_i32_11 = arith.constant 0 : i32
    return %get3A_3, %get3A_10, %c0_i32 : i32, i32, i32
  }
  func.func @transform_14(%arg0: i32, %arg1: memref<5x1024xi32, #tpu.memory_space<smem>>) -> (i32, i32, i32) {
    %mul3A = arith.constant 8 : i32
    %mul3A_0 = arith.muli %arg0, %mul3A : i32
    %add3A = arith.constant 1 : i32
    %add3A_1 = arith.addi %mul3A_0, %add3A : i32
    %get3A = arith.constant 1 : index
    %get3A_2 = arith.index_cast %add3A_1 : i32 to index
    %get3A_3 = memref.load %arg1[%get3A, %get3A_2] : memref<5x1024xi32, #tpu.memory_space<smem>>
    %mul3A_4 = arith.constant 8 : i32
    %mul3A_5 = arith.muli %arg0, %mul3A_4 : i32
    %add3A_6 = arith.constant 1 : i32
    %add3A_7 = arith.addi %mul3A_5, %add3A_6 : i32
    %get3A_8 = arith.constant 2 : index
    %get3A_9 = arith.index_cast %add3A_7 : i32 to index
    %get3A_10 = memref.load %arg1[%get3A_8, %get3A_9] : memref<5x1024xi32, #tpu.memory_space<smem>>
    %c0_i32 = arith.constant 0 : i32
    %c0_i32_11 = arith.constant 0 : i32
    return %get3A_3, %get3A_10, %c0_i32 : i32, i32, i32
  }
  func.func @transform_15(%arg0: i32, %arg1: memref<5x1024xi32, #tpu.memory_space<smem>>) -> (i32, i32, i32) {
    %mul3A = arith.constant 8 : i32
    %mul3A_0 = arith.muli %arg0, %mul3A : i32
    %add3A = arith.constant 1 : i32
    %add3A_1 = arith.addi %mul3A_0, %add3A : i32
    %get3A = arith.constant 1 : index
    %get3A_2 = arith.index_cast %add3A_1 : i32 to index
    %get3A_3 = memref.load %arg1[%get3A, %get3A_2] : memref<5x1024xi32, #tpu.memory_space<smem>>
    %mul3A_4 = arith.constant 8 : i32
    %mul3A_5 = arith.muli %arg0, %mul3A_4 : i32
    %add3A_6 = arith.constant 1 : i32
    %add3A_7 = arith.addi %mul3A_5, %add3A_6 : i32
    %get3A_8 = arith.constant 3 : index
    %get3A_9 = arith.index_cast %add3A_7 : i32 to index
    %get3A_10 = memref.load %arg1[%get3A_8, %get3A_9] : memref<5x1024xi32, #tpu.memory_space<smem>>
    %c0_i32 = arith.constant 0 : i32
    %c0_i32_11 = arith.constant 0 : i32
    return %get3A_3, %get3A_10, %c0_i32 : i32, i32, i32
  }
  func.func @transform_16(%arg0: i32, %arg1: memref<5x1024xi32, #tpu.memory_space<smem>>) -> (i32, i32, i32) {
    %mul3A = arith.constant 8 : i32
    %mul3A_0 = arith.muli %arg0, %mul3A : i32
    %add3A = arith.constant 1 : i32
    %add3A_1 = arith.addi %mul3A_0, %add3A : i32
    %get3A = arith.constant 1 : index
    %get3A_2 = arith.index_cast %add3A_1 : i32 to index
    %get3A_3 = memref.load %arg1[%get3A, %get3A_2] : memref<5x1024xi32, #tpu.memory_space<smem>>
    %mul3A_4 = arith.constant 8 : i32
    %mul3A_5 = arith.muli %arg0, %mul3A_4 : i32
    %add3A_6 = arith.constant 1 : i32
    %add3A_7 = arith.addi %mul3A_5, %add3A_6 : i32
    %get3A_8 = arith.constant 4 : index
    %get3A_9 = arith.index_cast %add3A_7 : i32 to index
    %get3A_10 = memref.load %arg1[%get3A_8, %get3A_9] : memref<5x1024xi32, #tpu.memory_space<smem>>
    %c0_i32 = arith.constant 0 : i32
    %c0_i32_11 = arith.constant 0 : i32
    return %get3A_3, %get3A_10, %c0_i32 : i32, i32, i32
  }
  func.func @transform_17(%arg0: i32, %arg1: memref<5x1024xi32, #tpu.memory_space<smem>>) -> (i32, i32, i32) {
    %mul3A = arith.constant 8 : i32
    %mul3A_0 = arith.muli %arg0, %mul3A : i32
    %add3A = arith.constant 2 : i32
    %add3A_1 = arith.addi %mul3A_0, %add3A : i32
    %get3A = arith.constant 1 : index
    %get3A_2 = arith.index_cast %add3A_1 : i32 to index
    %get3A_3 = memref.load %arg1[%get3A, %get3A_2] : memref<5x1024xi32, #tpu.memory_space<smem>>
    %mul3A_4 = arith.constant 8 : i32
    %mul3A_5 = arith.muli %arg0, %mul3A_4 : i32
    %add3A_6 = arith.constant 2 : i32
    %add3A_7 = arith.addi %mul3A_5, %add3A_6 : i32
    %get3A_8 = arith.constant 2 : index
    %get3A_9 = arith.index_cast %add3A_7 : i32 to index
    %get3A_10 = memref.load %arg1[%get3A_8, %get3A_9] : memref<5x1024xi32, #tpu.memory_space<smem>>
    %c0_i32 = arith.constant 0 : i32
    %c0_i32_11 = arith.constant 0 : i32
    return %get3A_3, %get3A_10, %c0_i32 : i32, i32, i32
  }
  func.func @transform_18(%arg0: i32, %arg1: memref<5x1024xi32, #tpu.memory_space<smem>>) -> (i32, i32, i32) {
    %mul3A = arith.constant 8 : i32
    %mul3A_0 = arith.muli %arg0, %mul3A : i32
    %add3A = arith.constant 2 : i32
    %add3A_1 = arith.addi %mul3A_0, %add3A : i32
    %get3A = arith.constant 1 : index
    %get3A_2 = arith.index_cast %add3A_1 : i32 to index
    %get3A_3 = memref.load %arg1[%get3A, %get3A_2] : memref<5x1024xi32, #tpu.memory_space<smem>>
    %mul3A_4 = arith.constant 8 : i32
    %mul3A_5 = arith.muli %arg0, %mul3A_4 : i32
    %add3A_6 = arith.constant 2 : i32
    %add3A_7 = arith.addi %mul3A_5, %add3A_6 : i32
    %get3A_8 = arith.constant 3 : index
    %get3A_9 = arith.index_cast %add3A_7 : i32 to index
    %get3A_10 = memref.load %arg1[%get3A_8, %get3A_9] : memref<5x1024xi32, #tpu.memory_space<smem>>
    %c0_i32 = arith.constant 0 : i32
    %c0_i32_11 = arith.constant 0 : i32
    return %get3A_3, %get3A_10, %c0_i32 : i32, i32, i32
  }
  func.func @transform_19(%arg0: i32, %arg1: memref<5x1024xi32, #tpu.memory_space<smem>>) -> (i32, i32, i32) {
    %mul3A = arith.constant 8 : i32
    %mul3A_0 = arith.muli %arg0, %mul3A : i32
    %add3A = arith.constant 2 : i32
    %add3A_1 = arith.addi %mul3A_0, %add3A : i32
    %get3A = arith.constant 1 : index
    %get3A_2 = arith.index_cast %add3A_1 : i32 to index
    %get3A_3 = memref.load %arg1[%get3A, %get3A_2] : memref<5x1024xi32, #tpu.memory_space<smem>>
    %mul3A_4 = arith.constant 8 : i32
    %mul3A_5 = arith.muli %arg0, %mul3A_4 : i32
    %add3A_6 = arith.constant 2 : i32
    %add3A_7 = arith.addi %mul3A_5, %add3A_6 : i32
    %get3A_8 = arith.constant 4 : index
    %get3A_9 = arith.index_cast %add3A_7 : i32 to index
    %get3A_10 = memref.load %arg1[%get3A_8, %get3A_9] : memref<5x1024xi32, #tpu.memory_space<smem>>
    %c0_i32 = arith.constant 0 : i32
    %c0_i32_11 = arith.constant 0 : i32
    return %get3A_3, %get3A_10, %c0_i32 : i32, i32, i32
  }
  func.func @transform_20(%arg0: i32, %arg1: memref<5x1024xi32, #tpu.memory_space<smem>>) -> (i32, i32, i32) {
    %mul3A = arith.constant 8 : i32
    %mul3A_0 = arith.muli %arg0, %mul3A : i32
    %add3A = arith.constant 3 : i32
    %add3A_1 = arith.addi %mul3A_0, %add3A : i32
    %get3A = arith.constant 1 : index
    %get3A_2 = arith.index_cast %add3A_1 : i32 to index
    %get3A_3 = memref.load %arg1[%get3A, %get3A_2] : memref<5x1024xi32, #tpu.memory_space<smem>>
    %mul3A_4 = arith.constant 8 : i32
    %mul3A_5 = arith.muli %arg0, %mul3A_4 : i32
    %add3A_6 = arith.constant 3 : i32
    %add3A_7 = arith.addi %mul3A_5, %add3A_6 : i32
    %get3A_8 = arith.constant 2 : index
    %get3A_9 = arith.index_cast %add3A_7 : i32 to index
    %get3A_10 = memref.load %arg1[%get3A_8, %get3A_9] : memref<5x1024xi32, #tpu.memory_space<smem>>
    %c0_i32 = arith.constant 0 : i32
    %c0_i32_11 = arith.constant 0 : i32
    return %get3A_3, %get3A_10, %c0_i32 : i32, i32, i32
  }
  func.func @transform_21(%arg0: i32, %arg1: memref<5x1024xi32, #tpu.memory_space<smem>>) -> (i32, i32, i32) {
    %mul3A = arith.constant 8 : i32
    %mul3A_0 = arith.muli %arg0, %mul3A : i32
    %add3A = arith.constant 3 : i32
    %add3A_1 = arith.addi %mul3A_0, %add3A : i32
    %get3A = arith.constant 1 : index
    %get3A_2 = arith.index_cast %add3A_1 : i32 to index
    %get3A_3 = memref.load %arg1[%get3A, %get3A_2] : memref<5x1024xi32, #tpu.memory_space<smem>>
    %mul3A_4 = arith.constant 8 : i32
    %mul3A_5 = arith.muli %arg0, %mul3A_4 : i32
    %add3A_6 = arith.constant 3 : i32
    %add3A_7 = arith.addi %mul3A_5, %add3A_6 : i32
    %get3A_8 = arith.constant 3 : index
    %get3A_9 = arith.index_cast %add3A_7 : i32 to index
    %get3A_10 = memref.load %arg1[%get3A_8, %get3A_9] : memref<5x1024xi32, #tpu.memory_space<smem>>
    %c0_i32 = arith.constant 0 : i32
    %c0_i32_11 = arith.constant 0 : i32
    return %get3A_3, %get3A_10, %c0_i32 : i32, i32, i32
  }
  func.func @transform_22(%arg0: i32, %arg1: memref<5x1024xi32, #tpu.memory_space<smem>>) -> (i32, i32, i32) {
    %mul3A = arith.constant 8 : i32
    %mul3A_0 = arith.muli %arg0, %mul3A : i32
    %add3A = arith.constant 3 : i32
    %add3A_1 = arith.addi %mul3A_0, %add3A : i32
    %get3A = arith.constant 1 : index
    %get3A_2 = arith.index_cast %add3A_1 : i32 to index
    %get3A_3 = memref.load %arg1[%get3A, %get3A_2] : memref<5x1024xi32, #tpu.memory_space<smem>>
    %mul3A_4 = arith.constant 8 : i32
    %mul3A_5 = arith.muli %arg0, %mul3A_4 : i32
    %add3A_6 = arith.constant 3 : i32
    %add3A_7 = arith.addi %mul3A_5, %add3A_6 : i32
    %get3A_8 = arith.constant 4 : index
    %get3A_9 = arith.index_cast %add3A_7 : i32 to index
    %get3A_10 = memref.load %arg1[%get3A_8, %get3A_9] : memref<5x1024xi32, #tpu.memory_space<smem>>
    %c0_i32 = arith.constant 0 : i32
    %c0_i32_11 = arith.constant 0 : i32
    return %get3A_3, %get3A_10, %c0_i32 : i32, i32, i32
  }
  func.func @transform_23(%arg0: i32, %arg1: memref<5x1024xi32, #tpu.memory_space<smem>>) -> (i32, i32, i32) {
    %mul3A = arith.constant 8 : i32
    %mul3A_0 = arith.muli %arg0, %mul3A : i32
    %add3A = arith.constant 4 : i32
    %add3A_1 = arith.addi %mul3A_0, %add3A : i32
    %get3A = arith.constant 1 : index
    %get3A_2 = arith.index_cast %add3A_1 : i32 to index
    %get3A_3 = memref.load %arg1[%get3A, %get3A_2] : memref<5x1024xi32, #tpu.memory_space<smem>>
    %mul3A_4 = arith.constant 8 : i32
    %mul3A_5 = arith.muli %arg0, %mul3A_4 : i32
    %add3A_6 = arith.constant 4 : i32
    %add3A_7 = arith.addi %mul3A_5, %add3A_6 : i32
    %get3A_8 = arith.constant 2 : index
    %get3A_9 = arith.index_cast %add3A_7 : i32 to index
    %get3A_10 = memref.load %arg1[%get3A_8, %get3A_9] : memref<5x1024xi32, #tpu.memory_space<smem>>
    %c0_i32 = arith.constant 0 : i32
    %c0_i32_11 = arith.constant 0 : i32
    return %get3A_3, %get3A_10, %c0_i32 : i32, i32, i32
  }
  func.func @transform_24(%arg0: i32, %arg1: memref<5x1024xi32, #tpu.memory_space<smem>>) -> (i32, i32, i32) {
    %mul3A = arith.constant 8 : i32
    %mul3A_0 = arith.muli %arg0, %mul3A : i32
    %add3A = arith.constant 4 : i32
    %add3A_1 = arith.addi %mul3A_0, %add3A : i32
    %get3A = arith.constant 1 : index
    %get3A_2 = arith.index_cast %add3A_1 : i32 to index
    %get3A_3 = memref.load %arg1[%get3A, %get3A_2] : memref<5x1024xi32, #tpu.memory_space<smem>>
    %mul3A_4 = arith.constant 8 : i32
    %mul3A_5 = arith.muli %arg0, %mul3A_4 : i32
    %add3A_6 = arith.constant 4 : i32
    %add3A_7 = arith.addi %mul3A_5, %add3A_6 : i32
    %get3A_8 = arith.constant 3 : index
    %get3A_9 = arith.index_cast %add3A_7 : i32 to index
    %get3A_10 = memref.load %arg1[%get3A_8, %get3A_9] : memref<5x1024xi32, #tpu.memory_space<smem>>
    %c0_i32 = arith.constant 0 : i32
    %c0_i32_11 = arith.constant 0 : i32
    return %get3A_3, %get3A_10, %c0_i32 : i32, i32, i32
  }
  func.func @transform_25(%arg0: i32, %arg1: memref<5x1024xi32, #tpu.memory_space<smem>>) -> (i32, i32, i32) {
    %mul3A = arith.constant 8 : i32
    %mul3A_0 = arith.muli %arg0, %mul3A : i32
    %add3A = arith.constant 4 : i32
    %add3A_1 = arith.addi %mul3A_0, %add3A : i32
    %get3A = arith.constant 1 : index
    %get3A_2 = arith.index_cast %add3A_1 : i32 to index
    %get3A_3 = memref.load %arg1[%get3A, %get3A_2] : memref<5x1024xi32, #tpu.memory_space<smem>>
    %mul3A_4 = arith.constant 8 : i32
    %mul3A_5 = arith.muli %arg0, %mul3A_4 : i32
    %add3A_6 = arith.constant 4 : i32
    %add3A_7 = arith.addi %mul3A_5, %add3A_6 : i32
    %get3A_8 = arith.constant 4 : index
    %get3A_9 = arith.index_cast %add3A_7 : i32 to index
    %get3A_10 = memref.load %arg1[%get3A_8, %get3A_9] : memref<5x1024xi32, #tpu.memory_space<smem>>
    %c0_i32 = arith.constant 0 : i32
    %c0_i32_11 = arith.constant 0 : i32
    return %get3A_3, %get3A_10, %c0_i32 : i32, i32, i32
  }
  func.func @transform_26(%arg0: i32, %arg1: memref<5x1024xi32, #tpu.memory_space<smem>>) -> (i32, i32, i32) {
    %mul3A = arith.constant 8 : i32
    %mul3A_0 = arith.muli %arg0, %mul3A : i32
    %add3A = arith.constant 5 : i32
    %add3A_1 = arith.addi %mul3A_0, %add3A : i32
    %get3A = arith.constant 1 : index
    %get3A_2 = arith.index_cast %add3A_1 : i32 to index
    %get3A_3 = memref.load %arg1[%get3A, %get3A_2] : memref<5x1024xi32, #tpu.memory_space<smem>>
    %mul3A_4 = arith.constant 8 : i32
    %mul3A_5 = arith.muli %arg0, %mul3A_4 : i32
    %add3A_6 = arith.constant 5 : i32
    %add3A_7 = arith.addi %mul3A_5, %add3A_6 : i32
    %get3A_8 = arith.constant 2 : index
    %get3A_9 = arith.index_cast %add3A_7 : i32 to index
    %get3A_10 = memref.load %arg1[%get3A_8, %get3A_9] : memref<5x1024xi32, #tpu.memory_space<smem>>
    %c0_i32 = arith.constant 0 : i32
    %c0_i32_11 = arith.constant 0 : i32
    return %get3A_3, %get3A_10, %c0_i32 : i32, i32, i32
  }
  func.func @transform_27(%arg0: i32, %arg1: memref<5x1024xi32, #tpu.memory_space<smem>>) -> (i32, i32, i32) {
    %mul3A = arith.constant 8 : i32
    %mul3A_0 = arith.muli %arg0, %mul3A : i32
    %add3A = arith.constant 5 : i32
    %add3A_1 = arith.addi %mul3A_0, %add3A : i32
    %get3A = arith.constant 1 : index
    %get3A_2 = arith.index_cast %add3A_1 : i32 to index
    %get3A_3 = memref.load %arg1[%get3A, %get3A_2] : memref<5x1024xi32, #tpu.memory_space<smem>>
    %mul3A_4 = arith.constant 8 : i32
    %mul3A_5 = arith.muli %arg0, %mul3A_4 : i32
    %add3A_6 = arith.constant 5 : i32
    %add3A_7 = arith.addi %mul3A_5, %add3A_6 : i32
    %get3A_8 = arith.constant 3 : index
    %get3A_9 = arith.index_cast %add3A_7 : i32 to index
    %get3A_10 = memref.load %arg1[%get3A_8, %get3A_9] : memref<5x1024xi32, #tpu.memory_space<smem>>
    %c0_i32 = arith.constant 0 : i32
    %c0_i32_11 = arith.constant 0 : i32
    return %get3A_3, %get3A_10, %c0_i32 : i32, i32, i32
  }
  func.func @transform_28(%arg0: i32, %arg1: memref<5x1024xi32, #tpu.memory_space<smem>>) -> (i32, i32, i32) {
    %mul3A = arith.constant 8 : i32
    %mul3A_0 = arith.muli %arg0, %mul3A : i32
    %add3A = arith.constant 5 : i32
    %add3A_1 = arith.addi %mul3A_0, %add3A : i32
    %get3A = arith.constant 1 : index
    %get3A_2 = arith.index_cast %add3A_1 : i32 to index
    %get3A_3 = memref.load %arg1[%get3A, %get3A_2] : memref<5x1024xi32, #tpu.memory_space<smem>>
    %mul3A_4 = arith.constant 8 : i32
    %mul3A_5 = arith.muli %arg0, %mul3A_4 : i32
    %add3A_6 = arith.constant 5 : i32
    %add3A_7 = arith.addi %mul3A_5, %add3A_6 : i32
    %get3A_8 = arith.constant 4 : index
    %get3A_9 = arith.index_cast %add3A_7 : i32 to index
    %get3A_10 = memref.load %arg1[%get3A_8, %get3A_9] : memref<5x1024xi32, #tpu.memory_space<smem>>
    %c0_i32 = arith.constant 0 : i32
    %c0_i32_11 = arith.constant 0 : i32
    return %get3A_3, %get3A_10, %c0_i32 : i32, i32, i32
  }
  func.func @transform_29(%arg0: i32, %arg1: memref<5x1024xi32, #tpu.memory_space<smem>>) -> (i32, i32, i32) {
    %mul3A = arith.constant 8 : i32
    %mul3A_0 = arith.muli %arg0, %mul3A : i32
    %add3A = arith.constant 6 : i32
    %add3A_1 = arith.addi %mul3A_0, %add3A : i32
    %get3A = arith.constant 1 : index
    %get3A_2 = arith.index_cast %add3A_1 : i32 to index
    %get3A_3 = memref.load %arg1[%get3A, %get3A_2] : memref<5x1024xi32, #tpu.memory_space<smem>>
    %mul3A_4 = arith.constant 8 : i32
    %mul3A_5 = arith.muli %arg0, %mul3A_4 : i32
    %add3A_6 = arith.constant 6 : i32
    %add3A_7 = arith.addi %mul3A_5, %add3A_6 : i32
    %get3A_8 = arith.constant 2 : index
    %get3A_9 = arith.index_cast %add3A_7 : i32 to index
    %get3A_10 = memref.load %arg1[%get3A_8, %get3A_9] : memref<5x1024xi32, #tpu.memory_space<smem>>
    %c0_i32 = arith.constant 0 : i32
    %c0_i32_11 = arith.constant 0 : i32
    return %get3A_3, %get3A_10, %c0_i32 : i32, i32, i32
  }
  func.func @transform_30(%arg0: i32, %arg1: memref<5x1024xi32, #tpu.memory_space<smem>>) -> (i32, i32, i32) {
    %mul3A = arith.constant 8 : i32
    %mul3A_0 = arith.muli %arg0, %mul3A : i32
    %add3A = arith.constant 6 : i32
    %add3A_1 = arith.addi %mul3A_0, %add3A : i32
    %get3A = arith.constant 1 : index
    %get3A_2 = arith.index_cast %add3A_1 : i32 to index
    %get3A_3 = memref.load %arg1[%get3A, %get3A_2] : memref<5x1024xi32, #tpu.memory_space<smem>>
    %mul3A_4 = arith.constant 8 : i32
    %mul3A_5 = arith.muli %arg0, %mul3A_4 : i32
    %add3A_6 = arith.constant 6 : i32
    %add3A_7 = arith.addi %mul3A_5, %add3A_6 : i32
    %get3A_8 = arith.constant 3 : index
    %get3A_9 = arith.index_cast %add3A_7 : i32 to index
    %get3A_10 = memref.load %arg1[%get3A_8, %get3A_9] : memref<5x1024xi32, #tpu.memory_space<smem>>
    %c0_i32 = arith.constant 0 : i32
    %c0_i32_11 = arith.constant 0 : i32
    return %get3A_3, %get3A_10, %c0_i32 : i32, i32, i32
  }
  func.func @transform_31(%arg0: i32, %arg1: memref<5x1024xi32, #tpu.memory_space<smem>>) -> (i32, i32, i32) {
    %mul3A = arith.constant 8 : i32
    %mul3A_0 = arith.muli %arg0, %mul3A : i32
    %add3A = arith.constant 6 : i32
    %add3A_1 = arith.addi %mul3A_0, %add3A : i32
    %get3A = arith.constant 1 : index
    %get3A_2 = arith.index_cast %add3A_1 : i32 to index
    %get3A_3 = memref.load %arg1[%get3A, %get3A_2] : memref<5x1024xi32, #tpu.memory_space<smem>>
    %mul3A_4 = arith.constant 8 : i32
    %mul3A_5 = arith.muli %arg0, %mul3A_4 : i32
    %add3A_6 = arith.constant 6 : i32
    %add3A_7 = arith.addi %mul3A_5, %add3A_6 : i32
    %get3A_8 = arith.constant 4 : index
    %get3A_9 = arith.index_cast %add3A_7 : i32 to index
    %get3A_10 = memref.load %arg1[%get3A_8, %get3A_9] : memref<5x1024xi32, #tpu.memory_space<smem>>
    %c0_i32 = arith.constant 0 : i32
    %c0_i32_11 = arith.constant 0 : i32
    return %get3A_3, %get3A_10, %c0_i32 : i32, i32, i32
  }
  func.func @transform_32(%arg0: i32, %arg1: memref<5x1024xi32, #tpu.memory_space<smem>>) -> (i32, i32, i32) {
    %mul3A = arith.constant 8 : i32
    %mul3A_0 = arith.muli %arg0, %mul3A : i32
    %add3A = arith.constant 7 : i32
    %add3A_1 = arith.addi %mul3A_0, %add3A : i32
    %get3A = arith.constant 1 : index
    %get3A_2 = arith.index_cast %add3A_1 : i32 to index
    %get3A_3 = memref.load %arg1[%get3A, %get3A_2] : memref<5x1024xi32, #tpu.memory_space<smem>>
    %mul3A_4 = arith.constant 8 : i32
    %mul3A_5 = arith.muli %arg0, %mul3A_4 : i32
    %add3A_6 = arith.constant 7 : i32
    %add3A_7 = arith.addi %mul3A_5, %add3A_6 : i32
    %get3A_8 = arith.constant 2 : index
    %get3A_9 = arith.index_cast %add3A_7 : i32 to index
    %get3A_10 = memref.load %arg1[%get3A_8, %get3A_9] : memref<5x1024xi32, #tpu.memory_space<smem>>
    %c0_i32 = arith.constant 0 : i32
    %c0_i32_11 = arith.constant 0 : i32
    return %get3A_3, %get3A_10, %c0_i32 : i32, i32, i32
  }
  func.func @transform_33(%arg0: i32, %arg1: memref<5x1024xi32, #tpu.memory_space<smem>>) -> (i32, i32, i32) {
    %mul3A = arith.constant 8 : i32
    %mul3A_0 = arith.muli %arg0, %mul3A : i32
    %add3A = arith.constant 7 : i32
    %add3A_1 = arith.addi %mul3A_0, %add3A : i32
    %get3A = arith.constant 1 : index
    %get3A_2 = arith.index_cast %add3A_1 : i32 to index
    %get3A_3 = memref.load %arg1[%get3A, %get3A_2] : memref<5x1024xi32, #tpu.memory_space<smem>>
    %mul3A_4 = arith.constant 8 : i32
    %mul3A_5 = arith.muli %arg0, %mul3A_4 : i32
    %add3A_6 = arith.constant 7 : i32
    %add3A_7 = arith.addi %mul3A_5, %add3A_6 : i32
    %get3A_8 = arith.constant 3 : index
    %get3A_9 = arith.index_cast %add3A_7 : i32 to index
    %get3A_10 = memref.load %arg1[%get3A_8, %get3A_9] : memref<5x1024xi32, #tpu.memory_space<smem>>
    %c0_i32 = arith.constant 0 : i32
    %c0_i32_11 = arith.constant 0 : i32
    return %get3A_3, %get3A_10, %c0_i32 : i32, i32, i32
  }
  func.func @transform_34(%arg0: i32, %arg1: memref<5x1024xi32, #tpu.memory_space<smem>>) -> (i32, i32, i32) {
    %mul3A = arith.constant 8 : i32
    %mul3A_0 = arith.muli %arg0, %mul3A : i32
    %add3A = arith.constant 7 : i32
    %add3A_1 = arith.addi %mul3A_0, %add3A : i32
    %get3A = arith.constant 1 : index
    %get3A_2 = arith.index_cast %add3A_1 : i32 to index
    %get3A_3 = memref.load %arg1[%get3A, %get3A_2] : memref<5x1024xi32, #tpu.memory_space<smem>>
    %mul3A_4 = arith.constant 8 : i32
    %mul3A_5 = arith.muli %arg0, %mul3A_4 : i32
    %add3A_6 = arith.constant 7 : i32
    %add3A_7 = arith.addi %mul3A_5, %add3A_6 : i32
    %get3A_8 = arith.constant 4 : index
    %get3A_9 = arith.index_cast %add3A_7 : i32 to index
    %get3A_10 = memref.load %arg1[%get3A_8, %get3A_9] : memref<5x1024xi32, #tpu.memory_space<smem>>
    %c0_i32 = arith.constant 0 : i32
    %c0_i32_11 = arith.constant 0 : i32
    return %get3A_3, %get3A_10, %c0_i32 : i32, i32, i32
  }
  func.func @transform_35(%arg0: i32, %arg1: memref<5x1024xi32, #tpu.memory_space<smem>>) -> (i32, i32) {
    %c0_i32 = arith.constant 0 : i32
    %c0_i32_0 = arith.constant 0 : i32
    %c0_i32_1 = arith.constant 0 : i32
    return %c0_i32, %c0_i32_0 : i32, i32
  }
  func.func @transform_36(%arg0: i32, %arg1: memref<5x1024xi32, #tpu.memory_space<smem>>) -> (i32, i32) {
    %c0_i32 = arith.constant 0 : i32
    %c0_i32_0 = arith.constant 0 : i32
    %c0_i32_1 = arith.constant 0 : i32
    return %c0_i32, %c0_i32_0 : i32, i32
  }
  func.func @transform_37(%arg0: i32, %arg1: memref<5x1024xi32, #tpu.memory_space<smem>>) -> (i32, i32) {
    %c0_i32 = arith.constant 0 : i32
    %c0_i32_0 = arith.constant 0 : i32
    %c0_i32_1 = arith.constant 0 : i32
    return %c0_i32, %c0_i32_0 : i32, i32
  }
  func.func @transform_38(%arg0: i32, %arg1: memref<5x1024xi32, #tpu.memory_space<smem>>) -> (i32, i32) {
    %c0_i32 = arith.constant 0 : i32
    %c0_i32_0 = arith.constant 0 : i32
    %c0_i32_1 = arith.constant 0 : i32
    return %c0_i32, %c0_i32_0 : i32, i32
  }
  func.func @transform_39(%arg0: i32, %arg1: memref<5x1024xi32, #tpu.memory_space<smem>>) -> (i32, i32) {
    %c0_i32 = arith.constant 0 : i32
    %c0_i32_0 = arith.constant 0 : i32
    %c0_i32_1 = arith.constant 0 : i32
    return %c0_i32, %c0_i32_0 : i32, i32
  }
  func.func @transform_40(%arg0: i32, %arg1: memref<5x1024xi32, #tpu.memory_space<smem>>) -> (i32, i32) {
    %c0_i32 = arith.constant 0 : i32
    %c0_i32_0 = arith.constant 0 : i32
    %c0_i32_1 = arith.constant 0 : i32
    return %c0_i32, %c0_i32_0 : i32, i32
  }
  func.func @transform_41(%arg0: i32, %arg1: memref<5x1024xi32, #tpu.memory_space<smem>>) -> (i32, i32) {
    %c0_i32 = arith.constant 0 : i32
    %c0_i32_0 = arith.constant 0 : i32
    return %arg0, %c0_i32 : i32, i32
  }
  func.func @transform_42(%arg0: i32, %arg1: memref<5x1024xi32, #tpu.memory_space<smem>>) -> (i32, i32) {
    %c0_i32 = arith.constant 0 : i32
    %c0_i32_0 = arith.constant 0 : i32
    %c0_i32_1 = arith.constant 0 : i32
    return %c0_i32, %c0_i32_0 : i32, i32
  }
  func.func @transform_43(%arg0: i32, %arg1: memref<5x1024xi32, #tpu.memory_space<smem>>) -> (i32, i32) {
    %c0_i32 = arith.constant 0 : i32
    %c0_i32_0 = arith.constant 0 : i32
    %c0_i32_1 = arith.constant 0 : i32
    return %c0_i32, %c0_i32_0 : i32, i32
  }
  func.func @transform_44(%arg0: i32, %arg1: memref<5x1024xi32, #tpu.memory_space<smem>>) -> (i32, i32) {
    %c0_i32 = arith.constant 0 : i32
    %c0_i32_0 = arith.constant 0 : i32
    return %arg0, %c0_i32 : i32, i32
  }
}

</mosaic_0001>

<sc_bundles>
// kernel: kernel.8.cloned.1.call-start
scs
__scs_entry_jumppad:
0x0: {  	(pc) =	sbr.rel $0x88, $3  }
0x1: {  	(tag) =	ssettag $0x0;
	lr =	simm.s32 $0x1  }
0x2: {  	[smem:$0x3F95] =	sst lr;
	_ =	strace $0xD0000000  }
0x3: {  	_ = 	snop  }
0x4: {  	_ = 	snop  }
0x5: {  	_ = 	snop  }
0x6: {  	_ = 	snop  }
0x7: {  	_ = 	snop  }
__scs_overlays_trampoline_lowered:
0x8: {  	[smem:$0x3FA4] =	sst s0  }
0x9: {  	[smem:$0x3FA5] =	sst s1  }
0xa: {  	[smem:$0x3FA6] =	sst s2  }
0xb: {  	[smem:$0x3FA7] =	sst s3  }
0xc: {  	[smem:$0x3FA8] =	sst s4  }
0xd: {  	[smem:$0x3FA9] =	sst s5  }
0xe: {  	[smem:$0x3FAA] =	sst s6  }
0xf: {  	[smem:$0x3FAB] =	sst s7  }
0x10: {  	[smem:$0x3FAC] =	sst s8  }
0x11: {  	[smem:$0x3FAD] =	sst s9;
	s0 =	simm.s32 @!p0 $0x0  }
0x12: {  	s1 =	sld [smem:$0x3F93];
	s0 =	simm.s32 @p0 $0x1  }
0x13: {  	[smem:$0x3FAE] =	sst s0;
	s0 =	simm.s32 @!p1 $0x0  }
0x14: {  	s2 =	sld [smem:$0x3F92];
	s0 =	simm.s32 @p1 $0x1  }
0x15: {  	[smem:$0x3FAF] =	sst s0;
	s0 =	simm.s32 @!p2 $0x0  }
0x16: {  	s3 =	sld [smem:$0x3FDB];
	s0 =	simm.s32 @p2 $0x1  }
0x17: {  	s4 =	simm.s32 $0x1BF5;
	[smem:$0x3FB1] =	sst s0  }
0x18: {  	s0 =	sld [smem:$0x3F94];
	_ =	swait.ge [sflag:s4], $0x0  }
0x19: {  	s7 =	sld [smem:$0x3F95]  }
0x1a: {  	s8 =	sadd.s32 $0xFFFFE003, lr  }
0x1b: {  	s9 =	sadd.s32 $0xFFFFFEF7, lr;
	s5 =	simm.s32 $0xFFFFFFFF;
	p2 =	slt.u32 s8, $0xFFFFF086  }
0x1c: {  	p1 =	slt.u32 s9, $0xF7A;
	s5 =	simm.s32 @!p2 $0x0  }
0x1d: {  	s5 =	simm.s32 @p1 $0x1;
	p0 =	seq.s32 s7, s2  }
0x1e: {  	s7 =	smul.u32 @!p0 $0xF7A, s2;
	p2 =	seq.s32 @!p0 s5, $0x0  }
0x1f: {  	s9 =	smul.u32 $0xF7A, s1;
	s8 =	simm.s32 @!p0 $0x1BF5;
	p2 =	por !p2, p0  }
0x20: {  	[sflag:s8] =	ssyncset.s32 @!p0 $0xFFFFF086;
	s6 =	sadd.s32 @!p0 s3, s7;
	s7 =	simm.s32 @!p0 $0x108  }
0x21: {  	s3 =	sadd.s32 s3, s9;
	s6 =	sadd.s32 @!p0 $0x88, s6;
	s7 =	simm.s32 @p2 $0x1082  }
0x22: {  	[simem:s7], [sflag:s8] =	dma.local @!p0 [hbm:s6], $0xF7A  }
0x23: {  	s9 =	sor.u32 $0xD0000000, s2;
	s6 =	simm.s32 $0x108;
	_ =	swait.ge @!p0 [sflag:s8], $0x0  }
0x24: {  	s3 =	sadd.s32 $0x88, s3;
	s6 =	simm.s32 @!p1 $0x1082;
	[sflag:s4] =	ssyncset.s32 $0xFFFFF086  }
0x25: {  	[simem:s6], [sflag:s4] =	dma.local [hbm:s3], $0xF7A  }
0x26: {  	[smem:$0x3F95] =	sst s1;
	(tag) =	ssettag s2;
	_ =	strace s9  }
0x27: {  	s1 =	sld [smem:$0x3FA5]  }
0x28: {  	s2 =	sld [smem:$0x3FA6]  }
0x29: {  	s4 =	sld [smem:$0x3FA8]  }
0x2a: {  	p0 =	seq.s32 s5, $0x0;
	s5 =	sld [smem:$0x3FA9]  }
0x2b: {  	s6 =	sld [smem:$0x3FAA]  }
0x2c: {  	s7 =	sld [smem:$0x3FAB]  }
0x2d: {  	s3 =	simm.s32 $0x108;
	s8 =	sld [smem:$0x3FAC]  }
0x2e: {  	s3 =	simm.s32 @!p0 $0x1082;
	s9 =	sld [smem:$0x3FAD]  }
0x2f: {  	lr =	sadd.s32 s0, s3;
	s0 =	sld [smem:$0x3FA4]  }
0x30: {  	s3 =	sld [smem:$0x3FA7]  }
0x31: {  	[smem:$0x3FB0] =	sst s10  }
0x32: {  	s10 =	sld [smem:$0x3FAE];
	_ =	sdelay $0x3  }
0x33: {  	p0 =	seq.s32 s10, $0x1;
	s10 =	sld [smem:$0x3FB0];
	_ =	sdelay $0x3  }
0x34: {  	[smem:$0x3FB0] =	sst s10  }
0x35: {  	s10 =	sld [smem:$0x3FAF];
	_ =	sdelay $0x3  }
0x36: {  	p1 =	seq.s32 s10, $0x1;
	s10 =	sld [smem:$0x3FB0];
	_ =	sdelay $0x3  }
0x37: {  	[smem:$0x3FB0] =	sst s10  }
0x38: {  	s10 =	sld [smem:$0x3FB1]  }
0x39: {  	_ = 	snop;
	(pc) =	sbr.ind lr, $3  }
0x3a: {  	_ = 	snop  }
0x3b: {  	_ = 	snop  }
0x3c: {  	p2 =	seq.s32 s10, $0x1;
	s10 =	sld [smem:$0x3FB0]  }
0x3d: {  	_ =	shalt  }
0x3e: {  	_ =	shalt  }
0x3f: {  	_ =	shalt  }
0x40: {  	_ =	shalt  }
0x41: {  	_ =	shalt  }
0x42: {  	_ =	shalt  }
0x43: {  	_ =	shalt  }
0x44: {  	_ =	shalt  }
0x45: {  	_ =	shalt  }
0x46: {  	_ =	shalt  }
0x47: {  	_ =	shalt  }
0x48: {  	_ =	shalt  }
0x49: {  	_ =	shalt  }
0x4a: {  	_ =	shalt  }
0x4b: {  	_ =	shalt  }
0x4c: {  	_ =	shalt  }
0x4d: {  	_ =	shalt  }
0x4e: {  	_ =	shalt  }
0x4f: {  	_ =	shalt  }
0x50: {  	_ =	shalt  }
0x51: {  	_ =	shalt  }
0x52: {  	_ =	shalt  }
0x53: {  	_ =	shalt  }
0x54: {  	_ =	shalt  }
0x55: {  	_ =	shalt  }
0x56: {  	_ =	shalt  }
0x57: {  	_ =	shalt  }
0x58: {  	_ =	shalt  }
0x59: {  	_ =	shalt  }
0x5a: {  	_ =	shalt  }
0x5b: {  	_ =	shalt  }
0x5c: {  	_ =	shalt  }
0x5d: {  	_ =	shalt  }
0x5e: {  	_ =	shalt  }
0x5f: {  	_ =	shalt  }
0x60: {  	_ =	shalt  }
0x61: {  	_ =	shalt  }
0x62: {  	_ =	shalt  }
0x63: {  	_ =	shalt  }
0x64: {  	_ =	shalt  }
0x65: {  	_ =	shalt  }
0x66: {  	_ =	shalt  }
0x67: {  	_ =	shalt  }
0x68: {  	_ =	shalt  }
0x69: {  	_ =	shalt  }
0x6a: {  	_ =	shalt  }
0x6b: {  	_ =	shalt  }
0x6c: {  	_ =	shalt  }
0x6d: {  	_ =	shalt  }
0x6e: {  	_ =	shalt  }
0x6f: {  	_ =	shalt  }
0x70: {  	_ =	shalt  }
0x71: {  	_ =	shalt  }
0x72: {  	_ =	shalt  }
0x73: {  	_ =	shalt  }
0x74: {  	_ =	shalt  }
0x75: {  	_ =	shalt  }
0x76: {  	_ =	shalt  }
0x77: {  	_ =	shalt  }
0x78: {  	_ =	shalt  }
0x79: {  	_ =	shalt  }
0x7a: {  	_ =	shalt  }
0x7b: {  	_ =	shalt  }
0x7c: {  	_ =	shalt  }
0x7d: {  	_ =	shalt  }
0x7e: {  	_ =	shalt  }
0x7f: {  	_ =	shalt  }
0x80: {  	_ =	shalt  }
0x81: {  	_ =	shalt  }
0x82: {  	_ =	shalt  }
0x83: {  	_ =	shalt  }
0x84: {  	_ =	shalt  }
0x85: {  	_ =	shalt  }
0x86: {  	_ =	shalt  }
0x87: {  	_ =	shalt  }
.Lfunc_end0:
.L_simem_size_0:
called_computation_lowered:
.L_overlay_start_0:
0x88: {  	s2 =	sld [smem:$0x3FD9]  }
0x89: {  	s3 =	sld [smem:$0x3FFE];
	_ =	sdelay $0x1  }
0x8a: {  	s1 =	srdreg.scid  }
0x8b: {  	s0 =	sand.u32 $0x1, s1  }
0x8c: {  	s17 =	sshll.u32 s0, $0xA;
	s2 =	sadd.s32 s3, s2  }
0x8d: {  	s2 =	sadd.s32 s2, s17  }
0x8e: {  	[smem:$0x3FBC] =	sst s2  }
0x8f: {  	_ = 	snop  }
0x90: {  	s2 =	sld [smem:$0x3FC5]  }
0x91: {  	s18 =	sld [smem:$0x3FC4]  }
0x92: {  	s4 =	sld [smem:$0x3FC3];
	(tm) =	ssettm $0x1  }
0x93: {  	s5 =	sld [smem:$0x3FFB];
	_ =	sdelay $0x3  }
0x94: {  	_ =	strace s5  }
0x95: {  	s5 =	sld [smem:$0x3FFC];
	_ =	sdelay $0x3  }
0x96: {  	_ =	strace s5  }
0x97: {  	s5 =	sld [smem:$0x3FFD];
	_ =	sdelay $0x3  }
0x98: {  	_ =	strace s5  }
0x99: {  	_ =	strace $0x8FFFFFFF  }
0x9a: {  	s19 =	sld [smem:$0x3FDB];
	_ =	sdelay $0x1  }
0x9b: {  	s6 =	simm.s32 $_scs_section_size  }
0x9c: {  	s7 =	simm.s32 $_size__tile_overlayer_lowered;
	s8 =	simm.s32 $_tile_overlayer_lowered  }
0x9d: {  	s22 =	simm.s32 $0x1BFF;
	s21 =	sshll.u32 s8, $0x1;
	s5 =	sadd.s32 s6, s19  }
0x9e: {  	s9 =	simm.s32 $0x0;
	s20 =	sshll.u32 s7, $0x1;
	s7 =	sadd.s32 s21, s5  }
0x9f: {  	[timem:s9], [sflag:s22] =	dma.local [hbm:s7], s20  }
0xa0: {  	_ =	swait.ge [sflag:s22], s20  }
0xa1: {  	s6 =	ssub.s32 $0x0, s20;
	[sflag:s22] =	ssyncset.done $0x0  }
0xa2: {  	[sflag:s22] =	ssyncadd.s32 s6;
	_ =	sdelay $0x1  }
0xa3: {  	s23 =	simm.s32 $0x1B8B  }
0xa4: {  	_ =	swait.ge [sflag:s23], $0x1  }
0xa5: {  	[sflag:s23] =	ssyncset.done $0x0  }
0xa6: {  	s25 =	simm.s32 $0x1B8E;
	s24 =	sld [smem:$0x3FFE];
	[sflag:s23] =	ssyncadd.s32 $0xFFFFFFFF  }
0xa7: {  	s26 =	simm.s32 $execute0_lowered;
	[smem:$0x3FD2] =	sst s25  }
0xa8: {  	s7 =	sshll.u32 s26, $0x1;
	_ =	strace $0x80000046;
	[dreg:$0x1] =	wrdreg $0xFFFFFFFF  }
0xa9: {  	s28 =	simm.s32 $_size_execute0_lowered;
	s5 =	sadd.s32 s5, s7;
	[dreg:$0x0] =	wrdreg $0x0  }
0xaa: {  	s7 =	sshll.u32 s28, $0x1;
	[dreg:$0x2] =	wrdreg s5  }
0xab: {  	[dreg:$0x3] =	wrdreg s7  }
0xac: {  	[dreg:$0x4] =	wrdreg $0xC0  }
0xad: {  	_ =	task [dreg:s9], $0x5FFFF  }
0xae: {  	[dreg:$0x1] =	wrdreg $0xFFFFFFFF  }
0xaf: {  	[dreg:$0x0] =	wrdreg $0x60  }
0xb0: {  	[dreg:$0x2] =	wrdreg s24  }
0xb1: {  	[dreg:$0x3] =	wrdreg s2  }
0xb2: {  	[dreg:$0x4] =	wrdreg s18  }
0xb3: {  	[dreg:$0x5] =	wrdreg s4  }
0xb4: {  	[dreg:$0x6] =	wrdreg $0x9  }
0xb5: {  	_ =	task.clear_ibuf [dreg:s9], $0x7FFFF;
	_ =	strace $0x90000046  }
0xb6: {  	s29 =	simm.s32 $0x9;
	_ =	strace $0x80000048  }
0xb7: {  	_ =	swait.ge [sflag:s29], $0x1  }
0xb8: {  	[sflag:s29] =	ssyncadd.s32 $0xFFFFFFFF  }
0xb9: {  	_ =	strace $0x90000048  }
0xba: {  	_ =	sfence  }
0xbb: {  	s30 =	sld [smem:$0x0];
	_ =	sdelay $0x2  }
0xbc: {  	s31 =	sshll.u32 s1, $0xD;
	s1 =	sshrl.u32 s1, $0x2  }
0xbd: {  	s3 =	sand.u32 $0x4000, s31;
	s1 =	sadd.s32 s1, s30  }
0xbe: {  	s0 =	sor.u32 s3, s0;
	s1 =	sshll.u32 s1, $0x11  }
0xbf: {  	s0 =	sor.u32 s1, s0  }
0xc0: {  	s0 =	sadd.s32 $0x8F2B, s0  }
0xc1: {  	[sflag:s0] =	ssyncadd.remote.s32 $0x1  }
0xc2: {  	_ =	sfence.sel $0xFFFF  }
0xc3: {  	[dreg:$0x0] =	wrdreg $0xFFFFFFFF;
	(pc) =	sbr.abs _section_cstart, $3  }
0xc4: {  	[dreg:$0x1] =	wrdreg $0xFFFFFFFF  }
0xc5: {  	_ =	task.clear_ibuf [dreg:s9], $0x2FFFF;
	_ =	strace $0x9FFFFFFF  }
0xc6: {  	(tm) =	ssettm $0x7FFFFFFF  }
0xc7: {  	_ =	shalt  }
tec
execute0_lowered:
.L_overlay_start_1:
0x0: {  	(tag) =	ssettag $0x1  }
0x1: {  	s1 =	rddreg [dreg:$0x0]  }
0x2: {  	s13 =	rddreg [dreg:$0x1]  }
0x3: {  	s0 =	srdreg.scid;
	s14 =	rddreg [dreg:$0x2]  }
0x4: {  	s3 =	stileid.u32;
	s15 =	rddreg [dreg:$0x3]  }
0x5: {  	s5 =	simm.s32 $0x0;
	s2 =	sand.u32 $0x1, s0;
	s22 =	sshll.u32 s3, $0x6  }
0x6: {  	[smem:$0x7FF] =	sst s5;
	s8 =	sadd.s32 $0x3C00, s1;
	s23 =	sshll.u32 s2, $0x5  }
0x7: {  	_ =	strace $0x80000047;
	s2 =	ssub.s32 $0x2, s2;
	s3 =	sor.u32 s23, s22  }
0x8: {  	s12 =	sshrl.u32 s2, $0x1;
	s4 =	sshrl.u32 s3, $0x3;
	s25 =	sshll.u32 s3, $0x9  }
0x9: {  	s0 =	sshll.u32 s3, $0x6;
	s3 =	sshll.u32 s3, $0xC;
	s26 =	sadd.s32 s8, s25  }
0xa: {  	s2 =	ssub.s32 s2, s12;
	s25 =	sadd.s32 $0x100, s13;
	[dreg:$0x8] =	wrdreg s26  }
0xb: {  	s6 =	sadd.s32 s4, s1;
	s13 =	sadd.s32 $0x200, s14;
	[smem:$0x7CB] =	sst s25  }
0xc: {  	s7 =	sadd.s32 s0, s1;
	s9 =	sadd.s32 $0x3600, s6;
	[smem:$0x7CD] =	sst s13  }
0xd: {  	s0 =	sadd.s32 $0x93C00, s1;
	s7 =	sadd.s32 $0x83C00, s7;
	[dreg:$0x5] =	wrdreg s9  }
0xe: {  	s31 =	sor.u32 $0x1, s4;
	s24 =	sadd.s32 $0x3800, s6;
	[dreg:$0x6] =	wrdreg s7  }
0xf: {  	s10 =	sor.u32 $0x2, s4;
	s6 =	sadd.s32 $0x3A00, s6;
	[dreg:$0x7] =	wrdreg s24  }
0x10: {  	s16 =	sshll.u32 s31, $0xC;
	s20 =	sadd.s32 s0, s3;
	[dreg:$0xc] =	wrdreg s6  }
0x11: {  	s23 =	sshll.u32 s31, $0xF;
	s31 =	sadd.s32 $0x100, s14;
	[dreg:$0xd] =	wrdreg s20  }
0x12: {  	s11 =	sshll.u32 s10, $0xC;
	s25 =	sadd.s32 $0x700, s14;
	[smem:$0x7CC] =	sst s31  }
0x13: {  	s12 =	sshll.u32 s10, $0xF;
	s10 =	simm.s32 $0x1880;
	[smem:$0x7D2] =	sst s25  }
0x14: {  	s13 =	sadd.s32 $0xD00, s14;
	[dreg:$0x1f] =	wrdreg s10  }
0x15: {  	s4 =	sor.u32 $0x3, s4;
	s7 =	sadd.s32 s8, s16;
	[smem:$0x7D8] =	sst s13  }
0x16: {  	s18 =	sshll.u32 s4, $0xC;
	s17 =	sadd.s32 s8, s11;
	[dreg:$0x9] =	wrdreg s7  }
0x17: {  	s19 =	sadd.s32 s8, s18;
	[dreg:$0xa] =	wrdreg s17  }
0x18: {  	s24 =	sadd.s32 s0, s23;
	[dreg:$0xb] =	wrdreg s19  }
0x19: {  	s4 =	sshll.u32 s4, $0xF;
	s16 =	sadd.s32 s0, s12;
	[dreg:$0x11] =	wrdreg s24  }
0x1a: {  	s0 =	sadd.s32 s0, s4;
	[dreg:$0x15] =	wrdreg s16  }
0x1b: {  	s31 =	sadd.s32 $0x800, s14;
	[dreg:$0x19] =	wrdreg s0  }
0x1c: {  	s6 =	simm.s32 $0x880;
	[smem:$0x7D3] =	sst s31  }
0x1d: {  	s25 =	sadd.s32 $0x500, s15;
	[dreg:$0x1d] =	wrdreg s6  }
0x1e: {  	s10 =	sadd.s32 $0xF00, s15;
	[smem:$0x7E3] =	sst s25  }
0x1f: {  	s8 =	sadd.s32 $0x97C00, s1;
	s13 =	sadd.s32 $0x1200, s15;
	[smem:$0x7ED] =	sst s10  }
0x20: {  	s22 =	sadd.s32 s3, s8;
	[smem:$0x7F0] =	sst s13  }
0x21: {  	s9 =	sadd.s32 s23, s8;
	[dreg:$0xf] =	wrdreg s22  }
0x22: {  	s17 =	sadd.s32 $0x300, s14;
	[dreg:$0x13] =	wrdreg s9  }
0x23: {  	s19 =	sadd.s32 $0x400, s14;
	[smem:$0x7CE] =	sst s17  }
0x24: {  	s20 =	sadd.s32 s12, s8;
	[smem:$0x7CF] =	sst s19  }
0x25: {  	s16 =	simm.s32 $0x2880;
	[dreg:$0x17] =	wrdreg s20  }
0x26: {  	s31 =	sadd.s32 $0x700, s15;
	[smem:$0x7DB] =	sst s16  }
0x27: {  	s0 =	smax.u32 s2, $0x1;
	s2 =	sadd.s32 $0x800, s15;
	[smem:$0x7E5] =	sst s31  }
0x28: {  	s6 =	sadd.s32 $0xB00, s15;
	[smem:$0x7E6] =	sst s2  }
0x29: {  	s7 =	sadd.s32 $0x95C00, s1;
	s25 =	sadd.s32 $0x1D00, s15;
	[smem:$0x7E9] =	sst s6  }
0x2a: {  	s1 =	sadd.s32 $0x99C00, s1;
	s21 =	sadd.s32 s3, s7;
	[smem:$0x7FB] =	sst s25  }
0x2b: {  	s3 =	sadd.s32 s3, s1;
	[dreg:$0xe] =	wrdreg s21  }
0x2c: {  	s26 =	sadd.s32 s23, s7;
	[dreg:$0x10] =	wrdreg s3  }
0x2d: {  	s11 =	sadd.s32 s23, s1;
	[dreg:$0x12] =	wrdreg s26  }
0x2e: {  	s18 =	sadd.s32 s12, s7;
	[dreg:$0x14] =	wrdreg s11  }
0x2f: {  	s22 =	sadd.s32 $0x500, s14;
	[dreg:$0x16] =	wrdreg s18  }
0x30: {  	s23 =	sadd.s32 $0x600, s14;
	[smem:$0x7D0] =	sst s22  }
0x31: {  	s24 =	sadd.s32 s4, s7;
	[smem:$0x7D1] =	sst s23  }
0x32: {  	s7 =	sadd.s32 $0xA00, s14;
	[dreg:$0x1a] =	wrdreg s24  }
0x33: {  	s9 =	sadd.s32 $0xB00, s14;
	[smem:$0x7D5] =	sst s7  }
0x34: {  	s17 =	sadd.s32 $0xE00, s14;
	[smem:$0x7D6] =	sst s9  }
0x35: {  	s19 =	sadd.s32 $0xF00, s14;
	[smem:$0x7DA] =	sst s17  }
0x36: {  	s20 =	simm.s32 $0x3880;
	[smem:$0x7DC] =	sst s19  }
0x37: {  	s16 =	sadd.s32 $0x1400, s15;
	[smem:$0x7E0] =	sst s20  }
0x38: {  	s31 =	sadd.s32 $0x1F00, s15;
	[smem:$0x7F2] =	sst s16  }
0x39: {  	s21 =	sadd.s32 s12, s1;
	[smem:$0x7FD] =	sst s31  }
0x3a: {  	s26 =	sadd.s32 s4, s8;
	[dreg:$0x18] =	wrdreg s21  }
0x3b: {  	s3 =	sadd.s32 s4, s1;
	s4 =	sadd.s32 $0x900, s14;
	[dreg:$0x1b] =	wrdreg s26  }
0x3c: {  	[smem:$0x7D4] =	sst s4  }
0x3d: {  	s8 =	simm.s32 $0x1080;
	[dreg:$0x1c] =	wrdreg s3  }
0x3e: {  	s11 =	sadd.s32 $0xC00, s14;
	[dreg:$0x1e] =	wrdreg s8  }
0x3f: {  	s12 =	simm.s32 $0x2080;
	[smem:$0x7D7] =	sst s11  }
0x40: {  	s18 =	simm.s32 $0x3080;
	[smem:$0x7D9] =	sst s12  }
0x41: {  	s22 =	sadd.s32 $0x200, s15;
	[smem:$0x7DD] =	sst s18  }
0x42: {  	s23 =	sadd.s32 $0x300, s15;
	[smem:$0x7DF] =	sst s22  }
0x43: {  	s24 =	sadd.s32 $0x400, s15;
	[smem:$0x7E1] =	sst s23  }
0x44: {  	s7 =	sadd.s32 $0xC00, s15;
	[smem:$0x7E2] =	sst s24  }
0x45: {  	s9 =	sadd.s32 $0xE00, s15;
	[smem:$0x7EA] =	sst s7  }
0x46: {  	s14 =	sadd.s32 $0x1300, s15;
	[smem:$0x7EC] =	sst s9  }
0x47: {  	s17 =	sadd.s32 $0x1500, s15;
	[smem:$0x7F1] =	sst s14  }
0x48: {  	s19 =	sadd.s32 $0x1700, s15;
	[smem:$0x7F3] =	sst s17  }
0x49: {  	s20 =	sadd.s32 $0x1800, s15;
	[smem:$0x7F5] =	sst s19  }
0x4a: {  	s21 =	sadd.s32 $0x100, s15;
	[smem:$0x7F6] =	sst s20  }
0x4b: {  	s26 =	sadd.s32 $0x600, s15;
	[smem:$0x7DE] =	sst s21  }
0x4c: {  	s3 =	sadd.s32 $0x900, s15;
	[smem:$0x7E4] =	sst s26  }
0x4d: {  	s4 =	sadd.s32 $0xA00, s15;
	[smem:$0x7E7] =	sst s3  }
0x4e: {  	s8 =	sadd.s32 $0xD00, s15;
	[smem:$0x7E8] =	sst s4  }
0x4f: {  	s11 =	sadd.s32 $0x1000, s15;
	[smem:$0x7EB] =	sst s8  }
0x50: {  	s12 =	sadd.s32 $0x1100, s15;
	[smem:$0x7EE] =	sst s11  }
0x51: {  	s18 =	sadd.s32 $0x1600, s15;
	[smem:$0x7EF] =	sst s12  }
0x52: {  	s22 =	sadd.s32 $0x1A00, s15;
	[smem:$0x7F4] =	sst s18  }
0x53: {  	s23 =	sadd.s32 $0x1B00, s15;
	[smem:$0x7F8] =	sst s22  }
0x54: {  	s29 =	simm.s32 $0x2;
	s24 =	sadd.s32 $0x1C00, s15;
	[smem:$0x7F9] =	sst s23  }
0x55: {  	s30 =	simm.s32 $0x1;
	v2 =	vlaneseq.u32;
	s21 =	sadd.s32 $0x1900, s15;
	[smem:$0x7FA] =	sst s24  }
0x56: {  	vm0 =	vmmov $0xffff;
	s28 =	sadd.s32 $0x6000, s15;
	v1 =	vshrl.u32 v2, $0x3;
	s26 =	sadd.s32 $0x1E00, s15;
	[smem:$0x7F7] =	sst s21  }
0x57: {  	v0 =	vand.u32 $0x7, v2;
	v2 =	vor.u32 $0x8, v2;
	v1 =	vmul.u32 $0x8, v1;
	s24 =	sadd.s32 $0x2000, s15;
	[smem:$0x7FC] =	sst s26;
	s26 =	sadd.s32 $0x4000, s15  }
.LBB2_1:
0x58: {  	[smem:$0x7CA] =	sst s0  }
0x59: {  	s20 =	rddreg [dreg:$0x5]  }
0x5a: {  	[tilespmem:s5], [sflag:$0x2] =	stream.linear.gather [hbm4b:s20+s5], $0x20, $0x38;
	[tilespmem:$0x1C080] =	vst v63  }
0x5b: {  	_ =	swait.ge [sflag:s29], $0x20  }
0x5c: {  	[sflag:s29] =	ssyncset.done $0x0  }
0x5d: {  	[sflag:s29] =	ssyncadd.s32 $0xFFFFFFE0  }
0x5e: {  	v3 =	vld [tilespmem:$0x0];
	_ =	sdelay $0x4  }
0x5f: {  	v4 =	vshll.u32 v3, $0x2  }
0x60: {  	v3 =	vand.u32 $0x7, v3;
	v4 =	vand.u32 $0xFFFFFFE0, v4  }
0x61: {  	v3 =	vor.u32 v3, v4  }
0x62: {  	v4 =	vperm.xlane v3, v0;
	_ =	sdelay $0x1  }
0x63: {  	v4 =	vadd.s32 v1, v4;
	_ =	sdelay $0x1  }
0x64: {  	v3 =	vperm.xlane v3, v2  }
0x65: {  	s4 =	sld [smem:$0x7CB]  }
0x66: {  	s6 =	simm.s32 $0x80;
	s3 =	rddreg [dreg:$0x1];
	v3 =	vadd.s32 v1, v3  }
0x67: {  	[tilespmem:s6], [sflag:$0x1] =	stream.indirect_vreg.gather [hbm4b:s3+s5], $0x80, v4, vm0, $0xb8;
	[tilespmem:$0x1C080] =	vst v63  }
0x68: {  	s21 =	rddreg [dreg:$0x1d]  }
0x69: {  	[tilespmem:s21], [sflag:$0x1] =	stream.indirect_vreg.gather [hbm4b:s4+s5], $0x80, v4, vm0, $0xb8;
	[tilespmem:$0x1C080] =	vst v63  }
0x6a: {  	s1 =	rddreg [dreg:$0x1e]  }
0x6b: {  	[tilespmem:s1], [sflag:$0x1] =	stream.indirect_vreg.gather [hbm4b:s3+s5], $0x80, v3, vm0, $0xb8;
	[tilespmem:$0x1C080] =	vst v63  }
0x6c: {  	s22 =	rddreg [dreg:$0x1f]  }
0x6d: {  	[tilespmem:s22], [sflag:$0x1] =	stream.indirect_vreg.gather [hbm4b:s4+s5], $0x80, v3, vm0, $0xb8;
	[tilespmem:$0x1C080] =	vst v63  }
0x6e: {  	v3 =	vld [tilespmem:$0x10];
	_ =	sdelay $0x4  }
0x6f: {  	v43 =	vshll.u32 v3, $0x2  }
0x70: {  	v3 =	vand.u32 $0x7, v3;
	v4 =	vand.u32 $0xFFFFFFE0, v43  }
0x71: {  	v3 =	vor.u32 v3, v4  }
0x72: {  	v4 =	vperm.xlane v3, v0;
	_ =	sdelay $0x1  }
0x73: {  	v4 =	vadd.s32 v1, v4;
	_ =	sdelay $0x1  }
0x74: {  	s23 =	sld [smem:$0x7D9];
	v3 =	vperm.xlane v3, v2;
	_ =	sdelay $0x1  }
0x75: {  	s25 =	sld [smem:$0x7DB];
	v3 =	vadd.s32 v1, v3  }
0x76: {  	[tilespmem:s23], [sflag:$0x1] =	stream.indirect_vreg.gather [hbm4b:s3+s5], $0x80, v4, vm0, $0xb8;
	[tilespmem:$0x1C080] =	vst v63  }
0x77: {  	s31 =	sld [smem:$0x7DD]  }
0x78: {  	[tilespmem:s25], [sflag:$0x1] =	stream.indirect_vreg.gather [hbm4b:s4+s5], $0x80, v4, vm0, $0xb8;
	[tilespmem:$0x1C080] =	vst v63  }
0x79: {  	s2 =	sld [smem:$0x7E0]  }
0x7a: {  	[tilespmem:s31], [sflag:$0x1] =	stream.indirect_vreg.gather [hbm4b:s3+s5], $0x80, v3, vm0, $0xb8;
	[tilespmem:$0x1C080] =	vst v63  }
0x7b: {  	_ = 	snop  }
0x7c: {  	[tilespmem:s2], [sflag:$0x1] =	stream.indirect_vreg.gather [hbm4b:s4+s5], $0x80, v3, vm0, $0xb8;
	[tilespmem:$0x1C080] =	vst v63  }
0x7d: {  	_ =	swait.ge [sflag:s30], $0x4000  }
0x7e: {  	[sflag:s30] =	ssyncset.done $0x0  }
0x7f: {  	s4 =	rddreg [dreg:$0x6];
	[sflag:s30] =	ssyncadd.s32 $0xFFFFC000  }
0x80: {  	[hbm4b:s4+s5] =	stream.linear.scatter [tilespmem:s6], [sflag:$0x2], $0x4000, $0x38;
	[tilespmem:$0x1C080] =	vst v63  }
0x81: {  	_ =	swait.ge [sflag:s29], $0x4000  }
0x82: {  	[sflag:s29] =	ssyncset.done $0x0  }
0x83: {  	s7 =	rddreg [dreg:$0x7];
	[sflag:s29] =	ssyncadd.s32 $0xFFFFC000  }
0x84: {  	[tilespmem:s5], [sflag:$0x2] =	stream.linear.gather [hbm4b:s7+s5], $0x20, $0x38;
	[tilespmem:$0x1C080] =	vst v63  }
0x85: {  	_ =	swait.ge [sflag:s29], $0x20  }
0x86: {  	[sflag:s29] =	ssyncset.done $0x0  }
0x87: {  	[sflag:s29] =	ssyncadd.s32 $0xFFFFFFE0  }
0x88: {  	v3 =	vld.msk [tilespmem:$0x0], $0xff;
	_ =	sdelay $0x4  }
0x89: {  	v44 =	vshll.u32 v3, $0x5  }
0x8a: {  	v3 =	vand.u32 $0x7, v3;
	v4 =	vand.u32 $0xFFFFFF00, v44  }
0x8b: {  	v3 =	vor.u32 v3, v4  }
0x8c: {  	v3 =	vperm.xlane v3, v0;
	_ =	sdelay $0x1  }
0x8d: {  	v3 =	vadd.s32 v1, v3;
	_ =	sdelay $0x2  }
0x8e: {  	s3 =	sld [smem:$0x7CC]  }
0x8f: {  	s19 =	simm.s32 $0x4080;
	s22 =	rddreg [dreg:$0x2]  }
0x90: {  	[tilespmem:s19], [sflag:$0x1] =	stream.indirect_vreg.gather [hbm4b:s22+s5], $0x80, v3, vm0, $0xb8;
	[tilespmem:$0x1C080] =	vst v63  }
0x91: {  	s8 =	simm.s32 $0x4880;
	s4 =	sld [smem:$0x7CD]  }
0x92: {  	[tilespmem:s8], [sflag:$0x1] =	stream.indirect_vreg.gather [hbm4b:s3+s5], $0x80, v3, vm0, $0xb8;
	[tilespmem:$0x1C080] =	vst v63  }
0x93: {  	s9 =	simm.s32 $0x5080;
	s6 =	sld [smem:$0x7CE]  }
0x94: {  	[tilespmem:s9], [sflag:$0x1] =	stream.indirect_vreg.gather [hbm4b:s4+s5], $0x80, v3, vm0, $0xb8;
	[tilespmem:$0x1C080] =	vst v63  }
0x95: {  	s10 =	simm.s32 $0x5880;
	s7 =	sld [smem:$0x7CF]  }
0x96: {  	[tilespmem:s10], [sflag:$0x1] =	stream.indirect_vreg.gather [hbm4b:s6+s5], $0x80, v3, vm0, $0xb8;
	[tilespmem:$0x1C080] =	vst v63  }
0x97: {  	s23 =	simm.s32 $0x6080;
	s8 =	sld [smem:$0x7D0]  }
0x98: {  	[tilespmem:s23], [sflag:$0x1] =	stream.indirect_vreg.gather [hbm4b:s7+s5], $0x80, v3, vm0, $0xb8;
	[tilespmem:$0x1C080] =	vst v63  }
0x99: {  	s25 =	simm.s32 $0x6880;
	s9 =	sld [smem:$0x7D1]  }
0x9a: {  	[tilespmem:s25], [sflag:$0x1] =	stream.indirect_vreg.gather [hbm4b:s8+s5], $0x80, v3, vm0, $0xb8;
	[tilespmem:$0x1C080] =	vst v63  }
0x9b: {  	s31 =	simm.s32 $0x7080;
	s10 =	sld [smem:$0x7D2]  }
0x9c: {  	[tilespmem:s31], [sflag:$0x1] =	stream.indirect_vreg.gather [hbm4b:s9+s5], $0x80, v3, vm0, $0xb8;
	[tilespmem:$0x1C080] =	vst v63  }
0x9d: {  	s11 =	simm.s32 $0x7880  }
0x9e: {  	[tilespmem:s11], [sflag:$0x1] =	stream.indirect_vreg.gather [hbm4b:s10+s5], $0x80, v3, vm0, $0xb8;
	[tilespmem:$0x1C080] =	vst v63  }
0x9f: {  	s11 =	sld [smem:$0x7D3];
	_ =	sdelay $0x1  }
0xa0: {  	s12 =	simm.s32 $0x8080  }
0xa1: {  	[tilespmem:s12], [sflag:$0x1] =	stream.indirect_vreg.gather [hbm4b:s11+s5], $0x80, v3, vm0, $0xb8;
	[tilespmem:$0x1C080] =	vst v63  }
0xa2: {  	s12 =	sld [smem:$0x7D4];
	_ =	sdelay $0x1  }
0xa3: {  	s13 =	simm.s32 $0x8880  }
0xa4: {  	[tilespmem:s13], [sflag:$0x1] =	stream.indirect_vreg.gather [hbm4b:s12+s5], $0x80, v3, vm0, $0xb8;
	[tilespmem:$0x1C080] =	vst v63  }
0xa5: {  	s13 =	sld [smem:$0x7D5];
	_ =	sdelay $0x1  }
0xa6: {  	s14 =	simm.s32 $0x9080  }
0xa7: {  	[tilespmem:s14], [sflag:$0x1] =	stream.indirect_vreg.gather [hbm4b:s13+s5], $0x80, v3, vm0, $0xb8;
	[tilespmem:$0x1C080] =	vst v63  }
0xa8: {  	s14 =	sld [smem:$0x7D6];
	_ =	sdelay $0x1  }
0xa9: {  	s15 =	simm.s32 $0x9880  }
0xaa: {  	[tilespmem:s15], [sflag:$0x1] =	stream.indirect_vreg.gather [hbm4b:s14+s5], $0x80, v3, vm0, $0xb8;
	[tilespmem:$0x1C080] =	vst v63  }
0xab: {  	s15 =	sld [smem:$0x7D7];
	_ =	sdelay $0x1  }
0xac: {  	s16 =	simm.s32 $0xA080  }
0xad: {  	[tilespmem:s16], [sflag:$0x1] =	stream.indirect_vreg.gather [hbm4b:s15+s5], $0x80, v3, vm0, $0xb8;
	[tilespmem:$0x1C080] =	vst v63  }
0xae: {  	s16 =	sld [smem:$0x7D8];
	_ =	sdelay $0x1  }
0xaf: {  	s17 =	simm.s32 $0xA880  }
0xb0: {  	[tilespmem:s17], [sflag:$0x1] =	stream.indirect_vreg.gather [hbm4b:s16+s5], $0x80, v3, vm0, $0xb8;
	[tilespmem:$0x1C080] =	vst v63  }
0xb1: {  	s17 =	sld [smem:$0x7DA];
	_ =	sdelay $0x1  }
0xb2: {  	s18 =	simm.s32 $0xB080  }
0xb3: {  	[tilespmem:s18], [sflag:$0x1] =	stream.indirect_vreg.gather [hbm4b:s17+s5], $0x80, v3, vm0, $0xb8;
	[tilespmem:$0x1C080] =	vst v63  }
0xb4: {  	s18 =	sld [smem:$0x7DC];
	_ =	sdelay $0x1  }
0xb5: {  	s0 =	simm.s32 $0xB880  }
0xb6: {  	[tilespmem:s0], [sflag:$0x1] =	stream.indirect_vreg.gather [hbm4b:s18+s5], $0x80, v3, vm0, $0xb8;
	[tilespmem:$0x1C080] =	vst v63  }
0xb7: {  	_ =	swait.ge [sflag:s30], $0x8000  }
0xb8: {  	[sflag:s30] =	ssyncset.done $0x0  }
0xb9: {  	s0 =	rddreg [dreg:$0x8];
	[sflag:s30] =	ssyncadd.s32 $0xFFFF8000  }
0xba: {  	[hbm4b:s0+s5] =	stream.linear.scatter [tilespmem:s19], [sflag:$0x2], $0x8000, $0x38;
	[tilespmem:$0x1C080] =	vst v63  }
0xbb: {  	_ =	swait.ge [sflag:s29], $0x8000  }
0xbc: {  	[sflag:s29] =	ssyncset.done $0x0  }
0xbd: {  	[sflag:s29] =	ssyncadd.s32 $0xFFFF8000  }
0xbe: {  	v3 =	vld.msk [tilespmem:$0x8], $0xff;
	_ =	sdelay $0x4  }
0xbf: {  	v45 =	vshll.u32 v3, $0x5  }
0xc0: {  	v3 =	vand.u32 $0x7, v3;
	v4 =	vand.u32 $0xFFFFFF00, v45  }
0xc1: {  	v3 =	vor.u32 v3, v4  }
0xc2: {  	v3 =	vperm.xlane v3, v0;
	_ =	sdelay $0x1  }
0xc3: {  	v3 =	vadd.s32 v1, v3;
	_ =	sdelay $0x4  }
0xc4: {  	[tilespmem:s19], [sflag:$0x1] =	stream.indirect_vreg.gather [hbm4b:s22+s5], $0x80, v3, vm0, $0xb8;
	[tilespmem:$0x1C080] =	vst v63  }
0xc5: {  	s2 =	simm.s32 $0x4880  }
0xc6: {  	[tilespmem:s2], [sflag:$0x1] =	stream.indirect_vreg.gather [hbm4b:s3+s5], $0x80, v3, vm0, $0xb8;
	[tilespmem:$0x1C080] =	vst v63  }
0xc7: {  	s20 =	simm.s32 $0x5080  }
0xc8: {  	[tilespmem:s20], [sflag:$0x1] =	stream.indirect_vreg.gather [hbm4b:s4+s5], $0x80, v3, vm0, $0xb8;
	[tilespmem:$0x1C080] =	vst v63  }
0xc9: {  	s21 =	simm.s32 $0x5880  }
0xca: {  	[tilespmem:s21], [sflag:$0x1] =	stream.indirect_vreg.gather [hbm4b:s6+s5], $0x80, v3, vm0, $0xb8;
	[tilespmem:$0x1C080] =	vst v63  }
0xcb: {  	_ = 	snop  }
0xcc: {  	[tilespmem:s23], [sflag:$0x1] =	stream.indirect_vreg.gather [hbm4b:s7+s5], $0x80, v3, vm0, $0xb8;
	[tilespmem:$0x1C080] =	vst v63  }
0xcd: {  	_ = 	snop  }
0xce: {  	[tilespmem:s25], [sflag:$0x1] =	stream.indirect_vreg.gather [hbm4b:s8+s5], $0x80, v3, vm0, $0xb8;
	[tilespmem:$0x1C080] =	vst v63  }
0xcf: {  	_ = 	snop  }
0xd0: {  	[tilespmem:s31], [sflag:$0x1] =	stream.indirect_vreg.gather [hbm4b:s9+s5], $0x80, v3, vm0, $0xb8;
	[tilespmem:$0x1C080] =	vst v63  }
0xd1: {  	s1 =	simm.s32 $0x7880  }
0xd2: {  	[tilespmem:s1], [sflag:$0x1] =	stream.indirect_vreg.gather [hbm4b:s10+s5], $0x80, v3, vm0, $0xb8;
	[tilespmem:$0x1C080] =	vst v63  }
0xd3: {  	s1 =	simm.s32 $0x8080  }
0xd4: {  	[tilespmem:s1], [sflag:$0x1] =	stream.indirect_vreg.gather [hbm4b:s11+s5], $0x80, v3, vm0, $0xb8;
	[tilespmem:$0x1C080] =	vst v63  }
0xd5: {  	s2 =	simm.s32 $0x8880  }
0xd6: {  	[tilespmem:s2], [sflag:$0x1] =	stream.indirect_vreg.gather [hbm4b:s12+s5], $0x80, v3, vm0, $0xb8;
	[tilespmem:$0x1C080] =	vst v63  }
0xd7: {  	s20 =	simm.s32 $0x9080  }
0xd8: {  	[tilespmem:s20], [sflag:$0x1] =	stream.indirect_vreg.gather [hbm4b:s13+s5], $0x80, v3, vm0, $0xb8;
	[tilespmem:$0x1C080] =	vst v63  }
0xd9: {  	s21 =	simm.s32 $0x9880  }
0xda: {  	[tilespmem:s21], [sflag:$0x1] =	stream.indirect_vreg.gather [hbm4b:s14+s5], $0x80, v3, vm0, $0xb8;
	[tilespmem:$0x1C080] =	vst v63  }
0xdb: {  	s0 =	simm.s32 $0xA080  }
0xdc: {  	[tilespmem:s0], [sflag:$0x1] =	stream.indirect_vreg.gather [hbm4b:s15+s5], $0x80, v3, vm0, $0xb8;
	[tilespmem:$0x1C080] =	vst v63  }
0xdd: {  	s0 =	simm.s32 $0xA880  }
0xde: {  	[tilespmem:s0], [sflag:$0x1] =	stream.indirect_vreg.gather [hbm4b:s16+s5], $0x80, v3, vm0, $0xb8;
	[tilespmem:$0x1C080] =	vst v63  }
0xdf: {  	s0 =	simm.s32 $0xB080  }
0xe0: {  	[tilespmem:s0], [sflag:$0x1] =	stream.indirect_vreg.gather [hbm4b:s17+s5], $0x80, v3, vm0, $0xb8;
	[tilespmem:$0x1C080] =	vst v63  }
0xe1: {  	s0 =	simm.s32 $0xB880  }
0xe2: {  	[tilespmem:s0], [sflag:$0x1] =	stream.indirect_vreg.gather [hbm4b:s18+s5], $0x80, v3, vm0, $0xb8;
	[tilespmem:$0x1C080] =	vst v63  }
0xe3: {  	_ =	swait.ge [sflag:s30], $0x8000  }
0xe4: {  	[sflag:s30] =	ssyncset.done $0x0  }
0xe5: {  	s0 =	rddreg [dreg:$0x9];
	[sflag:s30] =	ssyncadd.s32 $0xFFFF8000  }
0xe6: {  	[hbm4b:s0+s5] =	stream.linear.scatter [tilespmem:s19], [sflag:$0x2], $0x8000, $0x38;
	[tilespmem:$0x1C080] =	vst v63  }
0xe7: {  	_ =	swait.ge [sflag:s29], $0x8000  }
0xe8: {  	[sflag:s29] =	ssyncset.done $0x0  }
0xe9: {  	[sflag:s29] =	ssyncadd.s32 $0xFFFF8000  }
0xea: {  	v3 =	vld.msk [tilespmem:$0x10], $0xff;
	_ =	sdelay $0x4  }
0xeb: {  	v46 =	vshll.u32 v3, $0x5  }
0xec: {  	v3 =	vand.u32 $0x7, v3;
	v4 =	vand.u32 $0xFFFFFF00, v46  }
0xed: {  	v3 =	vor.u32 v3, v4  }
0xee: {  	v3 =	vperm.xlane v3, v0;
	_ =	sdelay $0x1  }
0xef: {  	v3 =	vadd.s32 v1, v3;
	_ =	sdelay $0x4  }
0xf0: {  	[tilespmem:s19], [sflag:$0x1] =	stream.indirect_vreg.gather [hbm4b:s22+s5], $0x80, v3, vm0, $0xb8;
	[tilespmem:$0x1C080] =	vst v63  }
0xf1: {  	s0 =	simm.s32 $0x4880  }
0xf2: {  	[tilespmem:s0], [sflag:$0x1] =	stream.indirect_vreg.gather [hbm4b:s3+s5], $0x80, v3, vm0, $0xb8;
	[tilespmem:$0x1C080] =	vst v63  }
0xf3: {  	s0 =	simm.s32 $0x5080  }
0xf4: {  	[tilespmem:s0], [sflag:$0x1] =	stream.indirect_vreg.gather [hbm4b:s4+s5], $0x80, v3, vm0, $0xb8;
	[tilespmem:$0x1C080] =	vst v63  }
0xf5: {  	s0 =	simm.s32 $0x5880  }
0xf6: {  	[tilespmem:s0], [sflag:$0x1] =	stream.indirect_vreg.gather [hbm4b:s6+s5], $0x80, v3, vm0, $0xb8;
	[tilespmem:$0x1C080] =	vst v63  }
0xf7: {  	_ = 	snop  }
0xf8: {  	[tilespmem:s23], [sflag:$0x1] =	stream.indirect_vreg.gather [hbm4b:s7+s5], $0x80, v3, vm0, $0xb8;
	[tilespmem:$0x1C080] =	vst v63  }
0xf9: {  	_ = 	snop  }
0xfa: {  	[tilespmem:s25], [sflag:$0x1] =	stream.indirect_vreg.gather [hbm4b:s8+s5], $0x80, v3, vm0, $0xb8;
	[tilespmem:$0x1C080] =	vst v63  }
0xfb: {  	_ = 	snop  }
0xfc: {  	[tilespmem:s31], [sflag:$0x1] =	stream.indirect_vreg.gather [hbm4b:s9+s5], $0x80, v3, vm0, $0xb8;
	[tilespmem:$0x1C080] =	vst v63  }
0xfd: {  	s0 =	simm.s32 $0x7880  }
0xfe: {  	[tilespmem:s0], [sflag:$0x1] =	stream.indirect_vreg.gather [hbm4b:s10+s5], $0x80, v3, vm0, $0xb8;
	[tilespmem:$0x1C080] =	vst v63  }
0xff: {  	_ = 	snop  }
0x100: {  	[tilespmem:s1], [sflag:$0x1] =	stream.indirect_vreg.gather [hbm4b:s11+s5], $0x80, v3, vm0, $0xb8;
	[tilespmem:$0x1C080] =	vst v63  }
0x101: {  	_ = 	snop  }
0x102: {  	[tilespmem:s2], [sflag:$0x1] =	stream.indirect_vreg.gather [hbm4b:s12+s5], $0x80, v3, vm0, $0xb8;
	[tilespmem:$0x1C080] =	vst v63  }
0x103: {  	_ = 	snop  }
0x104: {  	[tilespmem:s20], [sflag:$0x1] =	stream.indirect_vreg.gather [hbm4b:s13+s5], $0x80, v3, vm0, $0xb8;
	[tilespmem:$0x1C080] =	vst v63  }
0x105: {  	_ = 	snop  }
0x106: {  	[tilespmem:s21], [sflag:$0x1] =	stream.indirect_vreg.gather [hbm4b:s14+s5], $0x80, v3, vm0, $0xb8;
	[tilespmem:$0x1C080] =	vst v63  }
0x107: {  	s0 =	simm.s32 $0xA080  }
0x108: {  	[tilespmem:s0], [sflag:$0x1] =	stream.indirect_vreg.gather [hbm4b:s15+s5], $0x80, v3, vm0, $0xb8;
	[tilespmem:$0x1C080] =	vst v63  }
0x109: {  	s0 =	simm.s32 $0xA880  }
0x10a: {  	[tilespmem:s0], [sflag:$0x1] =	stream.indirect_vreg.gather [hbm4b:s16+s5], $0x80, v3, vm0, $0xb8;
	[tilespmem:$0x1C080] =	vst v63  }
0x10b: {  	s0 =	simm.s32 $0xB080  }
0x10c: {  	[tilespmem:s0], [sflag:$0x1] =	stream.indirect_vreg.gather [hbm4b:s17+s5], $0x80, v3, vm0, $0xb8;
	[tilespmem:$0x1C080] =	vst v63  }
0x10d: {  	s0 =	simm.s32 $0xB880  }
0x10e: {  	[tilespmem:s0], [sflag:$0x1] =	stream.indirect_vreg.gather [hbm4b:s18+s5], $0x80, v3, vm0, $0xb8;
	[tilespmem:$0x1C080] =	vst v63  }
0x10f: {  	_ =	swait.ge [sflag:s30], $0x8000  }
0x110: {  	[sflag:s30] =	ssyncset.done $0x0  }
0x111: {  	s0 =	rddreg [dreg:$0xa];
	[sflag:s30] =	ssyncadd.s32 $0xFFFF8000  }
0x112: {  	[hbm4b:s0+s5] =	stream.linear.scatter [tilespmem:s19], [sflag:$0x2], $0x8000, $0x38;
	[tilespmem:$0x1C080] =	vst v63  }
0x113: {  	_ =	swait.ge [sflag:s29], $0x8000  }
0x114: {  	[sflag:s29] =	ssyncset.done $0x0  }
0x115: {  	[sflag:s29] =	ssyncadd.s32 $0xFFFF8000  }
0x116: {  	v3 =	vld.msk [tilespmem:$0x18], $0xff;
	_ =	sdelay $0x4  }
0x117: {  	v47 =	vshll.u32 v3, $0x5  }
0x118: {  	v3 =	vand.u32 $0x7, v3;
	v4 =	vand.u32 $0xFFFFFF00, v47  }
0x119: {  	v3 =	vor.u32 v3, v4  }
0x11a: {  	v3 =	vperm.xlane v3, v0;
	_ =	sdelay $0x1  }
0x11b: {  	v3 =	vadd.s32 v1, v3;
	_ =	sdelay $0x4  }
0x11c: {  	[tilespmem:s19], [sflag:$0x1] =	stream.indirect_vreg.gather [hbm4b:s22+s5], $0x80, v3, vm0, $0xb8;
	[tilespmem:$0x1C080] =	vst v63  }
0x11d: {  	s22 =	simm.s32 $0x4880  }
0x11e: {  	[tilespmem:s22], [sflag:$0x1] =	stream.indirect_vreg.gather [hbm4b:s3+s5], $0x80, v3, vm0, $0xb8;
	[tilespmem:$0x1C080] =	vst v63  }
0x11f: {  	s3 =	simm.s32 $0x5080  }
0x120: {  	[tilespmem:s3], [sflag:$0x1] =	stream.indirect_vreg.gather [hbm4b:s4+s5], $0x80, v3, vm0, $0xb8;
	[tilespmem:$0x1C080] =	vst v63  }
0x121: {  	s4 =	simm.s32 $0x5880  }
0x122: {  	[tilespmem:s4], [sflag:$0x1] =	stream.indirect_vreg.gather [hbm4b:s6+s5], $0x80, v3, vm0, $0xb8;
	[tilespmem:$0x1C080] =	vst v63  }
0x123: {  	_ = 	snop  }
0x124: {  	[tilespmem:s23], [sflag:$0x1] =	stream.indirect_vreg.gather [hbm4b:s7+s5], $0x80, v3, vm0, $0xb8;
	[tilespmem:$0x1C080] =	vst v63  }
0x125: {  	_ = 	snop  }
0x126: {  	[tilespmem:s25], [sflag:$0x1] =	stream.indirect_vreg.gather [hbm4b:s8+s5], $0x80, v3, vm0, $0xb8;
	[tilespmem:$0x1C080] =	vst v63  }
0x127: {  	_ = 	snop  }
0x128: {  	[tilespmem:s31], [sflag:$0x1] =	stream.indirect_vreg.gather [hbm4b:s9+s5], $0x80, v3, vm0, $0xb8;
	[tilespmem:$0x1C080] =	vst v63  }
0x129: {  	s7 =	simm.s32 $0x7880  }
0x12a: {  	[tilespmem:s7], [sflag:$0x1] =	stream.indirect_vreg.gather [hbm4b:s10+s5], $0x80, v3, vm0, $0xb8;
	[tilespmem:$0x1C080] =	vst v63  }
0x12b: {  	s1 =	simm.s32 $0x8080  }
0x12c: {  	[tilespmem:s1], [sflag:$0x1] =	stream.indirect_vreg.gather [hbm4b:s11+s5], $0x80, v3, vm0, $0xb8;
	[tilespmem:$0x1C080] =	vst v63  }
0x12d: {  	s2 =	simm.s32 $0x8880  }
0x12e: {  	[tilespmem:s2], [sflag:$0x1] =	stream.indirect_vreg.gather [hbm4b:s12+s5], $0x80, v3, vm0, $0xb8;
	[tilespmem:$0x1C080] =	vst v63  }
0x12f: {  	s20 =	simm.s32 $0x9080  }
0x130: {  	[tilespmem:s20], [sflag:$0x1] =	stream.indirect_vreg.gather [hbm4b:s13+s5], $0x80, v3, vm0, $0xb8;
	[tilespmem:$0x1C080] =	vst v63  }
0x131: {  	s21 =	simm.s32 $0x9880  }
0x132: {  	[tilespmem:s21], [sflag:$0x1] =	stream.indirect_vreg.gather [hbm4b:s14+s5], $0x80, v3, vm0, $0xb8;
	[tilespmem:$0x1C080] =	vst v63  }
0x133: {  	s8 =	simm.s32 $0xA080  }
0x134: {  	[tilespmem:s8], [sflag:$0x1] =	stream.indirect_vreg.gather [hbm4b:s15+s5], $0x80, v3, vm0, $0xb8;
	[tilespmem:$0x1C080] =	vst v63  }
0x135: {  	s9 =	simm.s32 $0xA880  }
0x136: {  	[tilespmem:s9], [sflag:$0x1] =	stream.indirect_vreg.gather [hbm4b:s16+s5], $0x80, v3, vm0, $0xb8;
	[tilespmem:$0x1C080] =	vst v63  }
0x137: {  	s10 =	simm.s32 $0xB080  }
0x138: {  	[tilespmem:s10], [sflag:$0x1] =	stream.indirect_vreg.gather [hbm4b:s17+s5], $0x80, v3, vm0, $0xb8;
	[tilespmem:$0x1C080] =	vst v63  }
0x139: {  	s11 =	simm.s32 $0xB880  }
0x13a: {  	[tilespmem:s11], [sflag:$0x1] =	stream.indirect_vreg.gather [hbm4b:s18+s5], $0x80, v3, vm0, $0xb8;
	[tilespmem:$0x1C080] =	vst v63  }
0x13b: {  	_ =	swait.ge [sflag:s30], $0x8000  }
0x13c: {  	[sflag:s30] =	ssyncset.done $0x0  }
0x13d: {  	s12 =	rddreg [dreg:$0xb];
	[sflag:s30] =	ssyncadd.s32 $0xFFFF8000  }
0x13e: {  	[hbm4b:s12+s5] =	stream.linear.scatter [tilespmem:s19], [sflag:$0x2], $0x8000, $0x38;
	[tilespmem:$0x1C080] =	vst v63  }
0x13f: {  	_ =	swait.ge [sflag:s29], $0x8000  }
0x140: {  	[sflag:s29] =	ssyncset.done $0x0  }
0x141: {  	s13 =	rddreg [dreg:$0xc];
	[sflag:s29] =	ssyncadd.s32 $0xFFFF8000  }
0x142: {  	[tilespmem:s5], [sflag:$0x2] =	stream.linear.gather [hbm4b:s13+s5], $0x20, $0x38;
	[tilespmem:$0x1C080] =	vst v63  }
0x143: {  	_ =	swait.ge [sflag:s29], $0x20  }
0x144: {  	[sflag:s29] =	ssyncset.done $0x0  }
0x145: {  	[sflag:s29] =	ssyncadd.s32 $0xFFFFFFE0  }
0x146: {  	v3 =	vld.msk [tilespmem:$0x0], $0xff;
	_ =	sdelay $0x4  }
0x147: {  	v48 =	vshll.u32 v3, $0x8  }
0x148: {  	v3 =	vand.u32 $0x7, v3;
	v4 =	vand.u32 $0xFFFFF800, v48  }
0x149: {  	v3 =	vor.u32 v3, v4  }
0x14a: {  	v3 =	vperm.xlane v3, v0;
	_ =	sdelay $0x1  }
0x14b: {  	v3 =	vadd.s32 v1, v3;
	_ =	sdelay $0x2  }
0x14c: {  	s16 =	sld [smem:$0x7DE]  }
0x14d: {  	s15 =	simm.s32 $0xC080;
	s14 =	rddreg [dreg:$0x3]  }
0x14e: {  	[tilespmem:s15], [sflag:$0x1] =	stream.indirect_vreg.gather [hbm4b:s14+s5], $0x80, v3, vm0, $0xb8;
	[tilespmem:$0x1C080] =	vst v63  }
0x14f: {  	s17 =	simm.s32 $0xC880;
	s18 =	sld [smem:$0x7DF]  }
0x150: {  	[tilespmem:s17], [sflag:$0x1] =	stream.indirect_vreg.gather [hbm4b:s16+s5], $0x80, v3, vm0, $0xb8;
	[tilespmem:$0x1C080] =	vst v63  }
0x151: {  	s19 =	simm.s32 $0xD080;
	s20 =	sld [smem:$0x7E1]  }
0x152: {  	[tilespmem:s19], [sflag:$0x1] =	stream.indirect_vreg.gather [hbm4b:s18+s5], $0x80, v3, vm0, $0xb8;
	[tilespmem:$0x1C080] =	vst v63  }
0x153: {  	s21 =	simm.s32 $0xD880;
	s22 =	sld [smem:$0x7E2]  }
0x154: {  	[tilespmem:s21], [sflag:$0x1] =	stream.indirect_vreg.gather [hbm4b:s20+s5], $0x80, v3, vm0, $0xb8;
	[tilespmem:$0x1C080] =	vst v63  }
0x155: {  	s23 =	simm.s32 $0xE080;
	s25 =	sld [smem:$0x7E3]  }
0x156: {  	[tilespmem:s23], [sflag:$0x1] =	stream.indirect_vreg.gather [hbm4b:s22+s5], $0x80, v3, vm0, $0xb8;
	[tilespmem:$0x1C080] =	vst v63  }
0x157: {  	s31 =	simm.s32 $0xE880;
	s0 =	sld [smem:$0x7E4]  }
0x158: {  	[tilespmem:s31], [sflag:$0x1] =	stream.indirect_vreg.gather [hbm4b:s25+s5], $0x80, v3, vm0, $0xb8;
	[tilespmem:$0x1C080] =	vst v63  }
0x159: {  	s7 =	simm.s32 $0xF080;
	s8 =	sld [smem:$0x7E5]  }
0x15a: {  	[tilespmem:s7], [sflag:$0x1] =	stream.indirect_vreg.gather [hbm4b:s0+s5], $0x80, v3, vm0, $0xb8;
	[tilespmem:$0x1C080] =	vst v63  }
0x15b: {  	s9 =	simm.s32 $0xF880;
	s10 =	sld [smem:$0x7E6]  }
0x15c: {  	[tilespmem:s9], [sflag:$0x1] =	stream.indirect_vreg.gather [hbm4b:s8+s5], $0x80, v3, vm0, $0xb8;
	[tilespmem:$0x1C080] =	vst v63  }
0x15d: {  	s11 =	simm.s32 $0x10080;
	s12 =	sld [smem:$0x7E7]  }
0x15e: {  	[tilespmem:s11], [sflag:$0x1] =	stream.indirect_vreg.gather [hbm4b:s10+s5], $0x80, v3, vm0, $0xb8;
	[tilespmem:$0x1C080] =	vst v63  }
0x15f: {  	s13 =	simm.s32 $0x10880;
	s14 =	sld [smem:$0x7E8]  }
0x160: {  	[tilespmem:s13], [sflag:$0x1] =	stream.indirect_vreg.gather [hbm4b:s12+s5], $0x80, v3, vm0, $0xb8;
	[tilespmem:$0x1C080] =	vst v63  }
0x161: {  	s15 =	simm.s32 $0x11080;
	s16 =	sld [smem:$0x7E9]  }
0x162: {  	[tilespmem:s15], [sflag:$0x1] =	stream.indirect_vreg.gather [hbm4b:s14+s5], $0x80, v3, vm0, $0xb8;
	[tilespmem:$0x1C080] =	vst v63  }
0x163: {  	s17 =	simm.s32 $0x11880;
	s18 =	sld [smem:$0x7EA]  }
0x164: {  	[tilespmem:s17], [sflag:$0x1] =	stream.indirect_vreg.gather [hbm4b:s16+s5], $0x80, v3, vm0, $0xb8;
	[tilespmem:$0x1C080] =	vst v63  }
0x165: {  	s19 =	simm.s32 $0x12080;
	s20 =	sld [smem:$0x7EB]  }
0x166: {  	[tilespmem:s19], [sflag:$0x1] =	stream.indirect_vreg.gather [hbm4b:s18+s5], $0x80, v3, vm0, $0xb8;
	[tilespmem:$0x1C080] =	vst v63  }
0x167: {  	s21 =	simm.s32 $0x12880;
	s22 =	sld [smem:$0x7EC]  }
0x168: {  	[tilespmem:s21], [sflag:$0x1] =	stream.indirect_vreg.gather [hbm4b:s20+s5], $0x80, v3, vm0, $0xb8;
	[tilespmem:$0x1C080] =	vst v63  }
0x169: {  	s23 =	simm.s32 $0x13080;
	s25 =	sld [smem:$0x7ED]  }
0x16a: {  	[tilespmem:s23], [sflag:$0x1] =	stream.indirect_vreg.gather [hbm4b:s22+s5], $0x80, v3, vm0, $0xb8;
	[tilespmem:$0x1C080] =	vst v63  }
0x16b: {  	s31 =	simm.s32 $0x13880;
	s0 =	sld [smem:$0x7EE]  }
0x16c: {  	[tilespmem:s31], [sflag:$0x1] =	stream.indirect_vreg.gather [hbm4b:s25+s5], $0x80, v3, vm0, $0xb8;
	[tilespmem:$0x1C080] =	vst v63  }
0x16d: {  	s17 =	simm.s32 $0x14080;
	s18 =	sld [smem:$0x7EF]  }
0x16e: {  	[tilespmem:s17], [sflag:$0x1] =	stream.indirect_vreg.gather [hbm4b:s0+s5], $0x80, v3, vm0, $0xb8;
	[tilespmem:$0x1C080] =	vst v63  }
0x16f: {  	s19 =	simm.s32 $0x14880;
	s20 =	sld [smem:$0x7F0]  }
0x170: {  	[tilespmem:s19], [sflag:$0x1] =	stream.indirect_vreg.gather [hbm4b:s18+s5], $0x80, v3, vm0, $0xb8;
	[tilespmem:$0x1C080] =	vst v63  }
0x171: {  	s21 =	simm.s32 $0x15080;
	s22 =	sld [smem:$0x7F1]  }
0x172: {  	[tilespmem:s21], [sflag:$0x1] =	stream.indirect_vreg.gather [hbm4b:s20+s5], $0x80, v3, vm0, $0xb8;
	[tilespmem:$0x1C080] =	vst v63  }
0x173: {  	s23 =	simm.s32 $0x15880;
	s25 =	sld [smem:$0x7F2]  }
0x174: {  	[tilespmem:s23], [sflag:$0x1] =	stream.indirect_vreg.gather [hbm4b:s22+s5], $0x80, v3, vm0, $0xb8;
	[tilespmem:$0x1C080] =	vst v63  }
0x175: {  	s31 =	simm.s32 $0x16080;
	s20 =	sld [smem:$0x7F3]  }
0x176: {  	[tilespmem:s31], [sflag:$0x1] =	stream.indirect_vreg.gather [hbm4b:s25+s5], $0x80, v3, vm0, $0xb8;
	[tilespmem:$0x1C080] =	vst v63  }
0x177: {  	s23 =	simm.s32 $0x16880;
	s25 =	sld [smem:$0x7F4]  }
0x178: {  	[tilespmem:s23], [sflag:$0x1] =	stream.indirect_vreg.gather [hbm4b:s20+s5], $0x80, v3, vm0, $0xb8;
	[tilespmem:$0x1C080] =	vst v63  }
0x179: {  	s31 =	simm.s32 $0x17080;
	s20 =	sld [smem:$0x7F5]  }
0x17a: {  	[tilespmem:s31], [sflag:$0x1] =	stream.indirect_vreg.gather [hbm4b:s25+s5], $0x80, v3, vm0, $0xb8;
	[tilespmem:$0x1C080] =	vst v63  }
0x17b: {  	s0 =	sld [smem:$0x7F6];
	s31 =	simm.s32 $0x17880  }
0x17c: {  	[tilespmem:s31], [sflag:$0x1] =	stream.indirect_vreg.gather [hbm4b:s20+s5], $0x80, v3, vm0, $0xb8;
	[tilespmem:$0x1C080] =	vst v63  }
0x17d: {  	s20 =	simm.s32 $0x18080  }
0x17e: {  	[tilespmem:s20], [sflag:$0x1] =	stream.indirect_vreg.gather [hbm4b:s0+s5], $0x80, v3, vm0, $0xb8;
	[tilespmem:$0x1C080] =	vst v63  }
0x17f: {  	s0 =	sld [smem:$0x7F7];
	_ =	sdelay $0x1  }
0x180: {  	s20 =	simm.s32 $0x18880  }
0x181: {  	[tilespmem:s20], [sflag:$0x1] =	stream.indirect_vreg.gather [hbm4b:s0+s5], $0x80, v3, vm0, $0xb8;
	[tilespmem:$0x1C080] =	vst v63  }
0x182: {  	s0 =	sld [smem:$0x7F8];
	_ =	sdelay $0x1  }
0x183: {  	s20 =	simm.s32 $0x19080  }
0x184: {  	[tilespmem:s20], [sflag:$0x1] =	stream.indirect_vreg.gather [hbm4b:s0+s5], $0x80, v3, vm0, $0xb8;
	[tilespmem:$0x1C080] =	vst v63  }
0x185: {  	s0 =	sld [smem:$0x7F9];
	_ =	sdelay $0x1  }
0x186: {  	s20 =	simm.s32 $0x19880  }
0x187: {  	[tilespmem:s20], [sflag:$0x1] =	stream.indirect_vreg.gather [hbm4b:s0+s5], $0x80, v3, vm0, $0xb8;
	[tilespmem:$0x1C080] =	vst v63  }
0x188: {  	s0 =	sld [smem:$0x7FA];
	_ =	sdelay $0x1  }
0x189: {  	s20 =	simm.s32 $0x1A080  }
0x18a: {  	[tilespmem:s20], [sflag:$0x1] =	stream.indirect_vreg.gather [hbm4b:s0+s5], $0x80, v3, vm0, $0xb8;
	[tilespmem:$0x1C080] =	vst v63  }
0x18b: {  	s0 =	sld [smem:$0x7FB];
	_ =	sdelay $0x1  }
0x18c: {  	s20 =	simm.s32 $0x1A880  }
0x18d: {  	[tilespmem:s20], [sflag:$0x1] =	stream.indirect_vreg.gather [hbm4b:s0+s5], $0x80, v3, vm0, $0xb8;
	[tilespmem:$0x1C080] =	vst v63  }
0x18e: {  	s0 =	sld [smem:$0x7FC];
	_ =	sdelay $0x1  }
0x18f: {  	s20 =	simm.s32 $0x1B080  }
0x190: {  	[tilespmem:s20], [sflag:$0x1] =	stream.indirect_vreg.gather [hbm4b:s0+s5], $0x80, v3, vm0, $0xb8;
	[tilespmem:$0x1C080] =	vst v63  }
0x191: {  	s0 =	sld [smem:$0x7FD];
	_ =	sdelay $0x1  }
0x192: {  	s20 =	simm.s32 $0x1B880  }
0x193: {  	[tilespmem:s20], [sflag:$0x1] =	stream.indirect_vreg.gather [hbm4b:s0+s5], $0x80, v3, vm0, $0xb8;
	[tilespmem:$0x1C080] =	vst v63  }
0x194: {  	_ =	swait.ge [sflag:s30], $0x10000  }
0x195: {  	[sflag:s30] =	ssyncset.done $0x0  }
0x196: {  	s20 =	simm.s32 $0xC080;
	s1 =	rddreg [dreg:$0xd];
	[sflag:s30] =	ssyncadd.s32 $0xFFFF0000  }
0x197: {  	[hbm4b:s1+s5] =	stream.linear.scatter [tilespmem:s20], [sflag:$0x2], $0x10000, $0x38;
	[tilespmem:$0x1C080] =	vst v63  }
0x198: {  	_ =	swait.ge [sflag:s29], $0x10000  }
0x199: {  	[sflag:s29] =	ssyncset.done $0x0  }
0x19a: {  	[sflag:s29] =	ssyncadd.s32 $0xFFFF0000  }
0x19b: {  	v3 =	vld.msk [tilespmem:$0x0], $0xff;
	_ =	sdelay $0x4  }
0x19c: {  	v49 =	vshll.u32 v3, $0x8  }
0x19d: {  	v3 =	vand.u32 $0x7, v3;
	v4 =	vand.u32 $0xFFFFF800, v49  }
0x19e: {  	v3 =	vor.u32 v3, v4  }
0x19f: {  	v3 =	vperm.xlane v3, v0;
	_ =	sdelay $0x1  }
0x1a0: {  	v3 =	vadd.s32 v1, v3;
	_ =	sdelay $0x4  }
0x1a1: {  	[tilespmem:s20], [sflag:$0x1] =	stream.indirect_vreg.gather [hbm4b:s24+s5], $0x80, v3, vm0, $0xb8;
	[tilespmem:$0x1C080] =	vst v63  }
0x1a2: {  	s0 =	sadd.s32 $0x100, s24;
	s1 =	simm.s32 $0xC880  }
0x1a3: {  	[tilespmem:s1], [sflag:$0x1] =	stream.indirect_vreg.gather [hbm4b:s0+s5], $0x80, v3, vm0, $0xb8;
	[tilespmem:$0x1C080] =	vst v63  }
0x1a4: {  	s3 =	simm.s32 $0xD080;
	[smem:$0x776] =	sst s0;
	s0 =	sadd.s32 $0x200, s24  }
0x1a5: {  	[tilespmem:s3], [sflag:$0x1] =	stream.indirect_vreg.gather [hbm4b:s0+s5], $0x80, v3, vm0, $0xb8;
	[tilespmem:$0x1C080] =	vst v63  }
0x1a6: {  	s4 =	simm.s32 $0xD880;
	[smem:$0x777] =	sst s0;
	s0 =	sadd.s32 $0x300, s24  }
0x1a7: {  	[tilespmem:s4], [sflag:$0x1] =	stream.indirect_vreg.gather [hbm4b:s0+s5], $0x80, v3, vm0, $0xb8;
	[tilespmem:$0x1C080] =	vst v63  }
0x1a8: {  	s2 =	simm.s32 $0xE080;
	[smem:$0x778] =	sst s0;
	s0 =	sadd.s32 $0x400, s24  }
0x1a9: {  	[tilespmem:s2], [sflag:$0x1] =	stream.indirect_vreg.gather [hbm4b:s0+s5], $0x80, v3, vm0, $0xb8;
	[tilespmem:$0x1C080] =	vst v63  }
0x1aa: {  	s6 =	simm.s32 $0xE880;
	[smem:$0x779] =	sst s0;
	s2 =	sadd.s32 $0x500, s24  }
0x1ab: {  	[tilespmem:s6], [sflag:$0x1] =	stream.indirect_vreg.gather [hbm4b:s2+s5], $0x80, v3, vm0, $0xb8;
	[tilespmem:$0x1C080] =	vst v63  }
0x1ac: {  	[smem:$0x77A] =	sst s2;
	s6 =	sadd.s32 $0x600, s24  }
0x1ad: {  	s7 =	simm.s32 $0xF080;
	s2 =	sadd.s32 $0x700, s24;
	[smem:$0x77B] =	sst s6  }
0x1ae: {  	[tilespmem:s7], [sflag:$0x1] =	stream.indirect_vreg.gather [hbm4b:s6+s5], $0x80, v3, vm0, $0xb8;
	[tilespmem:$0x1C080] =	vst v63  }
0x1af: {  	s8 =	simm.s32 $0xF880;
	[smem:$0x77C] =	sst s2;
	s6 =	sadd.s32 $0x800, s24  }
0x1b0: {  	[tilespmem:s8], [sflag:$0x1] =	stream.indirect_vreg.gather [hbm4b:s2+s5], $0x80, v3, vm0, $0xb8;
	[tilespmem:$0x1C080] =	vst v63  }
0x1b1: {  	s9 =	simm.s32 $0x10080;
	s7 =	sadd.s32 $0x900, s24;
	[smem:$0x77D] =	sst s6  }
0x1b2: {  	[tilespmem:s9], [sflag:$0x1] =	stream.indirect_vreg.gather [hbm4b:s6+s5], $0x80, v3, vm0, $0xb8;
	[tilespmem:$0x1C080] =	vst v63  }
0x1b3: {  	s10 =	simm.s32 $0x10880;
	[smem:$0x77E] =	sst s7;
	s8 =	sadd.s32 $0xA00, s24  }
0x1b4: {  	[tilespmem:s10], [sflag:$0x1] =	stream.indirect_vreg.gather [hbm4b:s7+s5], $0x80, v3, vm0, $0xb8;
	[tilespmem:$0x1C080] =	vst v63  }
0x1b5: {  	s11 =	simm.s32 $0x11080;
	s2 =	sadd.s32 $0xB00, s24;
	[smem:$0x77F] =	sst s8  }
0x1b6: {  	[tilespmem:s11], [sflag:$0x1] =	stream.indirect_vreg.gather [hbm4b:s8+s5], $0x80, v3, vm0, $0xb8;
	[tilespmem:$0x1C080] =	vst v63  }
0x1b7: {  	s12 =	simm.s32 $0x11880;
	[smem:$0x780] =	sst s2;
	s6 =	sadd.s32 $0xC00, s24  }
0x1b8: {  	[tilespmem:s12], [sflag:$0x1] =	stream.indirect_vreg.gather [hbm4b:s2+s5], $0x80, v3, vm0, $0xb8;
	[tilespmem:$0x1C080] =	vst v63  }
0x1b9: {  	s13 =	simm.s32 $0x12080;
	[smem:$0x781] =	sst s6;
	s7 =	sadd.s32 $0xD00, s24  }
0x1ba: {  	[tilespmem:s13], [sflag:$0x1] =	stream.indirect_vreg.gather [hbm4b:s6+s5], $0x80, v3, vm0, $0xb8;
	[tilespmem:$0x1C080] =	vst v63  }
0x1bb: {  	s14 =	simm.s32 $0x12880;
	[smem:$0x782] =	sst s7;
	s8 =	sadd.s32 $0xE00, s24  }
0x1bc: {  	[tilespmem:s14], [sflag:$0x1] =	stream.indirect_vreg.gather [hbm4b:s7+s5], $0x80, v3, vm0, $0xb8;
	[tilespmem:$0x1C080] =	vst v63  }
0x1bd: {  	s15 =	simm.s32 $0x13080;
	[smem:$0x783] =	sst s8;
	s14 =	sadd.s32 $0xF00, s24  }
0x1be: {  	[tilespmem:s15], [sflag:$0x1] =	stream.indirect_vreg.gather [hbm4b:s8+s5], $0x80, v3, vm0, $0xb8;
	[tilespmem:$0x1C080] =	vst v63  }
0x1bf: {  	s16 =	simm.s32 $0x13880;
	s2 =	sadd.s32 $0x1000, s24;
	[smem:$0x784] =	sst s14  }
0x1c0: {  	[tilespmem:s16], [sflag:$0x1] =	stream.indirect_vreg.gather [hbm4b:s14+s5], $0x80, v3, vm0, $0xb8;
	[tilespmem:$0x1C080] =	vst v63  }
0x1c1: {  	s17 =	simm.s32 $0x14080;
	s6 =	sadd.s32 $0x1100, s24;
	[smem:$0x785] =	sst s2  }
0x1c2: {  	[tilespmem:s17], [sflag:$0x1] =	stream.indirect_vreg.gather [hbm4b:s2+s5], $0x80, v3, vm0, $0xb8;
	[tilespmem:$0x1C080] =	vst v63  }
0x1c3: {  	s18 =	simm.s32 $0x14880;
	s7 =	sadd.s32 $0x1200, s24;
	[smem:$0x786] =	sst s6  }
0x1c4: {  	[tilespmem:s18], [sflag:$0x1] =	stream.indirect_vreg.gather [hbm4b:s6+s5], $0x80, v3, vm0, $0xb8;
	[tilespmem:$0x1C080] =	vst v63  }
0x1c5: {  	s19 =	simm.s32 $0x15080;
	[smem:$0x787] =	sst s7;
	s8 =	sadd.s32 $0x1300, s24  }
0x1c6: {  	[tilespmem:s19], [sflag:$0x1] =	stream.indirect_vreg.gather [hbm4b:s7+s5], $0x80, v3, vm0, $0xb8;
	[tilespmem:$0x1C080] =	vst v63  }
0x1c7: {  	s21 =	simm.s32 $0x15880;
	[smem:$0x788] =	sst s8;
	s14 =	sadd.s32 $0x1400, s24  }
0x1c8: {  	[tilespmem:s21], [sflag:$0x1] =	stream.indirect_vreg.gather [hbm4b:s8+s5], $0x80, v3, vm0, $0xb8;
	[tilespmem:$0x1C080] =	vst v63  }
0x1c9: {  	s22 =	simm.s32 $0x16080;
	[smem:$0x789] =	sst s14;
	s2 =	sadd.s32 $0x1500, s24  }
0x1ca: {  	[tilespmem:s22], [sflag:$0x1] =	stream.indirect_vreg.gather [hbm4b:s14+s5], $0x80, v3, vm0, $0xb8;
	[tilespmem:$0x1C080] =	vst v63  }
0x1cb: {  	s23 =	simm.s32 $0x16880;
	[smem:$0x78A] =	sst s2;
	s6 =	sadd.s32 $0x1600, s24  }
0x1cc: {  	[tilespmem:s23], [sflag:$0x1] =	stream.indirect_vreg.gather [hbm4b:s2+s5], $0x80, v3, vm0, $0xb8;
	[tilespmem:$0x1C080] =	vst v63  }
0x1cd: {  	s25 =	simm.s32 $0x17080;
	[smem:$0x78B] =	sst s6;
	s7 =	sadd.s32 $0x1700, s24  }
0x1ce: {  	[tilespmem:s25], [sflag:$0x1] =	stream.indirect_vreg.gather [hbm4b:s6+s5], $0x80, v3, vm0, $0xb8;
	[tilespmem:$0x1C080] =	vst v63  }
0x1cf: {  	s31 =	simm.s32 $0x17880;
	[smem:$0x78C] =	sst s7;
	s8 =	sadd.s32 $0x1800, s24  }
0x1d0: {  	[tilespmem:s31], [sflag:$0x1] =	stream.indirect_vreg.gather [hbm4b:s7+s5], $0x80, v3, vm0, $0xb8;
	[tilespmem:$0x1C080] =	vst v63  }
0x1d1: {  	[smem:$0x78D] =	sst s8;
	s14 =	simm.s32 $0x18080;
	s2 =	sadd.s32 $0x1B00, s24  }
0x1d2: {  	[tilespmem:s14], [sflag:$0x1] =	stream.indirect_vreg.gather [hbm4b:s8+s5], $0x80, v3, vm0, $0xb8;
	[tilespmem:$0x1C080] =	vst v63  }
0x1d3: {  	[smem:$0x790] =	sst s2;
	s6 =	sadd.s32 $0x1900, s24;
	s7 =	simm.s32 $0x18880  }
0x1d4: {  	[tilespmem:s7], [sflag:$0x1] =	stream.indirect_vreg.gather [hbm4b:s6+s5], $0x80, v3, vm0, $0xb8;
	[tilespmem:$0x1C080] =	vst v63  }
0x1d5: {  	[smem:$0x78E] =	sst s6;
	s8 =	sadd.s32 $0x1A00, s24;
	s14 =	simm.s32 $0x19080  }
0x1d6: {  	[tilespmem:s14], [sflag:$0x1] =	stream.indirect_vreg.gather [hbm4b:s8+s5], $0x80, v3, vm0, $0xb8;
	[tilespmem:$0x1C080] =	vst v63  }
0x1d7: {  	[smem:$0x78F] =	sst s8;
	s6 =	simm.s32 $0x19880;
	s7 =	sadd.s32 $0x1C00, s24  }
0x1d8: {  	[tilespmem:s6], [sflag:$0x1] =	stream.indirect_vreg.gather [hbm4b:s2+s5], $0x80, v3, vm0, $0xb8;
	[tilespmem:$0x1C080] =	vst v63  }
0x1d9: {  	[smem:$0x791] =	sst s7;
	s8 =	simm.s32 $0x1A080;
	s14 =	sadd.s32 $0x1D00, s24  }
0x1da: {  	[tilespmem:s8], [sflag:$0x1] =	stream.indirect_vreg.gather [hbm4b:s7+s5], $0x80, v3, vm0, $0xb8;
	[tilespmem:$0x1C080] =	vst v63  }
0x1db: {  	[smem:$0x792] =	sst s14;
	s6 =	sadd.s32 $0x1E00, s24;
	s8 =	simm.s32 $0x1A880  }
0x1dc: {  	[tilespmem:s8], [sflag:$0x1] =	stream.indirect_vreg.gather [hbm4b:s14+s5], $0x80, v3, vm0, $0xb8;
	[tilespmem:$0x1C080] =	vst v63  }
0x1dd: {  	[smem:$0x793] =	sst s6;
	s7 =	simm.s32 $0x1B080;
	s14 =	sadd.s32 $0x1F00, s24  }
0x1de: {  	[tilespmem:s7], [sflag:$0x1] =	stream.indirect_vreg.gather [hbm4b:s6+s5], $0x80, v3, vm0, $0xb8;
	[tilespmem:$0x1C080] =	vst v63  }
0x1df: {  	[smem:$0x794] =	sst s14;
	s6 =	simm.s32 $0x1B880  }
0x1e0: {  	[tilespmem:s6], [sflag:$0x1] =	stream.indirect_vreg.gather [hbm4b:s14+s5], $0x80, v3, vm0, $0xb8;
	[tilespmem:$0x1C080] =	vst v63  }
0x1e1: {  	_ =	swait.ge [sflag:s30], $0x10000  }
0x1e2: {  	[sflag:s30] =	ssyncset.done $0x0  }
0x1e3: {  	s20 =	simm.s32 $0xC080;
	s14 =	rddreg [dreg:$0xe];
	[sflag:s30] =	ssyncadd.s32 $0xFFFF0000  }
0x1e4: {  	[hbm4b:s14+s5] =	stream.linear.scatter [tilespmem:s20], [sflag:$0x2], $0x10000, $0x38;
	[tilespmem:$0x1C080] =	vst v63  }
0x1e5: {  	_ =	swait.ge [sflag:s29], $0x10000  }
0x1e6: {  	[sflag:s29] =	ssyncset.done $0x0  }
0x1e7: {  	[sflag:s29] =	ssyncadd.s32 $0xFFFF0000  }
0x1e8: {  	v3 =	vld.msk [tilespmem:$0x0], $0xff;
	_ =	sdelay $0x4  }
0x1e9: {  	v50 =	vshll.u32 v3, $0x8  }
0x1ea: {  	v3 =	vand.u32 $0x7, v3;
	v4 =	vand.u32 $0xFFFFF800, v50  }
0x1eb: {  	v3 =	vor.u32 v3, v4  }
0x1ec: {  	v3 =	vperm.xlane v3, v0;
	_ =	sdelay $0x1  }
0x1ed: {  	v3 =	vadd.s32 v1, v3;
	_ =	sdelay $0x4  }
0x1ee: {  	[tilespmem:s20], [sflag:$0x1] =	stream.indirect_vreg.gather [hbm4b:s26+s5], $0x80, v3, vm0, $0xb8;
	[tilespmem:$0x1C080] =	vst v63  }
0x1ef: {  	s1 =	simm.s32 $0xC880;
	s3 =	simm.s32 $0xD080;
	s14 =	sadd.s32 $0x100, s26  }
0x1f0: {  	[tilespmem:s1], [sflag:$0x1] =	stream.indirect_vreg.gather [hbm4b:s14+s5], $0x80, v3, vm0, $0xb8;
	[tilespmem:$0x1C080] =	vst v63  }
0x1f1: {  	s4 =	simm.s32 $0xD880;
	[smem:$0x795] =	sst s14;
	s14 =	sadd.s32 $0x200, s26  }
0x1f2: {  	[tilespmem:s3], [sflag:$0x1] =	stream.indirect_vreg.gather [hbm4b:s14+s5], $0x80, v3, vm0, $0xb8;
	[tilespmem:$0x1C080] =	vst v63  }
0x1f3: {  	s0 =	sadd.s32 $0x400, s26;
	[smem:$0x796] =	sst s14;
	s14 =	sadd.s32 $0x300, s26  }
0x1f4: {  	[tilespmem:s4], [sflag:$0x1] =	stream.indirect_vreg.gather [hbm4b:s14+s5], $0x80, v3, vm0, $0xb8;
	[tilespmem:$0x1C080] =	vst v63  }
0x1f5: {  	s9 =	simm.s32 $0x10080;
	[smem:$0x798] =	sst s0;
	s4 =	simm.s32 $0xE080  }
0x1f6: {  	[tilespmem:s4], [sflag:$0x1] =	stream.indirect_vreg.gather [hbm4b:s0+s5], $0x80, v3, vm0, $0xb8;
	[tilespmem:$0x1C080] =	vst v63  }
0x1f7: {  	[smem:$0x797] =	sst s14;
	s0 =	sadd.s32 $0x500, s26;
	s4 =	simm.s32 $0xE880  }
0x1f8: {  	[tilespmem:s4], [sflag:$0x1] =	stream.indirect_vreg.gather [hbm4b:s0+s5], $0x80, v3, vm0, $0xb8;
	[tilespmem:$0x1C080] =	vst v63  }
0x1f9: {  	[smem:$0x799] =	sst s0;
	s0 =	sadd.s32 $0x600, s26;
	s4 =	simm.s32 $0xF080  }
0x1fa: {  	[tilespmem:s4], [sflag:$0x1] =	stream.indirect_vreg.gather [hbm4b:s0+s5], $0x80, v3, vm0, $0xb8;
	[tilespmem:$0x1C080] =	vst v63  }
0x1fb: {  	[smem:$0x79A] =	sst s0;
	s0 =	sadd.s32 $0x700, s26;
	s4 =	simm.s32 $0xF880  }
0x1fc: {  	[tilespmem:s4], [sflag:$0x1] =	stream.indirect_vreg.gather [hbm4b:s0+s5], $0x80, v3, vm0, $0xb8;
	[tilespmem:$0x1C080] =	vst v63  }
0x1fd: {  	s10 =	simm.s32 $0x10880;
	[smem:$0x79B] =	sst s0;
	s4 =	sadd.s32 $0x800, s26  }
0x1fe: {  	[tilespmem:s9], [sflag:$0x1] =	stream.indirect_vreg.gather [hbm4b:s4+s5], $0x80, v3, vm0, $0xb8;
	[tilespmem:$0x1C080] =	vst v63  }
0x1ff: {  	s11 =	simm.s32 $0x11080;
	[smem:$0x79C] =	sst s4;
	s9 =	sadd.s32 $0x900, s26  }
0x200: {  	s12 =	simm.s32 $0x11880;
	s4 =	sadd.s32 $0xA00, s26;
	[smem:$0x79D] =	sst s9  }
0x201: {  	[tilespmem:s10], [sflag:$0x1] =	stream.indirect_vreg.gather [hbm4b:s9+s5], $0x80, v3, vm0, $0xb8;
	[tilespmem:$0x1C080] =	vst v63  }
0x202: {  	s13 =	simm.s32 $0x12080;
	[smem:$0x79E] =	sst s4;
	s9 =	sadd.s32 $0xB00, s26  }
0x203: {  	[tilespmem:s11], [sflag:$0x1] =	stream.indirect_vreg.gather [hbm4b:s4+s5], $0x80, v3, vm0, $0xb8;
	[tilespmem:$0x1C080] =	vst v63  }
0x204: {  	s15 =	simm.s32 $0x13080;
	s10 =	sadd.s32 $0xC00, s26;
	[smem:$0x79F] =	sst s9  }
0x205: {  	[tilespmem:s12], [sflag:$0x1] =	stream.indirect_vreg.gather [hbm4b:s9+s5], $0x80, v3, vm0, $0xb8;
	[tilespmem:$0x1C080] =	vst v63  }
0x206: {  	s16 =	simm.s32 $0x13880;
	[smem:$0x7A0] =	sst s10;
	s11 =	sadd.s32 $0xD00, s26  }
0x207: {  	[tilespmem:s13], [sflag:$0x1] =	stream.indirect_vreg.gather [hbm4b:s10+s5], $0x80, v3, vm0, $0xb8;
	[tilespmem:$0x1C080] =	vst v63  }
0x208: {  	s4 =	sadd.s32 $0x1700, s26;
	[smem:$0x7A1] =	sst s11;
	s12 =	simm.s32 $0x12880  }
0x209: {  	[tilespmem:s12], [sflag:$0x1] =	stream.indirect_vreg.gather [hbm4b:s11+s5], $0x80, v3, vm0, $0xb8;
	[tilespmem:$0x1C080] =	vst v63  }
0x20a: {  	s17 =	simm.s32 $0x14080;
	[smem:$0x7AB] =	sst s4;
	s13 =	sadd.s32 $0xE00, s26  }
0x20b: {  	[tilespmem:s15], [sflag:$0x1] =	stream.indirect_vreg.gather [hbm4b:s13+s5], $0x80, v3, vm0, $0xb8;
	[tilespmem:$0x1C080] =	vst v63  }
0x20c: {  	[smem:$0x7A2] =	sst s13;
	s11 =	sadd.s32 $0x1800, s26;
	s15 =	sadd.s32 $0xF00, s26  }
0x20d: {  	[tilespmem:s16], [sflag:$0x1] =	stream.indirect_vreg.gather [hbm4b:s15+s5], $0x80, v3, vm0, $0xb8;
	[tilespmem:$0x1C080] =	vst v63  }
0x20e: {  	s18 =	simm.s32 $0x14880;
	[smem:$0x7AC] =	sst s11;
	s16 =	sadd.s32 $0x1000, s26  }
0x20f: {  	[tilespmem:s17], [sflag:$0x1] =	stream.indirect_vreg.gather [hbm4b:s16+s5], $0x80, v3, vm0, $0xb8;
	[tilespmem:$0x1C080] =	vst v63  }
0x210: {  	s13 =	sadd.s32 $0x1900, s26;
	[smem:$0x7A3] =	sst s15;
	s17 =	sadd.s32 $0x1100, s26  }
0x211: {  	[tilespmem:s18], [sflag:$0x1] =	stream.indirect_vreg.gather [hbm4b:s17+s5], $0x80, v3, vm0, $0xb8;
	[tilespmem:$0x1C080] =	vst v63  }
0x212: {  	s19 =	simm.s32 $0x15080;
	[smem:$0x7AD] =	sst s13;
	s18 =	sadd.s32 $0x1200, s26  }
0x213: {  	[tilespmem:s19], [sflag:$0x1] =	stream.indirect_vreg.gather [hbm4b:s18+s5], $0x80, v3, vm0, $0xb8;
	[tilespmem:$0x1C080] =	vst v63  }
0x214: {  	s21 =	simm.s32 $0x15880;
	[smem:$0x7A4] =	sst s16;
	s19 =	sadd.s32 $0x1300, s26  }
0x215: {  	[tilespmem:s21], [sflag:$0x1] =	stream.indirect_vreg.gather [hbm4b:s19+s5], $0x80, v3, vm0, $0xb8;
	[tilespmem:$0x1C080] =	vst v63  }
0x216: {  	s22 =	simm.s32 $0x16080;
	[smem:$0x7A5] =	sst s17;
	s21 =	sadd.s32 $0x1400, s26  }
0x217: {  	[tilespmem:s22], [sflag:$0x1] =	stream.indirect_vreg.gather [hbm4b:s21+s5], $0x80, v3, vm0, $0xb8;
	[tilespmem:$0x1C080] =	vst v63  }
0x218: {  	s23 =	simm.s32 $0x16880;
	[smem:$0x7A6] =	sst s18;
	s22 =	sadd.s32 $0x1500, s26  }
0x219: {  	[tilespmem:s23], [sflag:$0x1] =	stream.indirect_vreg.gather [hbm4b:s22+s5], $0x80, v3, vm0, $0xb8;
	[tilespmem:$0x1C080] =	vst v63  }
0x21a: {  	s25 =	simm.s32 $0x17080;
	[smem:$0x7A7] =	sst s19;
	s23 =	sadd.s32 $0x1600, s26  }
0x21b: {  	[tilespmem:s25], [sflag:$0x1] =	stream.indirect_vreg.gather [hbm4b:s23+s5], $0x80, v3, vm0, $0xb8;
	[tilespmem:$0x1C080] =	vst v63  }
0x21c: {  	s31 =	simm.s32 $0x17880;
	s19 =	sadd.s32 $0x1A00, s26;
	[smem:$0x7A8] =	sst s21  }
0x21d: {  	[tilespmem:s31], [sflag:$0x1] =	stream.indirect_vreg.gather [hbm4b:s4+s5], $0x80, v3, vm0, $0xb8;
	[tilespmem:$0x1C080] =	vst v63  }
0x21e: {  	s12 =	simm.s32 $0x18080;
	[smem:$0x7AE] =	sst s19  }
0x21f: {  	[tilespmem:s12], [sflag:$0x1] =	stream.indirect_vreg.gather [hbm4b:s11+s5], $0x80, v3, vm0, $0xb8;
	[tilespmem:$0x1C080] =	vst v63  }
0x220: {  	s18 =	simm.s32 $0x18880;
	[smem:$0x7A9] =	sst s22  }
0x221: {  	[tilespmem:s18], [sflag:$0x1] =	stream.indirect_vreg.gather [hbm4b:s13+s5], $0x80, v3, vm0, $0xb8;
	[tilespmem:$0x1C080] =	vst v63  }
0x222: {  	s21 =	simm.s32 $0x19080;
	s22 =	sadd.s32 $0x1B00, s26;
	[smem:$0x7AA] =	sst s23  }
0x223: {  	[tilespmem:s21], [sflag:$0x1] =	stream.indirect_vreg.gather [hbm4b:s19+s5], $0x80, v3, vm0, $0xb8;
	[tilespmem:$0x1C080] =	vst v63  }
0x224: {  	[smem:$0x7AF] =	sst s22;
	s23 =	simm.s32 $0x19880;
	s31 =	sadd.s32 $0x1C00, s26  }
0x225: {  	[tilespmem:s23], [sflag:$0x1] =	stream.indirect_vreg.gather [hbm4b:s22+s5], $0x80, v3, vm0, $0xb8;
	[tilespmem:$0x1C080] =	vst v63  }
0x226: {  	s2 =	simm.s32 $0x1A080;
	s4 =	sadd.s32 $0x1D00, s26;
	[smem:$0x7B0] =	sst s31  }
0x227: {  	[tilespmem:s2], [sflag:$0x1] =	stream.indirect_vreg.gather [hbm4b:s31+s5], $0x80, v3, vm0, $0xb8;
	[tilespmem:$0x1C080] =	vst v63  }
0x228: {  	[smem:$0x7B1] =	sst s4;
	s18 =	sadd.s32 $0x1E00, s26  }
0x229: {  	[tilespmem:s8], [sflag:$0x1] =	stream.indirect_vreg.gather [hbm4b:s4+s5], $0x80, v3, vm0, $0xb8;
	[tilespmem:$0x1C080] =	vst v63  }
0x22a: {  	[smem:$0x7B2] =	sst s18;
	s19 =	sadd.s32 $0x1F00, s26  }
0x22b: {  	[tilespmem:s7], [sflag:$0x1] =	stream.indirect_vreg.gather [hbm4b:s18+s5], $0x80, v3, vm0, $0xb8;
	[tilespmem:$0x1C080] =	vst v63  }
0x22c: {  	[smem:$0x7B3] =	sst s19  }
0x22d: {  	[tilespmem:s6], [sflag:$0x1] =	stream.indirect_vreg.gather [hbm4b:s19+s5], $0x80, v3, vm0, $0xb8;
	[tilespmem:$0x1C080] =	vst v63  }
0x22e: {  	_ =	swait.ge [sflag:s30], $0x10000  }
0x22f: {  	[sflag:s30] =	ssyncset.done $0x0  }
0x230: {  	s21 =	rddreg [dreg:$0xf];
	[sflag:s30] =	ssyncadd.s32 $0xFFFF0000  }
0x231: {  	[hbm4b:s21+s5] =	stream.linear.scatter [tilespmem:s20], [sflag:$0x2], $0x10000, $0x38;
	[tilespmem:$0x1C080] =	vst v63  }
0x232: {  	_ =	swait.ge [sflag:s29], $0x10000  }
0x233: {  	[sflag:s29] =	ssyncset.done $0x0  }
0x234: {  	[sflag:s29] =	ssyncadd.s32 $0xFFFF0000  }
0x235: {  	v3 =	vld.msk [tilespmem:$0x0], $0xff;
	_ =	sdelay $0x4  }
0x236: {  	v51 =	vshll.u32 v3, $0x8  }
0x237: {  	v3 =	vand.u32 $0x7, v3;
	v4 =	vand.u32 $0xFFFFF800, v51  }
0x238: {  	v3 =	vor.u32 v3, v4  }
0x239: {  	v3 =	vperm.xlane v3, v0;
	_ =	sdelay $0x1  }
0x23a: {  	v3 =	vadd.s32 v1, v3;
	_ =	sdelay $0x3  }
0x23b: {  	s1 =	simm.s32 $0xC880;
	s22 =	sadd.s32 $0x100, s28  }
0x23c: {  	[tilespmem:s20], [sflag:$0x1] =	stream.indirect_vreg.gather [hbm4b:s28+s5], $0x80, v3, vm0, $0xb8;
	[tilespmem:$0x1C080] =	vst v63  }
0x23d: {  	s3 =	simm.s32 $0xD080;
	s23 =	sadd.s32 $0x200, s28;
	[smem:$0x7B4] =	sst s22  }
0x23e: {  	[tilespmem:s1], [sflag:$0x1] =	stream.indirect_vreg.gather [hbm4b:s22+s5], $0x80, v3, vm0, $0xb8;
	[tilespmem:$0x1C080] =	vst v63  }
0x23f: {  	s14 =	simm.s32 $0xD880;
	s2 =	sadd.s32 $0x400, s28;
	[smem:$0x7B5] =	sst s23  }
0x240: {  	[tilespmem:s3], [sflag:$0x1] =	stream.indirect_vreg.gather [hbm4b:s23+s5], $0x80, v3, vm0, $0xb8;
	[tilespmem:$0x1C080] =	vst v63  }
0x241: {  	s6 =	sadd.s32 $0x500, s28;
	[smem:$0x7B7] =	sst s2;
	s1 =	sadd.s32 $0x300, s28  }
0x242: {  	[tilespmem:s14], [sflag:$0x1] =	stream.indirect_vreg.gather [hbm4b:s1+s5], $0x80, v3, vm0, $0xb8;
	[tilespmem:$0x1C080] =	vst v63  }
0x243: {  	s19 =	sadd.s32 $0x600, s28;
	[smem:$0x7B8] =	sst s6;
	s3 =	simm.s32 $0xE080  }
0x244: {  	[tilespmem:s3], [sflag:$0x1] =	stream.indirect_vreg.gather [hbm4b:s2+s5], $0x80, v3, vm0, $0xb8;
	[tilespmem:$0x1C080] =	vst v63  }
0x245: {  	s9 =	simm.s32 $0x16080;
	s18 =	simm.s32 $0xE880;
	[smem:$0x7B9] =	sst s19  }
0x246: {  	[tilespmem:s18], [sflag:$0x1] =	stream.indirect_vreg.gather [hbm4b:s6+s5], $0x80, v3, vm0, $0xb8;
	[tilespmem:$0x1C080] =	vst v63  }
0x247: {  	s21 =	simm.s32 $0xF080;
	s22 =	sadd.s32 $0x700, s28;
	[smem:$0x7B6] =	sst s1  }
0x248: {  	[tilespmem:s21], [sflag:$0x1] =	stream.indirect_vreg.gather [hbm4b:s19+s5], $0x80, v3, vm0, $0xb8;
	[tilespmem:$0x1C080] =	vst v63  }
0x249: {  	[smem:$0x7BA] =	sst s22;
	s23 =	simm.s32 $0xF880;
	s1 =	sadd.s32 $0x800, s28  }
0x24a: {  	[tilespmem:s23], [sflag:$0x1] =	stream.indirect_vreg.gather [hbm4b:s22+s5], $0x80, v3, vm0, $0xb8;
	[tilespmem:$0x1C080] =	vst v63  }
0x24b: {  	[smem:$0x7BB] =	sst s1;
	s18 =	simm.s32 $0x10080;
	s19 =	sadd.s32 $0x900, s28  }
0x24c: {  	[tilespmem:s18], [sflag:$0x1] =	stream.indirect_vreg.gather [hbm4b:s1+s5], $0x80, v3, vm0, $0xb8;
	[tilespmem:$0x1C080] =	vst v63  }
0x24d: {  	s21 =	simm.s32 $0x10880;
	[smem:$0x7BC] =	sst s19;
	s22 =	sadd.s32 $0xA00, s28  }
0x24e: {  	[tilespmem:s21], [sflag:$0x1] =	stream.indirect_vreg.gather [hbm4b:s19+s5], $0x80, v3, vm0, $0xb8;
	[tilespmem:$0x1C080] =	vst v63  }
0x24f: {  	s23 =	simm.s32 $0x11080;
	[smem:$0x76E] =	sst s22;
	s1 =	sadd.s32 $0xB00, s28  }
0x250: {  	[tilespmem:s23], [sflag:$0x1] =	stream.indirect_vreg.gather [hbm4b:s22+s5], $0x80, v3, vm0, $0xb8;
	[tilespmem:$0x1C080] =	vst v63  }
0x251: {  	s18 =	simm.s32 $0x11880;
	[smem:$0x7BD] =	sst s1;
	s19 =	sadd.s32 $0xC00, s28  }
0x252: {  	[tilespmem:s18], [sflag:$0x1] =	stream.indirect_vreg.gather [hbm4b:s1+s5], $0x80, v3, vm0, $0xb8;
	[tilespmem:$0x1C080] =	vst v63  }
0x253: {  	s21 =	simm.s32 $0x12080;
	[smem:$0x7BE] =	sst s19;
	s22 =	sadd.s32 $0xD00, s28  }
0x254: {  	[tilespmem:s21], [sflag:$0x1] =	stream.indirect_vreg.gather [hbm4b:s19+s5], $0x80, v3, vm0, $0xb8;
	[tilespmem:$0x1C080] =	vst v63  }
0x255: {  	s23 =	simm.s32 $0x12880;
	[smem:$0x7BF] =	sst s22;
	s1 =	sadd.s32 $0xE00, s28  }
0x256: {  	[tilespmem:s23], [sflag:$0x1] =	stream.indirect_vreg.gather [hbm4b:s22+s5], $0x80, v3, vm0, $0xb8;
	[tilespmem:$0x1C080] =	vst v63  }
0x257: {  	s18 =	simm.s32 $0x13080;
	[smem:$0x76F] =	sst s1;
	s19 =	sadd.s32 $0xF00, s28  }
0x258: {  	[tilespmem:s18], [sflag:$0x1] =	stream.indirect_vreg.gather [hbm4b:s1+s5], $0x80, v3, vm0, $0xb8;
	[tilespmem:$0x1C080] =	vst v63  }
0x259: {  	s21 =	simm.s32 $0x13880;
	[smem:$0x7C0] =	sst s19;
	s22 =	sadd.s32 $0x1000, s28  }
0x25a: {  	[tilespmem:s21], [sflag:$0x1] =	stream.indirect_vreg.gather [hbm4b:s19+s5], $0x80, v3, vm0, $0xb8;
	[tilespmem:$0x1C080] =	vst v63  }
0x25b: {  	s23 =	simm.s32 $0x14080;
	[smem:$0x7C1] =	sst s22;
	s1 =	sadd.s32 $0x1100, s28  }
0x25c: {  	[tilespmem:s23], [sflag:$0x1] =	stream.indirect_vreg.gather [hbm4b:s22+s5], $0x80, v3, vm0, $0xb8;
	[tilespmem:$0x1C080] =	vst v63  }
0x25d: {  	s15 =	simm.s32 $0x14880;
	s18 =	sadd.s32 $0x1200, s28;
	[smem:$0x7C2] =	sst s1  }
0x25e: {  	[tilespmem:s15], [sflag:$0x1] =	stream.indirect_vreg.gather [hbm4b:s1+s5], $0x80, v3, vm0, $0xb8;
	[tilespmem:$0x1C080] =	vst v63  }
0x25f: {  	s16 =	simm.s32 $0x15080;
	[smem:$0x770] =	sst s18;
	s19 =	sadd.s32 $0x1300, s28  }
0x260: {  	[tilespmem:s16], [sflag:$0x1] =	stream.indirect_vreg.gather [hbm4b:s18+s5], $0x80, v3, vm0, $0xb8;
	[tilespmem:$0x1C080] =	vst v63  }
0x261: {  	s17 =	simm.s32 $0x15880;
	[smem:$0x7C3] =	sst s19;
	s1 =	sadd.s32 $0x1400, s28  }
0x262: {  	[tilespmem:s17], [sflag:$0x1] =	stream.indirect_vreg.gather [hbm4b:s19+s5], $0x80, v3, vm0, $0xb8;
	[tilespmem:$0x1C080] =	vst v63  }
0x263: {  	s10 =	simm.s32 $0x16880;
	s15 =	sadd.s32 $0x1600, s28;
	[smem:$0x771] =	sst s1  }
0x264: {  	[tilespmem:s9], [sflag:$0x1] =	stream.indirect_vreg.gather [hbm4b:s1+s5], $0x80, v3, vm0, $0xb8;
	[tilespmem:$0x1C080] =	vst v63  }
0x265: {  	[smem:$0x7C5] =	sst s15;
	s16 =	sadd.s32 $0x1700, s28;
	s9 =	sadd.s32 $0x1500, s28  }
0x266: {  	[tilespmem:s10], [sflag:$0x1] =	stream.indirect_vreg.gather [hbm4b:s9+s5], $0x80, v3, vm0, $0xb8;
	[tilespmem:$0x1C080] =	vst v63  }
0x267: {  	s18 =	sadd.s32 $0x1900, s28;
	[smem:$0x772] =	sst s16;
	s1 =	simm.s32 $0x17080  }
0x268: {  	[tilespmem:s1], [sflag:$0x1] =	stream.indirect_vreg.gather [hbm4b:s15+s5], $0x80, v3, vm0, $0xb8;
	[tilespmem:$0x1C080] =	vst v63  }
0x269: {  	s25 =	simm.s32 $0x17880;
	[smem:$0x773] =	sst s18;
	s17 =	sadd.s32 $0x1800, s28  }
0x26a: {  	[tilespmem:s25], [sflag:$0x1] =	stream.indirect_vreg.gather [hbm4b:s16+s5], $0x80, v3, vm0, $0xb8;
	[tilespmem:$0x1C080] =	vst v63  }
0x26b: {  	s11 =	simm.s32 $0x18080;
	s19 =	sadd.s32 $0x1A00, s28;
	[smem:$0x7C6] =	sst s17  }
0x26c: {  	[tilespmem:s11], [sflag:$0x1] =	stream.indirect_vreg.gather [hbm4b:s17+s5], $0x80, v3, vm0, $0xb8;
	[tilespmem:$0x1C080] =	vst v63  }
0x26d: {  	s12 =	simm.s32 $0x18880;
	s13 =	simm.s32 $0x19080;
	[smem:$0x7C7] =	sst s19  }
0x26e: {  	[tilespmem:s12], [sflag:$0x1] =	stream.indirect_vreg.gather [hbm4b:s18+s5], $0x80, v3, vm0, $0xb8;
	[tilespmem:$0x1C080] =	vst v63  }
0x26f: {  	[smem:$0x7C4] =	sst s9;
	s9 =	sadd.s32 $0x1C00, s28;
	s10 =	sadd.s32 $0x1D00, s28  }
0x270: {  	[tilespmem:s13], [sflag:$0x1] =	stream.indirect_vreg.gather [hbm4b:s19+s5], $0x80, v3, vm0, $0xb8;
	[tilespmem:$0x1C080] =	vst v63  }
0x271: {  	[smem:$0x7C8] =	sst s9;
	s25 =	sadd.s32 $0x1B00, s28;
	s19 =	simm.s32 $0x19880  }
0x272: {  	[tilespmem:s19], [sflag:$0x1] =	stream.indirect_vreg.gather [hbm4b:s25+s5], $0x80, v3, vm0, $0xb8;
	[tilespmem:$0x1C080] =	vst v63  }
0x273: {  	s31 =	simm.s32 $0x1A080;
	[smem:$0x775] =	sst s10  }
0x274: {  	[tilespmem:s31], [sflag:$0x1] =	stream.indirect_vreg.gather [hbm4b:s9+s5], $0x80, v3, vm0, $0xb8;
	[tilespmem:$0x1C080] =	vst v63  }
0x275: {  	[smem:$0x774] =	sst s25;
	s11 =	sadd.s32 $0x1E00, s28;
	s18 =	simm.s32 $0x1A880  }
0x276: {  	[tilespmem:s18], [sflag:$0x1] =	stream.indirect_vreg.gather [hbm4b:s10+s5], $0x80, v3, vm0, $0xb8;
	[tilespmem:$0x1C080] =	vst v63  }
0x277: {  	s17 =	simm.s32 $0x1B080;
	[smem:$0x7C9] =	sst s11;
	s12 =	sadd.s32 $0x1F00, s28  }
0x278: {  	[tilespmem:s17], [sflag:$0x1] =	stream.indirect_vreg.gather [hbm4b:s11+s5], $0x80, v3, vm0, $0xb8;
	[tilespmem:$0x1C080] =	vst v63  }
0x279: {  	[smem:$0x76D] =	sst s12;
	s31 =	simm.s32 $0x1B880  }
0x27a: {  	[tilespmem:s31], [sflag:$0x1] =	stream.indirect_vreg.gather [hbm4b:s12+s5], $0x80, v3, vm0, $0xb8;
	[tilespmem:$0x1C080] =	vst v63  }
0x27b: {  	_ =	swait.ge [sflag:s30], $0x10000  }
0x27c: {  	[sflag:s30] =	ssyncset.done $0x0  }
0x27d: {  	s13 =	rddreg [dreg:$0x10];
	[sflag:s30] =	ssyncadd.s32 $0xFFFF0000  }
0x27e: {  	[hbm4b:s13+s5] =	stream.linear.scatter [tilespmem:s20], [sflag:$0x2], $0x10000, $0x38;
	[tilespmem:$0x1C080] =	vst v63  }
0x27f: {  	_ =	swait.ge [sflag:s29], $0x10000  }
0x280: {  	[sflag:s29] =	ssyncset.done $0x0  }
0x281: {  	[sflag:s29] =	ssyncadd.s32 $0xFFFF0000  }
0x282: {  	v3 =	vld.msk [tilespmem:$0x8], $0xff;
	_ =	sdelay $0x4  }
0x283: {  	v52 =	vshll.u32 v3, $0x8  }
0x284: {  	v3 =	vand.u32 $0x7, v3;
	v4 =	vand.u32 $0xFFFFF800, v52  }
0x285: {  	v3 =	vor.u32 v3, v4  }
0x286: {  	v3 =	vperm.xlane v3, v0;
	_ =	sdelay $0x1  }
0x287: {  	v3 =	vadd.s32 v1, v3;
	_ =	sdelay $0x2  }
0x288: {  	s25 =	sld [smem:$0x7DE]  }
0x289: {  	s15 =	rddreg [dreg:$0x3]  }
0x28a: {  	[tilespmem:s20], [sflag:$0x1] =	stream.indirect_vreg.gather [hbm4b:s15+s5], $0x80, v3, vm0, $0xb8;
	[tilespmem:$0x1C080] =	vst v63  }
0x28b: {  	s4 =	simm.s32 $0xC880;
	s16 =	sld [smem:$0x7DF]  }
0x28c: {  	[tilespmem:s4], [sflag:$0x1] =	stream.indirect_vreg.gather [hbm4b:s25+s5], $0x80, v3, vm0, $0xb8;
	[tilespmem:$0x1C080] =	vst v63  }
0x28d: {  	s7 =	simm.s32 $0xD080;
	s4 =	sld [smem:$0x7E1]  }
0x28e: {  	[tilespmem:s7], [sflag:$0x1] =	stream.indirect_vreg.gather [hbm4b:s16+s5], $0x80, v3, vm0, $0xb8;
	[tilespmem:$0x1C080] =	vst v63  }
0x28f: {  	s14 =	simm.s32 $0xD880;
	s7 =	sld [smem:$0x7E2]  }
0x290: {  	[tilespmem:s14], [sflag:$0x1] =	stream.indirect_vreg.gather [hbm4b:s4+s5], $0x80, v3, vm0, $0xb8;
	[tilespmem:$0x1C080] =	vst v63  }
0x291: {  	s8 =	simm.s32 $0xE080;
	s9 =	sld [smem:$0x7E3]  }
0x292: {  	[tilespmem:s8], [sflag:$0x1] =	stream.indirect_vreg.gather [hbm4b:s7+s5], $0x80, v3, vm0, $0xb8;
	[tilespmem:$0x1C080] =	vst v63  }
0x293: {  	s6 =	simm.s32 $0xE880;
	s10 =	sld [smem:$0x7E4]  }
0x294: {  	[tilespmem:s6], [sflag:$0x1] =	stream.indirect_vreg.gather [hbm4b:s9+s5], $0x80, v3, vm0, $0xb8;
	[tilespmem:$0x1C080] =	vst v63  }
0x295: {  	s2 =	simm.s32 $0xF080;
	s11 =	sld [smem:$0x7E5]  }
0x296: {  	[tilespmem:s2], [sflag:$0x1] =	stream.indirect_vreg.gather [hbm4b:s10+s5], $0x80, v3, vm0, $0xb8;
	[tilespmem:$0x1C080] =	vst v63  }
0x297: {  	s3 =	simm.s32 $0xF880;
	s12 =	sld [smem:$0x7E6]  }
0x298: {  	[tilespmem:s3], [sflag:$0x1] =	stream.indirect_vreg.gather [hbm4b:s11+s5], $0x80, v3, vm0, $0xb8;
	[tilespmem:$0x1C080] =	vst v63  }
0x299: {  	s13 =	sld [smem:$0x7E7];
	s10 =	simm.s32 $0x10080  }
0x29a: {  	[tilespmem:s10], [sflag:$0x1] =	stream.indirect_vreg.gather [hbm4b:s12+s5], $0x80, v3, vm0, $0xb8;
	[tilespmem:$0x1C080] =	vst v63  }
0x29b: {  	s14 =	sld [smem:$0x7E8];
	s11 =	simm.s32 $0x10880  }
0x29c: {  	[tilespmem:s11], [sflag:$0x1] =	stream.indirect_vreg.gather [hbm4b:s13+s5], $0x80, v3, vm0, $0xb8;
	[tilespmem:$0x1C080] =	vst v63  }
0x29d: {  	s15 =	sld [smem:$0x7E9];
	s12 =	simm.s32 $0x11080  }
0x29e: {  	[tilespmem:s12], [sflag:$0x1] =	stream.indirect_vreg.gather [hbm4b:s14+s5], $0x80, v3, vm0, $0xb8;
	[tilespmem:$0x1C080] =	vst v63  }
0x29f: {  	s16 =	sld [smem:$0x7EA];
	s13 =	simm.s32 $0x11880  }
0x2a0: {  	[tilespmem:s13], [sflag:$0x1] =	stream.indirect_vreg.gather [hbm4b:s15+s5], $0x80, v3, vm0, $0xb8;
	[tilespmem:$0x1C080] =	vst v63  }
0x2a1: {  	s6 =	simm.s32 $0x12080;
	s2 =	sld [smem:$0x7EB]  }
0x2a2: {  	[tilespmem:s6], [sflag:$0x1] =	stream.indirect_vreg.gather [hbm4b:s16+s5], $0x80, v3, vm0, $0xb8;
	[tilespmem:$0x1C080] =	vst v63  }
0x2a3: {  	s7 =	simm.s32 $0x12880;
	s3 =	sld [smem:$0x7EC]  }
0x2a4: {  	[tilespmem:s7], [sflag:$0x1] =	stream.indirect_vreg.gather [hbm4b:s2+s5], $0x80, v3, vm0, $0xb8;
	[tilespmem:$0x1C080] =	vst v63  }
0x2a5: {  	s4 =	sld [smem:$0x7ED];
	s8 =	simm.s32 $0x13080  }
0x2a6: {  	[tilespmem:s8], [sflag:$0x1] =	stream.indirect_vreg.gather [hbm4b:s3+s5], $0x80, v3, vm0, $0xb8;
	[tilespmem:$0x1C080] =	vst v63  }
0x2a7: {  	s21 =	simm.s32 $0x13880;
	s9 =	sld [smem:$0x7EE]  }
0x2a8: {  	[tilespmem:s21], [sflag:$0x1] =	stream.indirect_vreg.gather [hbm4b:s4+s5], $0x80, v3, vm0, $0xb8;
	[tilespmem:$0x1C080] =	vst v63  }
0x2a9: {  	s22 =	simm.s32 $0x14080  }
0x2aa: {  	[tilespmem:s22], [sflag:$0x1] =	stream.indirect_vreg.gather [hbm4b:s9+s5], $0x80, v3, vm0, $0xb8;
	[tilespmem:$0x1C080] =	vst v63  }
0x2ab: {  	s22 =	sld [smem:$0x7EF];
	_ =	sdelay $0x1  }
0x2ac: {  	s23 =	simm.s32 $0x14880  }
0x2ad: {  	[tilespmem:s23], [sflag:$0x1] =	stream.indirect_vreg.gather [hbm4b:s22+s5], $0x80, v3, vm0, $0xb8;
	[tilespmem:$0x1C080] =	vst v63  }
0x2ae: {  	s23 =	sld [smem:$0x7F0];
	_ =	sdelay $0x1  }
0x2af: {  	s14 =	sld [smem:$0x7F1];
	s9 =	simm.s32 $0x15080  }
0x2b0: {  	[tilespmem:s9], [sflag:$0x1] =	stream.indirect_vreg.gather [hbm4b:s23+s5], $0x80, v3, vm0, $0xb8;
	[tilespmem:$0x1C080] =	vst v63  }
0x2b1: {  	s15 =	sld [smem:$0x7F2];
	s16 =	simm.s32 $0x15880  }
0x2b2: {  	[tilespmem:s16], [sflag:$0x1] =	stream.indirect_vreg.gather [hbm4b:s14+s5], $0x80, v3, vm0, $0xb8;
	[tilespmem:$0x1C080] =	vst v63  }
0x2b3: {  	s21 =	sld [smem:$0x7F3];
	s14 =	simm.s32 $0x16080  }
0x2b4: {  	[tilespmem:s14], [sflag:$0x1] =	stream.indirect_vreg.gather [hbm4b:s15+s5], $0x80, v3, vm0, $0xb8;
	[tilespmem:$0x1C080] =	vst v63  }
0x2b5: {  	s2 =	sld [smem:$0x7F4];
	s15 =	simm.s32 $0x16880  }
0x2b6: {  	[tilespmem:s15], [sflag:$0x1] =	stream.indirect_vreg.gather [hbm4b:s21+s5], $0x80, v3, vm0, $0xb8;
	[tilespmem:$0x1C080] =	vst v63  }
0x2b7: {  	s21 =	sld [smem:$0x7F5]  }
0x2b8: {  	[tilespmem:s1], [sflag:$0x1] =	stream.indirect_vreg.gather [hbm4b:s2+s5], $0x80, v3, vm0, $0xb8;
	[tilespmem:$0x1C080] =	vst v63  }
0x2b9: {  	s3 =	sld [smem:$0x7F6];
	s1 =	simm.s32 $0x17880  }
0x2ba: {  	[tilespmem:s1], [sflag:$0x1] =	stream.indirect_vreg.gather [hbm4b:s21+s5], $0x80, v3, vm0, $0xb8;
	[tilespmem:$0x1C080] =	vst v63  }
0x2bb: {  	s4 =	sld [smem:$0x7F7];
	s2 =	simm.s32 $0x18080  }
0x2bc: {  	[tilespmem:s2], [sflag:$0x1] =	stream.indirect_vreg.gather [hbm4b:s3+s5], $0x80, v3, vm0, $0xb8;
	[tilespmem:$0x1C080] =	vst v63  }
0x2bd: {  	s0 =	sld [smem:$0x7F8];
	s3 =	simm.s32 $0x18880  }
0x2be: {  	[tilespmem:s3], [sflag:$0x1] =	stream.indirect_vreg.gather [hbm4b:s4+s5], $0x80, v3, vm0, $0xb8;
	[tilespmem:$0x1C080] =	vst v63  }
0x2bf: {  	s4 =	simm.s32 $0x19080  }
0x2c0: {  	[tilespmem:s4], [sflag:$0x1] =	stream.indirect_vreg.gather [hbm4b:s0+s5], $0x80, v3, vm0, $0xb8;
	[tilespmem:$0x1C080] =	vst v63  }
0x2c1: {  	s0 =	sld [smem:$0x7F9];
	_ =	sdelay $0x2  }
0x2c2: {  	[tilespmem:s19], [sflag:$0x1] =	stream.indirect_vreg.gather [hbm4b:s0+s5], $0x80, v3, vm0, $0xb8;
	[tilespmem:$0x1C080] =	vst v63  }
0x2c3: {  	s0 =	sld [smem:$0x7FA];
	_ =	sdelay $0x1  }
0x2c4: {  	s19 =	simm.s32 $0x1A080  }
0x2c5: {  	[tilespmem:s19], [sflag:$0x1] =	stream.indirect_vreg.gather [hbm4b:s0+s5], $0x80, v3, vm0, $0xb8;
	[tilespmem:$0x1C080] =	vst v63  }
0x2c6: {  	s0 =	sld [smem:$0x7FB];
	_ =	sdelay $0x2  }
0x2c7: {  	[tilespmem:s18], [sflag:$0x1] =	stream.indirect_vreg.gather [hbm4b:s0+s5], $0x80, v3, vm0, $0xb8;
	[tilespmem:$0x1C080] =	vst v63  }
0x2c8: {  	s18 =	sld [smem:$0x7FC];
	_ =	sdelay $0x2  }
0x2c9: {  	[tilespmem:s17], [sflag:$0x1] =	stream.indirect_vreg.gather [hbm4b:s18+s5], $0x80, v3, vm0, $0xb8;
	[tilespmem:$0x1C080] =	vst v63  }
0x2ca: {  	s18 =	sld [smem:$0x7FD];
	_ =	sdelay $0x2  }
0x2cb: {  	[tilespmem:s31], [sflag:$0x1] =	stream.indirect_vreg.gather [hbm4b:s18+s5], $0x80, v3, vm0, $0xb8;
	[tilespmem:$0x1C080] =	vst v63  }
0x2cc: {  	_ =	swait.ge [sflag:s30], $0x10000  }
0x2cd: {  	[sflag:s30] =	ssyncset.done $0x0  }
0x2ce: {  	s17 =	rddreg [dreg:$0x11];
	[sflag:s30] =	ssyncadd.s32 $0xFFFF0000  }
0x2cf: {  	[hbm4b:s17+s5] =	stream.linear.scatter [tilespmem:s20], [sflag:$0x2], $0x10000, $0x38;
	[tilespmem:$0x1C080] =	vst v63  }
0x2d0: {  	_ =	swait.ge [sflag:s29], $0x10000  }
0x2d1: {  	[sflag:s29] =	ssyncset.done $0x0  }
0x2d2: {  	[sflag:s29] =	ssyncadd.s32 $0xFFFF0000  }
0x2d3: {  	v3 =	vld.msk [tilespmem:$0x8], $0xff;
	_ =	sdelay $0x4  }
0x2d4: {  	v53 =	vshll.u32 v3, $0x8  }
0x2d5: {  	v3 =	vand.u32 $0x7, v3;
	v4 =	vand.u32 $0xFFFFF800, v53  }
0x2d6: {  	v3 =	vor.u32 v3, v4  }
0x2d7: {  	v3 =	vperm.xlane v3, v0;
	_ =	sdelay $0x1  }
0x2d8: {  	v3 =	vadd.s32 v1, v3;
	_ =	sdelay $0x3  }
0x2d9: {  	s18 =	sld [smem:$0x776]  }
0x2da: {  	[tilespmem:s20], [sflag:$0x1] =	stream.indirect_vreg.gather [hbm4b:s24+s5], $0x80, v3, vm0, $0xb8;
	[tilespmem:$0x1C080] =	vst v63  }
0x2db: {  	s31 =	simm.s32 $0xC880;
	s17 =	sld [smem:$0x777]  }
0x2dc: {  	[tilespmem:s31], [sflag:$0x1] =	stream.indirect_vreg.gather [hbm4b:s18+s5], $0x80, v3, vm0, $0xb8;
	[tilespmem:$0x1C080] =	vst v63  }
0x2dd: {  	s18 =	simm.s32 $0xD080  }
0x2de: {  	[tilespmem:s18], [sflag:$0x1] =	stream.indirect_vreg.gather [hbm4b:s17+s5], $0x80, v3, vm0, $0xb8;
	[tilespmem:$0x1C080] =	vst v63  }
0x2df: {  	s18 =	sld [smem:$0x778];
	_ =	sdelay $0x1  }
0x2e0: {  	s31 =	simm.s32 $0xD880  }
0x2e1: {  	[tilespmem:s31], [sflag:$0x1] =	stream.indirect_vreg.gather [hbm4b:s18+s5], $0x80, v3, vm0, $0xb8;
	[tilespmem:$0x1C080] =	vst v63  }
0x2e2: {  	s31 =	sld [smem:$0x779];
	_ =	sdelay $0x1  }
0x2e3: {  	s0 =	sld [smem:$0x77A];
	s17 =	simm.s32 $0xE080  }
0x2e4: {  	[tilespmem:s17], [sflag:$0x1] =	stream.indirect_vreg.gather [hbm4b:s31+s5], $0x80, v3, vm0, $0xb8;
	[tilespmem:$0x1C080] =	vst v63  }
0x2e5: {  	s17 =	simm.s32 $0xE880  }
0x2e6: {  	[tilespmem:s17], [sflag:$0x1] =	stream.indirect_vreg.gather [hbm4b:s0+s5], $0x80, v3, vm0, $0xb8;
	[tilespmem:$0x1C080] =	vst v63  }
0x2e7: {  	s0 =	sld [smem:$0x77B];
	_ =	sdelay $0x1  }
0x2e8: {  	s17 =	simm.s32 $0xF080  }
0x2e9: {  	[tilespmem:s17], [sflag:$0x1] =	stream.indirect_vreg.gather [hbm4b:s0+s5], $0x80, v3, vm0, $0xb8;
	[tilespmem:$0x1C080] =	vst v63  }
0x2ea: {  	s0 =	sld [smem:$0x77C];
	_ =	sdelay $0x1  }
0x2eb: {  	s17 =	simm.s32 $0xF880  }
0x2ec: {  	[tilespmem:s17], [sflag:$0x1] =	stream.indirect_vreg.gather [hbm4b:s0+s5], $0x80, v3, vm0, $0xb8;
	[tilespmem:$0x1C080] =	vst v63  }
0x2ed: {  	s17 =	sld [smem:$0x77D];
	_ =	sdelay $0x2  }
0x2ee: {  	[tilespmem:s10], [sflag:$0x1] =	stream.indirect_vreg.gather [hbm4b:s17+s5], $0x80, v3, vm0, $0xb8;
	[tilespmem:$0x1C080] =	vst v63  }
0x2ef: {  	s17 =	sld [smem:$0x77E];
	_ =	sdelay $0x2  }
0x2f0: {  	[tilespmem:s11], [sflag:$0x1] =	stream.indirect_vreg.gather [hbm4b:s17+s5], $0x80, v3, vm0, $0xb8;
	[tilespmem:$0x1C080] =	vst v63  }
0x2f1: {  	s17 =	sld [smem:$0x77F];
	_ =	sdelay $0x2  }
0x2f2: {  	[tilespmem:s12], [sflag:$0x1] =	stream.indirect_vreg.gather [hbm4b:s17+s5], $0x80, v3, vm0, $0xb8;
	[tilespmem:$0x1C080] =	vst v63  }
0x2f3: {  	s17 =	sld [smem:$0x780];
	_ =	sdelay $0x2  }
0x2f4: {  	[tilespmem:s13], [sflag:$0x1] =	stream.indirect_vreg.gather [hbm4b:s17+s5], $0x80, v3, vm0, $0xb8;
	[tilespmem:$0x1C080] =	vst v63  }
0x2f5: {  	s17 =	sld [smem:$0x781];
	_ =	sdelay $0x2  }
0x2f6: {  	[tilespmem:s6], [sflag:$0x1] =	stream.indirect_vreg.gather [hbm4b:s17+s5], $0x80, v3, vm0, $0xb8;
	[tilespmem:$0x1C080] =	vst v63  }
0x2f7: {  	s17 =	sld [smem:$0x782];
	_ =	sdelay $0x2  }
0x2f8: {  	[tilespmem:s7], [sflag:$0x1] =	stream.indirect_vreg.gather [hbm4b:s17+s5], $0x80, v3, vm0, $0xb8;
	[tilespmem:$0x1C080] =	vst v63  }
0x2f9: {  	s17 =	sld [smem:$0x783];
	_ =	sdelay $0x1  }
0x2fa: {  	s0 =	sld [smem:$0x784]  }
0x2fb: {  	[tilespmem:s8], [sflag:$0x1] =	stream.indirect_vreg.gather [hbm4b:s17+s5], $0x80, v3, vm0, $0xb8;
	[tilespmem:$0x1C080] =	vst v63  }
0x2fc: {  	s17 =	simm.s32 $0x13880  }
0x2fd: {  	[tilespmem:s17], [sflag:$0x1] =	stream.indirect_vreg.gather [hbm4b:s0+s5], $0x80, v3, vm0, $0xb8;
	[tilespmem:$0x1C080] =	vst v63  }
0x2fe: {  	s0 =	sld [smem:$0x785];
	_ =	sdelay $0x1  }
0x2ff: {  	s17 =	simm.s32 $0x14080  }
0x300: {  	[tilespmem:s17], [sflag:$0x1] =	stream.indirect_vreg.gather [hbm4b:s0+s5], $0x80, v3, vm0, $0xb8;
	[tilespmem:$0x1C080] =	vst v63  }
0x301: {  	s0 =	sld [smem:$0x786];
	_ =	sdelay $0x1  }
0x302: {  	s17 =	simm.s32 $0x14880  }
0x303: {  	[tilespmem:s17], [sflag:$0x1] =	stream.indirect_vreg.gather [hbm4b:s0+s5], $0x80, v3, vm0, $0xb8;
	[tilespmem:$0x1C080] =	vst v63  }
0x304: {  	s17 =	sld [smem:$0x787];
	_ =	sdelay $0x2  }
0x305: {  	[tilespmem:s9], [sflag:$0x1] =	stream.indirect_vreg.gather [hbm4b:s17+s5], $0x80, v3, vm0, $0xb8;
	[tilespmem:$0x1C080] =	vst v63  }
0x306: {  	s9 =	sld [smem:$0x788];
	_ =	sdelay $0x2  }
0x307: {  	[tilespmem:s16], [sflag:$0x1] =	stream.indirect_vreg.gather [hbm4b:s9+s5], $0x80, v3, vm0, $0xb8;
	[tilespmem:$0x1C080] =	vst v63  }
0x308: {  	s9 =	sld [smem:$0x789];
	_ =	sdelay $0x2  }
0x309: {  	[tilespmem:s14], [sflag:$0x1] =	stream.indirect_vreg.gather [hbm4b:s9+s5], $0x80, v3, vm0, $0xb8;
	[tilespmem:$0x1C080] =	vst v63  }
0x30a: {  	s14 =	sld [smem:$0x78A];
	_ =	sdelay $0x2  }
0x30b: {  	[tilespmem:s15], [sflag:$0x1] =	stream.indirect_vreg.gather [hbm4b:s14+s5], $0x80, v3, vm0, $0xb8;
	[tilespmem:$0x1C080] =	vst v63  }
0x30c: {  	s15 =	sld [smem:$0x78B];
	_ =	sdelay $0x1  }
0x30d: {  	s16 =	simm.s32 $0x17080  }
0x30e: {  	[tilespmem:s16], [sflag:$0x1] =	stream.indirect_vreg.gather [hbm4b:s15+s5], $0x80, v3, vm0, $0xb8;
	[tilespmem:$0x1C080] =	vst v63  }
0x30f: {  	s15 =	sld [smem:$0x78C];
	_ =	sdelay $0x1  }
0x310: {  	s14 =	sld [smem:$0x78D]  }
0x311: {  	[tilespmem:s1], [sflag:$0x1] =	stream.indirect_vreg.gather [hbm4b:s15+s5], $0x80, v3, vm0, $0xb8;
	[tilespmem:$0x1C080] =	vst v63  }
0x312: {  	s15 =	sld [smem:$0x78E]  }
0x313: {  	[tilespmem:s2], [sflag:$0x1] =	stream.indirect_vreg.gather [hbm4b:s14+s5], $0x80, v3, vm0, $0xb8;
	[tilespmem:$0x1C080] =	vst v63  }
0x314: {  	s1 =	sld [smem:$0x78F]  }
0x315: {  	[tilespmem:s3], [sflag:$0x1] =	stream.indirect_vreg.gather [hbm4b:s15+s5], $0x80, v3, vm0, $0xb8;
	[tilespmem:$0x1C080] =	vst v63  }
0x316: {  	s3 =	sld [smem:$0x790]  }
0x317: {  	[tilespmem:s4], [sflag:$0x1] =	stream.indirect_vreg.gather [hbm4b:s1+s5], $0x80, v3, vm0, $0xb8;
	[tilespmem:$0x1C080] =	vst v63  }
0x318: {  	s14 =	sld [smem:$0x791];
	s4 =	simm.s32 $0x19880  }
0x319: {  	[tilespmem:s4], [sflag:$0x1] =	stream.indirect_vreg.gather [hbm4b:s3+s5], $0x80, v3, vm0, $0xb8;
	[tilespmem:$0x1C080] =	vst v63  }
0x31a: {  	s1 =	sld [smem:$0x792]  }
0x31b: {  	[tilespmem:s19], [sflag:$0x1] =	stream.indirect_vreg.gather [hbm4b:s14+s5], $0x80, v3, vm0, $0xb8;
	[tilespmem:$0x1C080] =	vst v63  }
0x31c: {  	s3 =	simm.s32 $0x1A880;
	s4 =	sld [smem:$0x793]  }
0x31d: {  	[tilespmem:s3], [sflag:$0x1] =	stream.indirect_vreg.gather [hbm4b:s1+s5], $0x80, v3, vm0, $0xb8;
	[tilespmem:$0x1C080] =	vst v63  }
0x31e: {  	s14 =	simm.s32 $0x1B080;
	s1 =	sld [smem:$0x794]  }
0x31f: {  	[tilespmem:s14], [sflag:$0x1] =	stream.indirect_vreg.gather [hbm4b:s4+s5], $0x80, v3, vm0, $0xb8;
	[tilespmem:$0x1C080] =	vst v63  }
0x320: {  	s3 =	simm.s32 $0x1B880  }
0x321: {  	[tilespmem:s3], [sflag:$0x1] =	stream.indirect_vreg.gather [hbm4b:s1+s5], $0x80, v3, vm0, $0xb8;
	[tilespmem:$0x1C080] =	vst v63  }
0x322: {  	_ =	swait.ge [sflag:s30], $0x10000  }
0x323: {  	[sflag:s30] =	ssyncset.done $0x0  }
0x324: {  	s4 =	rddreg [dreg:$0x12];
	[sflag:s30] =	ssyncadd.s32 $0xFFFF0000  }
0x325: {  	[hbm4b:s4+s5] =	stream.linear.scatter [tilespmem:s20], [sflag:$0x2], $0x10000, $0x38;
	[tilespmem:$0x1C080] =	vst v63  }
0x326: {  	_ =	swait.ge [sflag:s29], $0x10000  }
0x327: {  	[sflag:s29] =	ssyncset.done $0x0  }
0x328: {  	[sflag:s29] =	ssyncadd.s32 $0xFFFF0000  }
0x329: {  	v3 =	vld.msk [tilespmem:$0x8], $0xff;
	_ =	sdelay $0x4  }
0x32a: {  	v54 =	vshll.u32 v3, $0x8  }
0x32b: {  	v3 =	vand.u32 $0x7, v3;
	v4 =	vand.u32 $0xFFFFF800, v54  }
0x32c: {  	v3 =	vor.u32 v3, v4  }
0x32d: {  	v3 =	vperm.xlane v3, v0;
	_ =	sdelay $0x1  }
0x32e: {  	v3 =	vadd.s32 v1, v3;
	_ =	sdelay $0x3  }
0x32f: {  	s3 =	sld [smem:$0x795]  }
0x330: {  	[tilespmem:s20], [sflag:$0x1] =	stream.indirect_vreg.gather [hbm4b:s26+s5], $0x80, v3, vm0, $0xb8;
	[tilespmem:$0x1C080] =	vst v63  }
0x331: {  	s4 =	simm.s32 $0xC880  }
0x332: {  	[tilespmem:s4], [sflag:$0x1] =	stream.indirect_vreg.gather [hbm4b:s3+s5], $0x80, v3, vm0, $0xb8;
	[tilespmem:$0x1C080] =	vst v63  }
0x333: {  	s3 =	sld [smem:$0x796];
	_ =	sdelay $0x1  }
0x334: {  	s4 =	simm.s32 $0xD080  }
0x335: {  	[tilespmem:s4], [sflag:$0x1] =	stream.indirect_vreg.gather [hbm4b:s3+s5], $0x80, v3, vm0, $0xb8;
	[tilespmem:$0x1C080] =	vst v63  }
0x336: {  	s3 =	sld [smem:$0x797];
	_ =	sdelay $0x1  }
0x337: {  	s4 =	simm.s32 $0xD880  }
0x338: {  	[tilespmem:s4], [sflag:$0x1] =	stream.indirect_vreg.gather [hbm4b:s3+s5], $0x80, v3, vm0, $0xb8;
	[tilespmem:$0x1C080] =	vst v63  }
0x339: {  	s3 =	sld [smem:$0x798];
	_ =	sdelay $0x1  }
0x33a: {  	s4 =	simm.s32 $0xE080  }
0x33b: {  	[tilespmem:s4], [sflag:$0x1] =	stream.indirect_vreg.gather [hbm4b:s3+s5], $0x80, v3, vm0, $0xb8;
	[tilespmem:$0x1C080] =	vst v63  }
0x33c: {  	s3 =	sld [smem:$0x799];
	_ =	sdelay $0x1  }
0x33d: {  	s4 =	simm.s32 $0xE880  }
0x33e: {  	[tilespmem:s4], [sflag:$0x1] =	stream.indirect_vreg.gather [hbm4b:s3+s5], $0x80, v3, vm0, $0xb8;
	[tilespmem:$0x1C080] =	vst v63  }
0x33f: {  	s3 =	sld [smem:$0x79A];
	_ =	sdelay $0x1  }
0x340: {  	s4 =	simm.s32 $0xF080  }
0x341: {  	[tilespmem:s4], [sflag:$0x1] =	stream.indirect_vreg.gather [hbm4b:s3+s5], $0x80, v3, vm0, $0xb8;
	[tilespmem:$0x1C080] =	vst v63  }
0x342: {  	s3 =	sld [smem:$0x79B];
	_ =	sdelay $0x1  }
0x343: {  	s4 =	simm.s32 $0xF880  }
0x344: {  	[tilespmem:s4], [sflag:$0x1] =	stream.indirect_vreg.gather [hbm4b:s3+s5], $0x80, v3, vm0, $0xb8;
	[tilespmem:$0x1C080] =	vst v63  }
0x345: {  	s4 =	sld [smem:$0x79C];
	_ =	sdelay $0x1  }
0x346: {  	s10 =	simm.s32 $0x10080  }
0x347: {  	[tilespmem:s10], [sflag:$0x1] =	stream.indirect_vreg.gather [hbm4b:s4+s5], $0x80, v3, vm0, $0xb8;
	[tilespmem:$0x1C080] =	vst v63  }
0x348: {  	s10 =	sld [smem:$0x79D];
	_ =	sdelay $0x1  }
0x349: {  	s11 =	simm.s32 $0x10880  }
0x34a: {  	[tilespmem:s11], [sflag:$0x1] =	stream.indirect_vreg.gather [hbm4b:s10+s5], $0x80, v3, vm0, $0xb8;
	[tilespmem:$0x1C080] =	vst v63  }
0x34b: {  	s11 =	sld [smem:$0x79E];
	_ =	sdelay $0x1  }
0x34c: {  	s12 =	simm.s32 $0x11080  }
0x34d: {  	[tilespmem:s12], [sflag:$0x1] =	stream.indirect_vreg.gather [hbm4b:s11+s5], $0x80, v3, vm0, $0xb8;
	[tilespmem:$0x1C080] =	vst v63  }
0x34e: {  	s12 =	sld [smem:$0x79F];
	_ =	sdelay $0x1  }
0x34f: {  	s13 =	simm.s32 $0x11880  }
0x350: {  	[tilespmem:s13], [sflag:$0x1] =	stream.indirect_vreg.gather [hbm4b:s12+s5], $0x80, v3, vm0, $0xb8;
	[tilespmem:$0x1C080] =	vst v63  }
0x351: {  	s13 =	sld [smem:$0x7A0];
	_ =	sdelay $0x1  }
0x352: {  	s6 =	simm.s32 $0x12080;
	s3 =	sld [smem:$0x7A1]  }
0x353: {  	[tilespmem:s6], [sflag:$0x1] =	stream.indirect_vreg.gather [hbm4b:s13+s5], $0x80, v3, vm0, $0xb8;
	[tilespmem:$0x1C080] =	vst v63  }
0x354: {  	s7 =	simm.s32 $0x12880;
	s4 =	sld [smem:$0x7A2]  }
0x355: {  	[tilespmem:s7], [sflag:$0x1] =	stream.indirect_vreg.gather [hbm4b:s3+s5], $0x80, v3, vm0, $0xb8;
	[tilespmem:$0x1C080] =	vst v63  }
0x356: {  	s8 =	simm.s32 $0x13080;
	s6 =	sld [smem:$0x7A3]  }
0x357: {  	[tilespmem:s8], [sflag:$0x1] =	stream.indirect_vreg.gather [hbm4b:s4+s5], $0x80, v3, vm0, $0xb8;
	[tilespmem:$0x1C080] =	vst v63  }
0x358: {  	s7 =	simm.s32 $0x13880;
	s8 =	sld [smem:$0x7A4]  }
0x359: {  	[tilespmem:s7], [sflag:$0x1] =	stream.indirect_vreg.gather [hbm4b:s6+s5], $0x80, v3, vm0, $0xb8;
	[tilespmem:$0x1C080] =	vst v63  }
0x35a: {  	s10 =	simm.s32 $0x14080;
	s11 =	sld [smem:$0x7A5]  }
0x35b: {  	[tilespmem:s10], [sflag:$0x1] =	stream.indirect_vreg.gather [hbm4b:s8+s5], $0x80, v3, vm0, $0xb8;
	[tilespmem:$0x1C080] =	vst v63  }
0x35c: {  	s12 =	simm.s32 $0x14880;
	s13 =	sld [smem:$0x7A6]  }
0x35d: {  	[tilespmem:s12], [sflag:$0x1] =	stream.indirect_vreg.gather [hbm4b:s11+s5], $0x80, v3, vm0, $0xb8;
	[tilespmem:$0x1C080] =	vst v63  }
0x35e: {  	s17 =	simm.s32 $0x15080  }
0x35f: {  	[tilespmem:s17], [sflag:$0x1] =	stream.indirect_vreg.gather [hbm4b:s13+s5], $0x80, v3, vm0, $0xb8;
	[tilespmem:$0x1C080] =	vst v63  }
0x360: {  	s17 =	sld [smem:$0x7A7];
	_ =	sdelay $0x1  }
0x361: {  	s3 =	simm.s32 $0x15880;
	s6 =	sld [smem:$0x7A8]  }
0x362: {  	[tilespmem:s3], [sflag:$0x1] =	stream.indirect_vreg.gather [hbm4b:s17+s5], $0x80, v3, vm0, $0xb8;
	[tilespmem:$0x1C080] =	vst v63  }
0x363: {  	s7 =	simm.s32 $0x16080;
	s8 =	sld [smem:$0x7A9]  }
0x364: {  	[tilespmem:s7], [sflag:$0x1] =	stream.indirect_vreg.gather [hbm4b:s6+s5], $0x80, v3, vm0, $0xb8;
	[tilespmem:$0x1C080] =	vst v63  }
0x365: {  	s9 =	simm.s32 $0x16880;
	s10 =	sld [smem:$0x7AA]  }
0x366: {  	[tilespmem:s9], [sflag:$0x1] =	stream.indirect_vreg.gather [hbm4b:s8+s5], $0x80, v3, vm0, $0xb8;
	[tilespmem:$0x1C080] =	vst v63  }
0x367: {  	s16 =	simm.s32 $0x17080;
	s11 =	sld [smem:$0x7AB]  }
0x368: {  	[tilespmem:s16], [sflag:$0x1] =	stream.indirect_vreg.gather [hbm4b:s10+s5], $0x80, v3, vm0, $0xb8;
	[tilespmem:$0x1C080] =	vst v63  }
0x369: {  	s13 =	simm.s32 $0x17880;
	s16 =	sld [smem:$0x7AC]  }
0x36a: {  	[tilespmem:s13], [sflag:$0x1] =	stream.indirect_vreg.gather [hbm4b:s11+s5], $0x80, v3, vm0, $0xb8;
	[tilespmem:$0x1C080] =	vst v63  }
0x36b: {  	s2 =	simm.s32 $0x18080;
	s3 =	sld [smem:$0x7AD]  }
0x36c: {  	[tilespmem:s2], [sflag:$0x1] =	stream.indirect_vreg.gather [hbm4b:s16+s5], $0x80, v3, vm0, $0xb8;
	[tilespmem:$0x1C080] =	vst v63  }
0x36d: {  	s8 =	simm.s32 $0x18880;
	s10 =	sld [smem:$0x7AE]  }
0x36e: {  	[tilespmem:s8], [sflag:$0x1] =	stream.indirect_vreg.gather [hbm4b:s3+s5], $0x80, v3, vm0, $0xb8;
	[tilespmem:$0x1C080] =	vst v63  }
0x36f: {  	s16 =	simm.s32 $0x19080;
	s2 =	sld [smem:$0x7AF]  }
0x370: {  	[tilespmem:s16], [sflag:$0x1] =	stream.indirect_vreg.gather [hbm4b:s10+s5], $0x80, v3, vm0, $0xb8;
	[tilespmem:$0x1C080] =	vst v63  }
0x371: {  	s15 =	simm.s32 $0x19880;
	s3 =	sld [smem:$0x7B0]  }
0x372: {  	[tilespmem:s15], [sflag:$0x1] =	stream.indirect_vreg.gather [hbm4b:s2+s5], $0x80, v3, vm0, $0xb8;
	[tilespmem:$0x1C080] =	vst v63  }
0x373: {  	s19 =	simm.s32 $0x1A080;
	s10 =	sld [smem:$0x7B1]  }
0x374: {  	[tilespmem:s19], [sflag:$0x1] =	stream.indirect_vreg.gather [hbm4b:s3+s5], $0x80, v3, vm0, $0xb8;
	[tilespmem:$0x1C080] =	vst v63  }
0x375: {  	s19 =	simm.s32 $0x1A880;
	s3 =	sld [smem:$0x7B2]  }
0x376: {  	[tilespmem:s19], [sflag:$0x1] =	stream.indirect_vreg.gather [hbm4b:s10+s5], $0x80, v3, vm0, $0xb8;
	[tilespmem:$0x1C080] =	vst v63  }
0x377: {  	s14 =	simm.s32 $0x1B080;
	s10 =	sld [smem:$0x7B3]  }
0x378: {  	[tilespmem:s14], [sflag:$0x1] =	stream.indirect_vreg.gather [hbm4b:s3+s5], $0x80, v3, vm0, $0xb8;
	[tilespmem:$0x1C080] =	vst v63  }
0x379: {  	s1 =	simm.s32 $0x1B880  }
0x37a: {  	[tilespmem:s1], [sflag:$0x1] =	stream.indirect_vreg.gather [hbm4b:s10+s5], $0x80, v3, vm0, $0xb8;
	[tilespmem:$0x1C080] =	vst v63  }
0x37b: {  	_ =	swait.ge [sflag:s30], $0x10000  }
0x37c: {  	[sflag:s30] =	ssyncset.done $0x0  }
0x37d: {  	s1 =	rddreg [dreg:$0x13];
	[sflag:s30] =	ssyncadd.s32 $0xFFFF0000  }
0x37e: {  	[hbm4b:s1+s5] =	stream.linear.scatter [tilespmem:s20], [sflag:$0x2], $0x10000, $0x38;
	[tilespmem:$0x1C080] =	vst v63  }
0x37f: {  	_ =	swait.ge [sflag:s29], $0x10000  }
0x380: {  	[sflag:s29] =	ssyncset.done $0x0  }
0x381: {  	[sflag:s29] =	ssyncadd.s32 $0xFFFF0000  }
0x382: {  	v3 =	vld.msk [tilespmem:$0x8], $0xff;
	_ =	sdelay $0x4  }
0x383: {  	v55 =	vshll.u32 v3, $0x8  }
0x384: {  	v3 =	vand.u32 $0x7, v3;
	v4 =	vand.u32 $0xFFFFF800, v55  }
0x385: {  	v3 =	vor.u32 v3, v4  }
0x386: {  	v3 =	vperm.xlane v3, v0;
	_ =	sdelay $0x1  }
0x387: {  	v3 =	vadd.s32 v1, v3;
	_ =	sdelay $0x3  }
0x388: {  	s2 =	sld [smem:$0x7B4]  }
0x389: {  	[tilespmem:s20], [sflag:$0x1] =	stream.indirect_vreg.gather [hbm4b:s28+s5], $0x80, v3, vm0, $0xb8;
	[tilespmem:$0x1C080] =	vst v63  }
0x38a: {  	s3 =	simm.s32 $0xC880  }
0x38b: {  	[tilespmem:s3], [sflag:$0x1] =	stream.indirect_vreg.gather [hbm4b:s2+s5], $0x80, v3, vm0, $0xb8;
	[tilespmem:$0x1C080] =	vst v63  }
0x38c: {  	s2 =	sld [smem:$0x7B5];
	_ =	sdelay $0x1  }
0x38d: {  	s3 =	simm.s32 $0xD080  }
0x38e: {  	[tilespmem:s3], [sflag:$0x1] =	stream.indirect_vreg.gather [hbm4b:s2+s5], $0x80, v3, vm0, $0xb8;
	[tilespmem:$0x1C080] =	vst v63  }
0x38f: {  	s2 =	sld [smem:$0x7B6];
	_ =	sdelay $0x1  }
0x390: {  	s3 =	simm.s32 $0xD880  }
0x391: {  	[tilespmem:s3], [sflag:$0x1] =	stream.indirect_vreg.gather [hbm4b:s2+s5], $0x80, v3, vm0, $0xb8;
	[tilespmem:$0x1C080] =	vst v63  }
0x392: {  	s2 =	sld [smem:$0x7B7];
	_ =	sdelay $0x1  }
0x393: {  	s3 =	simm.s32 $0xE080  }
0x394: {  	[tilespmem:s3], [sflag:$0x1] =	stream.indirect_vreg.gather [hbm4b:s2+s5], $0x80, v3, vm0, $0xb8;
	[tilespmem:$0x1C080] =	vst v63  }
0x395: {  	s2 =	sld [smem:$0x7B8];
	_ =	sdelay $0x1  }
0x396: {  	s3 =	simm.s32 $0xE880  }
0x397: {  	[tilespmem:s3], [sflag:$0x1] =	stream.indirect_vreg.gather [hbm4b:s2+s5], $0x80, v3, vm0, $0xb8;
	[tilespmem:$0x1C080] =	vst v63  }
0x398: {  	s2 =	sld [smem:$0x7B9];
	_ =	sdelay $0x1  }
0x399: {  	s3 =	simm.s32 $0xF080  }
0x39a: {  	[tilespmem:s3], [sflag:$0x1] =	stream.indirect_vreg.gather [hbm4b:s2+s5], $0x80, v3, vm0, $0xb8;
	[tilespmem:$0x1C080] =	vst v63  }
0x39b: {  	s2 =	sld [smem:$0x7BA];
	_ =	sdelay $0x1  }
0x39c: {  	s1 =	sld [smem:$0x7BB];
	s3 =	simm.s32 $0xF880  }
0x39d: {  	[tilespmem:s3], [sflag:$0x1] =	stream.indirect_vreg.gather [hbm4b:s2+s5], $0x80, v3, vm0, $0xb8;
	[tilespmem:$0x1C080] =	vst v63  }
0x39e: {  	s2 =	simm.s32 $0x10080  }
0x39f: {  	[tilespmem:s2], [sflag:$0x1] =	stream.indirect_vreg.gather [hbm4b:s1+s5], $0x80, v3, vm0, $0xb8;
	[tilespmem:$0x1C080] =	vst v63  }
0x3a0: {  	s1 =	sld [smem:$0x7BC];
	_ =	sdelay $0x1  }
0x3a1: {  	s3 =	simm.s32 $0x10880;
	s2 =	sld [smem:$0x76E]  }
0x3a2: {  	[tilespmem:s3], [sflag:$0x1] =	stream.indirect_vreg.gather [hbm4b:s1+s5], $0x80, v3, vm0, $0xb8;
	[tilespmem:$0x1C080] =	vst v63  }
0x3a3: {  	s3 =	simm.s32 $0x11080  }
0x3a4: {  	[tilespmem:s3], [sflag:$0x1] =	stream.indirect_vreg.gather [hbm4b:s2+s5], $0x80, v3, vm0, $0xb8;
	[tilespmem:$0x1C080] =	vst v63  }
0x3a5: {  	s2 =	sld [smem:$0x7BD];
	_ =	sdelay $0x1  }
0x3a6: {  	s3 =	simm.s32 $0x11880  }
0x3a7: {  	[tilespmem:s3], [sflag:$0x1] =	stream.indirect_vreg.gather [hbm4b:s2+s5], $0x80, v3, vm0, $0xb8;
	[tilespmem:$0x1C080] =	vst v63  }
0x3a8: {  	s2 =	sld [smem:$0x7BE];
	_ =	sdelay $0x1  }
0x3a9: {  	s3 =	simm.s32 $0x12080  }
0x3aa: {  	[tilespmem:s3], [sflag:$0x1] =	stream.indirect_vreg.gather [hbm4b:s2+s5], $0x80, v3, vm0, $0xb8;
	[tilespmem:$0x1C080] =	vst v63  }
0x3ab: {  	s2 =	sld [smem:$0x7BF];
	_ =	sdelay $0x1  }
0x3ac: {  	s0 =	sld [smem:$0x76F];
	s3 =	simm.s32 $0x12880  }
0x3ad: {  	[tilespmem:s3], [sflag:$0x1] =	stream.indirect_vreg.gather [hbm4b:s2+s5], $0x80, v3, vm0, $0xb8;
	[tilespmem:$0x1C080] =	vst v63  }
0x3ae: {  	s3 =	simm.s32 $0x13080  }
0x3af: {  	[tilespmem:s3], [sflag:$0x1] =	stream.indirect_vreg.gather [hbm4b:s0+s5], $0x80, v3, vm0, $0xb8;
	[tilespmem:$0x1C080] =	vst v63  }
0x3b0: {  	s0 =	sld [smem:$0x7C0];
	_ =	sdelay $0x1  }
0x3b1: {  	s3 =	simm.s32 $0x13880  }
0x3b2: {  	[tilespmem:s3], [sflag:$0x1] =	stream.indirect_vreg.gather [hbm4b:s0+s5], $0x80, v3, vm0, $0xb8;
	[tilespmem:$0x1C080] =	vst v63  }
0x3b3: {  	s0 =	sld [smem:$0x7C1];
	_ =	sdelay $0x1  }
0x3b4: {  	s3 =	simm.s32 $0x14080  }
0x3b5: {  	[tilespmem:s3], [sflag:$0x1] =	stream.indirect_vreg.gather [hbm4b:s0+s5], $0x80, v3, vm0, $0xb8;
	[tilespmem:$0x1C080] =	vst v63  }
0x3b6: {  	s3 =	sld [smem:$0x7C2];
	_ =	sdelay $0x1  }
0x3b7: {  	s0 =	simm.s32 $0x14880  }
0x3b8: {  	[tilespmem:s0], [sflag:$0x1] =	stream.indirect_vreg.gather [hbm4b:s3+s5], $0x80, v3, vm0, $0xb8;
	[tilespmem:$0x1C080] =	vst v63  }
0x3b9: {  	s0 =	sld [smem:$0x770];
	_ =	sdelay $0x1  }
0x3ba: {  	s12 =	simm.s32 $0x15080  }
0x3bb: {  	[tilespmem:s12], [sflag:$0x1] =	stream.indirect_vreg.gather [hbm4b:s0+s5], $0x80, v3, vm0, $0xb8;
	[tilespmem:$0x1C080] =	vst v63  }
0x3bc: {  	s12 =	sld [smem:$0x7C3];
	_ =	sdelay $0x1  }
0x3bd: {  	s17 =	simm.s32 $0x15880  }
0x3be: {  	[tilespmem:s17], [sflag:$0x1] =	stream.indirect_vreg.gather [hbm4b:s12+s5], $0x80, v3, vm0, $0xb8;
	[tilespmem:$0x1C080] =	vst v63  }
0x3bf: {  	s17 =	sld [smem:$0x771];
	_ =	sdelay $0x1  }
0x3c0: {  	s4 =	simm.s32 $0x16080  }
0x3c1: {  	[tilespmem:s4], [sflag:$0x1] =	stream.indirect_vreg.gather [hbm4b:s17+s5], $0x80, v3, vm0, $0xb8;
	[tilespmem:$0x1C080] =	vst v63  }
0x3c2: {  	s4 =	sld [smem:$0x7C4];
	_ =	sdelay $0x1  }
0x3c3: {  	s9 =	simm.s32 $0x16880  }
0x3c4: {  	[tilespmem:s9], [sflag:$0x1] =	stream.indirect_vreg.gather [hbm4b:s4+s5], $0x80, v3, vm0, $0xb8;
	[tilespmem:$0x1C080] =	vst v63  }
0x3c5: {  	s4 =	sld [smem:$0x7C5];
	_ =	sdelay $0x1  }
0x3c6: {  	s7 =	simm.s32 $0x17080;
	s9 =	sld [smem:$0x772]  }
0x3c7: {  	[tilespmem:s7], [sflag:$0x1] =	stream.indirect_vreg.gather [hbm4b:s4+s5], $0x80, v3, vm0, $0xb8;
	[tilespmem:$0x1C080] =	vst v63  }
0x3c8: {  	s6 =	simm.s32 $0x17880  }
0x3c9: {  	[tilespmem:s6], [sflag:$0x1] =	stream.indirect_vreg.gather [hbm4b:s9+s5], $0x80, v3, vm0, $0xb8;
	[tilespmem:$0x1C080] =	vst v63  }
0x3ca: {  	s6 =	sld [smem:$0x7C6];
	_ =	sdelay $0x1  }
0x3cb: {  	s11 =	simm.s32 $0x18080  }
0x3cc: {  	[tilespmem:s11], [sflag:$0x1] =	stream.indirect_vreg.gather [hbm4b:s6+s5], $0x80, v3, vm0, $0xb8;
	[tilespmem:$0x1C080] =	vst v63  }
0x3cd: {  	s11 =	sld [smem:$0x773];
	_ =	sdelay $0x1  }
0x3ce: {  	s13 =	simm.s32 $0x18880;
	s7 =	sld [smem:$0x7C7]  }
0x3cf: {  	[tilespmem:s13], [sflag:$0x1] =	stream.indirect_vreg.gather [hbm4b:s11+s5], $0x80, v3, vm0, $0xb8;
	[tilespmem:$0x1C080] =	vst v63  }
0x3d0: {  	s16 =	simm.s32 $0x19080  }
0x3d1: {  	[tilespmem:s16], [sflag:$0x1] =	stream.indirect_vreg.gather [hbm4b:s7+s5], $0x80, v3, vm0, $0xb8;
	[tilespmem:$0x1C080] =	vst v63  }
0x3d2: {  	s16 =	sld [smem:$0x774];
	_ =	sdelay $0x1  }
0x3d3: {  	s8 =	simm.s32 $0x19880  }
0x3d4: {  	[tilespmem:s8], [sflag:$0x1] =	stream.indirect_vreg.gather [hbm4b:s16+s5], $0x80, v3, vm0, $0xb8;
	[tilespmem:$0x1C080] =	vst v63  }
0x3d5: {  	s8 =	sld [smem:$0x7C8];
	_ =	sdelay $0x1  }
0x3d6: {  	s15 =	simm.s32 $0x1A080;
	s17 =	sld [smem:$0x775]  }
0x3d7: {  	[tilespmem:s15], [sflag:$0x1] =	stream.indirect_vreg.gather [hbm4b:s8+s5], $0x80, v3, vm0, $0xb8;
	[tilespmem:$0x1C080] =	vst v63  }
0x3d8: {  	s19 =	simm.s32 $0x1A880;
	s9 =	sld [smem:$0x7C9]  }
0x3d9: {  	[tilespmem:s19], [sflag:$0x1] =	stream.indirect_vreg.gather [hbm4b:s17+s5], $0x80, v3, vm0, $0xb8;
	[tilespmem:$0x1C080] =	vst v63  }
0x3da: {  	s14 =	simm.s32 $0x1B080;
	s17 =	sld [smem:$0x76D]  }
0x3db: {  	[tilespmem:s14], [sflag:$0x1] =	stream.indirect_vreg.gather [hbm4b:s9+s5], $0x80, v3, vm0, $0xb8;
	[tilespmem:$0x1C080] =	vst v63  }
0x3dc: {  	s10 =	simm.s32 $0x1B880  }
0x3dd: {  	[tilespmem:s10], [sflag:$0x1] =	stream.indirect_vreg.gather [hbm4b:s17+s5], $0x80, v3, vm0, $0xb8;
	[tilespmem:$0x1C080] =	vst v63  }
0x3de: {  	_ =	swait.ge [sflag:s30], $0x10000  }
0x3df: {  	[sflag:s30] =	ssyncset.done $0x0  }
0x3e0: {  	s19 =	rddreg [dreg:$0x14];
	[sflag:s30] =	ssyncadd.s32 $0xFFFF0000  }
0x3e1: {  	[hbm4b:s19+s5] =	stream.linear.scatter [tilespmem:s20], [sflag:$0x2], $0x10000, $0x38;
	[tilespmem:$0x1C080] =	vst v63  }
0x3e2: {  	_ =	swait.ge [sflag:s29], $0x10000  }
0x3e3: {  	[sflag:s29] =	ssyncset.done $0x0  }
0x3e4: {  	[sflag:s29] =	ssyncadd.s32 $0xFFFF0000  }
0x3e5: {  	v3 =	vld.msk [tilespmem:$0x10], $0xff;
	_ =	sdelay $0x4  }
0x3e6: {  	v56 =	vshll.u32 v3, $0x8  }
0x3e7: {  	v3 =	vand.u32 $0x7, v3;
	v4 =	vand.u32 $0xFFFFF800, v56  }
0x3e8: {  	v3 =	vor.u32 v3, v4  }
0x3e9: {  	v3 =	vperm.xlane v3, v0;
	_ =	sdelay $0x1  }
0x3ea: {  	v3 =	vadd.s32 v1, v3;
	_ =	sdelay $0x3  }
0x3eb: {  	s10 =	rddreg [dreg:$0x3]  }
0x3ec: {  	[tilespmem:s20], [sflag:$0x1] =	stream.indirect_vreg.gather [hbm4b:s10+s5], $0x80, v3, vm0, $0xb8;
	[tilespmem:$0x1C080] =	vst v63  }
0x3ed: {  	s11 =	simm.s32 $0xC880;
	s13 =	sld [smem:$0x7DF]  }
0x3ee: {  	[tilespmem:s11], [sflag:$0x1] =	stream.indirect_vreg.gather [hbm4b:s25+s5], $0x80, v3, vm0, $0xb8;
	[tilespmem:$0x1C080] =	vst v63  }
0x3ef: {  	s14 =	simm.s32 $0xD080;
	s15 =	sld [smem:$0x7E1]  }
0x3f0: {  	[tilespmem:s14], [sflag:$0x1] =	stream.indirect_vreg.gather [hbm4b:s13+s5], $0x80, v3, vm0, $0xb8;
	[tilespmem:$0x1C080] =	vst v63  }
0x3f1: {  	s16 =	simm.s32 $0xD880;
	s19 =	sld [smem:$0x7E2]  }
0x3f2: {  	[tilespmem:s16], [sflag:$0x1] =	stream.indirect_vreg.gather [hbm4b:s15+s5], $0x80, v3, vm0, $0xb8;
	[tilespmem:$0x1C080] =	vst v63  }
0x3f3: {  	s10 =	sld [smem:$0x7E3];
	s25 =	simm.s32 $0xE080  }
0x3f4: {  	[tilespmem:s25], [sflag:$0x1] =	stream.indirect_vreg.gather [hbm4b:s19+s5], $0x80, v3, vm0, $0xb8;
	[tilespmem:$0x1C080] =	vst v63  }
0x3f5: {  	s11 =	simm.s32 $0xE880;
	s13 =	sld [smem:$0x7E4]  }
0x3f6: {  	[tilespmem:s11], [sflag:$0x1] =	stream.indirect_vreg.gather [hbm4b:s10+s5], $0x80, v3, vm0, $0xb8;
	[tilespmem:$0x1C080] =	vst v63  }
0x3f7: {  	s14 =	simm.s32 $0xF080;
	s15 =	sld [smem:$0x7E5]  }
0x3f8: {  	[tilespmem:s14], [sflag:$0x1] =	stream.indirect_vreg.gather [hbm4b:s13+s5], $0x80, v3, vm0, $0xb8;
	[tilespmem:$0x1C080] =	vst v63  }
0x3f9: {  	s16 =	simm.s32 $0xF880;
	s19 =	sld [smem:$0x7E6]  }
0x3fa: {  	[tilespmem:s16], [sflag:$0x1] =	stream.indirect_vreg.gather [hbm4b:s15+s5], $0x80, v3, vm0, $0xb8;
	[tilespmem:$0x1C080] =	vst v63  }
0x3fb: {  	s25 =	simm.s32 $0x10080;
	s10 =	sld [smem:$0x7E7]  }
0x3fc: {  	[tilespmem:s25], [sflag:$0x1] =	stream.indirect_vreg.gather [hbm4b:s19+s5], $0x80, v3, vm0, $0xb8;
	[tilespmem:$0x1C080] =	vst v63  }
0x3fd: {  	s11 =	simm.s32 $0x10880;
	s13 =	sld [smem:$0x7E8]  }
0x3fe: {  	[tilespmem:s11], [sflag:$0x1] =	stream.indirect_vreg.gather [hbm4b:s10+s5], $0x80, v3, vm0, $0xb8;
	[tilespmem:$0x1C080] =	vst v63  }
0x3ff: {  	s14 =	simm.s32 $0x11080;
	s15 =	sld [smem:$0x7E9]  }
0x400: {  	[tilespmem:s14], [sflag:$0x1] =	stream.indirect_vreg.gather [hbm4b:s13+s5], $0x80, v3, vm0, $0xb8;
	[tilespmem:$0x1C080] =	vst v63  }
0x401: {  	s16 =	simm.s32 $0x11880;
	s19 =	sld [smem:$0x7EA]  }
0x402: {  	[tilespmem:s16], [sflag:$0x1] =	stream.indirect_vreg.gather [hbm4b:s15+s5], $0x80, v3, vm0, $0xb8;
	[tilespmem:$0x1C080] =	vst v63  }
0x403: {  	s25 =	simm.s32 $0x12080;
	s10 =	sld [smem:$0x7EB]  }
0x404: {  	[tilespmem:s25], [sflag:$0x1] =	stream.indirect_vreg.gather [hbm4b:s19+s5], $0x80, v3, vm0, $0xb8;
	[tilespmem:$0x1C080] =	vst v63  }
0x405: {  	s11 =	simm.s32 $0x12880;
	s13 =	sld [smem:$0x7EC]  }
0x406: {  	[tilespmem:s11], [sflag:$0x1] =	stream.indirect_vreg.gather [hbm4b:s10+s5], $0x80, v3, vm0, $0xb8;
	[tilespmem:$0x1C080] =	vst v63  }
0x407: {  	s14 =	simm.s32 $0x13080;
	s15 =	sld [smem:$0x7ED]  }
0x408: {  	[tilespmem:s14], [sflag:$0x1] =	stream.indirect_vreg.gather [hbm4b:s13+s5], $0x80, v3, vm0, $0xb8;
	[tilespmem:$0x1C080] =	vst v63  }
0x409: {  	s16 =	simm.s32 $0x13880;
	s11 =	sld [smem:$0x7EE]  }
0x40a: {  	[tilespmem:s16], [sflag:$0x1] =	stream.indirect_vreg.gather [hbm4b:s15+s5], $0x80, v3, vm0, $0xb8;
	[tilespmem:$0x1C080] =	vst v63  }
0x40b: {  	s13 =	simm.s32 $0x14080  }
0x40c: {  	[tilespmem:s13], [sflag:$0x1] =	stream.indirect_vreg.gather [hbm4b:s11+s5], $0x80, v3, vm0, $0xb8;
	[tilespmem:$0x1C080] =	vst v63  }
0x40d: {  	s14 =	simm.s32 $0x14880  }
0x40e: {  	[tilespmem:s14], [sflag:$0x1] =	stream.indirect_vreg.gather [hbm4b:s22+s5], $0x80, v3, vm0, $0xb8;
	[tilespmem:$0x1C080] =	vst v63  }
0x40f: {  	s15 =	simm.s32 $0x15080;
	s22 =	sld [smem:$0x7F1]  }
0x410: {  	[tilespmem:s15], [sflag:$0x1] =	stream.indirect_vreg.gather [hbm4b:s23+s5], $0x80, v3, vm0, $0xb8;
	[tilespmem:$0x1C080] =	vst v63  }
0x411: {  	s23 =	simm.s32 $0x15880  }
0x412: {  	[tilespmem:s23], [sflag:$0x1] =	stream.indirect_vreg.gather [hbm4b:s22+s5], $0x80, v3, vm0, $0xb8;
	[tilespmem:$0x1C080] =	vst v63  }
0x413: {  	s0 =	sld [smem:$0x7F2];
	_ =	sdelay $0x1  }
0x414: {  	s15 =	simm.s32 $0x16080;
	s22 =	sld [smem:$0x7F3]  }
0x415: {  	[tilespmem:s15], [sflag:$0x1] =	stream.indirect_vreg.gather [hbm4b:s0+s5], $0x80, v3, vm0, $0xb8;
	[tilespmem:$0x1C080] =	vst v63  }
0x416: {  	s23 =	simm.s32 $0x16880;
	s15 =	sld [smem:$0x7F4]  }
0x417: {  	[tilespmem:s23], [sflag:$0x1] =	stream.indirect_vreg.gather [hbm4b:s22+s5], $0x80, v3, vm0, $0xb8;
	[tilespmem:$0x1C080] =	vst v63  }
0x418: {  	s22 =	simm.s32 $0x17080  }
0x419: {  	[tilespmem:s22], [sflag:$0x1] =	stream.indirect_vreg.gather [hbm4b:s15+s5], $0x80, v3, vm0, $0xb8;
	[tilespmem:$0x1C080] =	vst v63  }
0x41a: {  	s10 =	sld [smem:$0x7F6];
	s23 =	simm.s32 $0x17880  }
0x41b: {  	[tilespmem:s23], [sflag:$0x1] =	stream.indirect_vreg.gather [hbm4b:s21+s5], $0x80, v3, vm0, $0xb8;
	[tilespmem:$0x1C080] =	vst v63  }
0x41c: {  	s22 =	sld [smem:$0x7F7];
	s21 =	simm.s32 $0x18080  }
0x41d: {  	[tilespmem:s21], [sflag:$0x1] =	stream.indirect_vreg.gather [hbm4b:s10+s5], $0x80, v3, vm0, $0xb8;
	[tilespmem:$0x1C080] =	vst v63  }
0x41e: {  	s23 =	simm.s32 $0x18880  }
0x41f: {  	[tilespmem:s23], [sflag:$0x1] =	stream.indirect_vreg.gather [hbm4b:s22+s5], $0x80, v3, vm0, $0xb8;
	[tilespmem:$0x1C080] =	vst v63  }
0x420: {  	s22 =	sld [smem:$0x7F8];
	_ =	sdelay $0x1  }
0x421: {  	s23 =	simm.s32 $0x19080  }
0x422: {  	[tilespmem:s23], [sflag:$0x1] =	stream.indirect_vreg.gather [hbm4b:s22+s5], $0x80, v3, vm0, $0xb8;
	[tilespmem:$0x1C080] =	vst v63  }
0x423: {  	s22 =	sld [smem:$0x7F9];
	_ =	sdelay $0x1  }
0x424: {  	s23 =	simm.s32 $0x19880  }
0x425: {  	[tilespmem:s23], [sflag:$0x1] =	stream.indirect_vreg.gather [hbm4b:s22+s5], $0x80, v3, vm0, $0xb8;
	[tilespmem:$0x1C080] =	vst v63  }
0x426: {  	s22 =	sld [smem:$0x7FA];
	_ =	sdelay $0x1  }
0x427: {  	s10 =	sld [smem:$0x7FB];
	s23 =	simm.s32 $0x1A080  }
0x428: {  	[tilespmem:s23], [sflag:$0x1] =	stream.indirect_vreg.gather [hbm4b:s22+s5], $0x80, v3, vm0, $0xb8;
	[tilespmem:$0x1C080] =	vst v63  }
0x429: {  	s22 =	simm.s32 $0x1A880;
	s23 =	sld [smem:$0x7FC]  }
0x42a: {  	[tilespmem:s22], [sflag:$0x1] =	stream.indirect_vreg.gather [hbm4b:s10+s5], $0x80, v3, vm0, $0xb8;
	[tilespmem:$0x1C080] =	vst v63  }
0x42b: {  	s22 =	simm.s32 $0x1B080  }
0x42c: {  	[tilespmem:s22], [sflag:$0x1] =	stream.indirect_vreg.gather [hbm4b:s23+s5], $0x80, v3, vm0, $0xb8;
	[tilespmem:$0x1C080] =	vst v63  }
0x42d: {  	s23 =	sld [smem:$0x7FD];
	_ =	sdelay $0x1  }
0x42e: {  	s22 =	simm.s32 $0x1B880  }
0x42f: {  	[tilespmem:s22], [sflag:$0x1] =	stream.indirect_vreg.gather [hbm4b:s23+s5], $0x80, v3, vm0, $0xb8;
	[tilespmem:$0x1C080] =	vst v63  }
0x430: {  	_ =	swait.ge [sflag:s30], $0x10000  }
0x431: {  	[sflag:s30] =	ssyncset.done $0x0  }
0x432: {  	s22 =	rddreg [dreg:$0x15];
	[sflag:s30] =	ssyncadd.s32 $0xFFFF0000  }
0x433: {  	[hbm4b:s22+s5] =	stream.linear.scatter [tilespmem:s20], [sflag:$0x2], $0x10000, $0x38;
	[tilespmem:$0x1C080] =	vst v63  }
0x434: {  	_ =	swait.ge [sflag:s29], $0x10000  }
0x435: {  	[sflag:s29] =	ssyncset.done $0x0  }
0x436: {  	[sflag:s29] =	ssyncadd.s32 $0xFFFF0000  }
0x437: {  	v3 =	vld.msk [tilespmem:$0x10], $0xff;
	_ =	sdelay $0x4  }
0x438: {  	v57 =	vshll.u32 v3, $0x8  }
0x439: {  	v3 =	vand.u32 $0x7, v3;
	v4 =	vand.u32 $0xFFFFF800, v57  }
0x43a: {  	v3 =	vor.u32 v3, v4  }
0x43b: {  	v3 =	vperm.xlane v3, v0;
	_ =	sdelay $0x1  }
0x43c: {  	v3 =	vadd.s32 v1, v3;
	_ =	sdelay $0x3  }
0x43d: {  	s0 =	sld [smem:$0x776]  }
0x43e: {  	[tilespmem:s20], [sflag:$0x1] =	stream.indirect_vreg.gather [hbm4b:s24+s5], $0x80, v3, vm0, $0xb8;
	[tilespmem:$0x1C080] =	vst v63  }
0x43f: {  	s22 =	simm.s32 $0xC880  }
0x440: {  	[tilespmem:s22], [sflag:$0x1] =	stream.indirect_vreg.gather [hbm4b:s0+s5], $0x80, v3, vm0, $0xb8;
	[tilespmem:$0x1C080] =	vst v63  }
0x441: {  	s0 =	sld [smem:$0x777];
	_ =	sdelay $0x1  }
0x442: {  	s22 =	simm.s32 $0xD080  }
0x443: {  	[tilespmem:s22], [sflag:$0x1] =	stream.indirect_vreg.gather [hbm4b:s0+s5], $0x80, v3, vm0, $0xb8;
	[tilespmem:$0x1C080] =	vst v63  }
0x444: {  	s22 =	simm.s32 $0xD880  }
0x445: {  	[tilespmem:s22], [sflag:$0x1] =	stream.indirect_vreg.gather [hbm4b:s18+s5], $0x80, v3, vm0, $0xb8;
	[tilespmem:$0x1C080] =	vst v63  }
0x446: {  	s18 =	simm.s32 $0xE080;
	s22 =	sld [smem:$0x77A]  }
0x447: {  	[tilespmem:s18], [sflag:$0x1] =	stream.indirect_vreg.gather [hbm4b:s31+s5], $0x80, v3, vm0, $0xb8;
	[tilespmem:$0x1C080] =	vst v63  }
0x448: {  	s31 =	simm.s32 $0xE880  }
0x449: {  	[tilespmem:s31], [sflag:$0x1] =	stream.indirect_vreg.gather [hbm4b:s22+s5], $0x80, v3, vm0, $0xb8;
	[tilespmem:$0x1C080] =	vst v63  }
0x44a: {  	s22 =	sld [smem:$0x77B];
	_ =	sdelay $0x1  }
0x44b: {  	s31 =	simm.s32 $0xF080  }
0x44c: {  	[tilespmem:s31], [sflag:$0x1] =	stream.indirect_vreg.gather [hbm4b:s22+s5], $0x80, v3, vm0, $0xb8;
	[tilespmem:$0x1C080] =	vst v63  }
0x44d: {  	s22 =	sld [smem:$0x77C];
	_ =	sdelay $0x1  }
0x44e: {  	s31 =	simm.s32 $0xF880  }
0x44f: {  	[tilespmem:s31], [sflag:$0x1] =	stream.indirect_vreg.gather [hbm4b:s22+s5], $0x80, v3, vm0, $0xb8;
	[tilespmem:$0x1C080] =	vst v63  }
0x450: {  	s22 =	sld [smem:$0x77D];
	_ =	sdelay $0x1  }
0x451: {  	s31 =	simm.s32 $0x10080  }
0x452: {  	[tilespmem:s31], [sflag:$0x1] =	stream.indirect_vreg.gather [hbm4b:s22+s5], $0x80, v3, vm0, $0xb8;
	[tilespmem:$0x1C080] =	vst v63  }
0x453: {  	s22 =	sld [smem:$0x77E];
	_ =	sdelay $0x1  }
0x454: {  	s31 =	simm.s32 $0x10880  }
0x455: {  	[tilespmem:s31], [sflag:$0x1] =	stream.indirect_vreg.gather [hbm4b:s22+s5], $0x80, v3, vm0, $0xb8;
	[tilespmem:$0x1C080] =	vst v63  }
0x456: {  	s22 =	sld [smem:$0x77F];
	_ =	sdelay $0x1  }
0x457: {  	s31 =	simm.s32 $0x11080  }
0x458: {  	[tilespmem:s31], [sflag:$0x1] =	stream.indirect_vreg.gather [hbm4b:s22+s5], $0x80, v3, vm0, $0xb8;
	[tilespmem:$0x1C080] =	vst v63  }
0x459: {  	s22 =	sld [smem:$0x780];
	_ =	sdelay $0x1  }
0x45a: {  	s18 =	sld [smem:$0x781];
	s31 =	simm.s32 $0x11880  }
0x45b: {  	[tilespmem:s31], [sflag:$0x1] =	stream.indirect_vreg.gather [hbm4b:s22+s5], $0x80, v3, vm0, $0xb8;
	[tilespmem:$0x1C080] =	vst v63  }
0x45c: {  	s22 =	simm.s32 $0x12080;
	s31 =	sld [smem:$0x782]  }
0x45d: {  	[tilespmem:s22], [sflag:$0x1] =	stream.indirect_vreg.gather [hbm4b:s18+s5], $0x80, v3, vm0, $0xb8;
	[tilespmem:$0x1C080] =	vst v63  }
0x45e: {  	s25 =	simm.s32 $0x12880;
	s18 =	sld [smem:$0x783]  }
0x45f: {  	[tilespmem:s25], [sflag:$0x1] =	stream.indirect_vreg.gather [hbm4b:s31+s5], $0x80, v3, vm0, $0xb8;
	[tilespmem:$0x1C080] =	vst v63  }
0x460: {  	s19 =	simm.s32 $0x13080  }
0x461: {  	[tilespmem:s19], [sflag:$0x1] =	stream.indirect_vreg.gather [hbm4b:s18+s5], $0x80, v3, vm0, $0xb8;
	[tilespmem:$0x1C080] =	vst v63  }
0x462: {  	s19 =	sld [smem:$0x784];
	_ =	sdelay $0x1  }
0x463: {  	s16 =	simm.s32 $0x13880;
	s22 =	sld [smem:$0x785]  }
0x464: {  	[tilespmem:s16], [sflag:$0x1] =	stream.indirect_vreg.gather [hbm4b:s19+s5], $0x80, v3, vm0, $0xb8;
	[tilespmem:$0x1C080] =	vst v63  }
0x465: {  	s13 =	simm.s32 $0x14080;
	s25 =	sld [smem:$0x786]  }
0x466: {  	[tilespmem:s13], [sflag:$0x1] =	stream.indirect_vreg.gather [hbm4b:s22+s5], $0x80, v3, vm0, $0xb8;
	[tilespmem:$0x1C080] =	vst v63  }
0x467: {  	s14 =	simm.s32 $0x14880;
	s31 =	sld [smem:$0x787]  }
0x468: {  	[tilespmem:s14], [sflag:$0x1] =	stream.indirect_vreg.gather [hbm4b:s25+s5], $0x80, v3, vm0, $0xb8;
	[tilespmem:$0x1C080] =	vst v63  }
0x469: {  	s11 =	simm.s32 $0x15080;
	s13 =	sld [smem:$0x788]  }
0x46a: {  	[tilespmem:s11], [sflag:$0x1] =	stream.indirect_vreg.gather [hbm4b:s31+s5], $0x80, v3, vm0, $0xb8;
	[tilespmem:$0x1C080] =	vst v63  }
0x46b: {  	s16 =	sld [smem:$0x789];
	s14 =	simm.s32 $0x15880  }
0x46c: {  	[tilespmem:s14], [sflag:$0x1] =	stream.indirect_vreg.gather [hbm4b:s13+s5], $0x80, v3, vm0, $0xb8;
	[tilespmem:$0x1C080] =	vst v63  }
0x46d: {  	s18 =	simm.s32 $0x16080;
	s19 =	sld [smem:$0x78A]  }
0x46e: {  	[tilespmem:s18], [sflag:$0x1] =	stream.indirect_vreg.gather [hbm4b:s16+s5], $0x80, v3, vm0, $0xb8;
	[tilespmem:$0x1C080] =	vst v63  }
0x46f: {  	s22 =	simm.s32 $0x16880;
	s25 =	sld [smem:$0x78B]  }
0x470: {  	[tilespmem:s22], [sflag:$0x1] =	stream.indirect_vreg.gather [hbm4b:s19+s5], $0x80, v3, vm0, $0xb8;
	[tilespmem:$0x1C080] =	vst v63  }
0x471: {  	s31 =	simm.s32 $0x17080;
	s13 =	sld [smem:$0x78C]  }
0x472: {  	[tilespmem:s31], [sflag:$0x1] =	stream.indirect_vreg.gather [hbm4b:s25+s5], $0x80, v3, vm0, $0xb8;
	[tilespmem:$0x1C080] =	vst v63  }
0x473: {  	s15 =	simm.s32 $0x17880;
	s14 =	sld [smem:$0x78D]  }
0x474: {  	[tilespmem:s15], [sflag:$0x1] =	stream.indirect_vreg.gather [hbm4b:s13+s5], $0x80, v3, vm0, $0xb8;
	[tilespmem:$0x1C080] =	vst v63  }
0x475: {  	s21 =	simm.s32 $0x18080;
	s15 =	sld [smem:$0x78E]  }
0x476: {  	[tilespmem:s21], [sflag:$0x1] =	stream.indirect_vreg.gather [hbm4b:s14+s5], $0x80, v3, vm0, $0xb8;
	[tilespmem:$0x1C080] =	vst v63  }
0x477: {  	s16 =	simm.s32 $0x18880;
	s18 =	sld [smem:$0x78F]  }
0x478: {  	[tilespmem:s16], [sflag:$0x1] =	stream.indirect_vreg.gather [hbm4b:s15+s5], $0x80, v3, vm0, $0xb8;
	[tilespmem:$0x1C080] =	vst v63  }
0x479: {  	s19 =	simm.s32 $0x19080;
	s21 =	sld [smem:$0x790]  }
0x47a: {  	[tilespmem:s19], [sflag:$0x1] =	stream.indirect_vreg.gather [hbm4b:s18+s5], $0x80, v3, vm0, $0xb8;
	[tilespmem:$0x1C080] =	vst v63  }
0x47b: {  	s22 =	simm.s32 $0x19880;
	s25 =	sld [smem:$0x791]  }
0x47c: {  	[tilespmem:s22], [sflag:$0x1] =	stream.indirect_vreg.gather [hbm4b:s21+s5], $0x80, v3, vm0, $0xb8;
	[tilespmem:$0x1C080] =	vst v63  }
0x47d: {  	s11 =	sld [smem:$0x792];
	s31 =	simm.s32 $0x1A080  }
0x47e: {  	[tilespmem:s31], [sflag:$0x1] =	stream.indirect_vreg.gather [hbm4b:s25+s5], $0x80, v3, vm0, $0xb8;
	[tilespmem:$0x1C080] =	vst v63  }
0x47f: {  	s10 =	simm.s32 $0x1A880;
	s13 =	sld [smem:$0x793]  }
0x480: {  	[tilespmem:s10], [sflag:$0x1] =	stream.indirect_vreg.gather [hbm4b:s11+s5], $0x80, v3, vm0, $0xb8;
	[tilespmem:$0x1C080] =	vst v63  }
0x481: {  	s14 =	simm.s32 $0x1B080;
	s15 =	sld [smem:$0x794]  }
0x482: {  	[tilespmem:s14], [sflag:$0x1] =	stream.indirect_vreg.gather [hbm4b:s13+s5], $0x80, v3, vm0, $0xb8;
	[tilespmem:$0x1C080] =	vst v63  }
0x483: {  	s23 =	simm.s32 $0x1B880  }
0x484: {  	[tilespmem:s23], [sflag:$0x1] =	stream.indirect_vreg.gather [hbm4b:s15+s5], $0x80, v3, vm0, $0xb8;
	[tilespmem:$0x1C080] =	vst v63  }
0x485: {  	_ =	swait.ge [sflag:s30], $0x10000  }
0x486: {  	[sflag:s30] =	ssyncset.done $0x0  }
0x487: {  	s16 =	rddreg [dreg:$0x16];
	[sflag:s30] =	ssyncadd.s32 $0xFFFF0000  }
0x488: {  	[hbm4b:s16+s5] =	stream.linear.scatter [tilespmem:s20], [sflag:$0x2], $0x10000, $0x38;
	[tilespmem:$0x1C080] =	vst v63  }
0x489: {  	_ =	swait.ge [sflag:s29], $0x10000  }
0x48a: {  	[sflag:s29] =	ssyncset.done $0x0  }
0x48b: {  	[sflag:s29] =	ssyncadd.s32 $0xFFFF0000  }
0x48c: {  	v3 =	vld.msk [tilespmem:$0x10], $0xff;
	_ =	sdelay $0x4  }
0x48d: {  	v58 =	vshll.u32 v3, $0x8  }
0x48e: {  	v3 =	vand.u32 $0x7, v3;
	v4 =	vand.u32 $0xFFFFF800, v58  }
0x48f: {  	v3 =	vor.u32 v3, v4  }
0x490: {  	v3 =	vperm.xlane v3, v0;
	_ =	sdelay $0x1  }
0x491: {  	v3 =	vadd.s32 v1, v3;
	_ =	sdelay $0x3  }
0x492: {  	s18 =	sld [smem:$0x795]  }
0x493: {  	[tilespmem:s20], [sflag:$0x1] =	stream.indirect_vreg.gather [hbm4b:s26+s5], $0x80, v3, vm0, $0xb8;
	[tilespmem:$0x1C080] =	vst v63  }
0x494: {  	s13 =	simm.s32 $0xC880;
	s19 =	sld [smem:$0x796]  }
0x495: {  	[tilespmem:s13], [sflag:$0x1] =	stream.indirect_vreg.gather [hbm4b:s18+s5], $0x80, v3, vm0, $0xb8;
	[tilespmem:$0x1C080] =	vst v63  }
0x496: {  	s21 =	simm.s32 $0xD080;
	s22 =	sld [smem:$0x797]  }
0x497: {  	[tilespmem:s21], [sflag:$0x1] =	stream.indirect_vreg.gather [hbm4b:s19+s5], $0x80, v3, vm0, $0xb8;
	[tilespmem:$0x1C080] =	vst v63  }
0x498: {  	s25 =	simm.s32 $0xD880;
	s23 =	sld [smem:$0x798]  }
0x499: {  	[tilespmem:s25], [sflag:$0x1] =	stream.indirect_vreg.gather [hbm4b:s22+s5], $0x80, v3, vm0, $0xb8;
	[tilespmem:$0x1C080] =	vst v63  }
0x49a: {  	s14 =	simm.s32 $0xE080;
	s31 =	sld [smem:$0x799]  }
0x49b: {  	[tilespmem:s14], [sflag:$0x1] =	stream.indirect_vreg.gather [hbm4b:s23+s5], $0x80, v3, vm0, $0xb8;
	[tilespmem:$0x1C080] =	vst v63  }
0x49c: {  	s15 =	simm.s32 $0xE880;
	s10 =	sld [smem:$0x79A]  }
0x49d: {  	[tilespmem:s15], [sflag:$0x1] =	stream.indirect_vreg.gather [hbm4b:s31+s5], $0x80, v3, vm0, $0xb8;
	[tilespmem:$0x1C080] =	vst v63  }
0x49e: {  	s16 =	simm.s32 $0xF080;
	s11 =	sld [smem:$0x79B]  }
0x49f: {  	[tilespmem:s16], [sflag:$0x1] =	stream.indirect_vreg.gather [hbm4b:s10+s5], $0x80, v3, vm0, $0xb8;
	[tilespmem:$0x1C080] =	vst v63  }
0x4a0: {  	s18 =	simm.s32 $0xF880;
	s19 =	sld [smem:$0x79C]  }
0x4a1: {  	[tilespmem:s18], [sflag:$0x1] =	stream.indirect_vreg.gather [hbm4b:s11+s5], $0x80, v3, vm0, $0xb8;
	[tilespmem:$0x1C080] =	vst v63  }
0x4a2: {  	s22 =	sld [smem:$0x79D];
	s18 =	simm.s32 $0x10080  }
0x4a3: {  	[tilespmem:s18], [sflag:$0x1] =	stream.indirect_vreg.gather [hbm4b:s19+s5], $0x80, v3, vm0, $0xb8;
	[tilespmem:$0x1C080] =	vst v63  }
0x4a4: {  	s23 =	sld [smem:$0x79E];
	s10 =	simm.s32 $0x10880  }
0x4a5: {  	[tilespmem:s10], [sflag:$0x1] =	stream.indirect_vreg.gather [hbm4b:s22+s5], $0x80, v3, vm0, $0xb8;
	[tilespmem:$0x1C080] =	vst v63  }
0x4a6: {  	s31 =	sld [smem:$0x79F];
	s19 =	simm.s32 $0x11080  }
0x4a7: {  	[tilespmem:s19], [sflag:$0x1] =	stream.indirect_vreg.gather [hbm4b:s23+s5], $0x80, v3, vm0, $0xb8;
	[tilespmem:$0x1C080] =	vst v63  }
0x4a8: {  	s11 =	sld [smem:$0x7A0];
	s22 =	simm.s32 $0x11880  }
0x4a9: {  	[tilespmem:s22], [sflag:$0x1] =	stream.indirect_vreg.gather [hbm4b:s31+s5], $0x80, v3, vm0, $0xb8;
	[tilespmem:$0x1C080] =	vst v63  }
0x4aa: {  	s23 =	simm.s32 $0x12080;
	s31 =	sld [smem:$0x7A1]  }
0x4ab: {  	[tilespmem:s23], [sflag:$0x1] =	stream.indirect_vreg.gather [hbm4b:s11+s5], $0x80, v3, vm0, $0xb8;
	[tilespmem:$0x1C080] =	vst v63  }
0x4ac: {  	s0 =	sld [smem:$0x7A2];
	s11 =	simm.s32 $0x12880  }
0x4ad: {  	[tilespmem:s11], [sflag:$0x1] =	stream.indirect_vreg.gather [hbm4b:s31+s5], $0x80, v3, vm0, $0xb8;
	[tilespmem:$0x1C080] =	vst v63  }
0x4ae: {  	s31 =	simm.s32 $0x13080  }
0x4af: {  	[tilespmem:s31], [sflag:$0x1] =	stream.indirect_vreg.gather [hbm4b:s0+s5], $0x80, v3, vm0, $0xb8;
	[tilespmem:$0x1C080] =	vst v63  }
0x4b0: {  	s0 =	sld [smem:$0x7A3];
	_ =	sdelay $0x1  }
0x4b1: {  	s31 =	simm.s32 $0x13880  }
0x4b2: {  	[tilespmem:s31], [sflag:$0x1] =	stream.indirect_vreg.gather [hbm4b:s0+s5], $0x80, v3, vm0, $0xb8;
	[tilespmem:$0x1C080] =	vst v63  }
0x4b3: {  	s0 =	sld [smem:$0x7A4];
	_ =	sdelay $0x1  }
0x4b4: {  	s31 =	simm.s32 $0x14080  }
0x4b5: {  	[tilespmem:s31], [sflag:$0x1] =	stream.indirect_vreg.gather [hbm4b:s0+s5], $0x80, v3, vm0, $0xb8;
	[tilespmem:$0x1C080] =	vst v63  }
0x4b6: {  	s0 =	sld [smem:$0x7A5];
	_ =	sdelay $0x1  }
0x4b7: {  	s31 =	simm.s32 $0x14880  }
0x4b8: {  	[tilespmem:s31], [sflag:$0x1] =	stream.indirect_vreg.gather [hbm4b:s0+s5], $0x80, v3, vm0, $0xb8;
	[tilespmem:$0x1C080] =	vst v63  }
0x4b9: {  	s0 =	sld [smem:$0x7A6];
	_ =	sdelay $0x1  }
0x4ba: {  	s31 =	simm.s32 $0x15080  }
0x4bb: {  	[tilespmem:s31], [sflag:$0x1] =	stream.indirect_vreg.gather [hbm4b:s0+s5], $0x80, v3, vm0, $0xb8;
	[tilespmem:$0x1C080] =	vst v63  }
0x4bc: {  	s0 =	sld [smem:$0x7A7];
	_ =	sdelay $0x1  }
0x4bd: {  	s31 =	simm.s32 $0x15880  }
0x4be: {  	[tilespmem:s31], [sflag:$0x1] =	stream.indirect_vreg.gather [hbm4b:s0+s5], $0x80, v3, vm0, $0xb8;
	[tilespmem:$0x1C080] =	vst v63  }
0x4bf: {  	s0 =	sld [smem:$0x7A8];
	_ =	sdelay $0x1  }
0x4c0: {  	s31 =	simm.s32 $0x16080  }
0x4c1: {  	[tilespmem:s31], [sflag:$0x1] =	stream.indirect_vreg.gather [hbm4b:s0+s5], $0x80, v3, vm0, $0xb8;
	[tilespmem:$0x1C080] =	vst v63  }
0x4c2: {  	s0 =	sld [smem:$0x7A9];
	_ =	sdelay $0x1  }
0x4c3: {  	s31 =	simm.s32 $0x16880  }
0x4c4: {  	[tilespmem:s31], [sflag:$0x1] =	stream.indirect_vreg.gather [hbm4b:s0+s5], $0x80, v3, vm0, $0xb8;
	[tilespmem:$0x1C080] =	vst v63  }
0x4c5: {  	s0 =	sld [smem:$0x7AA];
	_ =	sdelay $0x1  }
0x4c6: {  	s31 =	simm.s32 $0x17080  }
0x4c7: {  	[tilespmem:s31], [sflag:$0x1] =	stream.indirect_vreg.gather [hbm4b:s0+s5], $0x80, v3, vm0, $0xb8;
	[tilespmem:$0x1C080] =	vst v63  }
0x4c8: {  	s0 =	sld [smem:$0x7AB];
	_ =	sdelay $0x1  }
0x4c9: {  	s31 =	simm.s32 $0x17880  }
0x4ca: {  	[tilespmem:s31], [sflag:$0x1] =	stream.indirect_vreg.gather [hbm4b:s0+s5], $0x80, v3, vm0, $0xb8;
	[tilespmem:$0x1C080] =	vst v63  }
0x4cb: {  	s0 =	sld [smem:$0x7AC];
	_ =	sdelay $0x1  }
0x4cc: {  	s31 =	simm.s32 $0x18080  }
0x4cd: {  	[tilespmem:s31], [sflag:$0x1] =	stream.indirect_vreg.gather [hbm4b:s0+s5], $0x80, v3, vm0, $0xb8;
	[tilespmem:$0x1C080] =	vst v63  }
0x4ce: {  	s0 =	sld [smem:$0x7AD];
	_ =	sdelay $0x1  }
0x4cf: {  	s31 =	simm.s32 $0x18880  }
0x4d0: {  	[tilespmem:s31], [sflag:$0x1] =	stream.indirect_vreg.gather [hbm4b:s0+s5], $0x80, v3, vm0, $0xb8;
	[tilespmem:$0x1C080] =	vst v63  }
0x4d1: {  	s0 =	sld [smem:$0x7AE];
	_ =	sdelay $0x1  }
0x4d2: {  	s31 =	simm.s32 $0x19080  }
0x4d3: {  	[tilespmem:s31], [sflag:$0x1] =	stream.indirect_vreg.gather [hbm4b:s0+s5], $0x80, v3, vm0, $0xb8;
	[tilespmem:$0x1C080] =	vst v63  }
0x4d4: {  	s0 =	sld [smem:$0x7AF];
	_ =	sdelay $0x1  }
0x4d5: {  	s31 =	simm.s32 $0x19880  }
0x4d6: {  	[tilespmem:s31], [sflag:$0x1] =	stream.indirect_vreg.gather [hbm4b:s0+s5], $0x80, v3, vm0, $0xb8;
	[tilespmem:$0x1C080] =	vst v63  }
0x4d7: {  	s0 =	sld [smem:$0x7B0];
	_ =	sdelay $0x1  }
0x4d8: {  	s31 =	simm.s32 $0x1A080  }
0x4d9: {  	[tilespmem:s31], [sflag:$0x1] =	stream.indirect_vreg.gather [hbm4b:s0+s5], $0x80, v3, vm0, $0xb8;
	[tilespmem:$0x1C080] =	vst v63  }
0x4da: {  	s0 =	sld [smem:$0x7B1];
	_ =	sdelay $0x1  }
0x4db: {  	s31 =	simm.s32 $0x1A880  }
0x4dc: {  	[tilespmem:s31], [sflag:$0x1] =	stream.indirect_vreg.gather [hbm4b:s0+s5], $0x80, v3, vm0, $0xb8;
	[tilespmem:$0x1C080] =	vst v63  }
0x4dd: {  	s0 =	sld [smem:$0x7B2];
	_ =	sdelay $0x1  }
0x4de: {  	s31 =	simm.s32 $0x1B080  }
0x4df: {  	[tilespmem:s31], [sflag:$0x1] =	stream.indirect_vreg.gather [hbm4b:s0+s5], $0x80, v3, vm0, $0xb8;
	[tilespmem:$0x1C080] =	vst v63  }
0x4e0: {  	s0 =	sld [smem:$0x7B3];
	_ =	sdelay $0x1  }
0x4e1: {  	s31 =	simm.s32 $0x1B880  }
0x4e2: {  	[tilespmem:s31], [sflag:$0x1] =	stream.indirect_vreg.gather [hbm4b:s0+s5], $0x80, v3, vm0, $0xb8;
	[tilespmem:$0x1C080] =	vst v63  }
0x4e3: {  	_ =	swait.ge [sflag:s30], $0x10000  }
0x4e4: {  	[sflag:s30] =	ssyncset.done $0x0  }
0x4e5: {  	s31 =	rddreg [dreg:$0x17];
	[sflag:s30] =	ssyncadd.s32 $0xFFFF0000  }
0x4e6: {  	[hbm4b:s31+s5] =	stream.linear.scatter [tilespmem:s20], [sflag:$0x2], $0x10000, $0x38;
	[tilespmem:$0x1C080] =	vst v63  }
0x4e7: {  	_ =	swait.ge [sflag:s29], $0x10000  }
0x4e8: {  	[sflag:s29] =	ssyncset.done $0x0  }
0x4e9: {  	[sflag:s29] =	ssyncadd.s32 $0xFFFF0000  }
0x4ea: {  	v3 =	vld.msk [tilespmem:$0x10], $0xff;
	_ =	sdelay $0x4  }
0x4eb: {  	v59 =	vshll.u32 v3, $0x8  }
0x4ec: {  	v3 =	vand.u32 $0x7, v3;
	v4 =	vand.u32 $0xFFFFF800, v59  }
0x4ed: {  	v3 =	vor.u32 v3, v4  }
0x4ee: {  	v3 =	vperm.xlane v3, v0;
	_ =	sdelay $0x1  }
0x4ef: {  	v3 =	vadd.s32 v1, v3;
	_ =	sdelay $0x3  }
0x4f0: {  	s31 =	sld [smem:$0x7B4]  }
0x4f1: {  	[tilespmem:s20], [sflag:$0x1] =	stream.indirect_vreg.gather [hbm4b:s28+s5], $0x80, v3, vm0, $0xb8;
	[tilespmem:$0x1C080] =	vst v63  }
0x4f2: {  	_ = 	snop  }
0x4f3: {  	[tilespmem:s13], [sflag:$0x1] =	stream.indirect_vreg.gather [hbm4b:s31+s5], $0x80, v3, vm0, $0xb8;
	[tilespmem:$0x1C080] =	vst v63  }
0x4f4: {  	s31 =	sld [smem:$0x7B5];
	_ =	sdelay $0x1  }
0x4f5: {  	s13 =	sld [smem:$0x7B6]  }
0x4f6: {  	[tilespmem:s21], [sflag:$0x1] =	stream.indirect_vreg.gather [hbm4b:s31+s5], $0x80, v3, vm0, $0xb8;
	[tilespmem:$0x1C080] =	vst v63  }
0x4f7: {  	s21 =	sld [smem:$0x7B7]  }
0x4f8: {  	[tilespmem:s25], [sflag:$0x1] =	stream.indirect_vreg.gather [hbm4b:s13+s5], $0x80, v3, vm0, $0xb8;
	[tilespmem:$0x1C080] =	vst v63  }
0x4f9: {  	s25 =	sld [smem:$0x7B8]  }
0x4fa: {  	[tilespmem:s14], [sflag:$0x1] =	stream.indirect_vreg.gather [hbm4b:s21+s5], $0x80, v3, vm0, $0xb8;
	[tilespmem:$0x1C080] =	vst v63  }
0x4fb: {  	s31 =	sld [smem:$0x7B9]  }
0x4fc: {  	[tilespmem:s15], [sflag:$0x1] =	stream.indirect_vreg.gather [hbm4b:s25+s5], $0x80, v3, vm0, $0xb8;
	[tilespmem:$0x1C080] =	vst v63  }
0x4fd: {  	s13 =	sld [smem:$0x7BA]  }
0x4fe: {  	[tilespmem:s16], [sflag:$0x1] =	stream.indirect_vreg.gather [hbm4b:s31+s5], $0x80, v3, vm0, $0xb8;
	[tilespmem:$0x1C080] =	vst v63  }
0x4ff: {  	s14 =	simm.s32 $0xF880;
	s16 =	sld [smem:$0x7BB]  }
0x500: {  	[tilespmem:s14], [sflag:$0x1] =	stream.indirect_vreg.gather [hbm4b:s13+s5], $0x80, v3, vm0, $0xb8;
	[tilespmem:$0x1C080] =	vst v63  }
0x501: {  	_ = 	snop  }
0x502: {  	[tilespmem:s18], [sflag:$0x1] =	stream.indirect_vreg.gather [hbm4b:s16+s5], $0x80, v3, vm0, $0xb8;
	[tilespmem:$0x1C080] =	vst v63  }
0x503: {  	_ = 	snop  }
0x504: {  	[tilespmem:s10], [sflag:$0x1] =	stream.indirect_vreg.gather [hbm4b:s1+s5], $0x80, v3, vm0, $0xb8;
	[tilespmem:$0x1C080] =	vst v63  }
0x505: {  	s10 =	sld [smem:$0x76E];
	_ =	sdelay $0x1  }
0x506: {  	s21 =	sld [smem:$0x7BD]  }
0x507: {  	[tilespmem:s19], [sflag:$0x1] =	stream.indirect_vreg.gather [hbm4b:s10+s5], $0x80, v3, vm0, $0xb8;
	[tilespmem:$0x1C080] =	vst v63  }
0x508: {  	_ = 	snop  }
0x509: {  	[tilespmem:s22], [sflag:$0x1] =	stream.indirect_vreg.gather [hbm4b:s21+s5], $0x80, v3, vm0, $0xb8;
	[tilespmem:$0x1C080] =	vst v63  }
0x50a: {  	s22 =	sld [smem:$0x7BE];
	_ =	sdelay $0x2  }
0x50b: {  	[tilespmem:s23], [sflag:$0x1] =	stream.indirect_vreg.gather [hbm4b:s22+s5], $0x80, v3, vm0, $0xb8;
	[tilespmem:$0x1C080] =	vst v63  }
0x50c: {  	s13 =	sld [smem:$0x76F]  }
0x50d: {  	[tilespmem:s11], [sflag:$0x1] =	stream.indirect_vreg.gather [hbm4b:s2+s5], $0x80, v3, vm0, $0xb8;
	[tilespmem:$0x1C080] =	vst v63  }
0x50e: {  	s25 =	sld [smem:$0x7C0];
	s23 =	simm.s32 $0x13080  }
0x50f: {  	[tilespmem:s23], [sflag:$0x1] =	stream.indirect_vreg.gather [hbm4b:s13+s5], $0x80, v3, vm0, $0xb8;
	[tilespmem:$0x1C080] =	vst v63  }
0x510: {  	s31 =	simm.s32 $0x13880;
	s2 =	sld [smem:$0x7C1]  }
0x511: {  	[tilespmem:s31], [sflag:$0x1] =	stream.indirect_vreg.gather [hbm4b:s25+s5], $0x80, v3, vm0, $0xb8;
	[tilespmem:$0x1C080] =	vst v63  }
0x512: {  	s11 =	simm.s32 $0x14080  }
0x513: {  	[tilespmem:s11], [sflag:$0x1] =	stream.indirect_vreg.gather [hbm4b:s2+s5], $0x80, v3, vm0, $0xb8;
	[tilespmem:$0x1C080] =	vst v63  }
0x514: {  	s14 =	simm.s32 $0x14880;
	s11 =	sld [smem:$0x770]  }
0x515: {  	[tilespmem:s14], [sflag:$0x1] =	stream.indirect_vreg.gather [hbm4b:s3+s5], $0x80, v3, vm0, $0xb8;
	[tilespmem:$0x1C080] =	vst v63  }
0x516: {  	s16 =	simm.s32 $0x15080  }
0x517: {  	[tilespmem:s16], [sflag:$0x1] =	stream.indirect_vreg.gather [hbm4b:s11+s5], $0x80, v3, vm0, $0xb8;
	[tilespmem:$0x1C080] =	vst v63  }
0x518: {  	s18 =	simm.s32 $0x15880  }
0x519: {  	[tilespmem:s18], [sflag:$0x1] =	stream.indirect_vreg.gather [hbm4b:s12+s5], $0x80, v3, vm0, $0xb8;
	[tilespmem:$0x1C080] =	vst v63  }
0x51a: {  	s12 =	sld [smem:$0x771];
	_ =	sdelay $0x1  }
0x51b: {  	s19 =	simm.s32 $0x16080;
	s21 =	sld [smem:$0x7C4]  }
0x51c: {  	[tilespmem:s19], [sflag:$0x1] =	stream.indirect_vreg.gather [hbm4b:s12+s5], $0x80, v3, vm0, $0xb8;
	[tilespmem:$0x1C080] =	vst v63  }
0x51d: {  	s23 =	simm.s32 $0x16880  }
0x51e: {  	[tilespmem:s23], [sflag:$0x1] =	stream.indirect_vreg.gather [hbm4b:s21+s5], $0x80, v3, vm0, $0xb8;
	[tilespmem:$0x1C080] =	vst v63  }
0x51f: {  	s25 =	simm.s32 $0x17080;
	s14 =	sld [smem:$0x772]  }
0x520: {  	[tilespmem:s25], [sflag:$0x1] =	stream.indirect_vreg.gather [hbm4b:s4+s5], $0x80, v3, vm0, $0xb8;
	[tilespmem:$0x1C080] =	vst v63  }
0x521: {  	s31 =	simm.s32 $0x17880  }
0x522: {  	[tilespmem:s31], [sflag:$0x1] =	stream.indirect_vreg.gather [hbm4b:s14+s5], $0x80, v3, vm0, $0xb8;
	[tilespmem:$0x1C080] =	vst v63  }
0x523: {  	s2 =	simm.s32 $0x18080;
	s16 =	sld [smem:$0x773]  }
0x524: {  	[tilespmem:s2], [sflag:$0x1] =	stream.indirect_vreg.gather [hbm4b:s6+s5], $0x80, v3, vm0, $0xb8;
	[tilespmem:$0x1C080] =	vst v63  }
0x525: {  	s3 =	simm.s32 $0x18880  }
0x526: {  	[tilespmem:s3], [sflag:$0x1] =	stream.indirect_vreg.gather [hbm4b:s16+s5], $0x80, v3, vm0, $0xb8;
	[tilespmem:$0x1C080] =	vst v63  }
0x527: {  	s19 =	sld [smem:$0x774];
	s4 =	simm.s32 $0x19080  }
0x528: {  	[tilespmem:s4], [sflag:$0x1] =	stream.indirect_vreg.gather [hbm4b:s7+s5], $0x80, v3, vm0, $0xb8;
	[tilespmem:$0x1C080] =	vst v63  }
0x529: {  	s6 =	simm.s32 $0x19880  }
0x52a: {  	[tilespmem:s6], [sflag:$0x1] =	stream.indirect_vreg.gather [hbm4b:s19+s5], $0x80, v3, vm0, $0xb8;
	[tilespmem:$0x1C080] =	vst v63  }
0x52b: {  	s23 =	sld [smem:$0x775];
	s7 =	simm.s32 $0x1A080  }
0x52c: {  	[tilespmem:s7], [sflag:$0x1] =	stream.indirect_vreg.gather [hbm4b:s8+s5], $0x80, v3, vm0, $0xb8;
	[tilespmem:$0x1C080] =	vst v63  }
0x52d: {  	s8 =	simm.s32 $0x1A880  }
0x52e: {  	[tilespmem:s8], [sflag:$0x1] =	stream.indirect_vreg.gather [hbm4b:s23+s5], $0x80, v3, vm0, $0xb8;
	[tilespmem:$0x1C080] =	vst v63  }
0x52f: {  	s31 =	simm.s32 $0x1B080  }
0x530: {  	[tilespmem:s31], [sflag:$0x1] =	stream.indirect_vreg.gather [hbm4b:s9+s5], $0x80, v3, vm0, $0xb8;
	[tilespmem:$0x1C080] =	vst v63  }
0x531: {  	s2 =	simm.s32 $0x1B880  }
0x532: {  	[tilespmem:s2], [sflag:$0x1] =	stream.indirect_vreg.gather [hbm4b:s17+s5], $0x80, v3, vm0, $0xb8;
	[tilespmem:$0x1C080] =	vst v63  }
0x533: {  	_ =	swait.ge [sflag:s30], $0x10000  }
0x534: {  	[sflag:s30] =	ssyncset.done $0x0  }
0x535: {  	s3 =	rddreg [dreg:$0x18];
	[sflag:s30] =	ssyncadd.s32 $0xFFFF0000  }
0x536: {  	[hbm4b:s3+s5] =	stream.linear.scatter [tilespmem:s20], [sflag:$0x2], $0x10000, $0x38;
	[tilespmem:$0x1C080] =	vst v63  }
0x537: {  	_ =	swait.ge [sflag:s29], $0x10000  }
0x538: {  	[sflag:s29] =	ssyncset.done $0x0  }
0x539: {  	[sflag:s29] =	ssyncadd.s32 $0xFFFF0000  }
0x53a: {  	v3 =	vld.msk [tilespmem:$0x18], $0xff;
	_ =	sdelay $0x4  }
0x53b: {  	v60 =	vshll.u32 v3, $0x8  }
0x53c: {  	v3 =	vand.u32 $0x7, v3;
	v4 =	vand.u32 $0xFFFFF800, v60  }
0x53d: {  	v3 =	vor.u32 v3, v4  }
0x53e: {  	v3 =	vperm.xlane v3, v0;
	_ =	sdelay $0x1  }
0x53f: {  	v3 =	vadd.s32 v1, v3;
	_ =	sdelay $0x2  }
0x540: {  	s6 =	sld [smem:$0x7DE]  }
0x541: {  	s4 =	rddreg [dreg:$0x3]  }
0x542: {  	[tilespmem:s20], [sflag:$0x1] =	stream.indirect_vreg.gather [hbm4b:s4+s5], $0x80, v3, vm0, $0xb8;
	[tilespmem:$0x1C080] =	vst v63  }
0x543: {  	s7 =	simm.s32 $0xC880;
	s8 =	sld [smem:$0x7DF]  }
0x544: {  	[tilespmem:s7], [sflag:$0x1] =	stream.indirect_vreg.gather [hbm4b:s6+s5], $0x80, v3, vm0, $0xb8;
	[tilespmem:$0x1C080] =	vst v63  }
0x545: {  	s9 =	smov.u32 s17;
	s17 =	simm.s32 $0xD080;
	s4 =	sld [smem:$0x7E1]  }
0x546: {  	[tilespmem:s17], [sflag:$0x1] =	stream.indirect_vreg.gather [hbm4b:s8+s5], $0x80, v3, vm0, $0xb8;
	[tilespmem:$0x1C080] =	vst v63  }
0x547: {  	s6 =	simm.s32 $0xD880;
	s7 =	sld [smem:$0x7E2]  }
0x548: {  	[tilespmem:s6], [sflag:$0x1] =	stream.indirect_vreg.gather [hbm4b:s4+s5], $0x80, v3, vm0, $0xb8;
	[tilespmem:$0x1C080] =	vst v63  }
0x549: {  	s8 =	simm.s32 $0xE080;
	s17 =	sld [smem:$0x7E3]  }
0x54a: {  	[tilespmem:s8], [sflag:$0x1] =	stream.indirect_vreg.gather [hbm4b:s7+s5], $0x80, v3, vm0, $0xb8;
	[tilespmem:$0x1C080] =	vst v63  }
0x54b: {  	s15 =	simm.s32 $0xE880;
	s3 =	sld [smem:$0x7E4]  }
0x54c: {  	[tilespmem:s15], [sflag:$0x1] =	stream.indirect_vreg.gather [hbm4b:s17+s5], $0x80, v3, vm0, $0xb8;
	[tilespmem:$0x1C080] =	vst v63  }
0x54d: {  	s4 =	simm.s32 $0xF080;
	s6 =	sld [smem:$0x7E5]  }
0x54e: {  	[tilespmem:s4], [sflag:$0x1] =	stream.indirect_vreg.gather [hbm4b:s3+s5], $0x80, v3, vm0, $0xb8;
	[tilespmem:$0x1C080] =	vst v63  }
0x54f: {  	s8 =	simm.s32 $0xF880;
	s7 =	sld [smem:$0x7E6]  }
0x550: {  	[tilespmem:s8], [sflag:$0x1] =	stream.indirect_vreg.gather [hbm4b:s6+s5], $0x80, v3, vm0, $0xb8;
	[tilespmem:$0x1C080] =	vst v63  }
0x551: {  	s15 =	simm.s32 $0x10080;
	s17 =	sld [smem:$0x7E7]  }
0x552: {  	[tilespmem:s15], [sflag:$0x1] =	stream.indirect_vreg.gather [hbm4b:s7+s5], $0x80, v3, vm0, $0xb8;
	[tilespmem:$0x1C080] =	vst v63  }
0x553: {  	s3 =	sld [smem:$0x7E8];
	s7 =	simm.s32 $0x10880  }
0x554: {  	[tilespmem:s7], [sflag:$0x1] =	stream.indirect_vreg.gather [hbm4b:s17+s5], $0x80, v3, vm0, $0xb8;
	[tilespmem:$0x1C080] =	vst v63  }
0x555: {  	s4 =	sld [smem:$0x7E9];
	s17 =	simm.s32 $0x11080  }
0x556: {  	[tilespmem:s17], [sflag:$0x1] =	stream.indirect_vreg.gather [hbm4b:s3+s5], $0x80, v3, vm0, $0xb8;
	[tilespmem:$0x1C080] =	vst v63  }
0x557: {  	s6 =	simm.s32 $0x11880;
	s3 =	sld [smem:$0x7EA]  }
0x558: {  	[tilespmem:s6], [sflag:$0x1] =	stream.indirect_vreg.gather [hbm4b:s4+s5], $0x80, v3, vm0, $0xb8;
	[tilespmem:$0x1C080] =	vst v63  }
0x559: {  	s0 =	sld [smem:$0x7EB];
	s4 =	simm.s32 $0x12080  }
0x55a: {  	[tilespmem:s4], [sflag:$0x1] =	stream.indirect_vreg.gather [hbm4b:s3+s5], $0x80, v3, vm0, $0xb8;
	[tilespmem:$0x1C080] =	vst v63  }
0x55b: {  	s3 =	simm.s32 $0x12880  }
0x55c: {  	[tilespmem:s3], [sflag:$0x1] =	stream.indirect_vreg.gather [hbm4b:s0+s5], $0x80, v3, vm0, $0xb8;
	[tilespmem:$0x1C080] =	vst v63  }
0x55d: {  	s0 =	sld [smem:$0x7EC];
	_ =	sdelay $0x1  }
0x55e: {  	s1 =	simm.s32 $0x13080  }
0x55f: {  	[tilespmem:s1], [sflag:$0x1] =	stream.indirect_vreg.gather [hbm4b:s0+s5], $0x80, v3, vm0, $0xb8;
	[tilespmem:$0x1C080] =	vst v63  }
0x560: {  	s0 =	sld [smem:$0x7ED];
	_ =	sdelay $0x1  }
0x561: {  	s1 =	simm.s32 $0x13880  }
0x562: {  	[tilespmem:s1], [sflag:$0x1] =	stream.indirect_vreg.gather [hbm4b:s0+s5], $0x80, v3, vm0, $0xb8;
	[tilespmem:$0x1C080] =	vst v63  }
0x563: {  	s0 =	sld [smem:$0x7EE];
	_ =	sdelay $0x1  }
0x564: {  	s1 =	simm.s32 $0x14080  }
0x565: {  	[tilespmem:s1], [sflag:$0x1] =	stream.indirect_vreg.gather [hbm4b:s0+s5], $0x80, v3, vm0, $0xb8;
	[tilespmem:$0x1C080] =	vst v63  }
0x566: {  	s1 =	sld [smem:$0x7EF];
	_ =	sdelay $0x1  }
0x567: {  	s22 =	simm.s32 $0x14880  }
0x568: {  	[tilespmem:s22], [sflag:$0x1] =	stream.indirect_vreg.gather [hbm4b:s1+s5], $0x80, v3, vm0, $0xb8;
	[tilespmem:$0x1C080] =	vst v63  }
0x569: {  	s1 =	sld [smem:$0x7F0];
	_ =	sdelay $0x1  }
0x56a: {  	s22 =	simm.s32 $0x15080  }
0x56b: {  	[tilespmem:s22], [sflag:$0x1] =	stream.indirect_vreg.gather [hbm4b:s1+s5], $0x80, v3, vm0, $0xb8;
	[tilespmem:$0x1C080] =	vst v63  }
0x56c: {  	s1 =	sld [smem:$0x7F1];
	_ =	sdelay $0x1  }
0x56d: {  	s22 =	simm.s32 $0x15880  }
0x56e: {  	[tilespmem:s22], [sflag:$0x1] =	stream.indirect_vreg.gather [hbm4b:s1+s5], $0x80, v3, vm0, $0xb8;
	[tilespmem:$0x1C080] =	vst v63  }
0x56f: {  	s1 =	sld [smem:$0x7F2];
	_ =	sdelay $0x1  }
0x570: {  	s22 =	simm.s32 $0x16080  }
0x571: {  	[tilespmem:s22], [sflag:$0x1] =	stream.indirect_vreg.gather [hbm4b:s1+s5], $0x80, v3, vm0, $0xb8;
	[tilespmem:$0x1C080] =	vst v63  }
0x572: {  	s1 =	sld [smem:$0x7F3];
	_ =	sdelay $0x1  }
0x573: {  	s22 =	simm.s32 $0x16880  }
0x574: {  	[tilespmem:s22], [sflag:$0x1] =	stream.indirect_vreg.gather [hbm4b:s1+s5], $0x80, v3, vm0, $0xb8;
	[tilespmem:$0x1C080] =	vst v63  }
0x575: {  	s1 =	sld [smem:$0x7F4];
	_ =	sdelay $0x1  }
0x576: {  	s22 =	simm.s32 $0x17080  }
0x577: {  	[tilespmem:s22], [sflag:$0x1] =	stream.indirect_vreg.gather [hbm4b:s1+s5], $0x80, v3, vm0, $0xb8;
	[tilespmem:$0x1C080] =	vst v63  }
0x578: {  	s1 =	sld [smem:$0x7F5];
	_ =	sdelay $0x1  }
0x579: {  	s22 =	simm.s32 $0x17880  }
0x57a: {  	[tilespmem:s22], [sflag:$0x1] =	stream.indirect_vreg.gather [hbm4b:s1+s5], $0x80, v3, vm0, $0xb8;
	[tilespmem:$0x1C080] =	vst v63  }
0x57b: {  	s1 =	sld [smem:$0x7F6];
	_ =	sdelay $0x1  }
0x57c: {  	s21 =	simm.s32 $0x18080  }
0x57d: {  	[tilespmem:s21], [sflag:$0x1] =	stream.indirect_vreg.gather [hbm4b:s1+s5], $0x80, v3, vm0, $0xb8;
	[tilespmem:$0x1C080] =	vst v63  }
0x57e: {  	s21 =	sld [smem:$0x7F7];
	_ =	sdelay $0x1  }
0x57f: {  	s22 =	simm.s32 $0x18880;
	s1 =	sld [smem:$0x7F8]  }
0x580: {  	[tilespmem:s22], [sflag:$0x1] =	stream.indirect_vreg.gather [hbm4b:s21+s5], $0x80, v3, vm0, $0xb8;
	[tilespmem:$0x1C080] =	vst v63  }
0x581: {  	s18 =	simm.s32 $0x19080  }
0x582: {  	[tilespmem:s18], [sflag:$0x1] =	stream.indirect_vreg.gather [hbm4b:s1+s5], $0x80, v3, vm0, $0xb8;
	[tilespmem:$0x1C080] =	vst v63  }
0x583: {  	s18 =	sld [smem:$0x7F9];
	_ =	sdelay $0x1  }
0x584: {  	s21 =	simm.s32 $0x19880  }
0x585: {  	[tilespmem:s21], [sflag:$0x1] =	stream.indirect_vreg.gather [hbm4b:s18+s5], $0x80, v3, vm0, $0xb8;
	[tilespmem:$0x1C080] =	vst v63  }
0x586: {  	s18 =	sld [smem:$0x7FA];
	_ =	sdelay $0x1  }
0x587: {  	s25 =	simm.s32 $0x1A080;
	s1 =	sld [smem:$0x7FB]  }
0x588: {  	[tilespmem:s25], [sflag:$0x1] =	stream.indirect_vreg.gather [hbm4b:s18+s5], $0x80, v3, vm0, $0xb8;
	[tilespmem:$0x1C080] =	vst v63  }
0x589: {  	s18 =	simm.s32 $0x1A880;
	s25 =	sld [smem:$0x7FC]  }
0x58a: {  	[tilespmem:s18], [sflag:$0x1] =	stream.indirect_vreg.gather [hbm4b:s1+s5], $0x80, v3, vm0, $0xb8;
	[tilespmem:$0x1C080] =	vst v63  }
0x58b: {  	s31 =	simm.s32 $0x1B080  }
0x58c: {  	[tilespmem:s31], [sflag:$0x1] =	stream.indirect_vreg.gather [hbm4b:s25+s5], $0x80, v3, vm0, $0xb8;
	[tilespmem:$0x1C080] =	vst v63  }
0x58d: {  	s31 =	sld [smem:$0x7FD];
	_ =	sdelay $0x1  }
0x58e: {  	s1 =	simm.s32 $0x1B880  }
0x58f: {  	[tilespmem:s1], [sflag:$0x1] =	stream.indirect_vreg.gather [hbm4b:s31+s5], $0x80, v3, vm0, $0xb8;
	[tilespmem:$0x1C080] =	vst v63  }
0x590: {  	_ =	swait.ge [sflag:s30], $0x10000  }
0x591: {  	[sflag:s30] =	ssyncset.done $0x0  }
0x592: {  	s18 =	rddreg [dreg:$0x19];
	[sflag:s30] =	ssyncadd.s32 $0xFFFF0000  }
0x593: {  	[hbm4b:s18+s5] =	stream.linear.scatter [tilespmem:s20], [sflag:$0x2], $0x10000, $0x38;
	[tilespmem:$0x1C080] =	vst v63  }
0x594: {  	_ =	swait.ge [sflag:s29], $0x10000  }
0x595: {  	[sflag:s29] =	ssyncset.done $0x0  }
0x596: {  	[sflag:s29] =	ssyncadd.s32 $0xFFFF0000  }
0x597: {  	v3 =	vld.msk [tilespmem:$0x18], $0xff;
	_ =	sdelay $0x4  }
0x598: {  	v61 =	vshll.u32 v3, $0x8  }
0x599: {  	v3 =	vand.u32 $0x7, v3;
	v4 =	vand.u32 $0xFFFFF800, v61  }
0x59a: {  	v3 =	vor.u32 v3, v4  }
0x59b: {  	v3 =	vperm.xlane v3, v0;
	_ =	sdelay $0x1  }
0x59c: {  	v3 =	vadd.s32 v1, v3;
	_ =	sdelay $0x3  }
0x59d: {  	s25 =	sld [smem:$0x776]  }
0x59e: {  	[tilespmem:s20], [sflag:$0x1] =	stream.indirect_vreg.gather [hbm4b:s24+s5], $0x80, v3, vm0, $0xb8;
	[tilespmem:$0x1C080] =	vst v63  }
0x59f: {  	s2 =	simm.s32 $0xC880;
	s31 =	sld [smem:$0x777]  }
0x5a0: {  	[tilespmem:s2], [sflag:$0x1] =	stream.indirect_vreg.gather [hbm4b:s25+s5], $0x80, v3, vm0, $0xb8;
	[tilespmem:$0x1C080] =	vst v63  }
0x5a1: {  	s2 =	simm.s32 $0xD080;
	s25 =	sld [smem:$0x778]  }
0x5a2: {  	[tilespmem:s2], [sflag:$0x1] =	stream.indirect_vreg.gather [hbm4b:s31+s5], $0x80, v3, vm0, $0xb8;
	[tilespmem:$0x1C080] =	vst v63  }
0x5a3: {  	s0 =	sld [smem:$0x779];
	s31 =	simm.s32 $0xD880  }
0x5a4: {  	[tilespmem:s31], [sflag:$0x1] =	stream.indirect_vreg.gather [hbm4b:s25+s5], $0x80, v3, vm0, $0xb8;
	[tilespmem:$0x1C080] =	vst v63  }
0x5a5: {  	s31 =	simm.s32 $0xE080  }
0x5a6: {  	[tilespmem:s31], [sflag:$0x1] =	stream.indirect_vreg.gather [hbm4b:s0+s5], $0x80, v3, vm0, $0xb8;
	[tilespmem:$0x1C080] =	vst v63  }
0x5a7: {  	s0 =	sld [smem:$0x77A];
	_ =	sdelay $0x1  }
0x5a8: {  	s31 =	simm.s32 $0xE880  }
0x5a9: {  	[tilespmem:s31], [sflag:$0x1] =	stream.indirect_vreg.gather [hbm4b:s0+s5], $0x80, v3, vm0, $0xb8;
	[tilespmem:$0x1C080] =	vst v63  }
0x5aa: {  	s0 =	sld [smem:$0x77B];
	_ =	sdelay $0x1  }
0x5ab: {  	s31 =	simm.s32 $0xF080  }
0x5ac: {  	[tilespmem:s31], [sflag:$0x1] =	stream.indirect_vreg.gather [hbm4b:s0+s5], $0x80, v3, vm0, $0xb8;
	[tilespmem:$0x1C080] =	vst v63  }
0x5ad: {  	s31 =	sld [smem:$0x77C];
	_ =	sdelay $0x2  }
0x5ae: {  	[tilespmem:s8], [sflag:$0x1] =	stream.indirect_vreg.gather [hbm4b:s31+s5], $0x80, v3, vm0, $0xb8;
	[tilespmem:$0x1C080] =	vst v63  }
0x5af: {  	s31 =	sld [smem:$0x77D];
	_ =	sdelay $0x2  }
0x5b0: {  	[tilespmem:s15], [sflag:$0x1] =	stream.indirect_vreg.gather [hbm4b:s31+s5], $0x80, v3, vm0, $0xb8;
	[tilespmem:$0x1C080] =	vst v63  }
0x5b1: {  	s31 =	sld [smem:$0x77E];
	_ =	sdelay $0x2  }
0x5b2: {  	[tilespmem:s7], [sflag:$0x1] =	stream.indirect_vreg.gather [hbm4b:s31+s5], $0x80, v3, vm0, $0xb8;
	[tilespmem:$0x1C080] =	vst v63  }
0x5b3: {  	s31 =	sld [smem:$0x77F];
	_ =	sdelay $0x2  }
0x5b4: {  	[tilespmem:s17], [sflag:$0x1] =	stream.indirect_vreg.gather [hbm4b:s31+s5], $0x80, v3, vm0, $0xb8;
	[tilespmem:$0x1C080] =	vst v63  }
0x5b5: {  	s31 =	sld [smem:$0x780];
	_ =	sdelay $0x2  }
0x5b6: {  	[tilespmem:s6], [sflag:$0x1] =	stream.indirect_vreg.gather [hbm4b:s31+s5], $0x80, v3, vm0, $0xb8;
	[tilespmem:$0x1C080] =	vst v63  }
0x5b7: {  	s31 =	sld [smem:$0x781];
	_ =	sdelay $0x2  }
0x5b8: {  	[tilespmem:s4], [sflag:$0x1] =	stream.indirect_vreg.gather [hbm4b:s31+s5], $0x80, v3, vm0, $0xb8;
	[tilespmem:$0x1C080] =	vst v63  }
0x5b9: {  	s31 =	sld [smem:$0x782];
	_ =	sdelay $0x1  }
0x5ba: {  	s0 =	sld [smem:$0x783]  }
0x5bb: {  	[tilespmem:s3], [sflag:$0x1] =	stream.indirect_vreg.gather [hbm4b:s31+s5], $0x80, v3, vm0, $0xb8;
	[tilespmem:$0x1C080] =	vst v63  }
0x5bc: {  	s31 =	simm.s32 $0x13080  }
0x5bd: {  	[tilespmem:s31], [sflag:$0x1] =	stream.indirect_vreg.gather [hbm4b:s0+s5], $0x80, v3, vm0, $0xb8;
	[tilespmem:$0x1C080] =	vst v63  }
0x5be: {  	s0 =	sld [smem:$0x784];
	_ =	sdelay $0x1  }
0x5bf: {  	s31 =	simm.s32 $0x13880  }
0x5c0: {  	[tilespmem:s31], [sflag:$0x1] =	stream.indirect_vreg.gather [hbm4b:s0+s5], $0x80, v3, vm0, $0xb8;
	[tilespmem:$0x1C080] =	vst v63  }
0x5c1: {  	s0 =	sld [smem:$0x785];
	_ =	sdelay $0x1  }
0x5c2: {  	s31 =	simm.s32 $0x14080  }
0x5c3: {  	[tilespmem:s31], [sflag:$0x1] =	stream.indirect_vreg.gather [hbm4b:s0+s5], $0x80, v3, vm0, $0xb8;
	[tilespmem:$0x1C080] =	vst v63  }
0x5c4: {  	s0 =	sld [smem:$0x786];
	_ =	sdelay $0x1  }
0x5c5: {  	s31 =	simm.s32 $0x14880  }
0x5c6: {  	[tilespmem:s31], [sflag:$0x1] =	stream.indirect_vreg.gather [hbm4b:s0+s5], $0x80, v3, vm0, $0xb8;
	[tilespmem:$0x1C080] =	vst v63  }
0x5c7: {  	s0 =	sld [smem:$0x787];
	_ =	sdelay $0x1  }
0x5c8: {  	s31 =	simm.s32 $0x15080  }
0x5c9: {  	[tilespmem:s31], [sflag:$0x1] =	stream.indirect_vreg.gather [hbm4b:s0+s5], $0x80, v3, vm0, $0xb8;
	[tilespmem:$0x1C080] =	vst v63  }
0x5ca: {  	s0 =	sld [smem:$0x788];
	_ =	sdelay $0x1  }
0x5cb: {  	s31 =	simm.s32 $0x15880  }
0x5cc: {  	[tilespmem:s31], [sflag:$0x1] =	stream.indirect_vreg.gather [hbm4b:s0+s5], $0x80, v3, vm0, $0xb8;
	[tilespmem:$0x1C080] =	vst v63  }
0x5cd: {  	s0 =	sld [smem:$0x789];
	_ =	sdelay $0x1  }
0x5ce: {  	s31 =	simm.s32 $0x16080  }
0x5cf: {  	[tilespmem:s31], [sflag:$0x1] =	stream.indirect_vreg.gather [hbm4b:s0+s5], $0x80, v3, vm0, $0xb8;
	[tilespmem:$0x1C080] =	vst v63  }
0x5d0: {  	s0 =	sld [smem:$0x78A];
	_ =	sdelay $0x1  }
0x5d1: {  	s31 =	simm.s32 $0x16880  }
0x5d2: {  	[tilespmem:s31], [sflag:$0x1] =	stream.indirect_vreg.gather [hbm4b:s0+s5], $0x80, v3, vm0, $0xb8;
	[tilespmem:$0x1C080] =	vst v63  }
0x5d3: {  	s0 =	sld [smem:$0x78B];
	_ =	sdelay $0x1  }
0x5d4: {  	s31 =	simm.s32 $0x17080  }
0x5d5: {  	[tilespmem:s31], [sflag:$0x1] =	stream.indirect_vreg.gather [hbm4b:s0+s5], $0x80, v3, vm0, $0xb8;
	[tilespmem:$0x1C080] =	vst v63  }
0x5d6: {  	s0 =	sld [smem:$0x78C];
	_ =	sdelay $0x1  }
0x5d7: {  	s31 =	simm.s32 $0x17880  }
0x5d8: {  	[tilespmem:s31], [sflag:$0x1] =	stream.indirect_vreg.gather [hbm4b:s0+s5], $0x80, v3, vm0, $0xb8;
	[tilespmem:$0x1C080] =	vst v63  }
0x5d9: {  	s0 =	sld [smem:$0x78D];
	_ =	sdelay $0x1  }
0x5da: {  	s31 =	simm.s32 $0x18080  }
0x5db: {  	[tilespmem:s31], [sflag:$0x1] =	stream.indirect_vreg.gather [hbm4b:s0+s5], $0x80, v3, vm0, $0xb8;
	[tilespmem:$0x1C080] =	vst v63  }
0x5dc: {  	s31 =	sld [smem:$0x78E];
	_ =	sdelay $0x1  }
0x5dd: {  	s22 =	simm.s32 $0x18880  }
0x5de: {  	[tilespmem:s22], [sflag:$0x1] =	stream.indirect_vreg.gather [hbm4b:s31+s5], $0x80, v3, vm0, $0xb8;
	[tilespmem:$0x1C080] =	vst v63  }
0x5df: {  	s22 =	sld [smem:$0x78F];
	_ =	sdelay $0x1  }
0x5e0: {  	s31 =	simm.s32 $0x19080  }
0x5e1: {  	[tilespmem:s31], [sflag:$0x1] =	stream.indirect_vreg.gather [hbm4b:s22+s5], $0x80, v3, vm0, $0xb8;
	[tilespmem:$0x1C080] =	vst v63  }
0x5e2: {  	s31 =	sld [smem:$0x790];
	_ =	sdelay $0x1  }
0x5e3: {  	s21 =	simm.s32 $0x19880  }
0x5e4: {  	[tilespmem:s21], [sflag:$0x1] =	stream.indirect_vreg.gather [hbm4b:s31+s5], $0x80, v3, vm0, $0xb8;
	[tilespmem:$0x1C080] =	vst v63  }
0x5e5: {  	s21 =	sld [smem:$0x791];
	_ =	sdelay $0x1  }
0x5e6: {  	s0 =	sld [smem:$0x792];
	s31 =	simm.s32 $0x1A080  }
0x5e7: {  	[tilespmem:s31], [sflag:$0x1] =	stream.indirect_vreg.gather [hbm4b:s21+s5], $0x80, v3, vm0, $0xb8;
	[tilespmem:$0x1C080] =	vst v63  }
0x5e8: {  	s31 =	simm.s32 $0x1A880  }
0x5e9: {  	[tilespmem:s31], [sflag:$0x1] =	stream.indirect_vreg.gather [hbm4b:s0+s5], $0x80, v3, vm0, $0xb8;
	[tilespmem:$0x1C080] =	vst v63  }
0x5ea: {  	s0 =	sld [smem:$0x793];
	_ =	sdelay $0x1  }
0x5eb: {  	s31 =	simm.s32 $0x1B080  }
0x5ec: {  	[tilespmem:s31], [sflag:$0x1] =	stream.indirect_vreg.gather [hbm4b:s0+s5], $0x80, v3, vm0, $0xb8;
	[tilespmem:$0x1C080] =	vst v63  }
0x5ed: {  	s31 =	sld [smem:$0x794];
	_ =	sdelay $0x2  }
0x5ee: {  	[tilespmem:s1], [sflag:$0x1] =	stream.indirect_vreg.gather [hbm4b:s31+s5], $0x80, v3, vm0, $0xb8;
	[tilespmem:$0x1C080] =	vst v63  }
0x5ef: {  	_ =	swait.ge [sflag:s30], $0x10000  }
0x5f0: {  	[sflag:s30] =	ssyncset.done $0x0  }
0x5f1: {  	s31 =	rddreg [dreg:$0x1a];
	[sflag:s30] =	ssyncadd.s32 $0xFFFF0000  }
0x5f2: {  	[hbm4b:s31+s5] =	stream.linear.scatter [tilespmem:s20], [sflag:$0x2], $0x10000, $0x38;
	[tilespmem:$0x1C080] =	vst v63  }
0x5f3: {  	_ =	swait.ge [sflag:s29], $0x10000  }
0x5f4: {  	[sflag:s29] =	ssyncset.done $0x0  }
0x5f5: {  	[sflag:s29] =	ssyncadd.s32 $0xFFFF0000  }
0x5f6: {  	v3 =	vld.msk [tilespmem:$0x18], $0xff;
	_ =	sdelay $0x4  }
0x5f7: {  	v62 =	vshll.u32 v3, $0x8  }
0x5f8: {  	v3 =	vand.u32 $0x7, v3;
	v4 =	vand.u32 $0xFFFFF800, v62  }
0x5f9: {  	v3 =	vor.u32 v3, v4  }
0x5fa: {  	v3 =	vperm.xlane v3, v0;
	_ =	sdelay $0x1  }
0x5fb: {  	v3 =	vadd.s32 v1, v3;
	_ =	sdelay $0x3  }
0x5fc: {  	s31 =	sld [smem:$0x795]  }
0x5fd: {  	[tilespmem:s20], [sflag:$0x1] =	stream.indirect_vreg.gather [hbm4b:s26+s5], $0x80, v3, vm0, $0xb8;
	[tilespmem:$0x1C080] =	vst v63  }
0x5fe: {  	s18 =	simm.s32 $0xC880  }
0x5ff: {  	[tilespmem:s18], [sflag:$0x1] =	stream.indirect_vreg.gather [hbm4b:s31+s5], $0x80, v3, vm0, $0xb8;
	[tilespmem:$0x1C080] =	vst v63  }
0x600: {  	s31 =	sld [smem:$0x796];
	_ =	sdelay $0x1  }
0x601: {  	s18 =	sld [smem:$0x797]  }
0x602: {  	[tilespmem:s2], [sflag:$0x1] =	stream.indirect_vreg.gather [hbm4b:s31+s5], $0x80, v3, vm0, $0xb8;
	[tilespmem:$0x1C080] =	vst v63  }
0x603: {  	s25 =	simm.s32 $0xD880  }
0x604: {  	[tilespmem:s25], [sflag:$0x1] =	stream.indirect_vreg.gather [hbm4b:s18+s5], $0x80, v3, vm0, $0xb8;
	[tilespmem:$0x1C080] =	vst v63  }
0x605: {  	s25 =	sld [smem:$0x798];
	_ =	sdelay $0x1  }
0x606: {  	s31 =	simm.s32 $0xE080  }
0x607: {  	[tilespmem:s31], [sflag:$0x1] =	stream.indirect_vreg.gather [hbm4b:s25+s5], $0x80, v3, vm0, $0xb8;
	[tilespmem:$0x1C080] =	vst v63  }
0x608: {  	s25 =	sld [smem:$0x799];
	_ =	sdelay $0x1  }
0x609: {  	s31 =	simm.s32 $0xE880  }
0x60a: {  	[tilespmem:s31], [sflag:$0x1] =	stream.indirect_vreg.gather [hbm4b:s25+s5], $0x80, v3, vm0, $0xb8;
	[tilespmem:$0x1C080] =	vst v63  }
0x60b: {  	s25 =	sld [smem:$0x79A];
	_ =	sdelay $0x1  }
0x60c: {  	s31 =	simm.s32 $0xF080  }
0x60d: {  	[tilespmem:s31], [sflag:$0x1] =	stream.indirect_vreg.gather [hbm4b:s25+s5], $0x80, v3, vm0, $0xb8;
	[tilespmem:$0x1C080] =	vst v63  }
0x60e: {  	s25 =	sld [smem:$0x79B];
	_ =	sdelay $0x1  }
0x60f: {  	s8 =	simm.s32 $0xF880;
	s31 =	sld [smem:$0x79C]  }
0x610: {  	[tilespmem:s8], [sflag:$0x1] =	stream.indirect_vreg.gather [hbm4b:s25+s5], $0x80, v3, vm0, $0xb8;
	[tilespmem:$0x1C080] =	vst v63  }
0x611: {  	s15 =	simm.s32 $0x10080;
	s8 =	sld [smem:$0x79D]  }
0x612: {  	[tilespmem:s15], [sflag:$0x1] =	stream.indirect_vreg.gather [hbm4b:s31+s5], $0x80, v3, vm0, $0xb8;
	[tilespmem:$0x1C080] =	vst v63  }
0x613: {  	s7 =	simm.s32 $0x10880;
	s15 =	sld [smem:$0x79E]  }
0x614: {  	[tilespmem:s7], [sflag:$0x1] =	stream.indirect_vreg.gather [hbm4b:s8+s5], $0x80, v3, vm0, $0xb8;
	[tilespmem:$0x1C080] =	vst v63  }
0x615: {  	s17 =	simm.s32 $0x11080;
	s18 =	sld [smem:$0x79F]  }
0x616: {  	[tilespmem:s17], [sflag:$0x1] =	stream.indirect_vreg.gather [hbm4b:s15+s5], $0x80, v3, vm0, $0xb8;
	[tilespmem:$0x1C080] =	vst v63  }
0x617: {  	s6 =	simm.s32 $0x11880;
	s25 =	sld [smem:$0x7A0]  }
0x618: {  	[tilespmem:s6], [sflag:$0x1] =	stream.indirect_vreg.gather [hbm4b:s18+s5], $0x80, v3, vm0, $0xb8;
	[tilespmem:$0x1C080] =	vst v63  }
0x619: {  	s4 =	simm.s32 $0x12080;
	s31 =	sld [smem:$0x7A1]  }
0x61a: {  	[tilespmem:s4], [sflag:$0x1] =	stream.indirect_vreg.gather [hbm4b:s25+s5], $0x80, v3, vm0, $0xb8;
	[tilespmem:$0x1C080] =	vst v63  }
0x61b: {  	s3 =	simm.s32 $0x12880  }
0x61c: {  	[tilespmem:s3], [sflag:$0x1] =	stream.indirect_vreg.gather [hbm4b:s31+s5], $0x80, v3, vm0, $0xb8;
	[tilespmem:$0x1C080] =	vst v63  }
0x61d: {  	s3 =	sld [smem:$0x7A2];
	_ =	sdelay $0x1  }
0x61e: {  	s6 =	sld [smem:$0x7A3];
	s4 =	simm.s32 $0x13080  }
0x61f: {  	[tilespmem:s4], [sflag:$0x1] =	stream.indirect_vreg.gather [hbm4b:s3+s5], $0x80, v3, vm0, $0xb8;
	[tilespmem:$0x1C080] =	vst v63  }
0x620: {  	s7 =	simm.s32 $0x13880;
	s8 =	sld [smem:$0x7A4]  }
0x621: {  	[tilespmem:s7], [sflag:$0x1] =	stream.indirect_vreg.gather [hbm4b:s6+s5], $0x80, v3, vm0, $0xb8;
	[tilespmem:$0x1C080] =	vst v63  }
0x622: {  	s15 =	simm.s32 $0x14080;
	s17 =	sld [smem:$0x7A5]  }
0x623: {  	[tilespmem:s15], [sflag:$0x1] =	stream.indirect_vreg.gather [hbm4b:s8+s5], $0x80, v3, vm0, $0xb8;
	[tilespmem:$0x1C080] =	vst v63  }
0x624: {  	s18 =	simm.s32 $0x14880;
	s25 =	sld [smem:$0x7A6]  }
0x625: {  	[tilespmem:s18], [sflag:$0x1] =	stream.indirect_vreg.gather [hbm4b:s17+s5], $0x80, v3, vm0, $0xb8;
	[tilespmem:$0x1C080] =	vst v63  }
0x626: {  	s31 =	simm.s32 $0x15080;
	s4 =	sld [smem:$0x7A7]  }
0x627: {  	[tilespmem:s31], [sflag:$0x1] =	stream.indirect_vreg.gather [hbm4b:s25+s5], $0x80, v3, vm0, $0xb8;
	[tilespmem:$0x1C080] =	vst v63  }
0x628: {  	s6 =	simm.s32 $0x15880;
	s7 =	sld [smem:$0x7A8]  }
0x629: {  	[tilespmem:s6], [sflag:$0x1] =	stream.indirect_vreg.gather [hbm4b:s4+s5], $0x80, v3, vm0, $0xb8;
	[tilespmem:$0x1C080] =	vst v63  }
0x62a: {  	s8 =	simm.s32 $0x16080;
	s15 =	sld [smem:$0x7A9]  }
0x62b: {  	[tilespmem:s8], [sflag:$0x1] =	stream.indirect_vreg.gather [hbm4b:s7+s5], $0x80, v3, vm0, $0xb8;
	[tilespmem:$0x1C080] =	vst v63  }
0x62c: {  	s17 =	simm.s32 $0x16880;
	s18 =	sld [smem:$0x7AA]  }
0x62d: {  	[tilespmem:s17], [sflag:$0x1] =	stream.indirect_vreg.gather [hbm4b:s15+s5], $0x80, v3, vm0, $0xb8;
	[tilespmem:$0x1C080] =	vst v63  }
0x62e: {  	s3 =	sld [smem:$0x7AB];
	s31 =	simm.s32 $0x17080  }
0x62f: {  	[tilespmem:s31], [sflag:$0x1] =	stream.indirect_vreg.gather [hbm4b:s18+s5], $0x80, v3, vm0, $0xb8;
	[tilespmem:$0x1C080] =	vst v63  }
0x630: {  	s4 =	simm.s32 $0x17880;
	s6 =	sld [smem:$0x7AC]  }
0x631: {  	[tilespmem:s4], [sflag:$0x1] =	stream.indirect_vreg.gather [hbm4b:s3+s5], $0x80, v3, vm0, $0xb8;
	[tilespmem:$0x1C080] =	vst v63  }
0x632: {  	s7 =	simm.s32 $0x18080;
	s8 =	sld [smem:$0x7AD]  }
0x633: {  	[tilespmem:s7], [sflag:$0x1] =	stream.indirect_vreg.gather [hbm4b:s6+s5], $0x80, v3, vm0, $0xb8;
	[tilespmem:$0x1C080] =	vst v63  }
0x634: {  	s17 =	simm.s32 $0x18880;
	s18 =	sld [smem:$0x7AE]  }
0x635: {  	[tilespmem:s17], [sflag:$0x1] =	stream.indirect_vreg.gather [hbm4b:s8+s5], $0x80, v3, vm0, $0xb8;
	[tilespmem:$0x1C080] =	vst v63  }
0x636: {  	s22 =	simm.s32 $0x19080;
	s3 =	sld [smem:$0x7AF]  }
0x637: {  	[tilespmem:s22], [sflag:$0x1] =	stream.indirect_vreg.gather [hbm4b:s18+s5], $0x80, v3, vm0, $0xb8;
	[tilespmem:$0x1C080] =	vst v63  }
0x638: {  	s6 =	simm.s32 $0x19880;
	s8 =	sld [smem:$0x7B0]  }
0x639: {  	[tilespmem:s6], [sflag:$0x1] =	stream.indirect_vreg.gather [hbm4b:s3+s5], $0x80, v3, vm0, $0xb8;
	[tilespmem:$0x1C080] =	vst v63  }
0x63a: {  	s21 =	simm.s32 $0x1A080;
	s17 =	sld [smem:$0x7B1]  }
0x63b: {  	[tilespmem:s21], [sflag:$0x1] =	stream.indirect_vreg.gather [hbm4b:s8+s5], $0x80, v3, vm0, $0xb8;
	[tilespmem:$0x1C080] =	vst v63  }
0x63c: {  	s21 =	simm.s32 $0x1A880;
	s8 =	sld [smem:$0x7B2]  }
0x63d: {  	[tilespmem:s21], [sflag:$0x1] =	stream.indirect_vreg.gather [hbm4b:s17+s5], $0x80, v3, vm0, $0xb8;
	[tilespmem:$0x1C080] =	vst v63  }
0x63e: {  	s3 =	sld [smem:$0x7B3];
	s21 =	simm.s32 $0x1B080  }
0x63f: {  	[tilespmem:s21], [sflag:$0x1] =	stream.indirect_vreg.gather [hbm4b:s8+s5], $0x80, v3, vm0, $0xb8;
	[tilespmem:$0x1C080] =	vst v63  }
0x640: {  	s1 =	simm.s32 $0x1B880  }
0x641: {  	[tilespmem:s1], [sflag:$0x1] =	stream.indirect_vreg.gather [hbm4b:s3+s5], $0x80, v3, vm0, $0xb8;
	[tilespmem:$0x1C080] =	vst v63  }
0x642: {  	_ =	swait.ge [sflag:s30], $0x10000  }
0x643: {  	[sflag:s30] =	ssyncset.done $0x0  }
0x644: {  	s21 =	rddreg [dreg:$0x1b];
	[sflag:s30] =	ssyncadd.s32 $0xFFFF0000  }
0x645: {  	[hbm4b:s21+s5] =	stream.linear.scatter [tilespmem:s20], [sflag:$0x2], $0x10000, $0x38;
	[tilespmem:$0x1C080] =	vst v63  }
0x646: {  	_ =	swait.ge [sflag:s29], $0x10000  }
0x647: {  	[sflag:s29] =	ssyncset.done $0x0  }
0x648: {  	[sflag:s29] =	ssyncadd.s32 $0xFFFF0000  }
0x649: {  	v3 =	vld.msk [tilespmem:$0x18], $0xff;
	_ =	sdelay $0x4  }
0x64a: {  	v63 =	vshll.u32 v3, $0x8  }
0x64b: {  	v3 =	vand.u32 $0x7, v3;
	v4 =	vand.u32 $0xFFFFF800, v63  }
0x64c: {  	v3 =	vor.u32 v3, v4  }
0x64d: {  	v3 =	vperm.xlane v3, v0;
	_ =	sdelay $0x1  }
0x64e: {  	v3 =	vadd.s32 v1, v3;
	_ =	sdelay $0x3  }
0x64f: {  	s1 =	sld [smem:$0x7B4]  }
0x650: {  	[tilespmem:s20], [sflag:$0x1] =	stream.indirect_vreg.gather [hbm4b:s28+s5], $0x80, v3, vm0, $0xb8;
	[tilespmem:$0x1C080] =	vst v63  }
0x651: {  	s21 =	simm.s32 $0xC880  }
0x652: {  	[tilespmem:s21], [sflag:$0x1] =	stream.indirect_vreg.gather [hbm4b:s1+s5], $0x80, v3, vm0, $0xb8;
	[tilespmem:$0x1C080] =	vst v63  }
0x653: {  	s1 =	sld [smem:$0x7B5];
	_ =	sdelay $0x1  }
0x654: {  	s2 =	simm.s32 $0xD080  }
0x655: {  	[tilespmem:s2], [sflag:$0x1] =	stream.indirect_vreg.gather [hbm4b:s1+s5], $0x80, v3, vm0, $0xb8;
	[tilespmem:$0x1C080] =	vst v63  }
0x656: {  	s2 =	sld [smem:$0x7B6];
	_ =	sdelay $0x1  }
0x657: {  	s21 =	simm.s32 $0xD880  }
0x658: {  	[tilespmem:s21], [sflag:$0x1] =	stream.indirect_vreg.gather [hbm4b:s2+s5], $0x80, v3, vm0, $0xb8;
	[tilespmem:$0x1C080] =	vst v63  }
0x659: {  	s2 =	sld [smem:$0x7B7];
	_ =	sdelay $0x1  }
0x65a: {  	s21 =	simm.s32 $0xE080  }
0x65b: {  	[tilespmem:s21], [sflag:$0x1] =	stream.indirect_vreg.gather [hbm4b:s2+s5], $0x80, v3, vm0, $0xb8;
	[tilespmem:$0x1C080] =	vst v63  }
0x65c: {  	s2 =	sld [smem:$0x7B8];
	_ =	sdelay $0x1  }
0x65d: {  	s21 =	simm.s32 $0xE880  }
0x65e: {  	[tilespmem:s21], [sflag:$0x1] =	stream.indirect_vreg.gather [hbm4b:s2+s5], $0x80, v3, vm0, $0xb8;
	[tilespmem:$0x1C080] =	vst v63  }
0x65f: {  	s2 =	sld [smem:$0x7B9];
	_ =	sdelay $0x1  }
0x660: {  	s21 =	simm.s32 $0xF080  }
0x661: {  	[tilespmem:s21], [sflag:$0x1] =	stream.indirect_vreg.gather [hbm4b:s2+s5], $0x80, v3, vm0, $0xb8;
	[tilespmem:$0x1C080] =	vst v63  }
0x662: {  	s2 =	sld [smem:$0x7BA];
	_ =	sdelay $0x1  }
0x663: {  	s21 =	simm.s32 $0xF880  }
0x664: {  	[tilespmem:s21], [sflag:$0x1] =	stream.indirect_vreg.gather [hbm4b:s2+s5], $0x80, v3, vm0, $0xb8;
	[tilespmem:$0x1C080] =	vst v63  }
0x665: {  	s2 =	sld [smem:$0x7BB];
	_ =	sdelay $0x1  }
0x666: {  	s1 =	sld [smem:$0x7BC];
	s21 =	simm.s32 $0x10080  }
0x667: {  	[tilespmem:s21], [sflag:$0x1] =	stream.indirect_vreg.gather [hbm4b:s2+s5], $0x80, v3, vm0, $0xb8;
	[tilespmem:$0x1C080] =	vst v63  }
0x668: {  	s2 =	simm.s32 $0x10880  }
0x669: {  	[tilespmem:s2], [sflag:$0x1] =	stream.indirect_vreg.gather [hbm4b:s1+s5], $0x80, v3, vm0, $0xb8;
	[tilespmem:$0x1C080] =	vst v63  }
0x66a: {  	s21 =	simm.s32 $0x11080;
	s1 =	sld [smem:$0x7BD]  }
0x66b: {  	[tilespmem:s21], [sflag:$0x1] =	stream.indirect_vreg.gather [hbm4b:s10+s5], $0x80, v3, vm0, $0xb8;
	[tilespmem:$0x1C080] =	vst v63  }
0x66c: {  	s2 =	simm.s32 $0x11880;
	s10 =	sld [smem:$0x7BE]  }
0x66d: {  	[tilespmem:s2], [sflag:$0x1] =	stream.indirect_vreg.gather [hbm4b:s1+s5], $0x80, v3, vm0, $0xb8;
	[tilespmem:$0x1C080] =	vst v63  }
0x66e: {  	s21 =	simm.s32 $0x12080;
	s1 =	sld [smem:$0x7BF]  }
0x66f: {  	[tilespmem:s21], [sflag:$0x1] =	stream.indirect_vreg.gather [hbm4b:s10+s5], $0x80, v3, vm0, $0xb8;
	[tilespmem:$0x1C080] =	vst v63  }
0x670: {  	s2 =	simm.s32 $0x12880  }
0x671: {  	[tilespmem:s2], [sflag:$0x1] =	stream.indirect_vreg.gather [hbm4b:s1+s5], $0x80, v3, vm0, $0xb8;
	[tilespmem:$0x1C080] =	vst v63  }
0x672: {  	s10 =	simm.s32 $0x13080  }
0x673: {  	[tilespmem:s10], [sflag:$0x1] =	stream.indirect_vreg.gather [hbm4b:s13+s5], $0x80, v3, vm0, $0xb8;
	[tilespmem:$0x1C080] =	vst v63  }
0x674: {  	s13 =	sld [smem:$0x7C0];
	_ =	sdelay $0x1  }
0x675: {  	s21 =	simm.s32 $0x13880;
	s2 =	sld [smem:$0x7C1]  }
0x676: {  	[tilespmem:s21], [sflag:$0x1] =	stream.indirect_vreg.gather [hbm4b:s13+s5], $0x80, v3, vm0, $0xb8;
	[tilespmem:$0x1C080] =	vst v63  }
0x677: {  	s10 =	simm.s32 $0x14080;
	s13 =	sld [smem:$0x7C2]  }
0x678: {  	[tilespmem:s10], [sflag:$0x1] =	stream.indirect_vreg.gather [hbm4b:s2+s5], $0x80, v3, vm0, $0xb8;
	[tilespmem:$0x1C080] =	vst v63  }
0x679: {  	s21 =	simm.s32 $0x14880  }
0x67a: {  	[tilespmem:s21], [sflag:$0x1] =	stream.indirect_vreg.gather [hbm4b:s13+s5], $0x80, v3, vm0, $0xb8;
	[tilespmem:$0x1C080] =	vst v63  }
0x67b: {  	s1 =	simm.s32 $0x15080;
	s2 =	sld [smem:$0x7C3]  }
0x67c: {  	[tilespmem:s1], [sflag:$0x1] =	stream.indirect_vreg.gather [hbm4b:s11+s5], $0x80, v3, vm0, $0xb8;
	[tilespmem:$0x1C080] =	vst v63  }
0x67d: {  	s10 =	simm.s32 $0x15880  }
0x67e: {  	[tilespmem:s10], [sflag:$0x1] =	stream.indirect_vreg.gather [hbm4b:s2+s5], $0x80, v3, vm0, $0xb8;
	[tilespmem:$0x1C080] =	vst v63  }
0x67f: {  	s11 =	simm.s32 $0x16080  }
0x680: {  	[tilespmem:s11], [sflag:$0x1] =	stream.indirect_vreg.gather [hbm4b:s12+s5], $0x80, v3, vm0, $0xb8;
	[tilespmem:$0x1C080] =	vst v63  }
0x681: {  	s12 =	sld [smem:$0x7C4];
	_ =	sdelay $0x1  }
0x682: {  	s25 =	simm.s32 $0x16880;
	s13 =	sld [smem:$0x7C5]  }
0x683: {  	[tilespmem:s25], [sflag:$0x1] =	stream.indirect_vreg.gather [hbm4b:s12+s5], $0x80, v3, vm0, $0xb8;
	[tilespmem:$0x1C080] =	vst v63  }
0x684: {  	s31 =	simm.s32 $0x17080  }
0x685: {  	[tilespmem:s31], [sflag:$0x1] =	stream.indirect_vreg.gather [hbm4b:s13+s5], $0x80, v3, vm0, $0xb8;
	[tilespmem:$0x1C080] =	vst v63  }
0x686: {  	s15 =	simm.s32 $0x17880  }
0x687: {  	[tilespmem:s15], [sflag:$0x1] =	stream.indirect_vreg.gather [hbm4b:s14+s5], $0x80, v3, vm0, $0xb8;
	[tilespmem:$0x1C080] =	vst v63  }
0x688: {  	s15 =	sld [smem:$0x7C6];
	_ =	sdelay $0x1  }
0x689: {  	s4 =	simm.s32 $0x18080  }
0x68a: {  	[tilespmem:s4], [sflag:$0x1] =	stream.indirect_vreg.gather [hbm4b:s15+s5], $0x80, v3, vm0, $0xb8;
	[tilespmem:$0x1C080] =	vst v63  }
0x68b: {  	s7 =	simm.s32 $0x18880  }
0x68c: {  	[tilespmem:s7], [sflag:$0x1] =	stream.indirect_vreg.gather [hbm4b:s16+s5], $0x80, v3, vm0, $0xb8;
	[tilespmem:$0x1C080] =	vst v63  }
0x68d: {  	s16 =	sld [smem:$0x7C7];
	_ =	sdelay $0x1  }
0x68e: {  	s18 =	simm.s32 $0x19080  }
0x68f: {  	[tilespmem:s18], [sflag:$0x1] =	stream.indirect_vreg.gather [hbm4b:s16+s5], $0x80, v3, vm0, $0xb8;
	[tilespmem:$0x1C080] =	vst v63  }
0x690: {  	s6 =	simm.s32 $0x19880;
	s21 =	sld [smem:$0x7C8]  }
0x691: {  	[tilespmem:s6], [sflag:$0x1] =	stream.indirect_vreg.gather [hbm4b:s19+s5], $0x80, v3, vm0, $0xb8;
	[tilespmem:$0x1C080] =	vst v63  }
0x692: {  	s22 =	simm.s32 $0x1A080  }
0x693: {  	[tilespmem:s22], [sflag:$0x1] =	stream.indirect_vreg.gather [hbm4b:s21+s5], $0x80, v3, vm0, $0xb8;
	[tilespmem:$0x1C080] =	vst v63  }
0x694: {  	s17 =	simm.s32 $0x1A880  }
0x695: {  	[tilespmem:s17], [sflag:$0x1] =	stream.indirect_vreg.gather [hbm4b:s23+s5], $0x80, v3, vm0, $0xb8;
	[tilespmem:$0x1C080] =	vst v63  }
0x696: {  	s23 =	sld [smem:$0x7C9];
	_ =	sdelay $0x1  }
0x697: {  	s8 =	simm.s32 $0x1B080  }
0x698: {  	[tilespmem:s8], [sflag:$0x1] =	stream.indirect_vreg.gather [hbm4b:s23+s5], $0x80, v3, vm0, $0xb8;
	[tilespmem:$0x1C080] =	vst v63  }
0x699: {  	s3 =	simm.s32 $0x1B880  }
0x69a: {  	[tilespmem:s3], [sflag:$0x1] =	stream.indirect_vreg.gather [hbm4b:s9+s5], $0x80, v3, vm0, $0xb8;
	[tilespmem:$0x1C080] =	vst v63  }
0x69b: {  	_ =	swait.ge [sflag:s30], $0x10000  }
0x69c: {  	s31 =	sld [smem:$0x7CA];
	_ =	sdelay $0x2  }
0x69d: {  	[sflag:s30] =	ssyncset.done $0x0;
	p0 =	sne.s32 s31, $0x1  }
.Ltmp0:
0x69e: {  	s25 =	rddreg [dreg:$0x1c];
	[sflag:s30] =	ssyncadd.s32 $0xFFFF0000;
	(pc) =	sbr.rel @p0 .LBB2_1-.Ltmp0, $4  }
0x69f: {  	[hbm4b:s25+s5] =	stream.linear.scatter [tilespmem:s20], [sflag:$0x2], $0x10000, $0x38;
	[tilespmem:$0x1C080] =	vst v63  }
0x6a0: {  	_ =	swait.ge [sflag:s29], $0x10000  }
0x6a1: {  	[sflag:s29] =	ssyncset.done $0x0  }
0x6a2: {  	s0 =	sadd.s32 $0xFFFFFFFF, s31;
	[sflag:s29] =	ssyncadd.s32 $0xFFFF0000  }
0x6a3: {  	_ =	sfence.sel $0x180000  }
0x6a4: {  	[bflag:$0x0] =	sbarrier.arrive $0xFFFF  }
0x6a5: {  	_ =	strace $0x90000047  }
0x6a6: {  	s0 =	stileid.u32;
	[bflag:$0x2] =	sbarrier.arrive $0xFFFF  }
0x6a7: {  	p0 =	sne.s32 s0, $0x0;
	s0 =	rddreg [dreg:$0x4]  }
0x6a8: {  	s0 =	sadd.s32 @!p0 $0x100000, s0  }
0x6a9: {  	[sflag:s0] =	ssyncadd.tile.s32 @!p0 $0x1;
	_ =	shalt  }
.Lfunc_end2:
_tile_overlayer_lowered:
.L_overlay_start_2:
0x6aa: {  	(tag) =	ssettag $0x2  }
0x6ab: {  	s0 =	rddreg [dreg:$0x0];
	s2 =	stileid.u32  }
0x6ac: {  	s1 =	rddreg [dreg:$0x1];
	p0 =	sne.s32 s2, $0x0  }
0x6ad: {  	s3 =	rddreg [dreg:$0x2];
	[bflag:$0x3] =	sbarrier.arrive $0xFFFF;
	s2 =	simm.s32 @!p0 $0x1C02  }
0x6ae: {  	[timem:s3], [sflag:s2] =	dma.local @!p0 [hbm:s0], s1  }
0x6af: {  	s0 =	simm.s32 @!p0 $0x2  }
0x6b0: {  	_ =	swait.ge @!p0 [sflag:s0], s1  }
0x6b1: {  	s1 =	ssub.s32 @!p0 $0x0, s1;
	[sflag:s0] =	ssyncset.done @!p0 $0x0  }
0x6b2: {  	[sflag:s0] =	ssyncadd.s32 @!p0 s1  }
0x6b3: {  	[bflag:$0x3] =	sbarrier.arrive $0xFFFF  }
0x6b4: {  	_ =	shalt  }

</sc_bundles>
